<compile_context>
chip_gen: v7x
topology: tpu7x:2x2x1
jax: 0.10.2.dev20260603
libtpu: 0.0.44.dev20260713+nightly
codegen_flags: <defaults>
</compile_context>

<pallas_src>
import jax
import jax.numpy as jnp
from jax import lax
from jax.experimental import pallas as pl
from jax.experimental.pallas import tpu as pltpu
from jax.experimental.pallas import tpu_sc as plsc

HP, WP, HEADS = 32, 32, 16
NB = 32
N = HP * WP
WIDE = 2048


def _sc_gather_body(idxv_hbm, table_hbm, w2_hbm,
                    rowidx_v, ival_v, ival2_v, rows_v, trans_v, sem):
    a = lax.axis_index("s") * 2 + lax.axis_index("c")
    for ch in range(4):
        d = lax.iota(jnp.int32, 16) + 16 * ch
        lo = 32 * ((31 - d) * 32 + a)
        hi = 32 * a + (d - 31)
        rowidx_v[pl.ds(16 * ch, 16)] = jnp.where(d <= 31, lo, hi)
    pltpu.async_copy(idxv_hbm.at[rowidx_v], ival_v, sem).wait()

    for ch in range(16):
        for u in range(8):
            d, k = (ch * 128 + u * 16) // 32, (u * 16) % 32
            ival2_v[ch, pl.ds(u * 16, 16)] = ival_v[d, pl.ds(k, 16)]

    for ch in range(16):
        pltpu.make_async_copy(
            table_hbm.at[ival2_v.at[ch]],
            rows_v.at[pl.ds(ch * 128, 128)], sem).start()

    lanes = lax.iota(jnp.int32, 16)
    for ch in range(16):
        pltpu.make_async_copy(
            table_hbm.at[ival2_v.at[ch]],
            rows_v.at[pl.ds(ch * 128, 128)], sem).wait()

        def trh(h, carry, ch=ch):
            hvec = jnp.zeros((16,), jnp.int32) + h
            for u in range(8):
                c = ch * 8 + u
                x = plsc.load_gather(rows_v, [c * 16 + lanes, hvec])
                trans_v[h, pl.ds(pl.multiple_of(c * 16, 16), 16)] = x
            return carry
        lax.fori_loop(0, HEADS, trh, 0)

    for h in range(HEADS):
        pltpu.make_async_copy(trans_v.at[h], w2_hbm.at[h, a], sem).start()
    for h in range(HEADS):
        pltpu.make_async_copy(trans_v.at[h], w2_hbm.at[h, a], sem).wait()


def _expand_body(w_ref, o_ref):
    y = w_ref[0]
    for k in range(NB):
        off = 32 * (31 - k)
        o_ref[0, k] = y[:, off:off + 1024]


def kernel(bias_table, index):
    idxv = index.reshape((N * N) // 32, 32)
    sc_gather = pl.kernel(
        _sc_gather_body,
        out_type=jax.ShapeDtypeStruct((HEADS, 32, WIDE), jnp.float32),
        mesh=plsc.VectorSubcoreMesh(core_axis_name="c", subcore_axis_name="s"),
        compiler_params=pltpu.CompilerParams(
            needs_layout_passes=False, use_tc_tiling_on_sc=False),
        scratch_types=[
            pltpu.VMEM((64,), jnp.int32),
            pltpu.VMEM((64, 32), jnp.int32),
            pltpu.VMEM((16, 128), jnp.int32),
            pltpu.VMEM((WIDE, HEADS), jnp.float32),
            pltpu.VMEM((HEADS, WIDE), jnp.float32),
            pltpu.SemaphoreType.DMA,
        ],
    )
    w2 = sc_gather(idxv, bias_table)
    out4 = pl.pallas_call(
        _expand_body,
        grid=(HEADS,),
        in_specs=[pl.BlockSpec((1, 32, WIDE), lambda h: (h, 0, 0))],
        out_specs=pl.BlockSpec((1, NB, 32, N), lambda h: (h, 0, 0, 0)),
        out_shape=jax.ShapeDtypeStruct((HEADS, NB, 32, N), jnp.float32),
        compiler_params=pltpu.CompilerParams(
            dimension_semantics=("parallel",)),
    )(w2)
    return out4.reshape(HEADS, N, N)

# --- scband reference (transcript-rebuilt; emitter-appended) ---
"""Pipeline reference for scband-relative-position-bias2-d-16956530885051 (READ-ONLY COPY).

The authoritative reference and input builder live on the scoring server;
editing this copy changes nothing except your own understanding.
"""

import jax, jax.numpy as jnp
import numpy as np

HP, WP, HEADS = 32, 32, 16

def _build_index(Hp, Wp):
    coords_h = np.arange(Hp)
    coords_w = np.arange(Wp)
    coords = np.stack(np.meshgrid(coords_h, coords_w, indexing='ij'))  # (2, Hp, Wp)
    coords_flat = coords.reshape(2, -1)  # (2, N)
    rel = coords_flat[:, :, None] - coords_flat[:, None, :]  # (2, N, N)
    rel = rel.transpose(1, 2, 0).copy()  # (N, N, 2)
    rel[:, :, 0] += Hp - 1
    rel[:, :, 1] += Wp - 1
    rel[:, :, 0] *= 2 * Wp - 1
    index = rel.sum(-1)  # (N, N)
    return index


def setup_inputs(seed: int = 0) -> dict:
    key = jax.random.key(seed)
    size = (2 * HP - 1) * (2 * WP - 1)
    # trunc_normal_(std=0.02): truncated normal in [-2, 2] std units scaled by 0.02
    bias_table = jax.random.truncated_normal(key, -2.0, 2.0, (size, HEADS), dtype=jnp.float32) * 0.02
    index = jnp.asarray(_build_index(HP, WP), dtype=jnp.int32)
    return {"bias_table": bias_table, "index": index}


def reference(bias_table, index):
    N = HP * WP
    bias = jnp.take(bias_table, index.reshape(-1), axis=0)  # (N*N, heads) gather
    bias = bias.reshape(N, N, HEADS).transpose(2, 0, 1)  # (heads, N, N)
    return bias

if __name__ == "__main__":
    import jax
    _d = setup_inputs()
    print(jax.jit(kernel)(*tuple(_d.values())))

</pallas_src>

<mosaic_0001>
#map = affine_map<(d0, d1) -> (0, 0)>
#map1 = affine_map<(d0, d1) -> (0, 0, 0)>
module attributes {stable_mosaic.version = 14 : i64} {
  func.func @_sc_gather_body(%arg0: i32, %arg1: i32, %arg2: memref<32768x32xi32, #tpu.memory_space<hbm>>, %arg3: memref<3969x16xf32, #tpu.memory_space<hbm>>, %arg4: memref<16x32x2048xf32, #tpu.memory_space<hbm>>, %arg5: memref<64xi32, #tpu.memory_space<vmem>>, %arg6: memref<64x32xi32, #tpu.memory_space<vmem>>, %arg7: memref<16x128xi32, #tpu.memory_space<vmem>>, %arg8: memref<2048x16xf32, #tpu.memory_space<vmem>>, %arg9: memref<16x2048xf32, #tpu.memory_space<vmem>>, %arg10: memref<!tpu.dma_semaphore, #tpu.memory_space<semaphore_mem>>) attributes {dimension_semantics = [#tpu.dimension_semantics<core_parallel>, #tpu.dimension_semantics<subcore_parallel>], iteration_bounds = array<i64: 2, 16>, scalar_prefetch = 0 : i64, scratch_operands = 6 : i64, tpu.core_type = #tpu.core_type<sc_vector_subcore>, window_params = [{transform_indices = #map}, {transform_indices = #map}, {transform_indices = #map1}]} {
    %mul3A = arith.constant 2 : i32
    %mul3A_0 = arith.muli %arg1, %mul3A : i32
    %add3A = arith.addi %mul3A_0, %arg0 : i32
    %iota3A = tpu.iota {dimensions = array<i32: 0>} : vector<16xi32>
    %add3A_1 = arith.constant 0 : i32
    %add3A_2 = vector.broadcast %add3A_1 : i32 to vector<16xi32>
    %add3A_3 = arith.addi %iota3A, %add3A_2 : vector<16xi32>
    %sub3A = arith.constant 31 : i32
    %sub3A_4 = vector.broadcast %sub3A : i32 to vector<16xi32>
    %sub3A_5 = arith.subi %sub3A_4, %add3A_3 : vector<16xi32>
    %mul3A_6 = arith.constant 32 : i32
    %mul3A_7 = vector.broadcast %mul3A_6 : i32 to vector<16xi32>
    %mul3A_8 = arith.muli %sub3A_5, %mul3A_7 : vector<16xi32>
    %add3A_9 = vector.broadcast %add3A : i32 to vector<16xi32>
    %add3A_10 = arith.addi %mul3A_8, %add3A_9 : vector<16xi32>
    %mul3A_11 = arith.constant 32 : i32
    %mul3A_12 = vector.broadcast %mul3A_11 : i32 to vector<16xi32>
    %mul3A_13 = arith.muli %mul3A_12, %add3A_10 : vector<16xi32>
    %mul3A_14 = arith.constant 32 : i32
    %mul3A_15 = arith.muli %mul3A_14, %add3A : i32
    %sub3A_16 = arith.constant 31 : i32
    %sub3A_17 = vector.broadcast %sub3A_16 : i32 to vector<16xi32>
    %sub3A_18 = arith.subi %add3A_3, %sub3A_17 : vector<16xi32>
    %add3A_19 = vector.broadcast %mul3A_15 : i32 to vector<16xi32>
    %add3A_20 = arith.addi %add3A_19, %sub3A_18 : vector<16xi32>
    %le3A = arith.constant 31 : i32
    %le3A_21 = vector.broadcast %le3A : i32 to vector<16xi32>
    %le3A_22 = arith.cmpi sle, %add3A_3, %le3A_21 : vector<16xi32>
    %select_n3A = arith.select %le3A_22, %mul3A_13, %add3A_20 : vector<16xi1>, vector<16xi32>
    %swap3A = arith.constant 0 : index
    %swap3A_23 = tpu.vector_load %arg5[%swap3A] {strides = array<i32>} : memref<64xi32, #tpu.memory_space<vmem>>, vector<16xi32>,
    tpu.vector_store %arg5[%swap3A], %select_n3A {strides = array<i32>} : memref<64xi32, #tpu.memory_space<vmem>>, vector<16xi32>,
    %iota3A_24 = tpu.iota {dimensions = array<i32: 0>} : vector<16xi32>
    %add3A_25 = arith.constant 16 : i32
    %add3A_26 = vector.broadcast %add3A_25 : i32 to vector<16xi32>
    %add3A_27 = arith.addi %iota3A_24, %add3A_26 : vector<16xi32>
    %sub3A_28 = arith.constant 31 : i32
    %sub3A_29 = vector.broadcast %sub3A_28 : i32 to vector<16xi32>
    %sub3A_30 = arith.subi %sub3A_29, %add3A_27 : vector<16xi32>
    %mul3A_31 = arith.constant 32 : i32
    %mul3A_32 = vector.broadcast %mul3A_31 : i32 to vector<16xi32>
    %mul3A_33 = arith.muli %sub3A_30, %mul3A_32 : vector<16xi32>
    %add3A_34 = vector.broadcast %add3A : i32 to vector<16xi32>
    %add3A_35 = arith.addi %mul3A_33, %add3A_34 : vector<16xi32>
    %mul3A_36 = arith.constant 32 : i32
    %mul3A_37 = vector.broadcast %mul3A_36 : i32 to vector<16xi32>
    %mul3A_38 = arith.muli %mul3A_37, %add3A_35 : vector<16xi32>
    %mul3A_39 = arith.constant 32 : i32
    %mul3A_40 = arith.muli %mul3A_39, %add3A : i32
    %sub3A_41 = arith.constant 31 : i32
    %sub3A_42 = vector.broadcast %sub3A_41 : i32 to vector<16xi32>
    %sub3A_43 = arith.subi %add3A_27, %sub3A_42 : vector<16xi32>
    %add3A_44 = vector.broadcast %mul3A_40 : i32 to vector<16xi32>
    %add3A_45 = arith.addi %add3A_44, %sub3A_43 : vector<16xi32>
    %le3A_46 = arith.constant 31 : i32
    %le3A_47 = vector.broadcast %le3A_46 : i32 to vector<16xi32>
    %le3A_48 = arith.cmpi sle, %add3A_27, %le3A_47 : vector<16xi32>
    %select_n3A_49 = arith.select %le3A_48, %mul3A_38, %add3A_45 : vector<16xi1>, vector<16xi32>
    %swap3A_50 = arith.constant 16 : index
    %swap3A_51 = tpu.vector_load %arg5[%swap3A_50] {strides = array<i32>} : memref<64xi32, #tpu.memory_space<vmem>>, vector<16xi32>,
    tpu.vector_store %arg5[%swap3A_50], %select_n3A_49 {strides = array<i32>} : memref<64xi32, #tpu.memory_space<vmem>>, vector<16xi32>,
    %iota3A_52 = tpu.iota {dimensions = array<i32: 0>} : vector<16xi32>
    %add3A_53 = arith.constant 32 : i32
    %add3A_54 = vector.broadcast %add3A_53 : i32 to vector<16xi32>
    %add3A_55 = arith.addi %iota3A_52, %add3A_54 : vector<16xi32>
    %sub3A_56 = arith.constant 31 : i32
    %sub3A_57 = vector.broadcast %sub3A_56 : i32 to vector<16xi32>
    %sub3A_58 = arith.subi %sub3A_57, %add3A_55 : vector<16xi32>
    %mul3A_59 = arith.constant 32 : i32
    %mul3A_60 = vector.broadcast %mul3A_59 : i32 to vector<16xi32>
    %mul3A_61 = arith.muli %sub3A_58, %mul3A_60 : vector<16xi32>
    %add3A_62 = vector.broadcast %add3A : i32 to vector<16xi32>
    %add3A_63 = arith.addi %mul3A_61, %add3A_62 : vector<16xi32>
    %mul3A_64 = arith.constant 32 : i32
    %mul3A_65 = vector.broadcast %mul3A_64 : i32 to vector<16xi32>
    %mul3A_66 = arith.muli %mul3A_65, %add3A_63 : vector<16xi32>
    %mul3A_67 = arith.constant 32 : i32
    %mul3A_68 = arith.muli %mul3A_67, %add3A : i32
    %sub3A_69 = arith.constant 31 : i32
    %sub3A_70 = vector.broadcast %sub3A_69 : i32 to vector<16xi32>
    %sub3A_71 = arith.subi %add3A_55, %sub3A_70 : vector<16xi32>
    %add3A_72 = vector.broadcast %mul3A_68 : i32 to vector<16xi32>
    %add3A_73 = arith.addi %add3A_72, %sub3A_71 : vector<16xi32>
    %le3A_74 = arith.constant 31 : i32
    %le3A_75 = vector.broadcast %le3A_74 : i32 to vector<16xi32>
    %le3A_76 = arith.cmpi sle, %add3A_55, %le3A_75 : vector<16xi32>
    %select_n3A_77 = arith.select %le3A_76, %mul3A_66, %add3A_73 : vector<16xi1>, vector<16xi32>
    %swap3A_78 = arith.constant 32 : index
    %swap3A_79 = tpu.vector_load %arg5[%swap3A_78] {strides = array<i32>} : memref<64xi32, #tpu.memory_space<vmem>>, vector<16xi32>,
    tpu.vector_store %arg5[%swap3A_78], %select_n3A_77 {strides = array<i32>} : memref<64xi32, #tpu.memory_space<vmem>>, vector<16xi32>,
    %iota3A_80 = tpu.iota {dimensions = array<i32: 0>} : vector<16xi32>
    %add3A_81 = arith.constant 48 : i32
    %add3A_82 = vector.broadcast %add3A_81 : i32 to vector<16xi32>
    %add3A_83 = arith.addi %iota3A_80, %add3A_82 : vector<16xi32>
    %sub3A_84 = arith.constant 31 : i32
    %sub3A_85 = vector.broadcast %sub3A_84 : i32 to vector<16xi32>
    %sub3A_86 = arith.subi %sub3A_85, %add3A_83 : vector<16xi32>
    %mul3A_87 = arith.constant 32 : i32
    %mul3A_88 = vector.broadcast %mul3A_87 : i32 to vector<16xi32>
    %mul3A_89 = arith.muli %sub3A_86, %mul3A_88 : vector<16xi32>
    %add3A_90 = vector.broadcast %add3A : i32 to vector<16xi32>
    %add3A_91 = arith.addi %mul3A_89, %add3A_90 : vector<16xi32>
    %mul3A_92 = arith.constant 32 : i32
    %mul3A_93 = vector.broadcast %mul3A_92 : i32 to vector<16xi32>
    %mul3A_94 = arith.muli %mul3A_93, %add3A_91 : vector<16xi32>
    %mul3A_95 = arith.constant 32 : i32
    %mul3A_96 = arith.muli %mul3A_95, %add3A : i32
    %sub3A_97 = arith.constant 31 : i32
    %sub3A_98 = vector.broadcast %sub3A_97 : i32 to vector<16xi32>
    %sub3A_99 = arith.subi %add3A_83, %sub3A_98 : vector<16xi32>
    %add3A_100 = vector.broadcast %mul3A_96 : i32 to vector<16xi32>
    %add3A_101 = arith.addi %add3A_100, %sub3A_99 : vector<16xi32>
    %le3A_102 = arith.constant 31 : i32
    %le3A_103 = vector.broadcast %le3A_102 : i32 to vector<16xi32>
    %le3A_104 = arith.cmpi sle, %add3A_83, %le3A_103 : vector<16xi32>
    %select_n3A_105 = arith.select %le3A_104, %mul3A_94, %add3A_101 : vector<16xi1>, vector<16xi32>
    %swap3A_106 = arith.constant 48 : index
    %swap3A_107 = tpu.vector_load %arg5[%swap3A_106] {strides = array<i32>} : memref<64xi32, #tpu.memory_space<vmem>>, vector<16xi32>,
    tpu.vector_store %arg5[%swap3A_106], %select_n3A_105 {strides = array<i32>} : memref<64xi32, #tpu.memory_space<vmem>>, vector<16xi32>,
    %dma_start3A = arith.constant 0 : i32
    %dma_start3A_108 = arith.constant 0 : i32
    %dma_start3A_109 = tpu.memref_slice %arg2[%dma_start3A, %dma_start3A_108] : memref<32768x32xi32, #tpu.memory_space<hbm>> -> memref<32768x32xi32, #tpu.memory_space<hbm>>
    tpu.enqueue_indirect_dma source(%dma_start3A_109 : memref<32768x32xi32, #tpu.memory_space<hbm>>) target(%arg6 : memref<64x32xi32, #tpu.memory_space<vmem>>) offsets(%arg5 : memref<64xi32, #tpu.memory_space<vmem>>) semaphore(%arg10 : memref<!tpu.dma_semaphore, #tpu.memory_space<semaphore_mem>>)
    %dma_wait3A = arith.constant 0 : i32
    %dma_wait3A_110 = arith.constant 0 : i32
    %dma_wait3A_111 = tpu.memref_slice %arg2[%dma_wait3A, %dma_wait3A_110] : memref<32768x32xi32, #tpu.memory_space<hbm>> -> memref<32768x32xi32, #tpu.memory_space<hbm>>
    tpu.wait_indirect_dma semaphore(%arg10 : memref<!tpu.dma_semaphore, #tpu.memory_space<semaphore_mem>>) src(%dma_wait3A_111 : memref<32768x32xi32, #tpu.memory_space<hbm>>) dst(%arg6 : memref<64x32xi32, #tpu.memory_space<vmem>>)
    %get3A = arith.constant 0 : i32
    %get3A_112 = arith.index_cast %get3A : i32 to index
    %get3A_113 = arith.constant 0 : index
    %get3A_114 = tpu.vector_load %arg6[%get3A_112, %get3A_113] {strides = array<i32>} : memref<64x32xi32, #tpu.memory_space<vmem>>, vector<16xi32>,
    %swap3A_115 = arith.constant 0 : i32
    %swap3A_116 = arith.index_cast %swap3A_115 : i32 to index
    %swap3A_117 = arith.constant 0 : index
    %swap3A_118 = tpu.vector_load %arg7[%swap3A_116, %swap3A_117] {strides = array<i32>} : memref<16x128xi32, #tpu.memory_space<vmem>>, vector<16xi32>,
    tpu.vector_store %arg7[%swap3A_116, %swap3A_117], %get3A_114 {strides = array<i32>} : memref<16x128xi32, #tpu.memory_space<vmem>>, vector<16xi32>,
    %get3A_119 = arith.constant 0 : i32
    %get3A_120 = arith.index_cast %get3A_119 : i32 to index
    %get3A_121 = arith.constant 16 : index
    %get3A_122 = tpu.vector_load %arg6[%get3A_120, %get3A_121] {strides = array<i32>} : memref<64x32xi32, #tpu.memory_space<vmem>>, vector<16xi32>,
    %swap3A_123 = arith.constant 0 : i32
    %swap3A_124 = arith.index_cast %swap3A_123 : i32 to index
    %swap3A_125 = arith.constant 16 : index
    %swap3A_126 = tpu.vector_load %arg7[%swap3A_124, %swap3A_125] {strides = array<i32>} : memref<16x128xi32, #tpu.memory_space<vmem>>, vector<16xi32>,
    tpu.vector_store %arg7[%swap3A_124, %swap3A_125], %get3A_122 {strides = array<i32>} : memref<16x128xi32, #tpu.memory_space<vmem>>, vector<16xi32>,
    %get3A_127 = arith.constant 1 : i32
    %get3A_128 = arith.index_cast %get3A_127 : i32 to index
    %get3A_129 = arith.constant 0 : index
    %get3A_130 = tpu.vector_load %arg6[%get3A_128, %get3A_129] {strides = array<i32>} : memref<64x32xi32, #tpu.memory_space<vmem>>, vector<16xi32>,
    %swap3A_131 = arith.constant 0 : i32
    %swap3A_132 = arith.index_cast %swap3A_131 : i32 to index
    %swap3A_133 = arith.constant 32 : index
    %swap3A_134 = tpu.vector_load %arg7[%swap3A_132, %swap3A_133] {strides = array<i32>} : memref<16x128xi32, #tpu.memory_space<vmem>>, vector<16xi32>,
    tpu.vector_store %arg7[%swap3A_132, %swap3A_133], %get3A_130 {strides = array<i32>} : memref<16x128xi32, #tpu.memory_space<vmem>>, vector<16xi32>,
    %get3A_135 = arith.constant 1 : i32
    %get3A_136 = arith.index_cast %get3A_135 : i32 to index
    %get3A_137 = arith.constant 16 : index
    %get3A_138 = tpu.vector_load %arg6[%get3A_136, %get3A_137] {strides = array<i32>} : memref<64x32xi32, #tpu.memory_space<vmem>>, vector<16xi32>,
    %swap3A_139 = arith.constant 0 : i32
    %swap3A_140 = arith.index_cast %swap3A_139 : i32 to index
    %swap3A_141 = arith.constant 48 : index
    %swap3A_142 = tpu.vector_load %arg7[%swap3A_140, %swap3A_141] {strides = array<i32>} : memref<16x128xi32, #tpu.memory_space<vmem>>, vector<16xi32>,
    tpu.vector_store %arg7[%swap3A_140, %swap3A_141], %get3A_138 {strides = array<i32>} : memref<16x128xi32, #tpu.memory_space<vmem>>, vector<16xi32>,
    %get3A_143 = arith.constant 2 : i32
    %get3A_144 = arith.index_cast %get3A_143 : i32 to index
    %get3A_145 = arith.constant 0 : index
    %get3A_146 = tpu.vector_load %arg6[%get3A_144, %get3A_145] {strides = array<i32>} : memref<64x32xi32, #tpu.memory_space<vmem>>, vector<16xi32>,
    %swap3A_147 = arith.constant 0 : i32
    %swap3A_148 = arith.index_cast %swap3A_147 : i32 to index
    %swap3A_149 = arith.constant 64 : index
    %swap3A_150 = tpu.vector_load %arg7[%swap3A_148, %swap3A_149] {strides = array<i32>} : memref<16x128xi32, #tpu.memory_space<vmem>>, vector<16xi32>,
    tpu.vector_store %arg7[%swap3A_148, %swap3A_149], %get3A_146 {strides = array<i32>} : memref<16x128xi32, #tpu.memory_space<vmem>>, vector<16xi32>,
    %get3A_151 = arith.constant 2 : i32
    %get3A_152 = arith.index_cast %get3A_151 : i32 to index
    %get3A_153 = arith.constant 16 : index
    %get3A_154 = tpu.vector_load %arg6[%get3A_152, %get3A_153] {strides = array<i32>} : memref<64x32xi32, #tpu.memory_space<vmem>>, vector<16xi32>,
    %swap3A_155 = arith.constant 0 : i32
    %swap3A_156 = arith.index_cast %swap3A_155 : i32 to index
    %swap3A_157 = arith.constant 80 : index
    %swap3A_158 = tpu.vector_load %arg7[%swap3A_156, %swap3A_157] {strides = array<i32>} : memref<16x128xi32, #tpu.memory_space<vmem>>, vector<16xi32>,
    tpu.vector_store %arg7[%swap3A_156, %swap3A_157], %get3A_154 {strides = array<i32>} : memref<16x128xi32, #tpu.memory_space<vmem>>, vector<16xi32>,
    %get3A_159 = arith.constant 3 : i32
    %get3A_160 = arith.index_cast %get3A_159 : i32 to index
    %get3A_161 = arith.constant 0 : index
    %get3A_162 = tpu.vector_load %arg6[%get3A_160, %get3A_161] {strides = array<i32>} : memref<64x32xi32, #tpu.memory_space<vmem>>, vector<16xi32>,
    %swap3A_163 = arith.constant 0 : i32
    %swap3A_164 = arith.index_cast %swap3A_163 : i32 to index
    %swap3A_165 = arith.constant 96 : index
    %swap3A_166 = tpu.vector_load %arg7[%swap3A_164, %swap3A_165] {strides = array<i32>} : memref<16x128xi32, #tpu.memory_space<vmem>>, vector<16xi32>,
    tpu.vector_store %arg7[%swap3A_164, %swap3A_165], %get3A_162 {strides = array<i32>} : memref<16x128xi32, #tpu.memory_space<vmem>>, vector<16xi32>,
    %get3A_167 = arith.constant 3 : i32
    %get3A_168 = arith.index_cast %get3A_167 : i32 to index
    %get3A_169 = arith.constant 16 : index
    %get3A_170 = tpu.vector_load %arg6[%get3A_168, %get3A_169] {strides = array<i32>} : memref<64x32xi32, #tpu.memory_space<vmem>>, vector<16xi32>,
    %swap3A_171 = arith.constant 0 : i32
    %swap3A_172 = arith.index_cast %swap3A_171 : i32 to index
    %swap3A_173 = arith.constant 112 : index
    %swap3A_174 = tpu.vector_load %arg7[%swap3A_172, %swap3A_173] {strides = array<i32>} : memref<16x128xi32, #tpu.memory_space<vmem>>, vector<16xi32>,
    tpu.vector_store %arg7[%swap3A_172, %swap3A_173], %get3A_170 {strides = array<i32>} : memref<16x128xi32, #tpu.memory_space<vmem>>, vector<16xi32>,
    %get3A_175 = arith.constant 4 : i32
    %get3A_176 = arith.index_cast %get3A_175 : i32 to index
    %get3A_177 = arith.constant 0 : index
    %get3A_178 = tpu.vector_load %arg6[%get3A_176, %get3A_177] {strides = array<i32>} : memref<64x32xi32, #tpu.memory_space<vmem>>, vector<16xi32>,
    %swap3A_179 = arith.constant 1 : i32
    %swap3A_180 = arith.index_cast %swap3A_179 : i32 to index
    %swap3A_181 = arith.constant 0 : index
    %swap3A_182 = tpu.vector_load %arg7[%swap3A_180, %swap3A_181] {strides = array<i32>} : memref<16x128xi32, #tpu.memory_space<vmem>>, vector<16xi32>,
    tpu.vector_store %arg7[%swap3A_180, %swap3A_181], %get3A_178 {strides = array<i32>} : memref<16x128xi32, #tpu.memory_space<vmem>>, vector<16xi32>,
    %get3A_183 = arith.constant 4 : i32
    %get3A_184 = arith.index_cast %get3A_183 : i32 to index
    %get3A_185 = arith.constant 16 : index
    %get3A_186 = tpu.vector_load %arg6[%get3A_184, %get3A_185] {strides = array<i32>} : memref<64x32xi32, #tpu.memory_space<vmem>>, vector<16xi32>,
    %swap3A_187 = arith.constant 1 : i32
    %swap3A_188 = arith.index_cast %swap3A_187 : i32 to index
    %swap3A_189 = arith.constant 16 : index
    %swap3A_190 = tpu.vector_load %arg7[%swap3A_188, %swap3A_189] {strides = array<i32>} : memref<16x128xi32, #tpu.memory_space<vmem>>, vector<16xi32>,
    tpu.vector_store %arg7[%swap3A_188, %swap3A_189], %get3A_186 {strides = array<i32>} : memref<16x128xi32, #tpu.memory_space<vmem>>, vector<16xi32>,
    %get3A_191 = arith.constant 5 : i32
    %get3A_192 = arith.index_cast %get3A_191 : i32 to index
    %get3A_193 = arith.constant 0 : index
    %get3A_194 = tpu.vector_load %arg6[%get3A_192, %get3A_193] {strides = array<i32>} : memref<64x32xi32, #tpu.memory_space<vmem>>, vector<16xi32>,
    %swap3A_195 = arith.constant 1 : i32
    %swap3A_196 = arith.index_cast %swap3A_195 : i32 to index
    %swap3A_197 = arith.constant 32 : index
    %swap3A_198 = tpu.vector_load %arg7[%swap3A_196, %swap3A_197] {strides = array<i32>} : memref<16x128xi32, #tpu.memory_space<vmem>>, vector<16xi32>,
    tpu.vector_store %arg7[%swap3A_196, %swap3A_197], %get3A_194 {strides = array<i32>} : memref<16x128xi32, #tpu.memory_space<vmem>>, vector<16xi32>,
    %get3A_199 = arith.constant 5 : i32
    %get3A_200 = arith.index_cast %get3A_199 : i32 to index
    %get3A_201 = arith.constant 16 : index
    %get3A_202 = tpu.vector_load %arg6[%get3A_200, %get3A_201] {strides = array<i32>} : memref<64x32xi32, #tpu.memory_space<vmem>>, vector<16xi32>,
    %swap3A_203 = arith.constant 1 : i32
    %swap3A_204 = arith.index_cast %swap3A_203 : i32 to index
    %swap3A_205 = arith.constant 48 : index
    %swap3A_206 = tpu.vector_load %arg7[%swap3A_204, %swap3A_205] {strides = array<i32>} : memref<16x128xi32, #tpu.memory_space<vmem>>, vector<16xi32>,
    tpu.vector_store %arg7[%swap3A_204, %swap3A_205], %get3A_202 {strides = array<i32>} : memref<16x128xi32, #tpu.memory_space<vmem>>, vector<16xi32>,
    %get3A_207 = arith.constant 6 : i32
    %get3A_208 = arith.index_cast %get3A_207 : i32 to index
    %get3A_209 = arith.constant 0 : index
    %get3A_210 = tpu.vector_load %arg6[%get3A_208, %get3A_209] {strides = array<i32>} : memref<64x32xi32, #tpu.memory_space<vmem>>, vector<16xi32>,
    %swap3A_211 = arith.constant 1 : i32
    %swap3A_212 = arith.index_cast %swap3A_211 : i32 to index
    %swap3A_213 = arith.constant 64 : index
    %swap3A_214 = tpu.vector_load %arg7[%swap3A_212, %swap3A_213] {strides = array<i32>} : memref<16x128xi32, #tpu.memory_space<vmem>>, vector<16xi32>,
    tpu.vector_store %arg7[%swap3A_212, %swap3A_213], %get3A_210 {strides = array<i32>} : memref<16x128xi32, #tpu.memory_space<vmem>>, vector<16xi32>,
    %get3A_215 = arith.constant 6 : i32
    %get3A_216 = arith.index_cast %get3A_215 : i32 to index
    %get3A_217 = arith.constant 16 : index
    %get3A_218 = tpu.vector_load %arg6[%get3A_216, %get3A_217] {strides = array<i32>} : memref<64x32xi32, #tpu.memory_space<vmem>>, vector<16xi32>,
    %swap3A_219 = arith.constant 1 : i32
    %swap3A_220 = arith.index_cast %swap3A_219 : i32 to index
    %swap3A_221 = arith.constant 80 : index
    %swap3A_222 = tpu.vector_load %arg7[%swap3A_220, %swap3A_221] {strides = array<i32>} : memref<16x128xi32, #tpu.memory_space<vmem>>, vector<16xi32>,
    tpu.vector_store %arg7[%swap3A_220, %swap3A_221], %get3A_218 {strides = array<i32>} : memref<16x128xi32, #tpu.memory_space<vmem>>, vector<16xi32>,
    %get3A_223 = arith.constant 7 : i32
    %get3A_224 = arith.index_cast %get3A_223 : i32 to index
    %get3A_225 = arith.constant 0 : index
    %get3A_226 = tpu.vector_load %arg6[%get3A_224, %get3A_225] {strides = array<i32>} : memref<64x32xi32, #tpu.memory_space<vmem>>, vector<16xi32>,
    %swap3A_227 = arith.constant 1 : i32
    %swap3A_228 = arith.index_cast %swap3A_227 : i32 to index
    %swap3A_229 = arith.constant 96 : index
    %swap3A_230 = tpu.vector_load %arg7[%swap3A_228, %swap3A_229] {strides = array<i32>} : memref<16x128xi32, #tpu.memory_space<vmem>>, vector<16xi32>,
    tpu.vector_store %arg7[%swap3A_228, %swap3A_229], %get3A_226 {strides = array<i32>} : memref<16x128xi32, #tpu.memory_space<vmem>>, vector<16xi32>,
    %get3A_231 = arith.constant 7 : i32
    %get3A_232 = arith.index_cast %get3A_231 : i32 to index
    %get3A_233 = arith.constant 16 : index
    %get3A_234 = tpu.vector_load %arg6[%get3A_232, %get3A_233] {strides = array<i32>} : memref<64x32xi32, #tpu.memory_space<vmem>>, vector<16xi32>,
    %swap3A_235 = arith.constant 1 : i32
    %swap3A_236 = arith.index_cast %swap3A_235 : i32 to index
    %swap3A_237 = arith.constant 112 : index
    %swap3A_238 = tpu.vector_load %arg7[%swap3A_236, %swap3A_237] {strides = array<i32>} : memref<16x128xi32, #tpu.memory_space<vmem>>, vector<16xi32>,
    tpu.vector_store %arg7[%swap3A_236, %swap3A_237], %get3A_234 {strides = array<i32>} : memref<16x128xi32, #tpu.memory_space<vmem>>, vector<16xi32>,
    %get3A_239 = arith.constant 8 : i32
    %get3A_240 = arith.index_cast %get3A_239 : i32 to index
    %get3A_241 = arith.constant 0 : index
    %get3A_242 = tpu.vector_load %arg6[%get3A_240, %get3A_241] {strides = array<i32>} : memref<64x32xi32, #tpu.memory_space<vmem>>, vector<16xi32>,
    %swap3A_243 = arith.constant 2 : i32
    %swap3A_244 = arith.index_cast %swap3A_243 : i32 to index
    %swap3A_245 = arith.constant 0 : index
    %swap3A_246 = tpu.vector_load %arg7[%swap3A_244, %swap3A_245] {strides = array<i32>} : memref<16x128xi32, #tpu.memory_space<vmem>>, vector<16xi32>,
    tpu.vector_store %arg7[%swap3A_244, %swap3A_245], %get3A_242 {strides = array<i32>} : memref<16x128xi32, #tpu.memory_space<vmem>>, vector<16xi32>,
    %get3A_247 = arith.constant 8 : i32
    %get3A_248 = arith.index_cast %get3A_247 : i32 to index
    %get3A_249 = arith.constant 16 : index
    %get3A_250 = tpu.vector_load %arg6[%get3A_248, %get3A_249] {strides = array<i32>} : memref<64x32xi32, #tpu.memory_space<vmem>>, vector<16xi32>,
    %swap3A_251 = arith.constant 2 : i32
    %swap3A_252 = arith.index_cast %swap3A_251 : i32 to index
    %swap3A_253 = arith.constant 16 : index
    %swap3A_254 = tpu.vector_load %arg7[%swap3A_252, %swap3A_253] {strides = array<i32>} : memref<16x128xi32, #tpu.memory_space<vmem>>, vector<16xi32>,
    tpu.vector_store %arg7[%swap3A_252, %swap3A_253], %get3A_250 {strides = array<i32>} : memref<16x128xi32, #tpu.memory_space<vmem>>, vector<16xi32>,
    %get3A_255 = arith.constant 9 : i32
    %get3A_256 = arith.index_cast %get3A_255 : i32 to index
    %get3A_257 = arith.constant 0 : index
    %get3A_258 = tpu.vector_load %arg6[%get3A_256, %get3A_257] {strides = array<i32>} : memref<64x32xi32, #tpu.memory_space<vmem>>, vector<16xi32>,
    %swap3A_259 = arith.constant 2 : i32
    %swap3A_260 = arith.index_cast %swap3A_259 : i32 to index
    %swap3A_261 = arith.constant 32 : index
    %swap3A_262 = tpu.vector_load %arg7[%swap3A_260, %swap3A_261] {strides = array<i32>} : memref<16x128xi32, #tpu.memory_space<vmem>>, vector<16xi32>,
    tpu.vector_store %arg7[%swap3A_260, %swap3A_261], %get3A_258 {strides = array<i32>} : memref<16x128xi32, #tpu.memory_space<vmem>>, vector<16xi32>,
    %get3A_263 = arith.constant 9 : i32
    %get3A_264 = arith.index_cast %get3A_263 : i32 to index
    %get3A_265 = arith.constant 16 : index
    %get3A_266 = tpu.vector_load %arg6[%get3A_264, %get3A_265] {strides = array<i32>} : memref<64x32xi32, #tpu.memory_space<vmem>>, vector<16xi32>,
    %swap3A_267 = arith.constant 2 : i32
    %swap3A_268 = arith.index_cast %swap3A_267 : i32 to index
    %swap3A_269 = arith.constant 48 : index
    %swap3A_270 = tpu.vector_load %arg7[%swap3A_268, %swap3A_269] {strides = array<i32>} : memref<16x128xi32, #tpu.memory_space<vmem>>, vector<16xi32>,
    tpu.vector_store %arg7[%swap3A_268, %swap3A_269], %get3A_266 {strides = array<i32>} : memref<16x128xi32, #tpu.memory_space<vmem>>, vector<16xi32>,
    %get3A_271 = arith.constant 10 : i32
    %get3A_272 = arith.index_cast %get3A_271 : i32 to index
    %get3A_273 = arith.constant 0 : index
    %get3A_274 = tpu.vector_load %arg6[%get3A_272, %get3A_273] {strides = array<i32>} : memref<64x32xi32, #tpu.memory_space<vmem>>, vector<16xi32>,
    %swap3A_275 = arith.constant 2 : i32
    %swap3A_276 = arith.index_cast %swap3A_275 : i32 to index
    %swap3A_277 = arith.constant 64 : index
    %swap3A_278 = tpu.vector_load %arg7[%swap3A_276, %swap3A_277] {strides = array<i32>} : memref<16x128xi32, #tpu.memory_space<vmem>>, vector<16xi32>,
    tpu.vector_store %arg7[%swap3A_276, %swap3A_277], %get3A_274 {strides = array<i32>} : memref<16x128xi32, #tpu.memory_space<vmem>>, vector<16xi32>,
    %get3A_279 = arith.constant 10 : i32
    %get3A_280 = arith.index_cast %get3A_279 : i32 to index
    %get3A_281 = arith.constant 16 : index
    %get3A_282 = tpu.vector_load %arg6[%get3A_280, %get3A_281] {strides = array<i32>} : memref<64x32xi32, #tpu.memory_space<vmem>>, vector<16xi32>,
    %swap3A_283 = arith.constant 2 : i32
    %swap3A_284 = arith.index_cast %swap3A_283 : i32 to index
    %swap3A_285 = arith.constant 80 : index
    %swap3A_286 = tpu.vector_load %arg7[%swap3A_284, %swap3A_285] {strides = array<i32>} : memref<16x128xi32, #tpu.memory_space<vmem>>, vector<16xi32>,
    tpu.vector_store %arg7[%swap3A_284, %swap3A_285], %get3A_282 {strides = array<i32>} : memref<16x128xi32, #tpu.memory_space<vmem>>, vector<16xi32>,
    %get3A_287 = arith.constant 11 : i32
    %get3A_288 = arith.index_cast %get3A_287 : i32 to index
    %get3A_289 = arith.constant 0 : index
    %get3A_290 = tpu.vector_load %arg6[%get3A_288, %get3A_289] {strides = array<i32>} : memref<64x32xi32, #tpu.memory_space<vmem>>, vector<16xi32>,
    %swap3A_291 = arith.constant 2 : i32
    %swap3A_292 = arith.index_cast %swap3A_291 : i32 to index
    %swap3A_293 = arith.constant 96 : index
    %swap3A_294 = tpu.vector_load %arg7[%swap3A_292, %swap3A_293] {strides = array<i32>} : memref<16x128xi32, #tpu.memory_space<vmem>>, vector<16xi32>,
    tpu.vector_store %arg7[%swap3A_292, %swap3A_293], %get3A_290 {strides = array<i32>} : memref<16x128xi32, #tpu.memory_space<vmem>>, vector<16xi32>,
    %get3A_295 = arith.constant 11 : i32
    %get3A_296 = arith.index_cast %get3A_295 : i32 to index
    %get3A_297 = arith.constant 16 : index
    %get3A_298 = tpu.vector_load %arg6[%get3A_296, %get3A_297] {strides = array<i32>} : memref<64x32xi32, #tpu.memory_space<vmem>>, vector<16xi32>,
    %swap3A_299 = arith.constant 2 : i32
    %swap3A_300 = arith.index_cast %swap3A_299 : i32 to index
    %swap3A_301 = arith.constant 112 : index
    %swap3A_302 = tpu.vector_load %arg7[%swap3A_300, %swap3A_301] {strides = array<i32>} : memref<16x128xi32, #tpu.memory_space<vmem>>, vector<16xi32>,
    tpu.vector_store %arg7[%swap3A_300, %swap3A_301], %get3A_298 {strides = array<i32>} : memref<16x128xi32, #tpu.memory_space<vmem>>, vector<16xi32>,
    %get3A_303 = arith.constant 12 : i32
    %get3A_304 = arith.index_cast %get3A_303 : i32 to index
    %get3A_305 = arith.constant 0 : index
    %get3A_306 = tpu.vector_load %arg6[%get3A_304, %get3A_305] {strides = array<i32>} : memref<64x32xi32, #tpu.memory_space<vmem>>, vector<16xi32>,
    %swap3A_307 = arith.constant 3 : i32
    %swap3A_308 = arith.index_cast %swap3A_307 : i32 to index
    %swap3A_309 = arith.constant 0 : index
    %swap3A_310 = tpu.vector_load %arg7[%swap3A_308, %swap3A_309] {strides = array<i32>} : memref<16x128xi32, #tpu.memory_space<vmem>>, vector<16xi32>,
    tpu.vector_store %arg7[%swap3A_308, %swap3A_309], %get3A_306 {strides = array<i32>} : memref<16x128xi32, #tpu.memory_space<vmem>>, vector<16xi32>,
    %get3A_311 = arith.constant 12 : i32
    %get3A_312 = arith.index_cast %get3A_311 : i32 to index
    %get3A_313 = arith.constant 16 : index
    %get3A_314 = tpu.vector_load %arg6[%get3A_312, %get3A_313] {strides = array<i32>} : memref<64x32xi32, #tpu.memory_space<vmem>>, vector<16xi32>,
    %swap3A_315 = arith.constant 3 : i32
    %swap3A_316 = arith.index_cast %swap3A_315 : i32 to index
    %swap3A_317 = arith.constant 16 : index
    %swap3A_318 = tpu.vector_load %arg7[%swap3A_316, %swap3A_317] {strides = array<i32>} : memref<16x128xi32, #tpu.memory_space<vmem>>, vector<16xi32>,
    tpu.vector_store %arg7[%swap3A_316, %swap3A_317], %get3A_314 {strides = array<i32>} : memref<16x128xi32, #tpu.memory_space<vmem>>, vector<16xi32>,
    %get3A_319 = arith.constant 13 : i32
    %get3A_320 = arith.index_cast %get3A_319 : i32 to index
    %get3A_321 = arith.constant 0 : index
    %get3A_322 = tpu.vector_load %arg6[%get3A_320, %get3A_321] {strides = array<i32>} : memref<64x32xi32, #tpu.memory_space<vmem>>, vector<16xi32>,
    %swap3A_323 = arith.constant 3 : i32
    %swap3A_324 = arith.index_cast %swap3A_323 : i32 to index
    %swap3A_325 = arith.constant 32 : index
    %swap3A_326 = tpu.vector_load %arg7[%swap3A_324, %swap3A_325] {strides = array<i32>} : memref<16x128xi32, #tpu.memory_space<vmem>>, vector<16xi32>,
    tpu.vector_store %arg7[%swap3A_324, %swap3A_325], %get3A_322 {strides = array<i32>} : memref<16x128xi32, #tpu.memory_space<vmem>>, vector<16xi32>,
    %get3A_327 = arith.constant 13 : i32
    %get3A_328 = arith.index_cast %get3A_327 : i32 to index
    %get3A_329 = arith.constant 16 : index
    %get3A_330 = tpu.vector_load %arg6[%get3A_328, %get3A_329] {strides = array<i32>} : memref<64x32xi32, #tpu.memory_space<vmem>>, vector<16xi32>,
    %swap3A_331 = arith.constant 3 : i32
    %swap3A_332 = arith.index_cast %swap3A_331 : i32 to index
    %swap3A_333 = arith.constant 48 : index
    %swap3A_334 = tpu.vector_load %arg7[%swap3A_332, %swap3A_333] {strides = array<i32>} : memref<16x128xi32, #tpu.memory_space<vmem>>, vector<16xi32>,
    tpu.vector_store %arg7[%swap3A_332, %swap3A_333], %get3A_330 {strides = array<i32>} : memref<16x128xi32, #tpu.memory_space<vmem>>, vector<16xi32>,
    %get3A_335 = arith.constant 14 : i32
    %get3A_336 = arith.index_cast %get3A_335 : i32 to index
    %get3A_337 = arith.constant 0 : index
    %get3A_338 = tpu.vector_load %arg6[%get3A_336, %get3A_337] {strides = array<i32>} : memref<64x32xi32, #tpu.memory_space<vmem>>, vector<16xi32>,
    %swap3A_339 = arith.constant 3 : i32
    %swap3A_340 = arith.index_cast %swap3A_339 : i32 to index
    %swap3A_341 = arith.constant 64 : index
    %swap3A_342 = tpu.vector_load %arg7[%swap3A_340, %swap3A_341] {strides = array<i32>} : memref<16x128xi32, #tpu.memory_space<vmem>>, vector<16xi32>,
    tpu.vector_store %arg7[%swap3A_340, %swap3A_341], %get3A_338 {strides = array<i32>} : memref<16x128xi32, #tpu.memory_space<vmem>>, vector<16xi32>,
    %get3A_343 = arith.constant 14 : i32
    %get3A_344 = arith.index_cast %get3A_343 : i32 to index
    %get3A_345 = arith.constant 16 : index
    %get3A_346 = tpu.vector_load %arg6[%get3A_344, %get3A_345] {strides = array<i32>} : memref<64x32xi32, #tpu.memory_space<vmem>>, vector<16xi32>,
    %swap3A_347 = arith.constant 3 : i32
    %swap3A_348 = arith.index_cast %swap3A_347 : i32 to index
    %swap3A_349 = arith.constant 80 : index
    %swap3A_350 = tpu.vector_load %arg7[%swap3A_348, %swap3A_349] {strides = array<i32>} : memref<16x128xi32, #tpu.memory_space<vmem>>, vector<16xi32>,
    tpu.vector_store %arg7[%swap3A_348, %swap3A_349], %get3A_346 {strides = array<i32>} : memref<16x128xi32, #tpu.memory_space<vmem>>, vector<16xi32>,
    %get3A_351 = arith.constant 15 : i32
    %get3A_352 = arith.index_cast %get3A_351 : i32 to index
    %get3A_353 = arith.constant 0 : index
    %get3A_354 = tpu.vector_load %arg6[%get3A_352, %get3A_353] {strides = array<i32>} : memref<64x32xi32, #tpu.memory_space<vmem>>, vector<16xi32>,
    %swap3A_355 = arith.constant 3 : i32
    %swap3A_356 = arith.index_cast %swap3A_355 : i32 to index
    %swap3A_357 = arith.constant 96 : index
    %swap3A_358 = tpu.vector_load %arg7[%swap3A_356, %swap3A_357] {strides = array<i32>} : memref<16x128xi32, #tpu.memory_space<vmem>>, vector<16xi32>,
    tpu.vector_store %arg7[%swap3A_356, %swap3A_357], %get3A_354 {strides = array<i32>} : memref<16x128xi32, #tpu.memory_space<vmem>>, vector<16xi32>,
    %get3A_359 = arith.constant 15 : i32
    %get3A_360 = arith.index_cast %get3A_359 : i32 to index
    %get3A_361 = arith.constant 16 : index
    %get3A_362 = tpu.vector_load %arg6[%get3A_360, %get3A_361] {strides = array<i32>} : memref<64x32xi32, #tpu.memory_space<vmem>>, vector<16xi32>,
    %swap3A_363 = arith.constant 3 : i32
    %swap3A_364 = arith.index_cast %swap3A_363 : i32 to index
    %swap3A_365 = arith.constant 112 : index
    %swap3A_366 = tpu.vector_load %arg7[%swap3A_364, %swap3A_365] {strides = array<i32>} : memref<16x128xi32, #tpu.memory_space<vmem>>, vector<16xi32>,
    tpu.vector_store %arg7[%swap3A_364, %swap3A_365], %get3A_362 {strides = array<i32>} : memref<16x128xi32, #tpu.memory_space<vmem>>, vector<16xi32>,
    %get3A_367 = arith.constant 16 : i32
    %get3A_368 = arith.index_cast %get3A_367 : i32 to index
    %get3A_369 = arith.constant 0 : index
    %get3A_370 = tpu.vector_load %arg6[%get3A_368, %get3A_369] {strides = array<i32>} : memref<64x32xi32, #tpu.memory_space<vmem>>, vector<16xi32>,
    %swap3A_371 = arith.constant 4 : i32
    %swap3A_372 = arith.index_cast %swap3A_371 : i32 to index
    %swap3A_373 = arith.constant 0 : index
    %swap3A_374 = tpu.vector_load %arg7[%swap3A_372, %swap3A_373] {strides = array<i32>} : memref<16x128xi32, #tpu.memory_space<vmem>>, vector<16xi32>,
    tpu.vector_store %arg7[%swap3A_372, %swap3A_373], %get3A_370 {strides = array<i32>} : memref<16x128xi32, #tpu.memory_space<vmem>>, vector<16xi32>,
    %get3A_375 = arith.constant 16 : i32
    %get3A_376 = arith.index_cast %get3A_375 : i32 to index
    %get3A_377 = arith.constant 16 : index
    %get3A_378 = tpu.vector_load %arg6[%get3A_376, %get3A_377] {strides = array<i32>} : memref<64x32xi32, #tpu.memory_space<vmem>>, vector<16xi32>,
    %swap3A_379 = arith.constant 4 : i32
    %swap3A_380 = arith.index_cast %swap3A_379 : i32 to index
    %swap3A_381 = arith.constant 16 : index
    %swap3A_382 = tpu.vector_load %arg7[%swap3A_380, %swap3A_381] {strides = array<i32>} : memref<16x128xi32, #tpu.memory_space<vmem>>, vector<16xi32>,
    tpu.vector_store %arg7[%swap3A_380, %swap3A_381], %get3A_378 {strides = array<i32>} : memref<16x128xi32, #tpu.memory_space<vmem>>, vector<16xi32>,
    %get3A_383 = arith.constant 17 : i32
    %get3A_384 = arith.index_cast %get3A_383 : i32 to index
    %get3A_385 = arith.constant 0 : index
    %get3A_386 = tpu.vector_load %arg6[%get3A_384, %get3A_385] {strides = array<i32>} : memref<64x32xi32, #tpu.memory_space<vmem>>, vector<16xi32>,
    %swap3A_387 = arith.constant 4 : i32
    %swap3A_388 = arith.index_cast %swap3A_387 : i32 to index
    %swap3A_389 = arith.constant 32 : index
    %swap3A_390 = tpu.vector_load %arg7[%swap3A_388, %swap3A_389] {strides = array<i32>} : memref<16x128xi32, #tpu.memory_space<vmem>>, vector<16xi32>,
    tpu.vector_store %arg7[%swap3A_388, %swap3A_389], %get3A_386 {strides = array<i32>} : memref<16x128xi32, #tpu.memory_space<vmem>>, vector<16xi32>,
    %get3A_391 = arith.constant 17 : i32
    %get3A_392 = arith.index_cast %get3A_391 : i32 to index
    %get3A_393 = arith.constant 16 : index
    %get3A_394 = tpu.vector_load %arg6[%get3A_392, %get3A_393] {strides = array<i32>} : memref<64x32xi32, #tpu.memory_space<vmem>>, vector<16xi32>,
    %swap3A_395 = arith.constant 4 : i32
    %swap3A_396 = arith.index_cast %swap3A_395 : i32 to index
    %swap3A_397 = arith.constant 48 : index
    %swap3A_398 = tpu.vector_load %arg7[%swap3A_396, %swap3A_397] {strides = array<i32>} : memref<16x128xi32, #tpu.memory_space<vmem>>, vector<16xi32>,
    tpu.vector_store %arg7[%swap3A_396, %swap3A_397], %get3A_394 {strides = array<i32>} : memref<16x128xi32, #tpu.memory_space<vmem>>, vector<16xi32>,
    %get3A_399 = arith.constant 18 : i32
    %get3A_400 = arith.index_cast %get3A_399 : i32 to index
    %get3A_401 = arith.constant 0 : index
    %get3A_402 = tpu.vector_load %arg6[%get3A_400, %get3A_401] {strides = array<i32>} : memref<64x32xi32, #tpu.memory_space<vmem>>, vector<16xi32>,
    %swap3A_403 = arith.constant 4 : i32
    %swap3A_404 = arith.index_cast %swap3A_403 : i32 to index
    %swap3A_405 = arith.constant 64 : index
    %swap3A_406 = tpu.vector_load %arg7[%swap3A_404, %swap3A_405] {strides = array<i32>} : memref<16x128xi32, #tpu.memory_space<vmem>>, vector<16xi32>,
    tpu.vector_store %arg7[%swap3A_404, %swap3A_405], %get3A_402 {strides = array<i32>} : memref<16x128xi32, #tpu.memory_space<vmem>>, vector<16xi32>,
    %get3A_407 = arith.constant 18 : i32
    %get3A_408 = arith.index_cast %get3A_407 : i32 to index
    %get3A_409 = arith.constant 16 : index
    %get3A_410 = tpu.vector_load %arg6[%get3A_408, %get3A_409] {strides = array<i32>} : memref<64x32xi32, #tpu.memory_space<vmem>>, vector<16xi32>,
    %swap3A_411 = arith.constant 4 : i32
    %swap3A_412 = arith.index_cast %swap3A_411 : i32 to index
    %swap3A_413 = arith.constant 80 : index
    %swap3A_414 = tpu.vector_load %arg7[%swap3A_412, %swap3A_413] {strides = array<i32>} : memref<16x128xi32, #tpu.memory_space<vmem>>, vector<16xi32>,
    tpu.vector_store %arg7[%swap3A_412, %swap3A_413], %get3A_410 {strides = array<i32>} : memref<16x128xi32, #tpu.memory_space<vmem>>, vector<16xi32>,
    %get3A_415 = arith.constant 19 : i32
    %get3A_416 = arith.index_cast %get3A_415 : i32 to index
    %get3A_417 = arith.constant 0 : index
    %get3A_418 = tpu.vector_load %arg6[%get3A_416, %get3A_417] {strides = array<i32>} : memref<64x32xi32, #tpu.memory_space<vmem>>, vector<16xi32>,
    %swap3A_419 = arith.constant 4 : i32
    %swap3A_420 = arith.index_cast %swap3A_419 : i32 to index
    %swap3A_421 = arith.constant 96 : index
    %swap3A_422 = tpu.vector_load %arg7[%swap3A_420, %swap3A_421] {strides = array<i32>} : memref<16x128xi32, #tpu.memory_space<vmem>>, vector<16xi32>,
    tpu.vector_store %arg7[%swap3A_420, %swap3A_421], %get3A_418 {strides = array<i32>} : memref<16x128xi32, #tpu.memory_space<vmem>>, vector<16xi32>,
    %get3A_423 = arith.constant 19 : i32
    %get3A_424 = arith.index_cast %get3A_423 : i32 to index
    %get3A_425 = arith.constant 16 : index
    %get3A_426 = tpu.vector_load %arg6[%get3A_424, %get3A_425] {strides = array<i32>} : memref<64x32xi32, #tpu.memory_space<vmem>>, vector<16xi32>,
    %swap3A_427 = arith.constant 4 : i32
    %swap3A_428 = arith.index_cast %swap3A_427 : i32 to index
    %swap3A_429 = arith.constant 112 : index
    %swap3A_430 = tpu.vector_load %arg7[%swap3A_428, %swap3A_429] {strides = array<i32>} : memref<16x128xi32, #tpu.memory_space<vmem>>, vector<16xi32>,
    tpu.vector_store %arg7[%swap3A_428, %swap3A_429], %get3A_426 {strides = array<i32>} : memref<16x128xi32, #tpu.memory_space<vmem>>, vector<16xi32>,
    %get3A_431 = arith.constant 20 : i32
    %get3A_432 = arith.index_cast %get3A_431 : i32 to index
    %get3A_433 = arith.constant 0 : index
    %get3A_434 = tpu.vector_load %arg6[%get3A_432, %get3A_433] {strides = array<i32>} : memref<64x32xi32, #tpu.memory_space<vmem>>, vector<16xi32>,
    %swap3A_435 = arith.constant 5 : i32
    %swap3A_436 = arith.index_cast %swap3A_435 : i32 to index
    %swap3A_437 = arith.constant 0 : index
    %swap3A_438 = tpu.vector_load %arg7[%swap3A_436, %swap3A_437] {strides = array<i32>} : memref<16x128xi32, #tpu.memory_space<vmem>>, vector<16xi32>,
    tpu.vector_store %arg7[%swap3A_436, %swap3A_437], %get3A_434 {strides = array<i32>} : memref<16x128xi32, #tpu.memory_space<vmem>>, vector<16xi32>,
    %get3A_439 = arith.constant 20 : i32
    %get3A_440 = arith.index_cast %get3A_439 : i32 to index
    %get3A_441 = arith.constant 16 : index
    %get3A_442 = tpu.vector_load %arg6[%get3A_440, %get3A_441] {strides = array<i32>} : memref<64x32xi32, #tpu.memory_space<vmem>>, vector<16xi32>,
    %swap3A_443 = arith.constant 5 : i32
    %swap3A_444 = arith.index_cast %swap3A_443 : i32 to index
    %swap3A_445 = arith.constant 16 : index
    %swap3A_446 = tpu.vector_load %arg7[%swap3A_444, %swap3A_445] {strides = array<i32>} : memref<16x128xi32, #tpu.memory_space<vmem>>, vector<16xi32>,
    tpu.vector_store %arg7[%swap3A_444, %swap3A_445], %get3A_442 {strides = array<i32>} : memref<16x128xi32, #tpu.memory_space<vmem>>, vector<16xi32>,
    %get3A_447 = arith.constant 21 : i32
    %get3A_448 = arith.index_cast %get3A_447 : i32 to index
    %get3A_449 = arith.constant 0 : index
    %get3A_450 = tpu.vector_load %arg6[%get3A_448, %get3A_449] {strides = array<i32>} : memref<64x32xi32, #tpu.memory_space<vmem>>, vector<16xi32>,
    %swap3A_451 = arith.constant 5 : i32
    %swap3A_452 = arith.index_cast %swap3A_451 : i32 to index
    %swap3A_453 = arith.constant 32 : index
    %swap3A_454 = tpu.vector_load %arg7[%swap3A_452, %swap3A_453] {strides = array<i32>} : memref<16x128xi32, #tpu.memory_space<vmem>>, vector<16xi32>,
    tpu.vector_store %arg7[%swap3A_452, %swap3A_453], %get3A_450 {strides = array<i32>} : memref<16x128xi32, #tpu.memory_space<vmem>>, vector<16xi32>,
    %get3A_455 = arith.constant 21 : i32
    %get3A_456 = arith.index_cast %get3A_455 : i32 to index
    %get3A_457 = arith.constant 16 : index
    %get3A_458 = tpu.vector_load %arg6[%get3A_456, %get3A_457] {strides = array<i32>} : memref<64x32xi32, #tpu.memory_space<vmem>>, vector<16xi32>,
    %swap3A_459 = arith.constant 5 : i32
    %swap3A_460 = arith.index_cast %swap3A_459 : i32 to index
    %swap3A_461 = arith.constant 48 : index
    %swap3A_462 = tpu.vector_load %arg7[%swap3A_460, %swap3A_461] {strides = array<i32>} : memref<16x128xi32, #tpu.memory_space<vmem>>, vector<16xi32>,
    tpu.vector_store %arg7[%swap3A_460, %swap3A_461], %get3A_458 {strides = array<i32>} : memref<16x128xi32, #tpu.memory_space<vmem>>, vector<16xi32>,
    %get3A_463 = arith.constant 22 : i32
    %get3A_464 = arith.index_cast %get3A_463 : i32 to index
    %get3A_465 = arith.constant 0 : index
    %get3A_466 = tpu.vector_load %arg6[%get3A_464, %get3A_465] {strides = array<i32>} : memref<64x32xi32, #tpu.memory_space<vmem>>, vector<16xi32>,
    %swap3A_467 = arith.constant 5 : i32
    %swap3A_468 = arith.index_cast %swap3A_467 : i32 to index
    %swap3A_469 = arith.constant 64 : index
    %swap3A_470 = tpu.vector_load %arg7[%swap3A_468, %swap3A_469] {strides = array<i32>} : memref<16x128xi32, #tpu.memory_space<vmem>>, vector<16xi32>,
    tpu.vector_store %arg7[%swap3A_468, %swap3A_469], %get3A_466 {strides = array<i32>} : memref<16x128xi32, #tpu.memory_space<vmem>>, vector<16xi32>,
    %get3A_471 = arith.constant 22 : i32
    %get3A_472 = arith.index_cast %get3A_471 : i32 to index
    %get3A_473 = arith.constant 16 : index
    %get3A_474 = tpu.vector_load %arg6[%get3A_472, %get3A_473] {strides = array<i32>} : memref<64x32xi32, #tpu.memory_space<vmem>>, vector<16xi32>,
    %swap3A_475 = arith.constant 5 : i32
    %swap3A_476 = arith.index_cast %swap3A_475 : i32 to index
    %swap3A_477 = arith.constant 80 : index
    %swap3A_478 = tpu.vector_load %arg7[%swap3A_476, %swap3A_477] {strides = array<i32>} : memref<16x128xi32, #tpu.memory_space<vmem>>, vector<16xi32>,
    tpu.vector_store %arg7[%swap3A_476, %swap3A_477], %get3A_474 {strides = array<i32>} : memref<16x128xi32, #tpu.memory_space<vmem>>, vector<16xi32>,
    %get3A_479 = arith.constant 23 : i32
    %get3A_480 = arith.index_cast %get3A_479 : i32 to index
    %get3A_481 = arith.constant 0 : index
    %get3A_482 = tpu.vector_load %arg6[%get3A_480, %get3A_481] {strides = array<i32>} : memref<64x32xi32, #tpu.memory_space<vmem>>, vector<16xi32>,
    %swap3A_483 = arith.constant 5 : i32
    %swap3A_484 = arith.index_cast %swap3A_483 : i32 to index
    %swap3A_485 = arith.constant 96 : index
    %swap3A_486 = tpu.vector_load %arg7[%swap3A_484, %swap3A_485] {strides = array<i32>} : memref<16x128xi32, #tpu.memory_space<vmem>>, vector<16xi32>,
    tpu.vector_store %arg7[%swap3A_484, %swap3A_485], %get3A_482 {strides = array<i32>} : memref<16x128xi32, #tpu.memory_space<vmem>>, vector<16xi32>,
    %get3A_487 = arith.constant 23 : i32
    %get3A_488 = arith.index_cast %get3A_487 : i32 to index
    %get3A_489 = arith.constant 16 : index
    %get3A_490 = tpu.vector_load %arg6[%get3A_488, %get3A_489] {strides = array<i32>} : memref<64x32xi32, #tpu.memory_space<vmem>>, vector<16xi32>,
    %swap3A_491 = arith.constant 5 : i32
    %swap3A_492 = arith.index_cast %swap3A_491 : i32 to index
    %swap3A_493 = arith.constant 112 : index
    %swap3A_494 = tpu.vector_load %arg7[%swap3A_492, %swap3A_493] {strides = array<i32>} : memref<16x128xi32, #tpu.memory_space<vmem>>, vector<16xi32>,
    tpu.vector_store %arg7[%swap3A_492, %swap3A_493], %get3A_490 {strides = array<i32>} : memref<16x128xi32, #tpu.memory_space<vmem>>, vector<16xi32>,
    %get3A_495 = arith.constant 24 : i32
    %get3A_496 = arith.index_cast %get3A_495 : i32 to index
    %get3A_497 = arith.constant 0 : index
    %get3A_498 = tpu.vector_load %arg6[%get3A_496, %get3A_497] {strides = array<i32>} : memref<64x32xi32, #tpu.memory_space<vmem>>, vector<16xi32>,
    %swap3A_499 = arith.constant 6 : i32
    %swap3A_500 = arith.index_cast %swap3A_499 : i32 to index
    %swap3A_501 = arith.constant 0 : index
    %swap3A_502 = tpu.vector_load %arg7[%swap3A_500, %swap3A_501] {strides = array<i32>} : memref<16x128xi32, #tpu.memory_space<vmem>>, vector<16xi32>,
    tpu.vector_store %arg7[%swap3A_500, %swap3A_501], %get3A_498 {strides = array<i32>} : memref<16x128xi32, #tpu.memory_space<vmem>>, vector<16xi32>,
    %get3A_503 = arith.constant 24 : i32
    %get3A_504 = arith.index_cast %get3A_503 : i32 to index
    %get3A_505 = arith.constant 16 : index
    %get3A_506 = tpu.vector_load %arg6[%get3A_504, %get3A_505] {strides = array<i32>} : memref<64x32xi32, #tpu.memory_space<vmem>>, vector<16xi32>,
    %swap3A_507 = arith.constant 6 : i32
    %swap3A_508 = arith.index_cast %swap3A_507 : i32 to index
    %swap3A_509 = arith.constant 16 : index
    %swap3A_510 = tpu.vector_load %arg7[%swap3A_508, %swap3A_509] {strides = array<i32>} : memref<16x128xi32, #tpu.memory_space<vmem>>, vector<16xi32>,
    tpu.vector_store %arg7[%swap3A_508, %swap3A_509], %get3A_506 {strides = array<i32>} : memref<16x128xi32, #tpu.memory_space<vmem>>, vector<16xi32>,
    %get3A_511 = arith.constant 25 : i32
    %get3A_512 = arith.index_cast %get3A_511 : i32 to index
    %get3A_513 = arith.constant 0 : index
    %get3A_514 = tpu.vector_load %arg6[%get3A_512, %get3A_513] {strides = array<i32>} : memref<64x32xi32, #tpu.memory_space<vmem>>, vector<16xi32>,
    %swap3A_515 = arith.constant 6 : i32
    %swap3A_516 = arith.index_cast %swap3A_515 : i32 to index
    %swap3A_517 = arith.constant 32 : index
    %swap3A_518 = tpu.vector_load %arg7[%swap3A_516, %swap3A_517] {strides = array<i32>} : memref<16x128xi32, #tpu.memory_space<vmem>>, vector<16xi32>,
    tpu.vector_store %arg7[%swap3A_516, %swap3A_517], %get3A_514 {strides = array<i32>} : memref<16x128xi32, #tpu.memory_space<vmem>>, vector<16xi32>,
    %get3A_519 = arith.constant 25 : i32
    %get3A_520 = arith.index_cast %get3A_519 : i32 to index
    %get3A_521 = arith.constant 16 : index
    %get3A_522 = tpu.vector_load %arg6[%get3A_520, %get3A_521] {strides = array<i32>} : memref<64x32xi32, #tpu.memory_space<vmem>>, vector<16xi32>,
    %swap3A_523 = arith.constant 6 : i32
    %swap3A_524 = arith.index_cast %swap3A_523 : i32 to index
    %swap3A_525 = arith.constant 48 : index
    %swap3A_526 = tpu.vector_load %arg7[%swap3A_524, %swap3A_525] {strides = array<i32>} : memref<16x128xi32, #tpu.memory_space<vmem>>, vector<16xi32>,
    tpu.vector_store %arg7[%swap3A_524, %swap3A_525], %get3A_522 {strides = array<i32>} : memref<16x128xi32, #tpu.memory_space<vmem>>, vector<16xi32>,
    %get3A_527 = arith.constant 26 : i32
    %get3A_528 = arith.index_cast %get3A_527 : i32 to index
    %get3A_529 = arith.constant 0 : index
    %get3A_530 = tpu.vector_load %arg6[%get3A_528, %get3A_529] {strides = array<i32>} : memref<64x32xi32, #tpu.memory_space<vmem>>, vector<16xi32>,
    %swap3A_531 = arith.constant 6 : i32
    %swap3A_532 = arith.index_cast %swap3A_531 : i32 to index
    %swap3A_533 = arith.constant 64 : index
    %swap3A_534 = tpu.vector_load %arg7[%swap3A_532, %swap3A_533] {strides = array<i32>} : memref<16x128xi32, #tpu.memory_space<vmem>>, vector<16xi32>,
    tpu.vector_store %arg7[%swap3A_532, %swap3A_533], %get3A_530 {strides = array<i32>} : memref<16x128xi32, #tpu.memory_space<vmem>>, vector<16xi32>,
    %get3A_535 = arith.constant 26 : i32
    %get3A_536 = arith.index_cast %get3A_535 : i32 to index
    %get3A_537 = arith.constant 16 : index
    %get3A_538 = tpu.vector_load %arg6[%get3A_536, %get3A_537] {strides = array<i32>} : memref<64x32xi32, #tpu.memory_space<vmem>>, vector<16xi32>,
    %swap3A_539 = arith.constant 6 : i32
    %swap3A_540 = arith.index_cast %swap3A_539 : i32 to index
    %swap3A_541 = arith.constant 80 : index
    %swap3A_542 = tpu.vector_load %arg7[%swap3A_540, %swap3A_541] {strides = array<i32>} : memref<16x128xi32, #tpu.memory_space<vmem>>, vector<16xi32>,
    tpu.vector_store %arg7[%swap3A_540, %swap3A_541], %get3A_538 {strides = array<i32>} : memref<16x128xi32, #tpu.memory_space<vmem>>, vector<16xi32>,
    %get3A_543 = arith.constant 27 : i32
    %get3A_544 = arith.index_cast %get3A_543 : i32 to index
    %get3A_545 = arith.constant 0 : index
    %get3A_546 = tpu.vector_load %arg6[%get3A_544, %get3A_545] {strides = array<i32>} : memref<64x32xi32, #tpu.memory_space<vmem>>, vector<16xi32>,
    %swap3A_547 = arith.constant 6 : i32
    %swap3A_548 = arith.index_cast %swap3A_547 : i32 to index
    %swap3A_549 = arith.constant 96 : index
    %swap3A_550 = tpu.vector_load %arg7[%swap3A_548, %swap3A_549] {strides = array<i32>} : memref<16x128xi32, #tpu.memory_space<vmem>>, vector<16xi32>,
    tpu.vector_store %arg7[%swap3A_548, %swap3A_549], %get3A_546 {strides = array<i32>} : memref<16x128xi32, #tpu.memory_space<vmem>>, vector<16xi32>,
    %get3A_551 = arith.constant 27 : i32
    %get3A_552 = arith.index_cast %get3A_551 : i32 to index
    %get3A_553 = arith.constant 16 : index
    %get3A_554 = tpu.vector_load %arg6[%get3A_552, %get3A_553] {strides = array<i32>} : memref<64x32xi32, #tpu.memory_space<vmem>>, vector<16xi32>,
    %swap3A_555 = arith.constant 6 : i32
    %swap3A_556 = arith.index_cast %swap3A_555 : i32 to index
    %swap3A_557 = arith.constant 112 : index
    %swap3A_558 = tpu.vector_load %arg7[%swap3A_556, %swap3A_557] {strides = array<i32>} : memref<16x128xi32, #tpu.memory_space<vmem>>, vector<16xi32>,
    tpu.vector_store %arg7[%swap3A_556, %swap3A_557], %get3A_554 {strides = array<i32>} : memref<16x128xi32, #tpu.memory_space<vmem>>, vector<16xi32>,
    %get3A_559 = arith.constant 28 : i32
    %get3A_560 = arith.index_cast %get3A_559 : i32 to index
    %get3A_561 = arith.constant 0 : index
    %get3A_562 = tpu.vector_load %arg6[%get3A_560, %get3A_561] {strides = array<i32>} : memref<64x32xi32, #tpu.memory_space<vmem>>, vector<16xi32>,
    %swap3A_563 = arith.constant 7 : i32
    %swap3A_564 = arith.index_cast %swap3A_563 : i32 to index
    %swap3A_565 = arith.constant 0 : index
    %swap3A_566 = tpu.vector_load %arg7[%swap3A_564, %swap3A_565] {strides = array<i32>} : memref<16x128xi32, #tpu.memory_space<vmem>>, vector<16xi32>,
    tpu.vector_store %arg7[%swap3A_564, %swap3A_565], %get3A_562 {strides = array<i32>} : memref<16x128xi32, #tpu.memory_space<vmem>>, vector<16xi32>,
    %get3A_567 = arith.constant 28 : i32
    %get3A_568 = arith.index_cast %get3A_567 : i32 to index
    %get3A_569 = arith.constant 16 : index
    %get3A_570 = tpu.vector_load %arg6[%get3A_568, %get3A_569] {strides = array<i32>} : memref<64x32xi32, #tpu.memory_space<vmem>>, vector<16xi32>,
    %swap3A_571 = arith.constant 7 : i32
    %swap3A_572 = arith.index_cast %swap3A_571 : i32 to index
    %swap3A_573 = arith.constant 16 : index
    %swap3A_574 = tpu.vector_load %arg7[%swap3A_572, %swap3A_573] {strides = array<i32>} : memref<16x128xi32, #tpu.memory_space<vmem>>, vector<16xi32>,
    tpu.vector_store %arg7[%swap3A_572, %swap3A_573], %get3A_570 {strides = array<i32>} : memref<16x128xi32, #tpu.memory_space<vmem>>, vector<16xi32>,
    %get3A_575 = arith.constant 29 : i32
    %get3A_576 = arith.index_cast %get3A_575 : i32 to index
    %get3A_577 = arith.constant 0 : index
    %get3A_578 = tpu.vector_load %arg6[%get3A_576, %get3A_577] {strides = array<i32>} : memref<64x32xi32, #tpu.memory_space<vmem>>, vector<16xi32>,
    %swap3A_579 = arith.constant 7 : i32
    %swap3A_580 = arith.index_cast %swap3A_579 : i32 to index
    %swap3A_581 = arith.constant 32 : index
    %swap3A_582 = tpu.vector_load %arg7[%swap3A_580, %swap3A_581] {strides = array<i32>} : memref<16x128xi32, #tpu.memory_space<vmem>>, vector<16xi32>,
    tpu.vector_store %arg7[%swap3A_580, %swap3A_581], %get3A_578 {strides = array<i32>} : memref<16x128xi32, #tpu.memory_space<vmem>>, vector<16xi32>,
    %get3A_583 = arith.constant 29 : i32
    %get3A_584 = arith.index_cast %get3A_583 : i32 to index
    %get3A_585 = arith.constant 16 : index
    %get3A_586 = tpu.vector_load %arg6[%get3A_584, %get3A_585] {strides = array<i32>} : memref<64x32xi32, #tpu.memory_space<vmem>>, vector<16xi32>,
    %swap3A_587 = arith.constant 7 : i32
    %swap3A_588 = arith.index_cast %swap3A_587 : i32 to index
    %swap3A_589 = arith.constant 48 : index
    %swap3A_590 = tpu.vector_load %arg7[%swap3A_588, %swap3A_589] {strides = array<i32>} : memref<16x128xi32, #tpu.memory_space<vmem>>, vector<16xi32>,
    tpu.vector_store %arg7[%swap3A_588, %swap3A_589], %get3A_586 {strides = array<i32>} : memref<16x128xi32, #tpu.memory_space<vmem>>, vector<16xi32>,
    %get3A_591 = arith.constant 30 : i32
    %get3A_592 = arith.index_cast %get3A_591 : i32 to index
    %get3A_593 = arith.constant 0 : index
    %get3A_594 = tpu.vector_load %arg6[%get3A_592, %get3A_593] {strides = array<i32>} : memref<64x32xi32, #tpu.memory_space<vmem>>, vector<16xi32>,
    %swap3A_595 = arith.constant 7 : i32
    %swap3A_596 = arith.index_cast %swap3A_595 : i32 to index
    %swap3A_597 = arith.constant 64 : index
    %swap3A_598 = tpu.vector_load %arg7[%swap3A_596, %swap3A_597] {strides = array<i32>} : memref<16x128xi32, #tpu.memory_space<vmem>>, vector<16xi32>,
    tpu.vector_store %arg7[%swap3A_596, %swap3A_597], %get3A_594 {strides = array<i32>} : memref<16x128xi32, #tpu.memory_space<vmem>>, vector<16xi32>,
    %get3A_599 = arith.constant 30 : i32
    %get3A_600 = arith.index_cast %get3A_599 : i32 to index
    %get3A_601 = arith.constant 16 : index
    %get3A_602 = tpu.vector_load %arg6[%get3A_600, %get3A_601] {strides = array<i32>} : memref<64x32xi32, #tpu.memory_space<vmem>>, vector<16xi32>,
    %swap3A_603 = arith.constant 7 : i32
    %swap3A_604 = arith.index_cast %swap3A_603 : i32 to index
    %swap3A_605 = arith.constant 80 : index
    %swap3A_606 = tpu.vector_load %arg7[%swap3A_604, %swap3A_605] {strides = array<i32>} : memref<16x128xi32, #tpu.memory_space<vmem>>, vector<16xi32>,
    tpu.vector_store %arg7[%swap3A_604, %swap3A_605], %get3A_602 {strides = array<i32>} : memref<16x128xi32, #tpu.memory_space<vmem>>, vector<16xi32>,
    %get3A_607 = arith.constant 31 : i32
    %get3A_608 = arith.index_cast %get3A_607 : i32 to index
    %get3A_609 = arith.constant 0 : index
    %get3A_610 = tpu.vector_load %arg6[%get3A_608, %get3A_609] {strides = array<i32>} : memref<64x32xi32, #tpu.memory_space<vmem>>, vector<16xi32>,
    %swap3A_611 = arith.constant 7 : i32
    %swap3A_612 = arith.index_cast %swap3A_611 : i32 to index
    %swap3A_613 = arith.constant 96 : index
    %swap3A_614 = tpu.vector_load %arg7[%swap3A_612, %swap3A_613] {strides = array<i32>} : memref<16x128xi32, #tpu.memory_space<vmem>>, vector<16xi32>,
    tpu.vector_store %arg7[%swap3A_612, %swap3A_613], %get3A_610 {strides = array<i32>} : memref<16x128xi32, #tpu.memory_space<vmem>>, vector<16xi32>,
    %get3A_615 = arith.constant 31 : i32
    %get3A_616 = arith.index_cast %get3A_615 : i32 to index
    %get3A_617 = arith.constant 16 : index
    %get3A_618 = tpu.vector_load %arg6[%get3A_616, %get3A_617] {strides = array<i32>} : memref<64x32xi32, #tpu.memory_space<vmem>>, vector<16xi32>,
    %swap3A_619 = arith.constant 7 : i32
    %swap3A_620 = arith.index_cast %swap3A_619 : i32 to index
    %swap3A_621 = arith.constant 112 : index
    %swap3A_622 = tpu.vector_load %arg7[%swap3A_620, %swap3A_621] {strides = array<i32>} : memref<16x128xi32, #tpu.memory_space<vmem>>, vector<16xi32>,
    tpu.vector_store %arg7[%swap3A_620, %swap3A_621], %get3A_618 {strides = array<i32>} : memref<16x128xi32, #tpu.memory_space<vmem>>, vector<16xi32>,
    %get3A_623 = arith.constant 32 : i32
    %get3A_624 = arith.index_cast %get3A_623 : i32 to index
    %get3A_625 = arith.constant 0 : index
    %get3A_626 = tpu.vector_load %arg6[%get3A_624, %get3A_625] {strides = array<i32>} : memref<64x32xi32, #tpu.memory_space<vmem>>, vector<16xi32>,
    %swap3A_627 = arith.constant 8 : i32
    %swap3A_628 = arith.index_cast %swap3A_627 : i32 to index
    %swap3A_629 = arith.constant 0 : index
    %swap3A_630 = tpu.vector_load %arg7[%swap3A_628, %swap3A_629] {strides = array<i32>} : memref<16x128xi32, #tpu.memory_space<vmem>>, vector<16xi32>,
    tpu.vector_store %arg7[%swap3A_628, %swap3A_629], %get3A_626 {strides = array<i32>} : memref<16x128xi32, #tpu.memory_space<vmem>>, vector<16xi32>,
    %get3A_631 = arith.constant 32 : i32
    %get3A_632 = arith.index_cast %get3A_631 : i32 to index
    %get3A_633 = arith.constant 16 : index
    %get3A_634 = tpu.vector_load %arg6[%get3A_632, %get3A_633] {strides = array<i32>} : memref<64x32xi32, #tpu.memory_space<vmem>>, vector<16xi32>,
    %swap3A_635 = arith.constant 8 : i32
    %swap3A_636 = arith.index_cast %swap3A_635 : i32 to index
    %swap3A_637 = arith.constant 16 : index
    %swap3A_638 = tpu.vector_load %arg7[%swap3A_636, %swap3A_637] {strides = array<i32>} : memref<16x128xi32, #tpu.memory_space<vmem>>, vector<16xi32>,
    tpu.vector_store %arg7[%swap3A_636, %swap3A_637], %get3A_634 {strides = array<i32>} : memref<16x128xi32, #tpu.memory_space<vmem>>, vector<16xi32>,
    %get3A_639 = arith.constant 33 : i32
    %get3A_640 = arith.index_cast %get3A_639 : i32 to index
    %get3A_641 = arith.constant 0 : index
    %get3A_642 = tpu.vector_load %arg6[%get3A_640, %get3A_641] {strides = array<i32>} : memref<64x32xi32, #tpu.memory_space<vmem>>, vector<16xi32>,
    %swap3A_643 = arith.constant 8 : i32
    %swap3A_644 = arith.index_cast %swap3A_643 : i32 to index
    %swap3A_645 = arith.constant 32 : index
    %swap3A_646 = tpu.vector_load %arg7[%swap3A_644, %swap3A_645] {strides = array<i32>} : memref<16x128xi32, #tpu.memory_space<vmem>>, vector<16xi32>,
    tpu.vector_store %arg7[%swap3A_644, %swap3A_645], %get3A_642 {strides = array<i32>} : memref<16x128xi32, #tpu.memory_space<vmem>>, vector<16xi32>,
    %get3A_647 = arith.constant 33 : i32
    %get3A_648 = arith.index_cast %get3A_647 : i32 to index
    %get3A_649 = arith.constant 16 : index
    %get3A_650 = tpu.vector_load %arg6[%get3A_648, %get3A_649] {strides = array<i32>} : memref<64x32xi32, #tpu.memory_space<vmem>>, vector<16xi32>,
    %swap3A_651 = arith.constant 8 : i32
    %swap3A_652 = arith.index_cast %swap3A_651 : i32 to index
    %swap3A_653 = arith.constant 48 : index
    %swap3A_654 = tpu.vector_load %arg7[%swap3A_652, %swap3A_653] {strides = array<i32>} : memref<16x128xi32, #tpu.memory_space<vmem>>, vector<16xi32>,
    tpu.vector_store %arg7[%swap3A_652, %swap3A_653], %get3A_650 {strides = array<i32>} : memref<16x128xi32, #tpu.memory_space<vmem>>, vector<16xi32>,
    %get3A_655 = arith.constant 34 : i32
    %get3A_656 = arith.index_cast %get3A_655 : i32 to index
    %get3A_657 = arith.constant 0 : index
    %get3A_658 = tpu.vector_load %arg6[%get3A_656, %get3A_657] {strides = array<i32>} : memref<64x32xi32, #tpu.memory_space<vmem>>, vector<16xi32>,
    %swap3A_659 = arith.constant 8 : i32
    %swap3A_660 = arith.index_cast %swap3A_659 : i32 to index
    %swap3A_661 = arith.constant 64 : index
    %swap3A_662 = tpu.vector_load %arg7[%swap3A_660, %swap3A_661] {strides = array<i32>} : memref<16x128xi32, #tpu.memory_space<vmem>>, vector<16xi32>,
    tpu.vector_store %arg7[%swap3A_660, %swap3A_661], %get3A_658 {strides = array<i32>} : memref<16x128xi32, #tpu.memory_space<vmem>>, vector<16xi32>,
    %get3A_663 = arith.constant 34 : i32
    %get3A_664 = arith.index_cast %get3A_663 : i32 to index
    %get3A_665 = arith.constant 16 : index
    %get3A_666 = tpu.vector_load %arg6[%get3A_664, %get3A_665] {strides = array<i32>} : memref<64x32xi32, #tpu.memory_space<vmem>>, vector<16xi32>,
    %swap3A_667 = arith.constant 8 : i32
    %swap3A_668 = arith.index_cast %swap3A_667 : i32 to index
    %swap3A_669 = arith.constant 80 : index
    %swap3A_670 = tpu.vector_load %arg7[%swap3A_668, %swap3A_669] {strides = array<i32>} : memref<16x128xi32, #tpu.memory_space<vmem>>, vector<16xi32>,
    tpu.vector_store %arg7[%swap3A_668, %swap3A_669], %get3A_666 {strides = array<i32>} : memref<16x128xi32, #tpu.memory_space<vmem>>, vector<16xi32>,
    %get3A_671 = arith.constant 35 : i32
    %get3A_672 = arith.index_cast %get3A_671 : i32 to index
    %get3A_673 = arith.constant 0 : index
    %get3A_674 = tpu.vector_load %arg6[%get3A_672, %get3A_673] {strides = array<i32>} : memref<64x32xi32, #tpu.memory_space<vmem>>, vector<16xi32>,
    %swap3A_675 = arith.constant 8 : i32
    %swap3A_676 = arith.index_cast %swap3A_675 : i32 to index
    %swap3A_677 = arith.constant 96 : index
    %swap3A_678 = tpu.vector_load %arg7[%swap3A_676, %swap3A_677] {strides = array<i32>} : memref<16x128xi32, #tpu.memory_space<vmem>>, vector<16xi32>,
    tpu.vector_store %arg7[%swap3A_676, %swap3A_677], %get3A_674 {strides = array<i32>} : memref<16x128xi32, #tpu.memory_space<vmem>>, vector<16xi32>,
    %get3A_679 = arith.constant 35 : i32
    %get3A_680 = arith.index_cast %get3A_679 : i32 to index
    %get3A_681 = arith.constant 16 : index
    %get3A_682 = tpu.vector_load %arg6[%get3A_680, %get3A_681] {strides = array<i32>} : memref<64x32xi32, #tpu.memory_space<vmem>>, vector<16xi32>,
    %swap3A_683 = arith.constant 8 : i32
    %swap3A_684 = arith.index_cast %swap3A_683 : i32 to index
    %swap3A_685 = arith.constant 112 : index
    %swap3A_686 = tpu.vector_load %arg7[%swap3A_684, %swap3A_685] {strides = array<i32>} : memref<16x128xi32, #tpu.memory_space<vmem>>, vector<16xi32>,
    tpu.vector_store %arg7[%swap3A_684, %swap3A_685], %get3A_682 {strides = array<i32>} : memref<16x128xi32, #tpu.memory_space<vmem>>, vector<16xi32>,
    %get3A_687 = arith.constant 36 : i32
    %get3A_688 = arith.index_cast %get3A_687 : i32 to index
    %get3A_689 = arith.constant 0 : index
    %get3A_690 = tpu.vector_load %arg6[%get3A_688, %get3A_689] {strides = array<i32>} : memref<64x32xi32, #tpu.memory_space<vmem>>, vector<16xi32>,
    %swap3A_691 = arith.constant 9 : i32
    %swap3A_692 = arith.index_cast %swap3A_691 : i32 to index
    %swap3A_693 = arith.constant 0 : index
    %swap3A_694 = tpu.vector_load %arg7[%swap3A_692, %swap3A_693] {strides = array<i32>} : memref<16x128xi32, #tpu.memory_space<vmem>>, vector<16xi32>,
    tpu.vector_store %arg7[%swap3A_692, %swap3A_693], %get3A_690 {strides = array<i32>} : memref<16x128xi32, #tpu.memory_space<vmem>>, vector<16xi32>,
    %get3A_695 = arith.constant 36 : i32
    %get3A_696 = arith.index_cast %get3A_695 : i32 to index
    %get3A_697 = arith.constant 16 : index
    %get3A_698 = tpu.vector_load %arg6[%get3A_696, %get3A_697] {strides = array<i32>} : memref<64x32xi32, #tpu.memory_space<vmem>>, vector<16xi32>,
    %swap3A_699 = arith.constant 9 : i32
    %swap3A_700 = arith.index_cast %swap3A_699 : i32 to index
    %swap3A_701 = arith.constant 16 : index
    %swap3A_702 = tpu.vector_load %arg7[%swap3A_700, %swap3A_701] {strides = array<i32>} : memref<16x128xi32, #tpu.memory_space<vmem>>, vector<16xi32>,
    tpu.vector_store %arg7[%swap3A_700, %swap3A_701], %get3A_698 {strides = array<i32>} : memref<16x128xi32, #tpu.memory_space<vmem>>, vector<16xi32>,
    %get3A_703 = arith.constant 37 : i32
    %get3A_704 = arith.index_cast %get3A_703 : i32 to index
    %get3A_705 = arith.constant 0 : index
    %get3A_706 = tpu.vector_load %arg6[%get3A_704, %get3A_705] {strides = array<i32>} : memref<64x32xi32, #tpu.memory_space<vmem>>, vector<16xi32>,
    %swap3A_707 = arith.constant 9 : i32
    %swap3A_708 = arith.index_cast %swap3A_707 : i32 to index
    %swap3A_709 = arith.constant 32 : index
    %swap3A_710 = tpu.vector_load %arg7[%swap3A_708, %swap3A_709] {strides = array<i32>} : memref<16x128xi32, #tpu.memory_space<vmem>>, vector<16xi32>,
    tpu.vector_store %arg7[%swap3A_708, %swap3A_709], %get3A_706 {strides = array<i32>} : memref<16x128xi32, #tpu.memory_space<vmem>>, vector<16xi32>,
    %get3A_711 = arith.constant 37 : i32
    %get3A_712 = arith.index_cast %get3A_711 : i32 to index
    %get3A_713 = arith.constant 16 : index
    %get3A_714 = tpu.vector_load %arg6[%get3A_712, %get3A_713] {strides = array<i32>} : memref<64x32xi32, #tpu.memory_space<vmem>>, vector<16xi32>,
    %swap3A_715 = arith.constant 9 : i32
    %swap3A_716 = arith.index_cast %swap3A_715 : i32 to index
    %swap3A_717 = arith.constant 48 : index
    %swap3A_718 = tpu.vector_load %arg7[%swap3A_716, %swap3A_717] {strides = array<i32>} : memref<16x128xi32, #tpu.memory_space<vmem>>, vector<16xi32>,
    tpu.vector_store %arg7[%swap3A_716, %swap3A_717], %get3A_714 {strides = array<i32>} : memref<16x128xi32, #tpu.memory_space<vmem>>, vector<16xi32>,
    %get3A_719 = arith.constant 38 : i32
    %get3A_720 = arith.index_cast %get3A_719 : i32 to index
    %get3A_721 = arith.constant 0 : index
    %get3A_722 = tpu.vector_load %arg6[%get3A_720, %get3A_721] {strides = array<i32>} : memref<64x32xi32, #tpu.memory_space<vmem>>, vector<16xi32>,
    %swap3A_723 = arith.constant 9 : i32
    %swap3A_724 = arith.index_cast %swap3A_723 : i32 to index
    %swap3A_725 = arith.constant 64 : index
    %swap3A_726 = tpu.vector_load %arg7[%swap3A_724, %swap3A_725] {strides = array<i32>} : memref<16x128xi32, #tpu.memory_space<vmem>>, vector<16xi32>,
    tpu.vector_store %arg7[%swap3A_724, %swap3A_725], %get3A_722 {strides = array<i32>} : memref<16x128xi32, #tpu.memory_space<vmem>>, vector<16xi32>,
    %get3A_727 = arith.constant 38 : i32
    %get3A_728 = arith.index_cast %get3A_727 : i32 to index
    %get3A_729 = arith.constant 16 : index
    %get3A_730 = tpu.vector_load %arg6[%get3A_728, %get3A_729] {strides = array<i32>} : memref<64x32xi32, #tpu.memory_space<vmem>>, vector<16xi32>,
    %swap3A_731 = arith.constant 9 : i32
    %swap3A_732 = arith.index_cast %swap3A_731 : i32 to index
    %swap3A_733 = arith.constant 80 : index
    %swap3A_734 = tpu.vector_load %arg7[%swap3A_732, %swap3A_733] {strides = array<i32>} : memref<16x128xi32, #tpu.memory_space<vmem>>, vector<16xi32>,
    tpu.vector_store %arg7[%swap3A_732, %swap3A_733], %get3A_730 {strides = array<i32>} : memref<16x128xi32, #tpu.memory_space<vmem>>, vector<16xi32>,
    %get3A_735 = arith.constant 39 : i32
    %get3A_736 = arith.index_cast %get3A_735 : i32 to index
    %get3A_737 = arith.constant 0 : index
    %get3A_738 = tpu.vector_load %arg6[%get3A_736, %get3A_737] {strides = array<i32>} : memref<64x32xi32, #tpu.memory_space<vmem>>, vector<16xi32>,
    %swap3A_739 = arith.constant 9 : i32
    %swap3A_740 = arith.index_cast %swap3A_739 : i32 to index
    %swap3A_741 = arith.constant 96 : index
    %swap3A_742 = tpu.vector_load %arg7[%swap3A_740, %swap3A_741] {strides = array<i32>} : memref<16x128xi32, #tpu.memory_space<vmem>>, vector<16xi32>,
    tpu.vector_store %arg7[%swap3A_740, %swap3A_741], %get3A_738 {strides = array<i32>} : memref<16x128xi32, #tpu.memory_space<vmem>>, vector<16xi32>,
    %get3A_743 = arith.constant 39 : i32
    %get3A_744 = arith.index_cast %get3A_743 : i32 to index
    %get3A_745 = arith.constant 16 : index
    %get3A_746 = tpu.vector_load %arg6[%get3A_744, %get3A_745] {strides = array<i32>} : memref<64x32xi32, #tpu.memory_space<vmem>>, vector<16xi32>,
    %swap3A_747 = arith.constant 9 : i32
    %swap3A_748 = arith.index_cast %swap3A_747 : i32 to index
    %swap3A_749 = arith.constant 112 : index
    %swap3A_750 = tpu.vector_load %arg7[%swap3A_748, %swap3A_749] {strides = array<i32>} : memref<16x128xi32, #tpu.memory_space<vmem>>, vector<16xi32>,
    tpu.vector_store %arg7[%swap3A_748, %swap3A_749], %get3A_746 {strides = array<i32>} : memref<16x128xi32, #tpu.memory_space<vmem>>, vector<16xi32>,
    %get3A_751 = arith.constant 40 : i32
    %get3A_752 = arith.index_cast %get3A_751 : i32 to index
    %get3A_753 = arith.constant 0 : index
    %get3A_754 = tpu.vector_load %arg6[%get3A_752, %get3A_753] {strides = array<i32>} : memref<64x32xi32, #tpu.memory_space<vmem>>, vector<16xi32>,
    %swap3A_755 = arith.constant 10 : i32
    %swap3A_756 = arith.index_cast %swap3A_755 : i32 to index
    %swap3A_757 = arith.constant 0 : index
    %swap3A_758 = tpu.vector_load %arg7[%swap3A_756, %swap3A_757] {strides = array<i32>} : memref<16x128xi32, #tpu.memory_space<vmem>>, vector<16xi32>,
    tpu.vector_store %arg7[%swap3A_756, %swap3A_757], %get3A_754 {strides = array<i32>} : memref<16x128xi32, #tpu.memory_space<vmem>>, vector<16xi32>,
    %get3A_759 = arith.constant 40 : i32
    %get3A_760 = arith.index_cast %get3A_759 : i32 to index
    %get3A_761 = arith.constant 16 : index
    %get3A_762 = tpu.vector_load %arg6[%get3A_760, %get3A_761] {strides = array<i32>} : memref<64x32xi32, #tpu.memory_space<vmem>>, vector<16xi32>,
    %swap3A_763 = arith.constant 10 : i32
    %swap3A_764 = arith.index_cast %swap3A_763 : i32 to index
    %swap3A_765 = arith.constant 16 : index
    %swap3A_766 = tpu.vector_load %arg7[%swap3A_764, %swap3A_765] {strides = array<i32>} : memref<16x128xi32, #tpu.memory_space<vmem>>, vector<16xi32>,
    tpu.vector_store %arg7[%swap3A_764, %swap3A_765], %get3A_762 {strides = array<i32>} : memref<16x128xi32, #tpu.memory_space<vmem>>, vector<16xi32>,
    %get3A_767 = arith.constant 41 : i32
    %get3A_768 = arith.index_cast %get3A_767 : i32 to index
    %get3A_769 = arith.constant 0 : index
    %get3A_770 = tpu.vector_load %arg6[%get3A_768, %get3A_769] {strides = array<i32>} : memref<64x32xi32, #tpu.memory_space<vmem>>, vector<16xi32>,
    %swap3A_771 = arith.constant 10 : i32
    %swap3A_772 = arith.index_cast %swap3A_771 : i32 to index
    %swap3A_773 = arith.constant 32 : index
    %swap3A_774 = tpu.vector_load %arg7[%swap3A_772, %swap3A_773] {strides = array<i32>} : memref<16x128xi32, #tpu.memory_space<vmem>>, vector<16xi32>,
    tpu.vector_store %arg7[%swap3A_772, %swap3A_773], %get3A_770 {strides = array<i32>} : memref<16x128xi32, #tpu.memory_space<vmem>>, vector<16xi32>,
    %get3A_775 = arith.constant 41 : i32
    %get3A_776 = arith.index_cast %get3A_775 : i32 to index
    %get3A_777 = arith.constant 16 : index
    %get3A_778 = tpu.vector_load %arg6[%get3A_776, %get3A_777] {strides = array<i32>} : memref<64x32xi32, #tpu.memory_space<vmem>>, vector<16xi32>,
    %swap3A_779 = arith.constant 10 : i32
    %swap3A_780 = arith.index_cast %swap3A_779 : i32 to index
    %swap3A_781 = arith.constant 48 : index
    %swap3A_782 = tpu.vector_load %arg7[%swap3A_780, %swap3A_781] {strides = array<i32>} : memref<16x128xi32, #tpu.memory_space<vmem>>, vector<16xi32>,
    tpu.vector_store %arg7[%swap3A_780, %swap3A_781], %get3A_778 {strides = array<i32>} : memref<16x128xi32, #tpu.memory_space<vmem>>, vector<16xi32>,
    %get3A_783 = arith.constant 42 : i32
    %get3A_784 = arith.index_cast %get3A_783 : i32 to index
    %get3A_785 = arith.constant 0 : index
    %get3A_786 = tpu.vector_load %arg6[%get3A_784, %get3A_785] {strides = array<i32>} : memref<64x32xi32, #tpu.memory_space<vmem>>, vector<16xi32>,
    %swap3A_787 = arith.constant 10 : i32
    %swap3A_788 = arith.index_cast %swap3A_787 : i32 to index
    %swap3A_789 = arith.constant 64 : index
    %swap3A_790 = tpu.vector_load %arg7[%swap3A_788, %swap3A_789] {strides = array<i32>} : memref<16x128xi32, #tpu.memory_space<vmem>>, vector<16xi32>,
    tpu.vector_store %arg7[%swap3A_788, %swap3A_789], %get3A_786 {strides = array<i32>} : memref<16x128xi32, #tpu.memory_space<vmem>>, vector<16xi32>,
    %get3A_791 = arith.constant 42 : i32
    %get3A_792 = arith.index_cast %get3A_791 : i32 to index
    %get3A_793 = arith.constant 16 : index
    %get3A_794 = tpu.vector_load %arg6[%get3A_792, %get3A_793] {strides = array<i32>} : memref<64x32xi32, #tpu.memory_space<vmem>>, vector<16xi32>,
    %swap3A_795 = arith.constant 10 : i32
    %swap3A_796 = arith.index_cast %swap3A_795 : i32 to index
    %swap3A_797 = arith.constant 80 : index
    %swap3A_798 = tpu.vector_load %arg7[%swap3A_796, %swap3A_797] {strides = array<i32>} : memref<16x128xi32, #tpu.memory_space<vmem>>, vector<16xi32>,
    tpu.vector_store %arg7[%swap3A_796, %swap3A_797], %get3A_794 {strides = array<i32>} : memref<16x128xi32, #tpu.memory_space<vmem>>, vector<16xi32>,
    %get3A_799 = arith.constant 43 : i32
    %get3A_800 = arith.index_cast %get3A_799 : i32 to index
    %get3A_801 = arith.constant 0 : index
    %get3A_802 = tpu.vector_load %arg6[%get3A_800, %get3A_801] {strides = array<i32>} : memref<64x32xi32, #tpu.memory_space<vmem>>, vector<16xi32>,
    %swap3A_803 = arith.constant 10 : i32
    %swap3A_804 = arith.index_cast %swap3A_803 : i32 to index
    %swap3A_805 = arith.constant 96 : index
    %swap3A_806 = tpu.vector_load %arg7[%swap3A_804, %swap3A_805] {strides = array<i32>} : memref<16x128xi32, #tpu.memory_space<vmem>>, vector<16xi32>,
    tpu.vector_store %arg7[%swap3A_804, %swap3A_805], %get3A_802 {strides = array<i32>} : memref<16x128xi32, #tpu.memory_space<vmem>>, vector<16xi32>,
    %get3A_807 = arith.constant 43 : i32
    %get3A_808 = arith.index_cast %get3A_807 : i32 to index
    %get3A_809 = arith.constant 16 : index
    %get3A_810 = tpu.vector_load %arg6[%get3A_808, %get3A_809] {strides = array<i32>} : memref<64x32xi32, #tpu.memory_space<vmem>>, vector<16xi32>,
    %swap3A_811 = arith.constant 10 : i32
    %swap3A_812 = arith.index_cast %swap3A_811 : i32 to index
    %swap3A_813 = arith.constant 112 : index
    %swap3A_814 = tpu.vector_load %arg7[%swap3A_812, %swap3A_813] {strides = array<i32>} : memref<16x128xi32, #tpu.memory_space<vmem>>, vector<16xi32>,
    tpu.vector_store %arg7[%swap3A_812, %swap3A_813], %get3A_810 {strides = array<i32>} : memref<16x128xi32, #tpu.memory_space<vmem>>, vector<16xi32>,
    %get3A_815 = arith.constant 44 : i32
    %get3A_816 = arith.index_cast %get3A_815 : i32 to index
    %get3A_817 = arith.constant 0 : index
    %get3A_818 = tpu.vector_load %arg6[%get3A_816, %get3A_817] {strides = array<i32>} : memref<64x32xi32, #tpu.memory_space<vmem>>, vector<16xi32>,
    %swap3A_819 = arith.constant 11 : i32
    %swap3A_820 = arith.index_cast %swap3A_819 : i32 to index
    %swap3A_821 = arith.constant 0 : index
    %swap3A_822 = tpu.vector_load %arg7[%swap3A_820, %swap3A_821] {strides = array<i32>} : memref<16x128xi32, #tpu.memory_space<vmem>>, vector<16xi32>,
    tpu.vector_store %arg7[%swap3A_820, %swap3A_821], %get3A_818 {strides = array<i32>} : memref<16x128xi32, #tpu.memory_space<vmem>>, vector<16xi32>,
    %get3A_823 = arith.constant 44 : i32
    %get3A_824 = arith.index_cast %get3A_823 : i32 to index
    %get3A_825 = arith.constant 16 : index
    %get3A_826 = tpu.vector_load %arg6[%get3A_824, %get3A_825] {strides = array<i32>} : memref<64x32xi32, #tpu.memory_space<vmem>>, vector<16xi32>,
    %swap3A_827 = arith.constant 11 : i32
    %swap3A_828 = arith.index_cast %swap3A_827 : i32 to index
    %swap3A_829 = arith.constant 16 : index
    %swap3A_830 = tpu.vector_load %arg7[%swap3A_828, %swap3A_829] {strides = array<i32>} : memref<16x128xi32, #tpu.memory_space<vmem>>, vector<16xi32>,
    tpu.vector_store %arg7[%swap3A_828, %swap3A_829], %get3A_826 {strides = array<i32>} : memref<16x128xi32, #tpu.memory_space<vmem>>, vector<16xi32>,
    %get3A_831 = arith.constant 45 : i32
    %get3A_832 = arith.index_cast %get3A_831 : i32 to index
    %get3A_833 = arith.constant 0 : index
    %get3A_834 = tpu.vector_load %arg6[%get3A_832, %get3A_833] {strides = array<i32>} : memref<64x32xi32, #tpu.memory_space<vmem>>, vector<16xi32>,
    %swap3A_835 = arith.constant 11 : i32
    %swap3A_836 = arith.index_cast %swap3A_835 : i32 to index
    %swap3A_837 = arith.constant 32 : index
    %swap3A_838 = tpu.vector_load %arg7[%swap3A_836, %swap3A_837] {strides = array<i32>} : memref<16x128xi32, #tpu.memory_space<vmem>>, vector<16xi32>,
    tpu.vector_store %arg7[%swap3A_836, %swap3A_837], %get3A_834 {strides = array<i32>} : memref<16x128xi32, #tpu.memory_space<vmem>>, vector<16xi32>,
    %get3A_839 = arith.constant 45 : i32
    %get3A_840 = arith.index_cast %get3A_839 : i32 to index
    %get3A_841 = arith.constant 16 : index
    %get3A_842 = tpu.vector_load %arg6[%get3A_840, %get3A_841] {strides = array<i32>} : memref<64x32xi32, #tpu.memory_space<vmem>>, vector<16xi32>,
    %swap3A_843 = arith.constant 11 : i32
    %swap3A_844 = arith.index_cast %swap3A_843 : i32 to index
    %swap3A_845 = arith.constant 48 : index
    %swap3A_846 = tpu.vector_load %arg7[%swap3A_844, %swap3A_845] {strides = array<i32>} : memref<16x128xi32, #tpu.memory_space<vmem>>, vector<16xi32>,
    tpu.vector_store %arg7[%swap3A_844, %swap3A_845], %get3A_842 {strides = array<i32>} : memref<16x128xi32, #tpu.memory_space<vmem>>, vector<16xi32>,
    %get3A_847 = arith.constant 46 : i32
    %get3A_848 = arith.index_cast %get3A_847 : i32 to index
    %get3A_849 = arith.constant 0 : index
    %get3A_850 = tpu.vector_load %arg6[%get3A_848, %get3A_849] {strides = array<i32>} : memref<64x32xi32, #tpu.memory_space<vmem>>, vector<16xi32>,
    %swap3A_851 = arith.constant 11 : i32
    %swap3A_852 = arith.index_cast %swap3A_851 : i32 to index
    %swap3A_853 = arith.constant 64 : index
    %swap3A_854 = tpu.vector_load %arg7[%swap3A_852, %swap3A_853] {strides = array<i32>} : memref<16x128xi32, #tpu.memory_space<vmem>>, vector<16xi32>,
    tpu.vector_store %arg7[%swap3A_852, %swap3A_853], %get3A_850 {strides = array<i32>} : memref<16x128xi32, #tpu.memory_space<vmem>>, vector<16xi32>,
    %get3A_855 = arith.constant 46 : i32
    %get3A_856 = arith.index_cast %get3A_855 : i32 to index
    %get3A_857 = arith.constant 16 : index
    %get3A_858 = tpu.vector_load %arg6[%get3A_856, %get3A_857] {strides = array<i32>} : memref<64x32xi32, #tpu.memory_space<vmem>>, vector<16xi32>,
    %swap3A_859 = arith.constant 11 : i32
    %swap3A_860 = arith.index_cast %swap3A_859 : i32 to index
    %swap3A_861 = arith.constant 80 : index
    %swap3A_862 = tpu.vector_load %arg7[%swap3A_860, %swap3A_861] {strides = array<i32>} : memref<16x128xi32, #tpu.memory_space<vmem>>, vector<16xi32>,
    tpu.vector_store %arg7[%swap3A_860, %swap3A_861], %get3A_858 {strides = array<i32>} : memref<16x128xi32, #tpu.memory_space<vmem>>, vector<16xi32>,
    %get3A_863 = arith.constant 47 : i32
    %get3A_864 = arith.index_cast %get3A_863 : i32 to index
    %get3A_865 = arith.constant 0 : index
    %get3A_866 = tpu.vector_load %arg6[%get3A_864, %get3A_865] {strides = array<i32>} : memref<64x32xi32, #tpu.memory_space<vmem>>, vector<16xi32>,
    %swap3A_867 = arith.constant 11 : i32
    %swap3A_868 = arith.index_cast %swap3A_867 : i32 to index
    %swap3A_869 = arith.constant 96 : index
    %swap3A_870 = tpu.vector_load %arg7[%swap3A_868, %swap3A_869] {strides = array<i32>} : memref<16x128xi32, #tpu.memory_space<vmem>>, vector<16xi32>,
    tpu.vector_store %arg7[%swap3A_868, %swap3A_869], %get3A_866 {strides = array<i32>} : memref<16x128xi32, #tpu.memory_space<vmem>>, vector<16xi32>,
    %get3A_871 = arith.constant 47 : i32
    %get3A_872 = arith.index_cast %get3A_871 : i32 to index
    %get3A_873 = arith.constant 16 : index
    %get3A_874 = tpu.vector_load %arg6[%get3A_872, %get3A_873] {strides = array<i32>} : memref<64x32xi32, #tpu.memory_space<vmem>>, vector<16xi32>,
    %swap3A_875 = arith.constant 11 : i32
    %swap3A_876 = arith.index_cast %swap3A_875 : i32 to index
    %swap3A_877 = arith.constant 112 : index
    %swap3A_878 = tpu.vector_load %arg7[%swap3A_876, %swap3A_877] {strides = array<i32>} : memref<16x128xi32, #tpu.memory_space<vmem>>, vector<16xi32>,
    tpu.vector_store %arg7[%swap3A_876, %swap3A_877], %get3A_874 {strides = array<i32>} : memref<16x128xi32, #tpu.memory_space<vmem>>, vector<16xi32>,
    %get3A_879 = arith.constant 48 : i32
    %get3A_880 = arith.index_cast %get3A_879 : i32 to index
    %get3A_881 = arith.constant 0 : index
    %get3A_882 = tpu.vector_load %arg6[%get3A_880, %get3A_881] {strides = array<i32>} : memref<64x32xi32, #tpu.memory_space<vmem>>, vector<16xi32>,
    %swap3A_883 = arith.constant 12 : i32
    %swap3A_884 = arith.index_cast %swap3A_883 : i32 to index
    %swap3A_885 = arith.constant 0 : index
    %swap3A_886 = tpu.vector_load %arg7[%swap3A_884, %swap3A_885] {strides = array<i32>} : memref<16x128xi32, #tpu.memory_space<vmem>>, vector<16xi32>,
    tpu.vector_store %arg7[%swap3A_884, %swap3A_885], %get3A_882 {strides = array<i32>} : memref<16x128xi32, #tpu.memory_space<vmem>>, vector<16xi32>,
    %get3A_887 = arith.constant 48 : i32
    %get3A_888 = arith.index_cast %get3A_887 : i32 to index
    %get3A_889 = arith.constant 16 : index
    %get3A_890 = tpu.vector_load %arg6[%get3A_888, %get3A_889] {strides = array<i32>} : memref<64x32xi32, #tpu.memory_space<vmem>>, vector<16xi32>,
    %swap3A_891 = arith.constant 12 : i32
    %swap3A_892 = arith.index_cast %swap3A_891 : i32 to index
    %swap3A_893 = arith.constant 16 : index
    %swap3A_894 = tpu.vector_load %arg7[%swap3A_892, %swap3A_893] {strides = array<i32>} : memref<16x128xi32, #tpu.memory_space<vmem>>, vector<16xi32>,
    tpu.vector_store %arg7[%swap3A_892, %swap3A_893], %get3A_890 {strides = array<i32>} : memref<16x128xi32, #tpu.memory_space<vmem>>, vector<16xi32>,
    %get3A_895 = arith.constant 49 : i32
    %get3A_896 = arith.index_cast %get3A_895 : i32 to index
    %get3A_897 = arith.constant 0 : index
    %get3A_898 = tpu.vector_load %arg6[%get3A_896, %get3A_897] {strides = array<i32>} : memref<64x32xi32, #tpu.memory_space<vmem>>, vector<16xi32>,
    %swap3A_899 = arith.constant 12 : i32
    %swap3A_900 = arith.index_cast %swap3A_899 : i32 to index
    %swap3A_901 = arith.constant 32 : index
    %swap3A_902 = tpu.vector_load %arg7[%swap3A_900, %swap3A_901] {strides = array<i32>} : memref<16x128xi32, #tpu.memory_space<vmem>>, vector<16xi32>,
    tpu.vector_store %arg7[%swap3A_900, %swap3A_901], %get3A_898 {strides = array<i32>} : memref<16x128xi32, #tpu.memory_space<vmem>>, vector<16xi32>,
    %get3A_903 = arith.constant 49 : i32
    %get3A_904 = arith.index_cast %get3A_903 : i32 to index
    %get3A_905 = arith.constant 16 : index
    %get3A_906 = tpu.vector_load %arg6[%get3A_904, %get3A_905] {strides = array<i32>} : memref<64x32xi32, #tpu.memory_space<vmem>>, vector<16xi32>,
    %swap3A_907 = arith.constant 12 : i32
    %swap3A_908 = arith.index_cast %swap3A_907 : i32 to index
    %swap3A_909 = arith.constant 48 : index
    %swap3A_910 = tpu.vector_load %arg7[%swap3A_908, %swap3A_909] {strides = array<i32>} : memref<16x128xi32, #tpu.memory_space<vmem>>, vector<16xi32>,
    tpu.vector_store %arg7[%swap3A_908, %swap3A_909], %get3A_906 {strides = array<i32>} : memref<16x128xi32, #tpu.memory_space<vmem>>, vector<16xi32>,
    %get3A_911 = arith.constant 50 : i32
    %get3A_912 = arith.index_cast %get3A_911 : i32 to index
    %get3A_913 = arith.constant 0 : index
    %get3A_914 = tpu.vector_load %arg6[%get3A_912, %get3A_913] {strides = array<i32>} : memref<64x32xi32, #tpu.memory_space<vmem>>, vector<16xi32>,
    %swap3A_915 = arith.constant 12 : i32
    %swap3A_916 = arith.index_cast %swap3A_915 : i32 to index
    %swap3A_917 = arith.constant 64 : index
    %swap3A_918 = tpu.vector_load %arg7[%swap3A_916, %swap3A_917] {strides = array<i32>} : memref<16x128xi32, #tpu.memory_space<vmem>>, vector<16xi32>,
    tpu.vector_store %arg7[%swap3A_916, %swap3A_917], %get3A_914 {strides = array<i32>} : memref<16x128xi32, #tpu.memory_space<vmem>>, vector<16xi32>,
    %get3A_919 = arith.constant 50 : i32
    %get3A_920 = arith.index_cast %get3A_919 : i32 to index
    %get3A_921 = arith.constant 16 : index
    %get3A_922 = tpu.vector_load %arg6[%get3A_920, %get3A_921] {strides = array<i32>} : memref<64x32xi32, #tpu.memory_space<vmem>>, vector<16xi32>,
    %swap3A_923 = arith.constant 12 : i32
    %swap3A_924 = arith.index_cast %swap3A_923 : i32 to index
    %swap3A_925 = arith.constant 80 : index
    %swap3A_926 = tpu.vector_load %arg7[%swap3A_924, %swap3A_925] {strides = array<i32>} : memref<16x128xi32, #tpu.memory_space<vmem>>, vector<16xi32>,
    tpu.vector_store %arg7[%swap3A_924, %swap3A_925], %get3A_922 {strides = array<i32>} : memref<16x128xi32, #tpu.memory_space<vmem>>, vector<16xi32>,
    %get3A_927 = arith.constant 51 : i32
    %get3A_928 = arith.index_cast %get3A_927 : i32 to index
    %get3A_929 = arith.constant 0 : index
    %get3A_930 = tpu.vector_load %arg6[%get3A_928, %get3A_929] {strides = array<i32>} : memref<64x32xi32, #tpu.memory_space<vmem>>, vector<16xi32>,
    %swap3A_931 = arith.constant 12 : i32
    %swap3A_932 = arith.index_cast %swap3A_931 : i32 to index
    %swap3A_933 = arith.constant 96 : index
    %swap3A_934 = tpu.vector_load %arg7[%swap3A_932, %swap3A_933] {strides = array<i32>} : memref<16x128xi32, #tpu.memory_space<vmem>>, vector<16xi32>,
    tpu.vector_store %arg7[%swap3A_932, %swap3A_933], %get3A_930 {strides = array<i32>} : memref<16x128xi32, #tpu.memory_space<vmem>>, vector<16xi32>,
    %get3A_935 = arith.constant 51 : i32
    %get3A_936 = arith.index_cast %get3A_935 : i32 to index
    %get3A_937 = arith.constant 16 : index
    %get3A_938 = tpu.vector_load %arg6[%get3A_936, %get3A_937] {strides = array<i32>} : memref<64x32xi32, #tpu.memory_space<vmem>>, vector<16xi32>,
    %swap3A_939 = arith.constant 12 : i32
    %swap3A_940 = arith.index_cast %swap3A_939 : i32 to index
    %swap3A_941 = arith.constant 112 : index
    %swap3A_942 = tpu.vector_load %arg7[%swap3A_940, %swap3A_941] {strides = array<i32>} : memref<16x128xi32, #tpu.memory_space<vmem>>, vector<16xi32>,
    tpu.vector_store %arg7[%swap3A_940, %swap3A_941], %get3A_938 {strides = array<i32>} : memref<16x128xi32, #tpu.memory_space<vmem>>, vector<16xi32>,
    %get3A_943 = arith.constant 52 : i32
    %get3A_944 = arith.index_cast %get3A_943 : i32 to index
    %get3A_945 = arith.constant 0 : index
    %get3A_946 = tpu.vector_load %arg6[%get3A_944, %get3A_945] {strides = array<i32>} : memref<64x32xi32, #tpu.memory_space<vmem>>, vector<16xi32>,
    %swap3A_947 = arith.constant 13 : i32
    %swap3A_948 = arith.index_cast %swap3A_947 : i32 to index
    %swap3A_949 = arith.constant 0 : index
    %swap3A_950 = tpu.vector_load %arg7[%swap3A_948, %swap3A_949] {strides = array<i32>} : memref<16x128xi32, #tpu.memory_space<vmem>>, vector<16xi32>,
    tpu.vector_store %arg7[%swap3A_948, %swap3A_949], %get3A_946 {strides = array<i32>} : memref<16x128xi32, #tpu.memory_space<vmem>>, vector<16xi32>,
    %get3A_951 = arith.constant 52 : i32
    %get3A_952 = arith.index_cast %get3A_951 : i32 to index
    %get3A_953 = arith.constant 16 : index
    %get3A_954 = tpu.vector_load %arg6[%get3A_952, %get3A_953] {strides = array<i32>} : memref<64x32xi32, #tpu.memory_space<vmem>>, vector<16xi32>,
    %swap3A_955 = arith.constant 13 : i32
    %swap3A_956 = arith.index_cast %swap3A_955 : i32 to index
    %swap3A_957 = arith.constant 16 : index
    %swap3A_958 = tpu.vector_load %arg7[%swap3A_956, %swap3A_957] {strides = array<i32>} : memref<16x128xi32, #tpu.memory_space<vmem>>, vector<16xi32>,
    tpu.vector_store %arg7[%swap3A_956, %swap3A_957], %get3A_954 {strides = array<i32>} : memref<16x128xi32, #tpu.memory_space<vmem>>, vector<16xi32>,
    %get3A_959 = arith.constant 53 : i32
    %get3A_960 = arith.index_cast %get3A_959 : i32 to index
    %get3A_961 = arith.constant 0 : index
    %get3A_962 = tpu.vector_load %arg6[%get3A_960, %get3A_961] {strides = array<i32>} : memref<64x32xi32, #tpu.memory_space<vmem>>, vector<16xi32>,
    %swap3A_963 = arith.constant 13 : i32
    %swap3A_964 = arith.index_cast %swap3A_963 : i32 to index
    %swap3A_965 = arith.constant 32 : index
    %swap3A_966 = tpu.vector_load %arg7[%swap3A_964, %swap3A_965] {strides = array<i32>} : memref<16x128xi32, #tpu.memory_space<vmem>>, vector<16xi32>,
    tpu.vector_store %arg7[%swap3A_964, %swap3A_965], %get3A_962 {strides = array<i32>} : memref<16x128xi32, #tpu.memory_space<vmem>>, vector<16xi32>,
    %get3A_967 = arith.constant 53 : i32
    %get3A_968 = arith.index_cast %get3A_967 : i32 to index
    %get3A_969 = arith.constant 16 : index
    %get3A_970 = tpu.vector_load %arg6[%get3A_968, %get3A_969] {strides = array<i32>} : memref<64x32xi32, #tpu.memory_space<vmem>>, vector<16xi32>,
    %swap3A_971 = arith.constant 13 : i32
    %swap3A_972 = arith.index_cast %swap3A_971 : i32 to index
    %swap3A_973 = arith.constant 48 : index
    %swap3A_974 = tpu.vector_load %arg7[%swap3A_972, %swap3A_973] {strides = array<i32>} : memref<16x128xi32, #tpu.memory_space<vmem>>, vector<16xi32>,
    tpu.vector_store %arg7[%swap3A_972, %swap3A_973], %get3A_970 {strides = array<i32>} : memref<16x128xi32, #tpu.memory_space<vmem>>, vector<16xi32>,
    %get3A_975 = arith.constant 54 : i32
    %get3A_976 = arith.index_cast %get3A_975 : i32 to index
    %get3A_977 = arith.constant 0 : index
    %get3A_978 = tpu.vector_load %arg6[%get3A_976, %get3A_977] {strides = array<i32>} : memref<64x32xi32, #tpu.memory_space<vmem>>, vector<16xi32>,
    %swap3A_979 = arith.constant 13 : i32
    %swap3A_980 = arith.index_cast %swap3A_979 : i32 to index
    %swap3A_981 = arith.constant 64 : index
    %swap3A_982 = tpu.vector_load %arg7[%swap3A_980, %swap3A_981] {strides = array<i32>} : memref<16x128xi32, #tpu.memory_space<vmem>>, vector<16xi32>,
    tpu.vector_store %arg7[%swap3A_980, %swap3A_981], %get3A_978 {strides = array<i32>} : memref<16x128xi32, #tpu.memory_space<vmem>>, vector<16xi32>,
    %get3A_983 = arith.constant 54 : i32
    %get3A_984 = arith.index_cast %get3A_983 : i32 to index
    %get3A_985 = arith.constant 16 : index
    %get3A_986 = tpu.vector_load %arg6[%get3A_984, %get3A_985] {strides = array<i32>} : memref<64x32xi32, #tpu.memory_space<vmem>>, vector<16xi32>,
    %swap3A_987 = arith.constant 13 : i32
    %swap3A_988 = arith.index_cast %swap3A_987 : i32 to index
    %swap3A_989 = arith.constant 80 : index
    %swap3A_990 = tpu.vector_load %arg7[%swap3A_988, %swap3A_989] {strides = array<i32>} : memref<16x128xi32, #tpu.memory_space<vmem>>, vector<16xi32>,
    tpu.vector_store %arg7[%swap3A_988, %swap3A_989], %get3A_986 {strides = array<i32>} : memref<16x128xi32, #tpu.memory_space<vmem>>, vector<16xi32>,
    %get3A_991 = arith.constant 55 : i32
    %get3A_992 = arith.index_cast %get3A_991 : i32 to index
    %get3A_993 = arith.constant 0 : index
    %get3A_994 = tpu.vector_load %arg6[%get3A_992, %get3A_993] {strides = array<i32>} : memref<64x32xi32, #tpu.memory_space<vmem>>, vector<16xi32>,
    %swap3A_995 = arith.constant 13 : i32
    %swap3A_996 = arith.index_cast %swap3A_995 : i32 to index
    %swap3A_997 = arith.constant 96 : index
    %swap3A_998 = tpu.vector_load %arg7[%swap3A_996, %swap3A_997] {strides = array<i32>} : memref<16x128xi32, #tpu.memory_space<vmem>>, vector<16xi32>,
    tpu.vector_store %arg7[%swap3A_996, %swap3A_997], %get3A_994 {strides = array<i32>} : memref<16x128xi32, #tpu.memory_space<vmem>>, vector<16xi32>,
    %get3A_999 = arith.constant 55 : i32
    %get3A_1000 = arith.index_cast %get3A_999 : i32 to index
    %get3A_1001 = arith.constant 16 : index
    %get3A_1002 = tpu.vector_load %arg6[%get3A_1000, %get3A_1001] {strides = array<i32>} : memref<64x32xi32, #tpu.memory_space<vmem>>, vector<16xi32>,
    %swap3A_1003 = arith.constant 13 : i32
    %swap3A_1004 = arith.index_cast %swap3A_1003 : i32 to index
    %swap3A_1005 = arith.constant 112 : index
    %swap3A_1006 = tpu.vector_load %arg7[%swap3A_1004, %swap3A_1005] {strides = array<i32>} : memref<16x128xi32, #tpu.memory_space<vmem>>, vector<16xi32>,
    tpu.vector_store %arg7[%swap3A_1004, %swap3A_1005], %get3A_1002 {strides = array<i32>} : memref<16x128xi32, #tpu.memory_space<vmem>>, vector<16xi32>,
    %get3A_1007 = arith.constant 56 : i32
    %get3A_1008 = arith.index_cast %get3A_1007 : i32 to index
    %get3A_1009 = arith.constant 0 : index
    %get3A_1010 = tpu.vector_load %arg6[%get3A_1008, %get3A_1009] {strides = array<i32>} : memref<64x32xi32, #tpu.memory_space<vmem>>, vector<16xi32>,
    %swap3A_1011 = arith.constant 14 : i32
    %swap3A_1012 = arith.index_cast %swap3A_1011 : i32 to index
    %swap3A_1013 = arith.constant 0 : index
    %swap3A_1014 = tpu.vector_load %arg7[%swap3A_1012, %swap3A_1013] {strides = array<i32>} : memref<16x128xi32, #tpu.memory_space<vmem>>, vector<16xi32>,
    tpu.vector_store %arg7[%swap3A_1012, %swap3A_1013], %get3A_1010 {strides = array<i32>} : memref<16x128xi32, #tpu.memory_space<vmem>>, vector<16xi32>,
    %get3A_1015 = arith.constant 56 : i32
    %get3A_1016 = arith.index_cast %get3A_1015 : i32 to index
    %get3A_1017 = arith.constant 16 : index
    %get3A_1018 = tpu.vector_load %arg6[%get3A_1016, %get3A_1017] {strides = array<i32>} : memref<64x32xi32, #tpu.memory_space<vmem>>, vector<16xi32>,
    %swap3A_1019 = arith.constant 14 : i32
    %swap3A_1020 = arith.index_cast %swap3A_1019 : i32 to index
    %swap3A_1021 = arith.constant 16 : index
    %swap3A_1022 = tpu.vector_load %arg7[%swap3A_1020, %swap3A_1021] {strides = array<i32>} : memref<16x128xi32, #tpu.memory_space<vmem>>, vector<16xi32>,
    tpu.vector_store %arg7[%swap3A_1020, %swap3A_1021], %get3A_1018 {strides = array<i32>} : memref<16x128xi32, #tpu.memory_space<vmem>>, vector<16xi32>,
    %get3A_1023 = arith.constant 57 : i32
    %get3A_1024 = arith.index_cast %get3A_1023 : i32 to index
    %get3A_1025 = arith.constant 0 : index
    %get3A_1026 = tpu.vector_load %arg6[%get3A_1024, %get3A_1025] {strides = array<i32>} : memref<64x32xi32, #tpu.memory_space<vmem>>, vector<16xi32>,
    %swap3A_1027 = arith.constant 14 : i32
    %swap3A_1028 = arith.index_cast %swap3A_1027 : i32 to index
    %swap3A_1029 = arith.constant 32 : index
    %swap3A_1030 = tpu.vector_load %arg7[%swap3A_1028, %swap3A_1029] {strides = array<i32>} : memref<16x128xi32, #tpu.memory_space<vmem>>, vector<16xi32>,
    tpu.vector_store %arg7[%swap3A_1028, %swap3A_1029], %get3A_1026 {strides = array<i32>} : memref<16x128xi32, #tpu.memory_space<vmem>>, vector<16xi32>,
    %get3A_1031 = arith.constant 57 : i32
    %get3A_1032 = arith.index_cast %get3A_1031 : i32 to index
    %get3A_1033 = arith.constant 16 : index
    %get3A_1034 = tpu.vector_load %arg6[%get3A_1032, %get3A_1033] {strides = array<i32>} : memref<64x32xi32, #tpu.memory_space<vmem>>, vector<16xi32>,
    %swap3A_1035 = arith.constant 14 : i32
    %swap3A_1036 = arith.index_cast %swap3A_1035 : i32 to index
    %swap3A_1037 = arith.constant 48 : index
    %swap3A_1038 = tpu.vector_load %arg7[%swap3A_1036, %swap3A_1037] {strides = array<i32>} : memref<16x128xi32, #tpu.memory_space<vmem>>, vector<16xi32>,
    tpu.vector_store %arg7[%swap3A_1036, %swap3A_1037], %get3A_1034 {strides = array<i32>} : memref<16x128xi32, #tpu.memory_space<vmem>>, vector<16xi32>,
    %get3A_1039 = arith.constant 58 : i32
    %get3A_1040 = arith.index_cast %get3A_1039 : i32 to index
    %get3A_1041 = arith.constant 0 : index
    %get3A_1042 = tpu.vector_load %arg6[%get3A_1040, %get3A_1041] {strides = array<i32>} : memref<64x32xi32, #tpu.memory_space<vmem>>, vector<16xi32>,
    %swap3A_1043 = arith.constant 14 : i32
    %swap3A_1044 = arith.index_cast %swap3A_1043 : i32 to index
    %swap3A_1045 = arith.constant 64 : index
    %swap3A_1046 = tpu.vector_load %arg7[%swap3A_1044, %swap3A_1045] {strides = array<i32>} : memref<16x128xi32, #tpu.memory_space<vmem>>, vector<16xi32>,
    tpu.vector_store %arg7[%swap3A_1044, %swap3A_1045], %get3A_1042 {strides = array<i32>} : memref<16x128xi32, #tpu.memory_space<vmem>>, vector<16xi32>,
    %get3A_1047 = arith.constant 58 : i32
    %get3A_1048 = arith.index_cast %get3A_1047 : i32 to index
    %get3A_1049 = arith.constant 16 : index
    %get3A_1050 = tpu.vector_load %arg6[%get3A_1048, %get3A_1049] {strides = array<i32>} : memref<64x32xi32, #tpu.memory_space<vmem>>, vector<16xi32>,
    %swap3A_1051 = arith.constant 14 : i32
    %swap3A_1052 = arith.index_cast %swap3A_1051 : i32 to index
    %swap3A_1053 = arith.constant 80 : index
    %swap3A_1054 = tpu.vector_load %arg7[%swap3A_1052, %swap3A_1053] {strides = array<i32>} : memref<16x128xi32, #tpu.memory_space<vmem>>, vector<16xi32>,
    tpu.vector_store %arg7[%swap3A_1052, %swap3A_1053], %get3A_1050 {strides = array<i32>} : memref<16x128xi32, #tpu.memory_space<vmem>>, vector<16xi32>,
    %get3A_1055 = arith.constant 59 : i32
    %get3A_1056 = arith.index_cast %get3A_1055 : i32 to index
    %get3A_1057 = arith.constant 0 : index
    %get3A_1058 = tpu.vector_load %arg6[%get3A_1056, %get3A_1057] {strides = array<i32>} : memref<64x32xi32, #tpu.memory_space<vmem>>, vector<16xi32>,
    %swap3A_1059 = arith.constant 14 : i32
    %swap3A_1060 = arith.index_cast %swap3A_1059 : i32 to index
    %swap3A_1061 = arith.constant 96 : index
    %swap3A_1062 = tpu.vector_load %arg7[%swap3A_1060, %swap3A_1061] {strides = array<i32>} : memref<16x128xi32, #tpu.memory_space<vmem>>, vector<16xi32>,
    tpu.vector_store %arg7[%swap3A_1060, %swap3A_1061], %get3A_1058 {strides = array<i32>} : memref<16x128xi32, #tpu.memory_space<vmem>>, vector<16xi32>,
    %get3A_1063 = arith.constant 59 : i32
    %get3A_1064 = arith.index_cast %get3A_1063 : i32 to index
    %get3A_1065 = arith.constant 16 : index
    %get3A_1066 = tpu.vector_load %arg6[%get3A_1064, %get3A_1065] {strides = array<i32>} : memref<64x32xi32, #tpu.memory_space<vmem>>, vector<16xi32>,
    %swap3A_1067 = arith.constant 14 : i32
    %swap3A_1068 = arith.index_cast %swap3A_1067 : i32 to index
    %swap3A_1069 = arith.constant 112 : index
    %swap3A_1070 = tpu.vector_load %arg7[%swap3A_1068, %swap3A_1069] {strides = array<i32>} : memref<16x128xi32, #tpu.memory_space<vmem>>, vector<16xi32>,
    tpu.vector_store %arg7[%swap3A_1068, %swap3A_1069], %get3A_1066 {strides = array<i32>} : memref<16x128xi32, #tpu.memory_space<vmem>>, vector<16xi32>,
    %get3A_1071 = arith.constant 60 : i32
    %get3A_1072 = arith.index_cast %get3A_1071 : i32 to index
    %get3A_1073 = arith.constant 0 : index
    %get3A_1074 = tpu.vector_load %arg6[%get3A_1072, %get3A_1073] {strides = array<i32>} : memref<64x32xi32, #tpu.memory_space<vmem>>, vector<16xi32>,
    %swap3A_1075 = arith.constant 15 : i32
    %swap3A_1076 = arith.index_cast %swap3A_1075 : i32 to index
    %swap3A_1077 = arith.constant 0 : index
    %swap3A_1078 = tpu.vector_load %arg7[%swap3A_1076, %swap3A_1077] {strides = array<i32>} : memref<16x128xi32, #tpu.memory_space<vmem>>, vector<16xi32>,
    tpu.vector_store %arg7[%swap3A_1076, %swap3A_1077], %get3A_1074 {strides = array<i32>} : memref<16x128xi32, #tpu.memory_space<vmem>>, vector<16xi32>,
    %get3A_1079 = arith.constant 60 : i32
    %get3A_1080 = arith.index_cast %get3A_1079 : i32 to index
    %get3A_1081 = arith.constant 16 : index
    %get3A_1082 = tpu.vector_load %arg6[%get3A_1080, %get3A_1081] {strides = array<i32>} : memref<64x32xi32, #tpu.memory_space<vmem>>, vector<16xi32>,
    %swap3A_1083 = arith.constant 15 : i32
    %swap3A_1084 = arith.index_cast %swap3A_1083 : i32 to index
    %swap3A_1085 = arith.constant 16 : index
    %swap3A_1086 = tpu.vector_load %arg7[%swap3A_1084, %swap3A_1085] {strides = array<i32>} : memref<16x128xi32, #tpu.memory_space<vmem>>, vector<16xi32>,
    tpu.vector_store %arg7[%swap3A_1084, %swap3A_1085], %get3A_1082 {strides = array<i32>} : memref<16x128xi32, #tpu.memory_space<vmem>>, vector<16xi32>,
    %get3A_1087 = arith.constant 61 : i32
    %get3A_1088 = arith.index_cast %get3A_1087 : i32 to index
    %get3A_1089 = arith.constant 0 : index
    %get3A_1090 = tpu.vector_load %arg6[%get3A_1088, %get3A_1089] {strides = array<i32>} : memref<64x32xi32, #tpu.memory_space<vmem>>, vector<16xi32>,
    %swap3A_1091 = arith.constant 15 : i32
    %swap3A_1092 = arith.index_cast %swap3A_1091 : i32 to index
    %swap3A_1093 = arith.constant 32 : index
    %swap3A_1094 = tpu.vector_load %arg7[%swap3A_1092, %swap3A_1093] {strides = array<i32>} : memref<16x128xi32, #tpu.memory_space<vmem>>, vector<16xi32>,
    tpu.vector_store %arg7[%swap3A_1092, %swap3A_1093], %get3A_1090 {strides = array<i32>} : memref<16x128xi32, #tpu.memory_space<vmem>>, vector<16xi32>,
    %get3A_1095 = arith.constant 61 : i32
    %get3A_1096 = arith.index_cast %get3A_1095 : i32 to index
    %get3A_1097 = arith.constant 16 : index
    %get3A_1098 = tpu.vector_load %arg6[%get3A_1096, %get3A_1097] {strides = array<i32>} : memref<64x32xi32, #tpu.memory_space<vmem>>, vector<16xi32>,
    %swap3A_1099 = arith.constant 15 : i32
    %swap3A_1100 = arith.index_cast %swap3A_1099 : i32 to index
    %swap3A_1101 = arith.constant 48 : index
    %swap3A_1102 = tpu.vector_load %arg7[%swap3A_1100, %swap3A_1101] {strides = array<i32>} : memref<16x128xi32, #tpu.memory_space<vmem>>, vector<16xi32>,
    tpu.vector_store %arg7[%swap3A_1100, %swap3A_1101], %get3A_1098 {strides = array<i32>} : memref<16x128xi32, #tpu.memory_space<vmem>>, vector<16xi32>,
    %get3A_1103 = arith.constant 62 : i32
    %get3A_1104 = arith.index_cast %get3A_1103 : i32 to index
    %get3A_1105 = arith.constant 0 : index
    %get3A_1106 = tpu.vector_load %arg6[%get3A_1104, %get3A_1105] {strides = array<i32>} : memref<64x32xi32, #tpu.memory_space<vmem>>, vector<16xi32>,
    %swap3A_1107 = arith.constant 15 : i32
    %swap3A_1108 = arith.index_cast %swap3A_1107 : i32 to index
    %swap3A_1109 = arith.constant 64 : index
    %swap3A_1110 = tpu.vector_load %arg7[%swap3A_1108, %swap3A_1109] {strides = array<i32>} : memref<16x128xi32, #tpu.memory_space<vmem>>, vector<16xi32>,
    tpu.vector_store %arg7[%swap3A_1108, %swap3A_1109], %get3A_1106 {strides = array<i32>} : memref<16x128xi32, #tpu.memory_space<vmem>>, vector<16xi32>,
    %get3A_1111 = arith.constant 62 : i32
    %get3A_1112 = arith.index_cast %get3A_1111 : i32 to index
    %get3A_1113 = arith.constant 16 : index
    %get3A_1114 = tpu.vector_load %arg6[%get3A_1112, %get3A_1113] {strides = array<i32>} : memref<64x32xi32, #tpu.memory_space<vmem>>, vector<16xi32>,
    %swap3A_1115 = arith.constant 15 : i32
    %swap3A_1116 = arith.index_cast %swap3A_1115 : i32 to index
    %swap3A_1117 = arith.constant 80 : index
    %swap3A_1118 = tpu.vector_load %arg7[%swap3A_1116, %swap3A_1117] {strides = array<i32>} : memref<16x128xi32, #tpu.memory_space<vmem>>, vector<16xi32>,
    tpu.vector_store %arg7[%swap3A_1116, %swap3A_1117], %get3A_1114 {strides = array<i32>} : memref<16x128xi32, #tpu.memory_space<vmem>>, vector<16xi32>,
    %get3A_1119 = arith.constant 63 : i32
    %get3A_1120 = arith.index_cast %get3A_1119 : i32 to index
    %get3A_1121 = arith.constant 0 : index
    %get3A_1122 = tpu.vector_load %arg6[%get3A_1120, %get3A_1121] {strides = array<i32>} : memref<64x32xi32, #tpu.memory_space<vmem>>, vector<16xi32>,
    %swap3A_1123 = arith.constant 15 : i32
    %swap3A_1124 = arith.index_cast %swap3A_1123 : i32 to index
    %swap3A_1125 = arith.constant 96 : index
    %swap3A_1126 = tpu.vector_load %arg7[%swap3A_1124, %swap3A_1125] {strides = array<i32>} : memref<16x128xi32, #tpu.memory_space<vmem>>, vector<16xi32>,
    tpu.vector_store %arg7[%swap3A_1124, %swap3A_1125], %get3A_1122 {strides = array<i32>} : memref<16x128xi32, #tpu.memory_space<vmem>>, vector<16xi32>,
    %get3A_1127 = arith.constant 63 : i32
    %get3A_1128 = arith.index_cast %get3A_1127 : i32 to index
    %get3A_1129 = arith.constant 16 : index
    %get3A_1130 = tpu.vector_load %arg6[%get3A_1128, %get3A_1129] {strides = array<i32>} : memref<64x32xi32, #tpu.memory_space<vmem>>, vector<16xi32>,
    %swap3A_1131 = arith.constant 15 : i32
    %swap3A_1132 = arith.index_cast %swap3A_1131 : i32 to index
    %swap3A_1133 = arith.constant 112 : index
    %swap3A_1134 = tpu.vector_load %arg7[%swap3A_1132, %swap3A_1133] {strides = array<i32>} : memref<16x128xi32, #tpu.memory_space<vmem>>, vector<16xi32>,
    tpu.vector_store %arg7[%swap3A_1132, %swap3A_1133], %get3A_1130 {strides = array<i32>} : memref<16x128xi32, #tpu.memory_space<vmem>>, vector<16xi32>,
    %dma_start3A_1135 = arith.constant 0 : i32
    %dma_start3A_1136 = arith.constant 0 : i32
    %dma_start3A_1137 = arith.constant 0 : i32
    %dma_start3A_1138 = tpu.memref_slice %arg8[%dma_start3A_1136, %dma_start3A_1137] : memref<2048x16xf32, #tpu.memory_space<vmem>> -> memref<128x16xf32, #tpu.memory_space<vmem>>
    %dma_start3A_1139 = arith.constant 0 : i32
    %dma_start3A_1140 = tpu.memref_slice %arg7[%dma_start3A_1135, %dma_start3A_1139] : memref<16x128xi32, #tpu.memory_space<vmem>> -> memref<1x128xi32, #tpu.memory_space<vmem>>
    %dma_start3A_1141 = tpu.memref_squeeze %dma_start3A_1140 : memref<1x128xi32, #tpu.memory_space<vmem>> -> memref<128xi32, #tpu.memory_space<vmem>>
    %dma_start3A_1142 = arith.constant 0 : i32
    %dma_start3A_1143 = arith.constant 0 : i32
    %dma_start3A_1144 = tpu.memref_slice %arg3[%dma_start3A_1142, %dma_start3A_1143] : memref<3969x16xf32, #tpu.memory_space<hbm>> -> memref<3969x16xf32, #tpu.memory_space<hbm>>
    tpu.enqueue_indirect_dma source(%dma_start3A_1144 : memref<3969x16xf32, #tpu.memory_space<hbm>>) target(%dma_start3A_1138 : memref<128x16xf32, #tpu.memory_space<vmem>>) offsets(%dma_start3A_1141 : memref<128xi32, #tpu.memory_space<vmem>>) semaphore(%arg10 : memref<!tpu.dma_semaphore, #tpu.memory_space<semaphore_mem>>)
    %dma_start3A_1145 = arith.constant 1 : i32
    %dma_start3A_1146 = arith.constant 128 : i32
    %dma_start3A_1147 = arith.constant 0 : i32
    %dma_start3A_1148 = tpu.memref_slice %arg8[%dma_start3A_1146, %dma_start3A_1147] : memref<2048x16xf32, #tpu.memory_space<vmem>> -> memref<128x16xf32, #tpu.memory_space<vmem>>
    %dma_start3A_1149 = arith.constant 0 : i32
    %dma_start3A_1150 = tpu.memref_slice %arg7[%dma_start3A_1145, %dma_start3A_1149] : memref<16x128xi32, #tpu.memory_space<vmem>> -> memref<1x128xi32, #tpu.memory_space<vmem>>
    %dma_start3A_1151 = tpu.memref_squeeze %dma_start3A_1150 : memref<1x128xi32, #tpu.memory_space<vmem>> -> memref<128xi32, #tpu.memory_space<vmem>>
    %dma_start3A_1152 = arith.constant 0 : i32
    %dma_start3A_1153 = arith.constant 0 : i32
    %dma_start3A_1154 = tpu.memref_slice %arg3[%dma_start3A_1152, %dma_start3A_1153] : memref<3969x16xf32, #tpu.memory_space<hbm>> -> memref<3969x16xf32, #tpu.memory_space<hbm>>
    tpu.enqueue_indirect_dma source(%dma_start3A_1154 : memref<3969x16xf32, #tpu.memory_space<hbm>>) target(%dma_start3A_1148 : memref<128x16xf32, #tpu.memory_space<vmem>>) offsets(%dma_start3A_1151 : memref<128xi32, #tpu.memory_space<vmem>>) semaphore(%arg10 : memref<!tpu.dma_semaphore, #tpu.memory_space<semaphore_mem>>)
    %dma_start3A_1155 = arith.constant 2 : i32
    %dma_start3A_1156 = arith.constant 256 : i32
    %dma_start3A_1157 = arith.constant 0 : i32
    %dma_start3A_1158 = tpu.memref_slice %arg8[%dma_start3A_1156, %dma_start3A_1157] : memref<2048x16xf32, #tpu.memory_space<vmem>> -> memref<128x16xf32, #tpu.memory_space<vmem>>
    %dma_start3A_1159 = arith.constant 0 : i32
    %dma_start3A_1160 = tpu.memref_slice %arg7[%dma_start3A_1155, %dma_start3A_1159] : memref<16x128xi32, #tpu.memory_space<vmem>> -> memref<1x128xi32, #tpu.memory_space<vmem>>
    %dma_start3A_1161 = tpu.memref_squeeze %dma_start3A_1160 : memref<1x128xi32, #tpu.memory_space<vmem>> -> memref<128xi32, #tpu.memory_space<vmem>>
    %dma_start3A_1162 = arith.constant 0 : i32
    %dma_start3A_1163 = arith.constant 0 : i32
    %dma_start3A_1164 = tpu.memref_slice %arg3[%dma_start3A_1162, %dma_start3A_1163] : memref<3969x16xf32, #tpu.memory_space<hbm>> -> memref<3969x16xf32, #tpu.memory_space<hbm>>
    tpu.enqueue_indirect_dma source(%dma_start3A_1164 : memref<3969x16xf32, #tpu.memory_space<hbm>>) target(%dma_start3A_1158 : memref<128x16xf32, #tpu.memory_space<vmem>>) offsets(%dma_start3A_1161 : memref<128xi32, #tpu.memory_space<vmem>>) semaphore(%arg10 : memref<!tpu.dma_semaphore, #tpu.memory_space<semaphore_mem>>)
    %dma_start3A_1165 = arith.constant 3 : i32
    %dma_start3A_1166 = arith.constant 384 : i32
    %dma_start3A_1167 = arith.constant 0 : i32
    %dma_start3A_1168 = tpu.memref_slice %arg8[%dma_start3A_1166, %dma_start3A_1167] : memref<2048x16xf32, #tpu.memory_space<vmem>> -> memref<128x16xf32, #tpu.memory_space<vmem>>
    %dma_start3A_1169 = arith.constant 0 : i32
    %dma_start3A_1170 = tpu.memref_slice %arg7[%dma_start3A_1165, %dma_start3A_1169] : memref<16x128xi32, #tpu.memory_space<vmem>> -> memref<1x128xi32, #tpu.memory_space<vmem>>
    %dma_start3A_1171 = tpu.memref_squeeze %dma_start3A_1170 : memref<1x128xi32, #tpu.memory_space<vmem>> -> memref<128xi32, #tpu.memory_space<vmem>>
    %dma_start3A_1172 = arith.constant 0 : i32
    %dma_start3A_1173 = arith.constant 0 : i32
    %dma_start3A_1174 = tpu.memref_slice %arg3[%dma_start3A_1172, %dma_start3A_1173] : memref<3969x16xf32, #tpu.memory_space<hbm>> -> memref<3969x16xf32, #tpu.memory_space<hbm>>
    tpu.enqueue_indirect_dma source(%dma_start3A_1174 : memref<3969x16xf32, #tpu.memory_space<hbm>>) target(%dma_start3A_1168 : memref<128x16xf32, #tpu.memory_space<vmem>>) offsets(%dma_start3A_1171 : memref<128xi32, #tpu.memory_space<vmem>>) semaphore(%arg10 : memref<!tpu.dma_semaphore, #tpu.memory_space<semaphore_mem>>)
    %dma_start3A_1175 = arith.constant 4 : i32
    %dma_start3A_1176 = arith.constant 512 : i32
    %dma_start3A_1177 = arith.constant 0 : i32
    %dma_start3A_1178 = tpu.memref_slice %arg8[%dma_start3A_1176, %dma_start3A_1177] : memref<2048x16xf32, #tpu.memory_space<vmem>> -> memref<128x16xf32, #tpu.memory_space<vmem>>
    %dma_start3A_1179 = arith.constant 0 : i32
    %dma_start3A_1180 = tpu.memref_slice %arg7[%dma_start3A_1175, %dma_start3A_1179] : memref<16x128xi32, #tpu.memory_space<vmem>> -> memref<1x128xi32, #tpu.memory_space<vmem>>
    %dma_start3A_1181 = tpu.memref_squeeze %dma_start3A_1180 : memref<1x128xi32, #tpu.memory_space<vmem>> -> memref<128xi32, #tpu.memory_space<vmem>>
    %dma_start3A_1182 = arith.constant 0 : i32
    %dma_start3A_1183 = arith.constant 0 : i32
    %dma_start3A_1184 = tpu.memref_slice %arg3[%dma_start3A_1182, %dma_start3A_1183] : memref<3969x16xf32, #tpu.memory_space<hbm>> -> memref<3969x16xf32, #tpu.memory_space<hbm>>
    tpu.enqueue_indirect_dma source(%dma_start3A_1184 : memref<3969x16xf32, #tpu.memory_space<hbm>>) target(%dma_start3A_1178 : memref<128x16xf32, #tpu.memory_space<vmem>>) offsets(%dma_start3A_1181 : memref<128xi32, #tpu.memory_space<vmem>>) semaphore(%arg10 : memref<!tpu.dma_semaphore, #tpu.memory_space<semaphore_mem>>)
    %dma_start3A_1185 = arith.constant 5 : i32
    %dma_start3A_1186 = arith.constant 640 : i32
    %dma_start3A_1187 = arith.constant 0 : i32
    %dma_start3A_1188 = tpu.memref_slice %arg8[%dma_start3A_1186, %dma_start3A_1187] : memref<2048x16xf32, #tpu.memory_space<vmem>> -> memref<128x16xf32, #tpu.memory_space<vmem>>
    %dma_start3A_1189 = arith.constant 0 : i32
    %dma_start3A_1190 = tpu.memref_slice %arg7[%dma_start3A_1185, %dma_start3A_1189] : memref<16x128xi32, #tpu.memory_space<vmem>> -> memref<1x128xi32, #tpu.memory_space<vmem>>
    %dma_start3A_1191 = tpu.memref_squeeze %dma_start3A_1190 : memref<1x128xi32, #tpu.memory_space<vmem>> -> memref<128xi32, #tpu.memory_space<vmem>>
    %dma_start3A_1192 = arith.constant 0 : i32
    %dma_start3A_1193 = arith.constant 0 : i32
    %dma_start3A_1194 = tpu.memref_slice %arg3[%dma_start3A_1192, %dma_start3A_1193] : memref<3969x16xf32, #tpu.memory_space<hbm>> -> memref<3969x16xf32, #tpu.memory_space<hbm>>
    tpu.enqueue_indirect_dma source(%dma_start3A_1194 : memref<3969x16xf32, #tpu.memory_space<hbm>>) target(%dma_start3A_1188 : memref<128x16xf32, #tpu.memory_space<vmem>>) offsets(%dma_start3A_1191 : memref<128xi32, #tpu.memory_space<vmem>>) semaphore(%arg10 : memref<!tpu.dma_semaphore, #tpu.memory_space<semaphore_mem>>)
    %dma_start3A_1195 = arith.constant 6 : i32
    %dma_start3A_1196 = arith.constant 768 : i32
    %dma_start3A_1197 = arith.constant 0 : i32
    %dma_start3A_1198 = tpu.memref_slice %arg8[%dma_start3A_1196, %dma_start3A_1197] : memref<2048x16xf32, #tpu.memory_space<vmem>> -> memref<128x16xf32, #tpu.memory_space<vmem>>
    %dma_start3A_1199 = arith.constant 0 : i32
    %dma_start3A_1200 = tpu.memref_slice %arg7[%dma_start3A_1195, %dma_start3A_1199] : memref<16x128xi32, #tpu.memory_space<vmem>> -> memref<1x128xi32, #tpu.memory_space<vmem>>
    %dma_start3A_1201 = tpu.memref_squeeze %dma_start3A_1200 : memref<1x128xi32, #tpu.memory_space<vmem>> -> memref<128xi32, #tpu.memory_space<vmem>>
    %dma_start3A_1202 = arith.constant 0 : i32
    %dma_start3A_1203 = arith.constant 0 : i32
    %dma_start3A_1204 = tpu.memref_slice %arg3[%dma_start3A_1202, %dma_start3A_1203] : memref<3969x16xf32, #tpu.memory_space<hbm>> -> memref<3969x16xf32, #tpu.memory_space<hbm>>
    tpu.enqueue_indirect_dma source(%dma_start3A_1204 : memref<3969x16xf32, #tpu.memory_space<hbm>>) target(%dma_start3A_1198 : memref<128x16xf32, #tpu.memory_space<vmem>>) offsets(%dma_start3A_1201 : memref<128xi32, #tpu.memory_space<vmem>>) semaphore(%arg10 : memref<!tpu.dma_semaphore, #tpu.memory_space<semaphore_mem>>)
    %dma_start3A_1205 = arith.constant 7 : i32
    %dma_start3A_1206 = arith.constant 896 : i32
    %dma_start3A_1207 = arith.constant 0 : i32
    %dma_start3A_1208 = tpu.memref_slice %arg8[%dma_start3A_1206, %dma_start3A_1207] : memref<2048x16xf32, #tpu.memory_space<vmem>> -> memref<128x16xf32, #tpu.memory_space<vmem>>
    %dma_start3A_1209 = arith.constant 0 : i32
    %dma_start3A_1210 = tpu.memref_slice %arg7[%dma_start3A_1205, %dma_start3A_1209] : memref<16x128xi32, #tpu.memory_space<vmem>> -> memref<1x128xi32, #tpu.memory_space<vmem>>
    %dma_start3A_1211 = tpu.memref_squeeze %dma_start3A_1210 : memref<1x128xi32, #tpu.memory_space<vmem>> -> memref<128xi32, #tpu.memory_space<vmem>>
    %dma_start3A_1212 = arith.constant 0 : i32
    %dma_start3A_1213 = arith.constant 0 : i32
    %dma_start3A_1214 = tpu.memref_slice %arg3[%dma_start3A_1212, %dma_start3A_1213] : memref<3969x16xf32, #tpu.memory_space<hbm>> -> memref<3969x16xf32, #tpu.memory_space<hbm>>
    tpu.enqueue_indirect_dma source(%dma_start3A_1214 : memref<3969x16xf32, #tpu.memory_space<hbm>>) target(%dma_start3A_1208 : memref<128x16xf32, #tpu.memory_space<vmem>>) offsets(%dma_start3A_1211 : memref<128xi32, #tpu.memory_space<vmem>>) semaphore(%arg10 : memref<!tpu.dma_semaphore, #tpu.memory_space<semaphore_mem>>)
    %dma_start3A_1215 = arith.constant 8 : i32
    %dma_start3A_1216 = arith.constant 1024 : i32
    %dma_start3A_1217 = arith.constant 0 : i32
    %dma_start3A_1218 = tpu.memref_slice %arg8[%dma_start3A_1216, %dma_start3A_1217] : memref<2048x16xf32, #tpu.memory_space<vmem>> -> memref<128x16xf32, #tpu.memory_space<vmem>>
    %dma_start3A_1219 = arith.constant 0 : i32
    %dma_start3A_1220 = tpu.memref_slice %arg7[%dma_start3A_1215, %dma_start3A_1219] : memref<16x128xi32, #tpu.memory_space<vmem>> -> memref<1x128xi32, #tpu.memory_space<vmem>>
    %dma_start3A_1221 = tpu.memref_squeeze %dma_start3A_1220 : memref<1x128xi32, #tpu.memory_space<vmem>> -> memref<128xi32, #tpu.memory_space<vmem>>
    %dma_start3A_1222 = arith.constant 0 : i32
    %dma_start3A_1223 = arith.constant 0 : i32
    %dma_start3A_1224 = tpu.memref_slice %arg3[%dma_start3A_1222, %dma_start3A_1223] : memref<3969x16xf32, #tpu.memory_space<hbm>> -> memref<3969x16xf32, #tpu.memory_space<hbm>>
    tpu.enqueue_indirect_dma source(%dma_start3A_1224 : memref<3969x16xf32, #tpu.memory_space<hbm>>) target(%dma_start3A_1218 : memref<128x16xf32, #tpu.memory_space<vmem>>) offsets(%dma_start3A_1221 : memref<128xi32, #tpu.memory_space<vmem>>) semaphore(%arg10 : memref<!tpu.dma_semaphore, #tpu.memory_space<semaphore_mem>>)
    %dma_start3A_1225 = arith.constant 9 : i32
    %dma_start3A_1226 = arith.constant 1152 : i32
    %dma_start3A_1227 = arith.constant 0 : i32
    %dma_start3A_1228 = tpu.memref_slice %arg8[%dma_start3A_1226, %dma_start3A_1227] : memref<2048x16xf32, #tpu.memory_space<vmem>> -> memref<128x16xf32, #tpu.memory_space<vmem>>
    %dma_start3A_1229 = arith.constant 0 : i32
    %dma_start3A_1230 = tpu.memref_slice %arg7[%dma_start3A_1225, %dma_start3A_1229] : memref<16x128xi32, #tpu.memory_space<vmem>> -> memref<1x128xi32, #tpu.memory_space<vmem>>
    %dma_start3A_1231 = tpu.memref_squeeze %dma_start3A_1230 : memref<1x128xi32, #tpu.memory_space<vmem>> -> memref<128xi32, #tpu.memory_space<vmem>>
    %dma_start3A_1232 = arith.constant 0 : i32
    %dma_start3A_1233 = arith.constant 0 : i32
    %dma_start3A_1234 = tpu.memref_slice %arg3[%dma_start3A_1232, %dma_start3A_1233] : memref<3969x16xf32, #tpu.memory_space<hbm>> -> memref<3969x16xf32, #tpu.memory_space<hbm>>
    tpu.enqueue_indirect_dma source(%dma_start3A_1234 : memref<3969x16xf32, #tpu.memory_space<hbm>>) target(%dma_start3A_1228 : memref<128x16xf32, #tpu.memory_space<vmem>>) offsets(%dma_start3A_1231 : memref<128xi32, #tpu.memory_space<vmem>>) semaphore(%arg10 : memref<!tpu.dma_semaphore, #tpu.memory_space<semaphore_mem>>)
    %dma_start3A_1235 = arith.constant 10 : i32
    %dma_start3A_1236 = arith.constant 1280 : i32
    %dma_start3A_1237 = arith.constant 0 : i32
    %dma_start3A_1238 = tpu.memref_slice %arg8[%dma_start3A_1236, %dma_start3A_1237] : memref<2048x16xf32, #tpu.memory_space<vmem>> -> memref<128x16xf32, #tpu.memory_space<vmem>>
    %dma_start3A_1239 = arith.constant 0 : i32
    %dma_start3A_1240 = tpu.memref_slice %arg7[%dma_start3A_1235, %dma_start3A_1239] : memref<16x128xi32, #tpu.memory_space<vmem>> -> memref<1x128xi32, #tpu.memory_space<vmem>>
    %dma_start3A_1241 = tpu.memref_squeeze %dma_start3A_1240 : memref<1x128xi32, #tpu.memory_space<vmem>> -> memref<128xi32, #tpu.memory_space<vmem>>
    %dma_start3A_1242 = arith.constant 0 : i32
    %dma_start3A_1243 = arith.constant 0 : i32
    %dma_start3A_1244 = tpu.memref_slice %arg3[%dma_start3A_1242, %dma_start3A_1243] : memref<3969x16xf32, #tpu.memory_space<hbm>> -> memref<3969x16xf32, #tpu.memory_space<hbm>>
    tpu.enqueue_indirect_dma source(%dma_start3A_1244 : memref<3969x16xf32, #tpu.memory_space<hbm>>) target(%dma_start3A_1238 : memref<128x16xf32, #tpu.memory_space<vmem>>) offsets(%dma_start3A_1241 : memref<128xi32, #tpu.memory_space<vmem>>) semaphore(%arg10 : memref<!tpu.dma_semaphore, #tpu.memory_space<semaphore_mem>>)
    %dma_start3A_1245 = arith.constant 11 : i32
    %dma_start3A_1246 = arith.constant 1408 : i32
    %dma_start3A_1247 = arith.constant 0 : i32
    %dma_start3A_1248 = tpu.memref_slice %arg8[%dma_start3A_1246, %dma_start3A_1247] : memref<2048x16xf32, #tpu.memory_space<vmem>> -> memref<128x16xf32, #tpu.memory_space<vmem>>
    %dma_start3A_1249 = arith.constant 0 : i32
    %dma_start3A_1250 = tpu.memref_slice %arg7[%dma_start3A_1245, %dma_start3A_1249] : memref<16x128xi32, #tpu.memory_space<vmem>> -> memref<1x128xi32, #tpu.memory_space<vmem>>
    %dma_start3A_1251 = tpu.memref_squeeze %dma_start3A_1250 : memref<1x128xi32, #tpu.memory_space<vmem>> -> memref<128xi32, #tpu.memory_space<vmem>>
    %dma_start3A_1252 = arith.constant 0 : i32
    %dma_start3A_1253 = arith.constant 0 : i32
    %dma_start3A_1254 = tpu.memref_slice %arg3[%dma_start3A_1252, %dma_start3A_1253] : memref<3969x16xf32, #tpu.memory_space<hbm>> -> memref<3969x16xf32, #tpu.memory_space<hbm>>
    tpu.enqueue_indirect_dma source(%dma_start3A_1254 : memref<3969x16xf32, #tpu.memory_space<hbm>>) target(%dma_start3A_1248 : memref<128x16xf32, #tpu.memory_space<vmem>>) offsets(%dma_start3A_1251 : memref<128xi32, #tpu.memory_space<vmem>>) semaphore(%arg10 : memref<!tpu.dma_semaphore, #tpu.memory_space<semaphore_mem>>)
    %dma_start3A_1255 = arith.constant 12 : i32
    %dma_start3A_1256 = arith.constant 1536 : i32
    %dma_start3A_1257 = arith.constant 0 : i32
    %dma_start3A_1258 = tpu.memref_slice %arg8[%dma_start3A_1256, %dma_start3A_1257] : memref<2048x16xf32, #tpu.memory_space<vmem>> -> memref<128x16xf32, #tpu.memory_space<vmem>>
    %dma_start3A_1259 = arith.constant 0 : i32
    %dma_start3A_1260 = tpu.memref_slice %arg7[%dma_start3A_1255, %dma_start3A_1259] : memref<16x128xi32, #tpu.memory_space<vmem>> -> memref<1x128xi32, #tpu.memory_space<vmem>>
    %dma_start3A_1261 = tpu.memref_squeeze %dma_start3A_1260 : memref<1x128xi32, #tpu.memory_space<vmem>> -> memref<128xi32, #tpu.memory_space<vmem>>
    %dma_start3A_1262 = arith.constant 0 : i32
    %dma_start3A_1263 = arith.constant 0 : i32
    %dma_start3A_1264 = tpu.memref_slice %arg3[%dma_start3A_1262, %dma_start3A_1263] : memref<3969x16xf32, #tpu.memory_space<hbm>> -> memref<3969x16xf32, #tpu.memory_space<hbm>>
    tpu.enqueue_indirect_dma source(%dma_start3A_1264 : memref<3969x16xf32, #tpu.memory_space<hbm>>) target(%dma_start3A_1258 : memref<128x16xf32, #tpu.memory_space<vmem>>) offsets(%dma_start3A_1261 : memref<128xi32, #tpu.memory_space<vmem>>) semaphore(%arg10 : memref<!tpu.dma_semaphore, #tpu.memory_space<semaphore_mem>>)
    %dma_start3A_1265 = arith.constant 13 : i32
    %dma_start3A_1266 = arith.constant 1664 : i32
    %dma_start3A_1267 = arith.constant 0 : i32
    %dma_start3A_1268 = tpu.memref_slice %arg8[%dma_start3A_1266, %dma_start3A_1267] : memref<2048x16xf32, #tpu.memory_space<vmem>> -> memref<128x16xf32, #tpu.memory_space<vmem>>
    %dma_start3A_1269 = arith.constant 0 : i32
    %dma_start3A_1270 = tpu.memref_slice %arg7[%dma_start3A_1265, %dma_start3A_1269] : memref<16x128xi32, #tpu.memory_space<vmem>> -> memref<1x128xi32, #tpu.memory_space<vmem>>
    %dma_start3A_1271 = tpu.memref_squeeze %dma_start3A_1270 : memref<1x128xi32, #tpu.memory_space<vmem>> -> memref<128xi32, #tpu.memory_space<vmem>>
    %dma_start3A_1272 = arith.constant 0 : i32
    %dma_start3A_1273 = arith.constant 0 : i32
    %dma_start3A_1274 = tpu.memref_slice %arg3[%dma_start3A_1272, %dma_start3A_1273] : memref<3969x16xf32, #tpu.memory_space<hbm>> -> memref<3969x16xf32, #tpu.memory_space<hbm>>
    tpu.enqueue_indirect_dma source(%dma_start3A_1274 : memref<3969x16xf32, #tpu.memory_space<hbm>>) target(%dma_start3A_1268 : memref<128x16xf32, #tpu.memory_space<vmem>>) offsets(%dma_start3A_1271 : memref<128xi32, #tpu.memory_space<vmem>>) semaphore(%arg10 : memref<!tpu.dma_semaphore, #tpu.memory_space<semaphore_mem>>)
    %dma_start3A_1275 = arith.constant 14 : i32
    %dma_start3A_1276 = arith.constant 1792 : i32
    %dma_start3A_1277 = arith.constant 0 : i32
    %dma_start3A_1278 = tpu.memref_slice %arg8[%dma_start3A_1276, %dma_start3A_1277] : memref<2048x16xf32, #tpu.memory_space<vmem>> -> memref<128x16xf32, #tpu.memory_space<vmem>>
    %dma_start3A_1279 = arith.constant 0 : i32
    %dma_start3A_1280 = tpu.memref_slice %arg7[%dma_start3A_1275, %dma_start3A_1279] : memref<16x128xi32, #tpu.memory_space<vmem>> -> memref<1x128xi32, #tpu.memory_space<vmem>>
    %dma_start3A_1281 = tpu.memref_squeeze %dma_start3A_1280 : memref<1x128xi32, #tpu.memory_space<vmem>> -> memref<128xi32, #tpu.memory_space<vmem>>
    %dma_start3A_1282 = arith.constant 0 : i32
    %dma_start3A_1283 = arith.constant 0 : i32
    %dma_start3A_1284 = tpu.memref_slice %arg3[%dma_start3A_1282, %dma_start3A_1283] : memref<3969x16xf32, #tpu.memory_space<hbm>> -> memref<3969x16xf32, #tpu.memory_space<hbm>>
    tpu.enqueue_indirect_dma source(%dma_start3A_1284 : memref<3969x16xf32, #tpu.memory_space<hbm>>) target(%dma_start3A_1278 : memref<128x16xf32, #tpu.memory_space<vmem>>) offsets(%dma_start3A_1281 : memref<128xi32, #tpu.memory_space<vmem>>) semaphore(%arg10 : memref<!tpu.dma_semaphore, #tpu.memory_space<semaphore_mem>>)
    %dma_start3A_1285 = arith.constant 15 : i32
    %dma_start3A_1286 = arith.constant 1920 : i32
    %dma_start3A_1287 = arith.constant 0 : i32
    %dma_start3A_1288 = tpu.memref_slice %arg8[%dma_start3A_1286, %dma_start3A_1287] : memref<2048x16xf32, #tpu.memory_space<vmem>> -> memref<128x16xf32, #tpu.memory_space<vmem>>
    %dma_start3A_1289 = arith.constant 0 : i32
    %dma_start3A_1290 = tpu.memref_slice %arg7[%dma_start3A_1285, %dma_start3A_1289] : memref<16x128xi32, #tpu.memory_space<vmem>> -> memref<1x128xi32, #tpu.memory_space<vmem>>
    %dma_start3A_1291 = tpu.memref_squeeze %dma_start3A_1290 : memref<1x128xi32, #tpu.memory_space<vmem>> -> memref<128xi32, #tpu.memory_space<vmem>>
    %dma_start3A_1292 = arith.constant 0 : i32
    %dma_start3A_1293 = arith.constant 0 : i32
    %dma_start3A_1294 = tpu.memref_slice %arg3[%dma_start3A_1292, %dma_start3A_1293] : memref<3969x16xf32, #tpu.memory_space<hbm>> -> memref<3969x16xf32, #tpu.memory_space<hbm>>
    tpu.enqueue_indirect_dma source(%dma_start3A_1294 : memref<3969x16xf32, #tpu.memory_space<hbm>>) target(%dma_start3A_1288 : memref<128x16xf32, #tpu.memory_space<vmem>>) offsets(%dma_start3A_1291 : memref<128xi32, #tpu.memory_space<vmem>>) semaphore(%arg10 : memref<!tpu.dma_semaphore, #tpu.memory_space<semaphore_mem>>)
    %iota3A_1295 = tpu.iota {dimensions = array<i32: 0>} : vector<16xi32>
    %dma_wait3A_1296 = arith.constant 0 : i32
    %dma_wait3A_1297 = arith.constant 0 : i32
    %dma_wait3A_1298 = arith.constant 0 : i32
    %dma_wait3A_1299 = tpu.memref_slice %arg8[%dma_wait3A_1297, %dma_wait3A_1298] : memref<2048x16xf32, #tpu.memory_space<vmem>> -> memref<128x16xf32, #tpu.memory_space<vmem>>
    %dma_wait3A_1300 = arith.constant 0 : i32
    %dma_wait3A_1301 = tpu.memref_slice %arg7[%dma_wait3A_1296, %dma_wait3A_1300] : memref<16x128xi32, #tpu.memory_space<vmem>> -> memref<1x128xi32, #tpu.memory_space<vmem>>
    %dma_wait3A_1302 = tpu.memref_squeeze %dma_wait3A_1301 : memref<1x128xi32, #tpu.memory_space<vmem>> -> memref<128xi32, #tpu.memory_space<vmem>>
    %dma_wait3A_1303 = arith.constant 0 : i32
    %dma_wait3A_1304 = arith.constant 0 : i32
    %dma_wait3A_1305 = tpu.memref_slice %arg3[%dma_wait3A_1303, %dma_wait3A_1304] : memref<3969x16xf32, #tpu.memory_space<hbm>> -> memref<3969x16xf32, #tpu.memory_space<hbm>>
    tpu.wait_indirect_dma semaphore(%arg10 : memref<!tpu.dma_semaphore, #tpu.memory_space<semaphore_mem>>) src(%dma_wait3A_1305 : memref<3969x16xf32, #tpu.memory_space<hbm>>) dst(%dma_wait3A_1299 : memref<128x16xf32, #tpu.memory_space<vmem>>)
    %scan3A = arith.constant 0 : i32
    %scan3A_1306 = arith.constant 0 : i32
    %scan3A_1307 = arith.constant 16 : i32
    %scan3A_1308 = arith.addi %scan3A_1306, %scan3A_1307 : i32
    %scan3A_1309 = arith.constant 1 : i32
    scf.for %scan3A_1999 = %scan3A_1306 to %scan3A_1308 step %scan3A_1309  : i32 {
      %broadcast_in_dim3A = arith.constant 0 : i32
      %broadcast_in_dim3A_2000 = vector.broadcast %broadcast_in_dim3A : i32 to vector<16xi32>
      %add3A_2001 = vector.broadcast %scan3A_1999 : i32 to vector<16xi32>
      %add3A_2002 = arith.addi %broadcast_in_dim3A_2000, %add3A_2001 : vector<16xi32>
      %add3A_2003 = arith.constant 0 : i32
      %add3A_2004 = vector.broadcast %add3A_2003 : i32 to vector<16xi32>
      %add3A_2005 = arith.addi %add3A_2004, %iota3A_1295 : vector<16xi32>
      %gather3A = tpu.vector_load_idx %arg8[%add3A_2005, %add3A_2002] : memref<2048x16xf32, #tpu.memory_space<vmem>>[vector<16xi32>, vector<16xi32>], vector<16xf32>,
      %multiple_of3A = arith.constant 0 : i32
      %multiple_of3A_2006 = tpu.assume_multiple %multiple_of3A, 16 : i32
      %swap3A_2007 = arith.index_cast %scan3A_1999 : i32 to index
      %swap3A_2008 = arith.index_cast %multiple_of3A_2006 : i32 to index
      %swap3A_2009 = tpu.vector_load %arg9[%swap3A_2007, %swap3A_2008] {strides = array<i32>} : memref<16x2048xf32, #tpu.memory_space<vmem>>, vector<16xf32>,
      tpu.vector_store %arg9[%swap3A_2007, %swap3A_2008], %gather3A {strides = array<i32>} : memref<16x2048xf32, #tpu.memory_space<vmem>>, vector<16xf32>,
      %add3A_2010 = arith.constant 16 : i32
      %add3A_2011 = vector.broadcast %add3A_2010 : i32 to vector<16xi32>
      %add3A_2012 = arith.addi %add3A_2011, %iota3A_1295 : vector<16xi32>
      %gather3A_2013 = tpu.vector_load_idx %arg8[%add3A_2012, %add3A_2002] : memref<2048x16xf32, #tpu.memory_space<vmem>>[vector<16xi32>, vector<16xi32>], vector<16xf32>,
      %multiple_of3A_2014 = arith.constant 16 : i32
      %multiple_of3A_2015 = tpu.assume_multiple %multiple_of3A_2014, 16 : i32
      %swap3A_2016 = arith.index_cast %scan3A_1999 : i32 to index
      %swap3A_2017 = arith.index_cast %multiple_of3A_2015 : i32 to index
      %swap3A_2018 = tpu.vector_load %arg9[%swap3A_2016, %swap3A_2017] {strides = array<i32>} : memref<16x2048xf32, #tpu.memory_space<vmem>>, vector<16xf32>,
      tpu.vector_store %arg9[%swap3A_2016, %swap3A_2017], %gather3A_2013 {strides = array<i32>} : memref<16x2048xf32, #tpu.memory_space<vmem>>, vector<16xf32>,
      %add3A_2019 = arith.constant 32 : i32
      %add3A_2020 = vector.broadcast %add3A_2019 : i32 to vector<16xi32>
      %add3A_2021 = arith.addi %add3A_2020, %iota3A_1295 : vector<16xi32>
      %gather3A_2022 = tpu.vector_load_idx %arg8[%add3A_2021, %add3A_2002] : memref<2048x16xf32, #tpu.memory_space<vmem>>[vector<16xi32>, vector<16xi32>], vector<16xf32>,
      %multiple_of3A_2023 = arith.constant 32 : i32
      %multiple_of3A_2024 = tpu.assume_multiple %multiple_of3A_2023, 16 : i32
      %swap3A_2025 = arith.index_cast %scan3A_1999 : i32 to index
      %swap3A_2026 = arith.index_cast %multiple_of3A_2024 : i32 to index
      %swap3A_2027 = tpu.vector_load %arg9[%swap3A_2025, %swap3A_2026] {strides = array<i32>} : memref<16x2048xf32, #tpu.memory_space<vmem>>, vector<16xf32>,
      tpu.vector_store %arg9[%swap3A_2025, %swap3A_2026], %gather3A_2022 {strides = array<i32>} : memref<16x2048xf32, #tpu.memory_space<vmem>>, vector<16xf32>,
      %add3A_2028 = arith.constant 48 : i32
      %add3A_2029 = vector.broadcast %add3A_2028 : i32 to vector<16xi32>
      %add3A_2030 = arith.addi %add3A_2029, %iota3A_1295 : vector<16xi32>
      %gather3A_2031 = tpu.vector_load_idx %arg8[%add3A_2030, %add3A_2002] : memref<2048x16xf32, #tpu.memory_space<vmem>>[vector<16xi32>, vector<16xi32>], vector<16xf32>,
      %multiple_of3A_2032 = arith.constant 48 : i32
      %multiple_of3A_2033 = tpu.assume_multiple %multiple_of3A_2032, 16 : i32
      %swap3A_2034 = arith.index_cast %scan3A_1999 : i32 to index
      %swap3A_2035 = arith.index_cast %multiple_of3A_2033 : i32 to index
      %swap3A_2036 = tpu.vector_load %arg9[%swap3A_2034, %swap3A_2035] {strides = array<i32>} : memref<16x2048xf32, #tpu.memory_space<vmem>>, vector<16xf32>,
      tpu.vector_store %arg9[%swap3A_2034, %swap3A_2035], %gather3A_2031 {strides = array<i32>} : memref<16x2048xf32, #tpu.memory_space<vmem>>, vector<16xf32>,
      %add3A_2037 = arith.constant 64 : i32
      %add3A_2038 = vector.broadcast %add3A_2037 : i32 to vector<16xi32>
      %add3A_2039 = arith.addi %add3A_2038, %iota3A_1295 : vector<16xi32>
      %gather3A_2040 = tpu.vector_load_idx %arg8[%add3A_2039, %add3A_2002] : memref<2048x16xf32, #tpu.memory_space<vmem>>[vector<16xi32>, vector<16xi32>], vector<16xf32>,
      %multiple_of3A_2041 = arith.constant 64 : i32
      %multiple_of3A_2042 = tpu.assume_multiple %multiple_of3A_2041, 16 : i32
      %swap3A_2043 = arith.index_cast %scan3A_1999 : i32 to index
      %swap3A_2044 = arith.index_cast %multiple_of3A_2042 : i32 to index
      %swap3A_2045 = tpu.vector_load %arg9[%swap3A_2043, %swap3A_2044] {strides = array<i32>} : memref<16x2048xf32, #tpu.memory_space<vmem>>, vector<16xf32>,
      tpu.vector_store %arg9[%swap3A_2043, %swap3A_2044], %gather3A_2040 {strides = array<i32>} : memref<16x2048xf32, #tpu.memory_space<vmem>>, vector<16xf32>,
      %add3A_2046 = arith.constant 80 : i32
      %add3A_2047 = vector.broadcast %add3A_2046 : i32 to vector<16xi32>
      %add3A_2048 = arith.addi %add3A_2047, %iota3A_1295 : vector<16xi32>
      %gather3A_2049 = tpu.vector_load_idx %arg8[%add3A_2048, %add3A_2002] : memref<2048x16xf32, #tpu.memory_space<vmem>>[vector<16xi32>, vector<16xi32>], vector<16xf32>,
      %multiple_of3A_2050 = arith.constant 80 : i32
      %multiple_of3A_2051 = tpu.assume_multiple %multiple_of3A_2050, 16 : i32
      %swap3A_2052 = arith.index_cast %scan3A_1999 : i32 to index
      %swap3A_2053 = arith.index_cast %multiple_of3A_2051 : i32 to index
      %swap3A_2054 = tpu.vector_load %arg9[%swap3A_2052, %swap3A_2053] {strides = array<i32>} : memref<16x2048xf32, #tpu.memory_space<vmem>>, vector<16xf32>,
      tpu.vector_store %arg9[%swap3A_2052, %swap3A_2053], %gather3A_2049 {strides = array<i32>} : memref<16x2048xf32, #tpu.memory_space<vmem>>, vector<16xf32>,
      %add3A_2055 = arith.constant 96 : i32
      %add3A_2056 = vector.broadcast %add3A_2055 : i32 to vector<16xi32>
      %add3A_2057 = arith.addi %add3A_2056, %iota3A_1295 : vector<16xi32>
      %gather3A_2058 = tpu.vector_load_idx %arg8[%add3A_2057, %add3A_2002] : memref<2048x16xf32, #tpu.memory_space<vmem>>[vector<16xi32>, vector<16xi32>], vector<16xf32>,
      %multiple_of3A_2059 = arith.constant 96 : i32
      %multiple_of3A_2060 = tpu.assume_multiple %multiple_of3A_2059, 16 : i32
      %swap3A_2061 = arith.index_cast %scan3A_1999 : i32 to index
      %swap3A_2062 = arith.index_cast %multiple_of3A_2060 : i32 to index
      %swap3A_2063 = tpu.vector_load %arg9[%swap3A_2061, %swap3A_2062] {strides = array<i32>} : memref<16x2048xf32, #tpu.memory_space<vmem>>, vector<16xf32>,
      tpu.vector_store %arg9[%swap3A_2061, %swap3A_2062], %gather3A_2058 {strides = array<i32>} : memref<16x2048xf32, #tpu.memory_space<vmem>>, vector<16xf32>,
      %add3A_2064 = arith.constant 112 : i32
      %add3A_2065 = vector.broadcast %add3A_2064 : i32 to vector<16xi32>
      %add3A_2066 = arith.addi %add3A_2065, %iota3A_1295 : vector<16xi32>
      %gather3A_2067 = tpu.vector_load_idx %arg8[%add3A_2066, %add3A_2002] : memref<2048x16xf32, #tpu.memory_space<vmem>>[vector<16xi32>, vector<16xi32>], vector<16xf32>,
      %multiple_of3A_2068 = arith.constant 112 : i32
      %multiple_of3A_2069 = tpu.assume_multiple %multiple_of3A_2068, 16 : i32
      %swap3A_2070 = arith.index_cast %scan3A_1999 : i32 to index
      %swap3A_2071 = arith.index_cast %multiple_of3A_2069 : i32 to index
      %swap3A_2072 = tpu.vector_load %arg9[%swap3A_2070, %swap3A_2071] {strides = array<i32>} : memref<16x2048xf32, #tpu.memory_space<vmem>>, vector<16xf32>,
      tpu.vector_store %arg9[%swap3A_2070, %swap3A_2071], %gather3A_2067 {strides = array<i32>} : memref<16x2048xf32, #tpu.memory_space<vmem>>, vector<16xf32>,
    }
    %scan3A_1310 = arith.constant 16 : i32
    %dma_wait3A_1311 = arith.constant 1 : i32
    %dma_wait3A_1312 = arith.constant 128 : i32
    %dma_wait3A_1313 = arith.constant 0 : i32
    %dma_wait3A_1314 = tpu.memref_slice %arg8[%dma_wait3A_1312, %dma_wait3A_1313] : memref<2048x16xf32, #tpu.memory_space<vmem>> -> memref<128x16xf32, #tpu.memory_space<vmem>>
    %dma_wait3A_1315 = arith.constant 0 : i32
    %dma_wait3A_1316 = tpu.memref_slice %arg7[%dma_wait3A_1311, %dma_wait3A_1315] : memref<16x128xi32, #tpu.memory_space<vmem>> -> memref<1x128xi32, #tpu.memory_space<vmem>>
    %dma_wait3A_1317 = tpu.memref_squeeze %dma_wait3A_1316 : memref<1x128xi32, #tpu.memory_space<vmem>> -> memref<128xi32, #tpu.memory_space<vmem>>
    %dma_wait3A_1318 = arith.constant 0 : i32
    %dma_wait3A_1319 = arith.constant 0 : i32
    %dma_wait3A_1320 = tpu.memref_slice %arg3[%dma_wait3A_1318, %dma_wait3A_1319] : memref<3969x16xf32, #tpu.memory_space<hbm>> -> memref<3969x16xf32, #tpu.memory_space<hbm>>
    tpu.wait_indirect_dma semaphore(%arg10 : memref<!tpu.dma_semaphore, #tpu.memory_space<semaphore_mem>>) src(%dma_wait3A_1320 : memref<3969x16xf32, #tpu.memory_space<hbm>>) dst(%dma_wait3A_1314 : memref<128x16xf32, #tpu.memory_space<vmem>>)
    %scan3A_1321 = arith.constant 0 : i32
    %scan3A_1322 = arith.constant 0 : i32
    %scan3A_1323 = arith.constant 16 : i32
    %scan3A_1324 = arith.addi %scan3A_1322, %scan3A_1323 : i32
    %scan3A_1325 = arith.constant 1 : i32
    scf.for %scan3A_1999 = %scan3A_1322 to %scan3A_1324 step %scan3A_1325  : i32 {
      %broadcast_in_dim3A = arith.constant 0 : i32
      %broadcast_in_dim3A_2000 = vector.broadcast %broadcast_in_dim3A : i32 to vector<16xi32>
      %add3A_2001 = vector.broadcast %scan3A_1999 : i32 to vector<16xi32>
      %add3A_2002 = arith.addi %broadcast_in_dim3A_2000, %add3A_2001 : vector<16xi32>
      %add3A_2003 = arith.constant 128 : i32
      %add3A_2004 = vector.broadcast %add3A_2003 : i32 to vector<16xi32>
      %add3A_2005 = arith.addi %add3A_2004, %iota3A_1295 : vector<16xi32>
      %gather3A = tpu.vector_load_idx %arg8[%add3A_2005, %add3A_2002] : memref<2048x16xf32, #tpu.memory_space<vmem>>[vector<16xi32>, vector<16xi32>], vector<16xf32>,
      %multiple_of3A = arith.constant 128 : i32
      %multiple_of3A_2006 = tpu.assume_multiple %multiple_of3A, 16 : i32
      %swap3A_2007 = arith.index_cast %scan3A_1999 : i32 to index
      %swap3A_2008 = arith.index_cast %multiple_of3A_2006 : i32 to index
      %swap3A_2009 = tpu.vector_load %arg9[%swap3A_2007, %swap3A_2008] {strides = array<i32>} : memref<16x2048xf32, #tpu.memory_space<vmem>>, vector<16xf32>,
      tpu.vector_store %arg9[%swap3A_2007, %swap3A_2008], %gather3A {strides = array<i32>} : memref<16x2048xf32, #tpu.memory_space<vmem>>, vector<16xf32>,
      %add3A_2010 = arith.constant 144 : i32
      %add3A_2011 = vector.broadcast %add3A_2010 : i32 to vector<16xi32>
      %add3A_2012 = arith.addi %add3A_2011, %iota3A_1295 : vector<16xi32>
      %gather3A_2013 = tpu.vector_load_idx %arg8[%add3A_2012, %add3A_2002] : memref<2048x16xf32, #tpu.memory_space<vmem>>[vector<16xi32>, vector<16xi32>], vector<16xf32>,
      %multiple_of3A_2014 = arith.constant 144 : i32
      %multiple_of3A_2015 = tpu.assume_multiple %multiple_of3A_2014, 16 : i32
      %swap3A_2016 = arith.index_cast %scan3A_1999 : i32 to index
      %swap3A_2017 = arith.index_cast %multiple_of3A_2015 : i32 to index
      %swap3A_2018 = tpu.vector_load %arg9[%swap3A_2016, %swap3A_2017] {strides = array<i32>} : memref<16x2048xf32, #tpu.memory_space<vmem>>, vector<16xf32>,
      tpu.vector_store %arg9[%swap3A_2016, %swap3A_2017], %gather3A_2013 {strides = array<i32>} : memref<16x2048xf32, #tpu.memory_space<vmem>>, vector<16xf32>,
      %add3A_2019 = arith.constant 160 : i32
      %add3A_2020 = vector.broadcast %add3A_2019 : i32 to vector<16xi32>
      %add3A_2021 = arith.addi %add3A_2020, %iota3A_1295 : vector<16xi32>
      %gather3A_2022 = tpu.vector_load_idx %arg8[%add3A_2021, %add3A_2002] : memref<2048x16xf32, #tpu.memory_space<vmem>>[vector<16xi32>, vector<16xi32>], vector<16xf32>,
      %multiple_of3A_2023 = arith.constant 160 : i32
      %multiple_of3A_2024 = tpu.assume_multiple %multiple_of3A_2023, 16 : i32
      %swap3A_2025 = arith.index_cast %scan3A_1999 : i32 to index
      %swap3A_2026 = arith.index_cast %multiple_of3A_2024 : i32 to index
      %swap3A_2027 = tpu.vector_load %arg9[%swap3A_2025, %swap3A_2026] {strides = array<i32>} : memref<16x2048xf32, #tpu.memory_space<vmem>>, vector<16xf32>,
      tpu.vector_store %arg9[%swap3A_2025, %swap3A_2026], %gather3A_2022 {strides = array<i32>} : memref<16x2048xf32, #tpu.memory_space<vmem>>, vector<16xf32>,
      %add3A_2028 = arith.constant 176 : i32
      %add3A_2029 = vector.broadcast %add3A_2028 : i32 to vector<16xi32>
      %add3A_2030 = arith.addi %add3A_2029, %iota3A_1295 : vector<16xi32>
      %gather3A_2031 = tpu.vector_load_idx %arg8[%add3A_2030, %add3A_2002] : memref<2048x16xf32, #tpu.memory_space<vmem>>[vector<16xi32>, vector<16xi32>], vector<16xf32>,
      %multiple_of3A_2032 = arith.constant 176 : i32
      %multiple_of3A_2033 = tpu.assume_multiple %multiple_of3A_2032, 16 : i32
      %swap3A_2034 = arith.index_cast %scan3A_1999 : i32 to index
      %swap3A_2035 = arith.index_cast %multiple_of3A_2033 : i32 to index
      %swap3A_2036 = tpu.vector_load %arg9[%swap3A_2034, %swap3A_2035] {strides = array<i32>} : memref<16x2048xf32, #tpu.memory_space<vmem>>, vector<16xf32>,
      tpu.vector_store %arg9[%swap3A_2034, %swap3A_2035], %gather3A_2031 {strides = array<i32>} : memref<16x2048xf32, #tpu.memory_space<vmem>>, vector<16xf32>,
      %add3A_2037 = arith.constant 192 : i32
      %add3A_2038 = vector.broadcast %add3A_2037 : i32 to vector<16xi32>
      %add3A_2039 = arith.addi %add3A_2038, %iota3A_1295 : vector<16xi32>
      %gather3A_2040 = tpu.vector_load_idx %arg8[%add3A_2039, %add3A_2002] : memref<2048x16xf32, #tpu.memory_space<vmem>>[vector<16xi32>, vector<16xi32>], vector<16xf32>,
      %multiple_of3A_2041 = arith.constant 192 : i32
      %multiple_of3A_2042 = tpu.assume_multiple %multiple_of3A_2041, 16 : i32
      %swap3A_2043 = arith.index_cast %scan3A_1999 : i32 to index
      %swap3A_2044 = arith.index_cast %multiple_of3A_2042 : i32 to index
      %swap3A_2045 = tpu.vector_load %arg9[%swap3A_2043, %swap3A_2044] {strides = array<i32>} : memref<16x2048xf32, #tpu.memory_space<vmem>>, vector<16xf32>,
      tpu.vector_store %arg9[%swap3A_2043, %swap3A_2044], %gather3A_2040 {strides = array<i32>} : memref<16x2048xf32, #tpu.memory_space<vmem>>, vector<16xf32>,
      %add3A_2046 = arith.constant 208 : i32
      %add3A_2047 = vector.broadcast %add3A_2046 : i32 to vector<16xi32>
      %add3A_2048 = arith.addi %add3A_2047, %iota3A_1295 : vector<16xi32>
      %gather3A_2049 = tpu.vector_load_idx %arg8[%add3A_2048, %add3A_2002] : memref<2048x16xf32, #tpu.memory_space<vmem>>[vector<16xi32>, vector<16xi32>], vector<16xf32>,
      %multiple_of3A_2050 = arith.constant 208 : i32
      %multiple_of3A_2051 = tpu.assume_multiple %multiple_of3A_2050, 16 : i32
      %swap3A_2052 = arith.index_cast %scan3A_1999 : i32 to index
      %swap3A_2053 = arith.index_cast %multiple_of3A_2051 : i32 to index
      %swap3A_2054 = tpu.vector_load %arg9[%swap3A_2052, %swap3A_2053] {strides = array<i32>} : memref<16x2048xf32, #tpu.memory_space<vmem>>, vector<16xf32>,
      tpu.vector_store %arg9[%swap3A_2052, %swap3A_2053], %gather3A_2049 {strides = array<i32>} : memref<16x2048xf32, #tpu.memory_space<vmem>>, vector<16xf32>,
      %add3A_2055 = arith.constant 224 : i32
      %add3A_2056 = vector.broadcast %add3A_2055 : i32 to vector<16xi32>
      %add3A_2057 = arith.addi %add3A_2056, %iota3A_1295 : vector<16xi32>
      %gather3A_2058 = tpu.vector_load_idx %arg8[%add3A_2057, %add3A_2002] : memref<2048x16xf32, #tpu.memory_space<vmem>>[vector<16xi32>, vector<16xi32>], vector<16xf32>,
      %multiple_of3A_2059 = arith.constant 224 : i32
      %multiple_of3A_2060 = tpu.assume_multiple %multiple_of3A_2059, 16 : i32
      %swap3A_2061 = arith.index_cast %scan3A_1999 : i32 to index
      %swap3A_2062 = arith.index_cast %multiple_of3A_2060 : i32 to index
      %swap3A_2063 = tpu.vector_load %arg9[%swap3A_2061, %swap3A_2062] {strides = array<i32>} : memref<16x2048xf32, #tpu.memory_space<vmem>>, vector<16xf32>,
      tpu.vector_store %arg9[%swap3A_2061, %swap3A_2062], %gather3A_2058 {strides = array<i32>} : memref<16x2048xf32, #tpu.memory_space<vmem>>, vector<16xf32>,
      %add3A_2064 = arith.constant 240 : i32
      %add3A_2065 = vector.broadcast %add3A_2064 : i32 to vector<16xi32>
      %add3A_2066 = arith.addi %add3A_2065, %iota3A_1295 : vector<16xi32>
      %gather3A_2067 = tpu.vector_load_idx %arg8[%add3A_2066, %add3A_2002] : memref<2048x16xf32, #tpu.memory_space<vmem>>[vector<16xi32>, vector<16xi32>], vector<16xf32>,
      %multiple_of3A_2068 = arith.constant 240 : i32
      %multiple_of3A_2069 = tpu.assume_multiple %multiple_of3A_2068, 16 : i32
      %swap3A_2070 = arith.index_cast %scan3A_1999 : i32 to index
      %swap3A_2071 = arith.index_cast %multiple_of3A_2069 : i32 to index
      %swap3A_2072 = tpu.vector_load %arg9[%swap3A_2070, %swap3A_2071] {strides = array<i32>} : memref<16x2048xf32, #tpu.memory_space<vmem>>, vector<16xf32>,
      tpu.vector_store %arg9[%swap3A_2070, %swap3A_2071], %gather3A_2067 {strides = array<i32>} : memref<16x2048xf32, #tpu.memory_space<vmem>>, vector<16xf32>,
    }
    %scan3A_1326 = arith.constant 16 : i32
    %dma_wait3A_1327 = arith.constant 2 : i32
    %dma_wait3A_1328 = arith.constant 256 : i32
    %dma_wait3A_1329 = arith.constant 0 : i32
    %dma_wait3A_1330 = tpu.memref_slice %arg8[%dma_wait3A_1328, %dma_wait3A_1329] : memref<2048x16xf32, #tpu.memory_space<vmem>> -> memref<128x16xf32, #tpu.memory_space<vmem>>
    %dma_wait3A_1331 = arith.constant 0 : i32
    %dma_wait3A_1332 = tpu.memref_slice %arg7[%dma_wait3A_1327, %dma_wait3A_1331] : memref<16x128xi32, #tpu.memory_space<vmem>> -> memref<1x128xi32, #tpu.memory_space<vmem>>
    %dma_wait3A_1333 = tpu.memref_squeeze %dma_wait3A_1332 : memref<1x128xi32, #tpu.memory_space<vmem>> -> memref<128xi32, #tpu.memory_space<vmem>>
    %dma_wait3A_1334 = arith.constant 0 : i32
    %dma_wait3A_1335 = arith.constant 0 : i32
    %dma_wait3A_1336 = tpu.memref_slice %arg3[%dma_wait3A_1334, %dma_wait3A_1335] : memref<3969x16xf32, #tpu.memory_space<hbm>> -> memref<3969x16xf32, #tpu.memory_space<hbm>>
    tpu.wait_indirect_dma semaphore(%arg10 : memref<!tpu.dma_semaphore, #tpu.memory_space<semaphore_mem>>) src(%dma_wait3A_1336 : memref<3969x16xf32, #tpu.memory_space<hbm>>) dst(%dma_wait3A_1330 : memref<128x16xf32, #tpu.memory_space<vmem>>)
    %scan3A_1337 = arith.constant 0 : i32
    %scan3A_1338 = arith.constant 0 : i32
    %scan3A_1339 = arith.constant 16 : i32
    %scan3A_1340 = arith.addi %scan3A_1338, %scan3A_1339 : i32
    %scan3A_1341 = arith.constant 1 : i32
    scf.for %scan3A_1999 = %scan3A_1338 to %scan3A_1340 step %scan3A_1341  : i32 {
      %broadcast_in_dim3A = arith.constant 0 : i32
      %broadcast_in_dim3A_2000 = vector.broadcast %broadcast_in_dim3A : i32 to vector<16xi32>
      %add3A_2001 = vector.broadcast %scan3A_1999 : i32 to vector<16xi32>
      %add3A_2002 = arith.addi %broadcast_in_dim3A_2000, %add3A_2001 : vector<16xi32>
      %add3A_2003 = arith.constant 256 : i32
      %add3A_2004 = vector.broadcast %add3A_2003 : i32 to vector<16xi32>
      %add3A_2005 = arith.addi %add3A_2004, %iota3A_1295 : vector<16xi32>
      %gather3A = tpu.vector_load_idx %arg8[%add3A_2005, %add3A_2002] : memref<2048x16xf32, #tpu.memory_space<vmem>>[vector<16xi32>, vector<16xi32>], vector<16xf32>,
      %multiple_of3A = arith.constant 256 : i32
      %multiple_of3A_2006 = tpu.assume_multiple %multiple_of3A, 16 : i32
      %swap3A_2007 = arith.index_cast %scan3A_1999 : i32 to index
      %swap3A_2008 = arith.index_cast %multiple_of3A_2006 : i32 to index
      %swap3A_2009 = tpu.vector_load %arg9[%swap3A_2007, %swap3A_2008] {strides = array<i32>} : memref<16x2048xf32, #tpu.memory_space<vmem>>, vector<16xf32>,
      tpu.vector_store %arg9[%swap3A_2007, %swap3A_2008], %gather3A {strides = array<i32>} : memref<16x2048xf32, #tpu.memory_space<vmem>>, vector<16xf32>,
      %add3A_2010 = arith.constant 272 : i32
      %add3A_2011 = vector.broadcast %add3A_2010 : i32 to vector<16xi32>
      %add3A_2012 = arith.addi %add3A_2011, %iota3A_1295 : vector<16xi32>
      %gather3A_2013 = tpu.vector_load_idx %arg8[%add3A_2012, %add3A_2002] : memref<2048x16xf32, #tpu.memory_space<vmem>>[vector<16xi32>, vector<16xi32>], vector<16xf32>,
      %multiple_of3A_2014 = arith.constant 272 : i32
      %multiple_of3A_2015 = tpu.assume_multiple %multiple_of3A_2014, 16 : i32
      %swap3A_2016 = arith.index_cast %scan3A_1999 : i32 to index
      %swap3A_2017 = arith.index_cast %multiple_of3A_2015 : i32 to index
      %swap3A_2018 = tpu.vector_load %arg9[%swap3A_2016, %swap3A_2017] {strides = array<i32>} : memref<16x2048xf32, #tpu.memory_space<vmem>>, vector<16xf32>,
      tpu.vector_store %arg9[%swap3A_2016, %swap3A_2017], %gather3A_2013 {strides = array<i32>} : memref<16x2048xf32, #tpu.memory_space<vmem>>, vector<16xf32>,
      %add3A_2019 = arith.constant 288 : i32
      %add3A_2020 = vector.broadcast %add3A_2019 : i32 to vector<16xi32>
      %add3A_2021 = arith.addi %add3A_2020, %iota3A_1295 : vector<16xi32>
      %gather3A_2022 = tpu.vector_load_idx %arg8[%add3A_2021, %add3A_2002] : memref<2048x16xf32, #tpu.memory_space<vmem>>[vector<16xi32>, vector<16xi32>], vector<16xf32>,
      %multiple_of3A_2023 = arith.constant 288 : i32
      %multiple_of3A_2024 = tpu.assume_multiple %multiple_of3A_2023, 16 : i32
      %swap3A_2025 = arith.index_cast %scan3A_1999 : i32 to index
      %swap3A_2026 = arith.index_cast %multiple_of3A_2024 : i32 to index
      %swap3A_2027 = tpu.vector_load %arg9[%swap3A_2025, %swap3A_2026] {strides = array<i32>} : memref<16x2048xf32, #tpu.memory_space<vmem>>, vector<16xf32>,
      tpu.vector_store %arg9[%swap3A_2025, %swap3A_2026], %gather3A_2022 {strides = array<i32>} : memref<16x2048xf32, #tpu.memory_space<vmem>>, vector<16xf32>,
      %add3A_2028 = arith.constant 304 : i32
      %add3A_2029 = vector.broadcast %add3A_2028 : i32 to vector<16xi32>
      %add3A_2030 = arith.addi %add3A_2029, %iota3A_1295 : vector<16xi32>
      %gather3A_2031 = tpu.vector_load_idx %arg8[%add3A_2030, %add3A_2002] : memref<2048x16xf32, #tpu.memory_space<vmem>>[vector<16xi32>, vector<16xi32>], vector<16xf32>,
      %multiple_of3A_2032 = arith.constant 304 : i32
      %multiple_of3A_2033 = tpu.assume_multiple %multiple_of3A_2032, 16 : i32
      %swap3A_2034 = arith.index_cast %scan3A_1999 : i32 to index
      %swap3A_2035 = arith.index_cast %multiple_of3A_2033 : i32 to index
      %swap3A_2036 = tpu.vector_load %arg9[%swap3A_2034, %swap3A_2035] {strides = array<i32>} : memref<16x2048xf32, #tpu.memory_space<vmem>>, vector<16xf32>,
      tpu.vector_store %arg9[%swap3A_2034, %swap3A_2035], %gather3A_2031 {strides = array<i32>} : memref<16x2048xf32, #tpu.memory_space<vmem>>, vector<16xf32>,
      %add3A_2037 = arith.constant 320 : i32
      %add3A_2038 = vector.broadcast %add3A_2037 : i32 to vector<16xi32>
      %add3A_2039 = arith.addi %add3A_2038, %iota3A_1295 : vector<16xi32>
      %gather3A_2040 = tpu.vector_load_idx %arg8[%add3A_2039, %add3A_2002] : memref<2048x16xf32, #tpu.memory_space<vmem>>[vector<16xi32>, vector<16xi32>], vector<16xf32>,
      %multiple_of3A_2041 = arith.constant 320 : i32
      %multiple_of3A_2042 = tpu.assume_multiple %multiple_of3A_2041, 16 : i32
      %swap3A_2043 = arith.index_cast %scan3A_1999 : i32 to index
      %swap3A_2044 = arith.index_cast %multiple_of3A_2042 : i32 to index
      %swap3A_2045 = tpu.vector_load %arg9[%swap3A_2043, %swap3A_2044] {strides = array<i32>} : memref<16x2048xf32, #tpu.memory_space<vmem>>, vector<16xf32>,
      tpu.vector_store %arg9[%swap3A_2043, %swap3A_2044], %gather3A_2040 {strides = array<i32>} : memref<16x2048xf32, #tpu.memory_space<vmem>>, vector<16xf32>,
      %add3A_2046 = arith.constant 336 : i32
      %add3A_2047 = vector.broadcast %add3A_2046 : i32 to vector<16xi32>
      %add3A_2048 = arith.addi %add3A_2047, %iota3A_1295 : vector<16xi32>
      %gather3A_2049 = tpu.vector_load_idx %arg8[%add3A_2048, %add3A_2002] : memref<2048x16xf32, #tpu.memory_space<vmem>>[vector<16xi32>, vector<16xi32>], vector<16xf32>,
      %multiple_of3A_2050 = arith.constant 336 : i32
      %multiple_of3A_2051 = tpu.assume_multiple %multiple_of3A_2050, 16 : i32
      %swap3A_2052 = arith.index_cast %scan3A_1999 : i32 to index
      %swap3A_2053 = arith.index_cast %multiple_of3A_2051 : i32 to index
      %swap3A_2054 = tpu.vector_load %arg9[%swap3A_2052, %swap3A_2053] {strides = array<i32>} : memref<16x2048xf32, #tpu.memory_space<vmem>>, vector<16xf32>,
      tpu.vector_store %arg9[%swap3A_2052, %swap3A_2053], %gather3A_2049 {strides = array<i32>} : memref<16x2048xf32, #tpu.memory_space<vmem>>, vector<16xf32>,
      %add3A_2055 = arith.constant 352 : i32
      %add3A_2056 = vector.broadcast %add3A_2055 : i32 to vector<16xi32>
      %add3A_2057 = arith.addi %add3A_2056, %iota3A_1295 : vector<16xi32>
      %gather3A_2058 = tpu.vector_load_idx %arg8[%add3A_2057, %add3A_2002] : memref<2048x16xf32, #tpu.memory_space<vmem>>[vector<16xi32>, vector<16xi32>], vector<16xf32>,
      %multiple_of3A_2059 = arith.constant 352 : i32
      %multiple_of3A_2060 = tpu.assume_multiple %multiple_of3A_2059, 16 : i32
      %swap3A_2061 = arith.index_cast %scan3A_1999 : i32 to index
      %swap3A_2062 = arith.index_cast %multiple_of3A_2060 : i32 to index
      %swap3A_2063 = tpu.vector_load %arg9[%swap3A_2061, %swap3A_2062] {strides = array<i32>} : memref<16x2048xf32, #tpu.memory_space<vmem>>, vector<16xf32>,
      tpu.vector_store %arg9[%swap3A_2061, %swap3A_2062], %gather3A_2058 {strides = array<i32>} : memref<16x2048xf32, #tpu.memory_space<vmem>>, vector<16xf32>,
      %add3A_2064 = arith.constant 368 : i32
      %add3A_2065 = vector.broadcast %add3A_2064 : i32 to vector<16xi32>
      %add3A_2066 = arith.addi %add3A_2065, %iota3A_1295 : vector<16xi32>
      %gather3A_2067 = tpu.vector_load_idx %arg8[%add3A_2066, %add3A_2002] : memref<2048x16xf32, #tpu.memory_space<vmem>>[vector<16xi32>, vector<16xi32>], vector<16xf32>,
      %multiple_of3A_2068 = arith.constant 368 : i32
      %multiple_of3A_2069 = tpu.assume_multiple %multiple_of3A_2068, 16 : i32
      %swap3A_2070 = arith.index_cast %scan3A_1999 : i32 to index
      %swap3A_2071 = arith.index_cast %multiple_of3A_2069 : i32 to index
      %swap3A_2072 = tpu.vector_load %arg9[%swap3A_2070, %swap3A_2071] {strides = array<i32>} : memref<16x2048xf32, #tpu.memory_space<vmem>>, vector<16xf32>,
      tpu.vector_store %arg9[%swap3A_2070, %swap3A_2071], %gather3A_2067 {strides = array<i32>} : memref<16x2048xf32, #tpu.memory_space<vmem>>, vector<16xf32>,
    }
    %scan3A_1342 = arith.constant 16 : i32
    %dma_wait3A_1343 = arith.constant 3 : i32
    %dma_wait3A_1344 = arith.constant 384 : i32
    %dma_wait3A_1345 = arith.constant 0 : i32
    %dma_wait3A_1346 = tpu.memref_slice %arg8[%dma_wait3A_1344, %dma_wait3A_1345] : memref<2048x16xf32, #tpu.memory_space<vmem>> -> memref<128x16xf32, #tpu.memory_space<vmem>>
    %dma_wait3A_1347 = arith.constant 0 : i32
    %dma_wait3A_1348 = tpu.memref_slice %arg7[%dma_wait3A_1343, %dma_wait3A_1347] : memref<16x128xi32, #tpu.memory_space<vmem>> -> memref<1x128xi32, #tpu.memory_space<vmem>>
    %dma_wait3A_1349 = tpu.memref_squeeze %dma_wait3A_1348 : memref<1x128xi32, #tpu.memory_space<vmem>> -> memref<128xi32, #tpu.memory_space<vmem>>
    %dma_wait3A_1350 = arith.constant 0 : i32
    %dma_wait3A_1351 = arith.constant 0 : i32
    %dma_wait3A_1352 = tpu.memref_slice %arg3[%dma_wait3A_1350, %dma_wait3A_1351] : memref<3969x16xf32, #tpu.memory_space<hbm>> -> memref<3969x16xf32, #tpu.memory_space<hbm>>
    tpu.wait_indirect_dma semaphore(%arg10 : memref<!tpu.dma_semaphore, #tpu.memory_space<semaphore_mem>>) src(%dma_wait3A_1352 : memref<3969x16xf32, #tpu.memory_space<hbm>>) dst(%dma_wait3A_1346 : memref<128x16xf32, #tpu.memory_space<vmem>>)
    %scan3A_1353 = arith.constant 0 : i32
    %scan3A_1354 = arith.constant 0 : i32
    %scan3A_1355 = arith.constant 16 : i32
    %scan3A_1356 = arith.addi %scan3A_1354, %scan3A_1355 : i32
    %scan3A_1357 = arith.constant 1 : i32
    scf.for %scan3A_1999 = %scan3A_1354 to %scan3A_1356 step %scan3A_1357  : i32 {
      %broadcast_in_dim3A = arith.constant 0 : i32
      %broadcast_in_dim3A_2000 = vector.broadcast %broadcast_in_dim3A : i32 to vector<16xi32>
      %add3A_2001 = vector.broadcast %scan3A_1999 : i32 to vector<16xi32>
      %add3A_2002 = arith.addi %broadcast_in_dim3A_2000, %add3A_2001 : vector<16xi32>
      %add3A_2003 = arith.constant 384 : i32
      %add3A_2004 = vector.broadcast %add3A_2003 : i32 to vector<16xi32>
      %add3A_2005 = arith.addi %add3A_2004, %iota3A_1295 : vector<16xi32>
      %gather3A = tpu.vector_load_idx %arg8[%add3A_2005, %add3A_2002] : memref<2048x16xf32, #tpu.memory_space<vmem>>[vector<16xi32>, vector<16xi32>], vector<16xf32>,
      %multiple_of3A = arith.constant 384 : i32
      %multiple_of3A_2006 = tpu.assume_multiple %multiple_of3A, 16 : i32
      %swap3A_2007 = arith.index_cast %scan3A_1999 : i32 to index
      %swap3A_2008 = arith.index_cast %multiple_of3A_2006 : i32 to index
      %swap3A_2009 = tpu.vector_load %arg9[%swap3A_2007, %swap3A_2008] {strides = array<i32>} : memref<16x2048xf32, #tpu.memory_space<vmem>>, vector<16xf32>,
      tpu.vector_store %arg9[%swap3A_2007, %swap3A_2008], %gather3A {strides = array<i32>} : memref<16x2048xf32, #tpu.memory_space<vmem>>, vector<16xf32>,
      %add3A_2010 = arith.constant 400 : i32
      %add3A_2011 = vector.broadcast %add3A_2010 : i32 to vector<16xi32>
      %add3A_2012 = arith.addi %add3A_2011, %iota3A_1295 : vector<16xi32>
      %gather3A_2013 = tpu.vector_load_idx %arg8[%add3A_2012, %add3A_2002] : memref<2048x16xf32, #tpu.memory_space<vmem>>[vector<16xi32>, vector<16xi32>], vector<16xf32>,
      %multiple_of3A_2014 = arith.constant 400 : i32
      %multiple_of3A_2015 = tpu.assume_multiple %multiple_of3A_2014, 16 : i32
      %swap3A_2016 = arith.index_cast %scan3A_1999 : i32 to index
      %swap3A_2017 = arith.index_cast %multiple_of3A_2015 : i32 to index
      %swap3A_2018 = tpu.vector_load %arg9[%swap3A_2016, %swap3A_2017] {strides = array<i32>} : memref<16x2048xf32, #tpu.memory_space<vmem>>, vector<16xf32>,
      tpu.vector_store %arg9[%swap3A_2016, %swap3A_2017], %gather3A_2013 {strides = array<i32>} : memref<16x2048xf32, #tpu.memory_space<vmem>>, vector<16xf32>,
      %add3A_2019 = arith.constant 416 : i32
      %add3A_2020 = vector.broadcast %add3A_2019 : i32 to vector<16xi32>
      %add3A_2021 = arith.addi %add3A_2020, %iota3A_1295 : vector<16xi32>
      %gather3A_2022 = tpu.vector_load_idx %arg8[%add3A_2021, %add3A_2002] : memref<2048x16xf32, #tpu.memory_space<vmem>>[vector<16xi32>, vector<16xi32>], vector<16xf32>,
      %multiple_of3A_2023 = arith.constant 416 : i32
      %multiple_of3A_2024 = tpu.assume_multiple %multiple_of3A_2023, 16 : i32
      %swap3A_2025 = arith.index_cast %scan3A_1999 : i32 to index
      %swap3A_2026 = arith.index_cast %multiple_of3A_2024 : i32 to index
      %swap3A_2027 = tpu.vector_load %arg9[%swap3A_2025, %swap3A_2026] {strides = array<i32>} : memref<16x2048xf32, #tpu.memory_space<vmem>>, vector<16xf32>,
      tpu.vector_store %arg9[%swap3A_2025, %swap3A_2026], %gather3A_2022 {strides = array<i32>} : memref<16x2048xf32, #tpu.memory_space<vmem>>, vector<16xf32>,
      %add3A_2028 = arith.constant 432 : i32
      %add3A_2029 = vector.broadcast %add3A_2028 : i32 to vector<16xi32>
      %add3A_2030 = arith.addi %add3A_2029, %iota3A_1295 : vector<16xi32>
      %gather3A_2031 = tpu.vector_load_idx %arg8[%add3A_2030, %add3A_2002] : memref<2048x16xf32, #tpu.memory_space<vmem>>[vector<16xi32>, vector<16xi32>], vector<16xf32>,
      %multiple_of3A_2032 = arith.constant 432 : i32
      %multiple_of3A_2033 = tpu.assume_multiple %multiple_of3A_2032, 16 : i32
      %swap3A_2034 = arith.index_cast %scan3A_1999 : i32 to index
      %swap3A_2035 = arith.index_cast %multiple_of3A_2033 : i32 to index
      %swap3A_2036 = tpu.vector_load %arg9[%swap3A_2034, %swap3A_2035] {strides = array<i32>} : memref<16x2048xf32, #tpu.memory_space<vmem>>, vector<16xf32>,
      tpu.vector_store %arg9[%swap3A_2034, %swap3A_2035], %gather3A_2031 {strides = array<i32>} : memref<16x2048xf32, #tpu.memory_space<vmem>>, vector<16xf32>,
      %add3A_2037 = arith.constant 448 : i32
      %add3A_2038 = vector.broadcast %add3A_2037 : i32 to vector<16xi32>
      %add3A_2039 = arith.addi %add3A_2038, %iota3A_1295 : vector<16xi32>
      %gather3A_2040 = tpu.vector_load_idx %arg8[%add3A_2039, %add3A_2002] : memref<2048x16xf32, #tpu.memory_space<vmem>>[vector<16xi32>, vector<16xi32>], vector<16xf32>,
      %multiple_of3A_2041 = arith.constant 448 : i32
      %multiple_of3A_2042 = tpu.assume_multiple %multiple_of3A_2041, 16 : i32
      %swap3A_2043 = arith.index_cast %scan3A_1999 : i32 to index
      %swap3A_2044 = arith.index_cast %multiple_of3A_2042 : i32 to index
      %swap3A_2045 = tpu.vector_load %arg9[%swap3A_2043, %swap3A_2044] {strides = array<i32>} : memref<16x2048xf32, #tpu.memory_space<vmem>>, vector<16xf32>,
      tpu.vector_store %arg9[%swap3A_2043, %swap3A_2044], %gather3A_2040 {strides = array<i32>} : memref<16x2048xf32, #tpu.memory_space<vmem>>, vector<16xf32>,
      %add3A_2046 = arith.constant 464 : i32
      %add3A_2047 = vector.broadcast %add3A_2046 : i32 to vector<16xi32>
      %add3A_2048 = arith.addi %add3A_2047, %iota3A_1295 : vector<16xi32>
      %gather3A_2049 = tpu.vector_load_idx %arg8[%add3A_2048, %add3A_2002] : memref<2048x16xf32, #tpu.memory_space<vmem>>[vector<16xi32>, vector<16xi32>], vector<16xf32>,
      %multiple_of3A_2050 = arith.constant 464 : i32
      %multiple_of3A_2051 = tpu.assume_multiple %multiple_of3A_2050, 16 : i32
      %swap3A_2052 = arith.index_cast %scan3A_1999 : i32 to index
      %swap3A_2053 = arith.index_cast %multiple_of3A_2051 : i32 to index
      %swap3A_2054 = tpu.vector_load %arg9[%swap3A_2052, %swap3A_2053] {strides = array<i32>} : memref<16x2048xf32, #tpu.memory_space<vmem>>, vector<16xf32>,
      tpu.vector_store %arg9[%swap3A_2052, %swap3A_2053], %gather3A_2049 {strides = array<i32>} : memref<16x2048xf32, #tpu.memory_space<vmem>>, vector<16xf32>,
      %add3A_2055 = arith.constant 480 : i32
      %add3A_2056 = vector.broadcast %add3A_2055 : i32 to vector<16xi32>
      %add3A_2057 = arith.addi %add3A_2056, %iota3A_1295 : vector<16xi32>
      %gather3A_2058 = tpu.vector_load_idx %arg8[%add3A_2057, %add3A_2002] : memref<2048x16xf32, #tpu.memory_space<vmem>>[vector<16xi32>, vector<16xi32>], vector<16xf32>,
      %multiple_of3A_2059 = arith.constant 480 : i32
      %multiple_of3A_2060 = tpu.assume_multiple %multiple_of3A_2059, 16 : i32
      %swap3A_2061 = arith.index_cast %scan3A_1999 : i32 to index
      %swap3A_2062 = arith.index_cast %multiple_of3A_2060 : i32 to index
      %swap3A_2063 = tpu.vector_load %arg9[%swap3A_2061, %swap3A_2062] {strides = array<i32>} : memref<16x2048xf32, #tpu.memory_space<vmem>>, vector<16xf32>,
      tpu.vector_store %arg9[%swap3A_2061, %swap3A_2062], %gather3A_2058 {strides = array<i32>} : memref<16x2048xf32, #tpu.memory_space<vmem>>, vector<16xf32>,
      %add3A_2064 = arith.constant 496 : i32
      %add3A_2065 = vector.broadcast %add3A_2064 : i32 to vector<16xi32>
      %add3A_2066 = arith.addi %add3A_2065, %iota3A_1295 : vector<16xi32>
      %gather3A_2067 = tpu.vector_load_idx %arg8[%add3A_2066, %add3A_2002] : memref<2048x16xf32, #tpu.memory_space<vmem>>[vector<16xi32>, vector<16xi32>], vector<16xf32>,
      %multiple_of3A_2068 = arith.constant 496 : i32
      %multiple_of3A_2069 = tpu.assume_multiple %multiple_of3A_2068, 16 : i32
      %swap3A_2070 = arith.index_cast %scan3A_1999 : i32 to index
      %swap3A_2071 = arith.index_cast %multiple_of3A_2069 : i32 to index
      %swap3A_2072 = tpu.vector_load %arg9[%swap3A_2070, %swap3A_2071] {strides = array<i32>} : memref<16x2048xf32, #tpu.memory_space<vmem>>, vector<16xf32>,
      tpu.vector_store %arg9[%swap3A_2070, %swap3A_2071], %gather3A_2067 {strides = array<i32>} : memref<16x2048xf32, #tpu.memory_space<vmem>>, vector<16xf32>,
    }
    %scan3A_1358 = arith.constant 16 : i32
    %dma_wait3A_1359 = arith.constant 4 : i32
    %dma_wait3A_1360 = arith.constant 512 : i32
    %dma_wait3A_1361 = arith.constant 0 : i32
    %dma_wait3A_1362 = tpu.memref_slice %arg8[%dma_wait3A_1360, %dma_wait3A_1361] : memref<2048x16xf32, #tpu.memory_space<vmem>> -> memref<128x16xf32, #tpu.memory_space<vmem>>
    %dma_wait3A_1363 = arith.constant 0 : i32
    %dma_wait3A_1364 = tpu.memref_slice %arg7[%dma_wait3A_1359, %dma_wait3A_1363] : memref<16x128xi32, #tpu.memory_space<vmem>> -> memref<1x128xi32, #tpu.memory_space<vmem>>
    %dma_wait3A_1365 = tpu.memref_squeeze %dma_wait3A_1364 : memref<1x128xi32, #tpu.memory_space<vmem>> -> memref<128xi32, #tpu.memory_space<vmem>>
    %dma_wait3A_1366 = arith.constant 0 : i32
    %dma_wait3A_1367 = arith.constant 0 : i32
    %dma_wait3A_1368 = tpu.memref_slice %arg3[%dma_wait3A_1366, %dma_wait3A_1367] : memref<3969x16xf32, #tpu.memory_space<hbm>> -> memref<3969x16xf32, #tpu.memory_space<hbm>>
    tpu.wait_indirect_dma semaphore(%arg10 : memref<!tpu.dma_semaphore, #tpu.memory_space<semaphore_mem>>) src(%dma_wait3A_1368 : memref<3969x16xf32, #tpu.memory_space<hbm>>) dst(%dma_wait3A_1362 : memref<128x16xf32, #tpu.memory_space<vmem>>)
    %scan3A_1369 = arith.constant 0 : i32
    %scan3A_1370 = arith.constant 0 : i32
    %scan3A_1371 = arith.constant 16 : i32
    %scan3A_1372 = arith.addi %scan3A_1370, %scan3A_1371 : i32
    %scan3A_1373 = arith.constant 1 : i32
    scf.for %scan3A_1999 = %scan3A_1370 to %scan3A_1372 step %scan3A_1373  : i32 {
      %broadcast_in_dim3A = arith.constant 0 : i32
      %broadcast_in_dim3A_2000 = vector.broadcast %broadcast_in_dim3A : i32 to vector<16xi32>
      %add3A_2001 = vector.broadcast %scan3A_1999 : i32 to vector<16xi32>
      %add3A_2002 = arith.addi %broadcast_in_dim3A_2000, %add3A_2001 : vector<16xi32>
      %add3A_2003 = arith.constant 512 : i32
      %add3A_2004 = vector.broadcast %add3A_2003 : i32 to vector<16xi32>
      %add3A_2005 = arith.addi %add3A_2004, %iota3A_1295 : vector<16xi32>
      %gather3A = tpu.vector_load_idx %arg8[%add3A_2005, %add3A_2002] : memref<2048x16xf32, #tpu.memory_space<vmem>>[vector<16xi32>, vector<16xi32>], vector<16xf32>,
      %multiple_of3A = arith.constant 512 : i32
      %multiple_of3A_2006 = tpu.assume_multiple %multiple_of3A, 16 : i32
      %swap3A_2007 = arith.index_cast %scan3A_1999 : i32 to index
      %swap3A_2008 = arith.index_cast %multiple_of3A_2006 : i32 to index
      %swap3A_2009 = tpu.vector_load %arg9[%swap3A_2007, %swap3A_2008] {strides = array<i32>} : memref<16x2048xf32, #tpu.memory_space<vmem>>, vector<16xf32>,
      tpu.vector_store %arg9[%swap3A_2007, %swap3A_2008], %gather3A {strides = array<i32>} : memref<16x2048xf32, #tpu.memory_space<vmem>>, vector<16xf32>,
      %add3A_2010 = arith.constant 528 : i32
      %add3A_2011 = vector.broadcast %add3A_2010 : i32 to vector<16xi32>
      %add3A_2012 = arith.addi %add3A_2011, %iota3A_1295 : vector<16xi32>
      %gather3A_2013 = tpu.vector_load_idx %arg8[%add3A_2012, %add3A_2002] : memref<2048x16xf32, #tpu.memory_space<vmem>>[vector<16xi32>, vector<16xi32>], vector<16xf32>,
      %multiple_of3A_2014 = arith.constant 528 : i32
      %multiple_of3A_2015 = tpu.assume_multiple %multiple_of3A_2014, 16 : i32
      %swap3A_2016 = arith.index_cast %scan3A_1999 : i32 to index
      %swap3A_2017 = arith.index_cast %multiple_of3A_2015 : i32 to index
      %swap3A_2018 = tpu.vector_load %arg9[%swap3A_2016, %swap3A_2017] {strides = array<i32>} : memref<16x2048xf32, #tpu.memory_space<vmem>>, vector<16xf32>,
      tpu.vector_store %arg9[%swap3A_2016, %swap3A_2017], %gather3A_2013 {strides = array<i32>} : memref<16x2048xf32, #tpu.memory_space<vmem>>, vector<16xf32>,
      %add3A_2019 = arith.constant 544 : i32
      %add3A_2020 = vector.broadcast %add3A_2019 : i32 to vector<16xi32>
      %add3A_2021 = arith.addi %add3A_2020, %iota3A_1295 : vector<16xi32>
      %gather3A_2022 = tpu.vector_load_idx %arg8[%add3A_2021, %add3A_2002] : memref<2048x16xf32, #tpu.memory_space<vmem>>[vector<16xi32>, vector<16xi32>], vector<16xf32>,
      %multiple_of3A_2023 = arith.constant 544 : i32
      %multiple_of3A_2024 = tpu.assume_multiple %multiple_of3A_2023, 16 : i32
      %swap3A_2025 = arith.index_cast %scan3A_1999 : i32 to index
      %swap3A_2026 = arith.index_cast %multiple_of3A_2024 : i32 to index
      %swap3A_2027 = tpu.vector_load %arg9[%swap3A_2025, %swap3A_2026] {strides = array<i32>} : memref<16x2048xf32, #tpu.memory_space<vmem>>, vector<16xf32>,
      tpu.vector_store %arg9[%swap3A_2025, %swap3A_2026], %gather3A_2022 {strides = array<i32>} : memref<16x2048xf32, #tpu.memory_space<vmem>>, vector<16xf32>,
      %add3A_2028 = arith.constant 560 : i32
      %add3A_2029 = vector.broadcast %add3A_2028 : i32 to vector<16xi32>
      %add3A_2030 = arith.addi %add3A_2029, %iota3A_1295 : vector<16xi32>
      %gather3A_2031 = tpu.vector_load_idx %arg8[%add3A_2030, %add3A_2002] : memref<2048x16xf32, #tpu.memory_space<vmem>>[vector<16xi32>, vector<16xi32>], vector<16xf32>,
      %multiple_of3A_2032 = arith.constant 560 : i32
      %multiple_of3A_2033 = tpu.assume_multiple %multiple_of3A_2032, 16 : i32
      %swap3A_2034 = arith.index_cast %scan3A_1999 : i32 to index
      %swap3A_2035 = arith.index_cast %multiple_of3A_2033 : i32 to index
      %swap3A_2036 = tpu.vector_load %arg9[%swap3A_2034, %swap3A_2035] {strides = array<i32>} : memref<16x2048xf32, #tpu.memory_space<vmem>>, vector<16xf32>,
      tpu.vector_store %arg9[%swap3A_2034, %swap3A_2035], %gather3A_2031 {strides = array<i32>} : memref<16x2048xf32, #tpu.memory_space<vmem>>, vector<16xf32>,
      %add3A_2037 = arith.constant 576 : i32
      %add3A_2038 = vector.broadcast %add3A_2037 : i32 to vector<16xi32>
      %add3A_2039 = arith.addi %add3A_2038, %iota3A_1295 : vector<16xi32>
      %gather3A_2040 = tpu.vector_load_idx %arg8[%add3A_2039, %add3A_2002] : memref<2048x16xf32, #tpu.memory_space<vmem>>[vector<16xi32>, vector<16xi32>], vector<16xf32>,
      %multiple_of3A_2041 = arith.constant 576 : i32
      %multiple_of3A_2042 = tpu.assume_multiple %multiple_of3A_2041, 16 : i32
      %swap3A_2043 = arith.index_cast %scan3A_1999 : i32 to index
      %swap3A_2044 = arith.index_cast %multiple_of3A_2042 : i32 to index
      %swap3A_2045 = tpu.vector_load %arg9[%swap3A_2043, %swap3A_2044] {strides = array<i32>} : memref<16x2048xf32, #tpu.memory_space<vmem>>, vector<16xf32>,
      tpu.vector_store %arg9[%swap3A_2043, %swap3A_2044], %gather3A_2040 {strides = array<i32>} : memref<16x2048xf32, #tpu.memory_space<vmem>>, vector<16xf32>,
      %add3A_2046 = arith.constant 592 : i32
      %add3A_2047 = vector.broadcast %add3A_2046 : i32 to vector<16xi32>
      %add3A_2048 = arith.addi %add3A_2047, %iota3A_1295 : vector<16xi32>
      %gather3A_2049 = tpu.vector_load_idx %arg8[%add3A_2048, %add3A_2002] : memref<2048x16xf32, #tpu.memory_space<vmem>>[vector<16xi32>, vector<16xi32>], vector<16xf32>,
      %multiple_of3A_2050 = arith.constant 592 : i32
      %multiple_of3A_2051 = tpu.assume_multiple %multiple_of3A_2050, 16 : i32
      %swap3A_2052 = arith.index_cast %scan3A_1999 : i32 to index
      %swap3A_2053 = arith.index_cast %multiple_of3A_2051 : i32 to index
      %swap3A_2054 = tpu.vector_load %arg9[%swap3A_2052, %swap3A_2053] {strides = array<i32>} : memref<16x2048xf32, #tpu.memory_space<vmem>>, vector<16xf32>,
      tpu.vector_store %arg9[%swap3A_2052, %swap3A_2053], %gather3A_2049 {strides = array<i32>} : memref<16x2048xf32, #tpu.memory_space<vmem>>, vector<16xf32>,
      %add3A_2055 = arith.constant 608 : i32
      %add3A_2056 = vector.broadcast %add3A_2055 : i32 to vector<16xi32>
      %add3A_2057 = arith.addi %add3A_2056, %iota3A_1295 : vector<16xi32>
      %gather3A_2058 = tpu.vector_load_idx %arg8[%add3A_2057, %add3A_2002] : memref<2048x16xf32, #tpu.memory_space<vmem>>[vector<16xi32>, vector<16xi32>], vector<16xf32>,
      %multiple_of3A_2059 = arith.constant 608 : i32
      %multiple_of3A_2060 = tpu.assume_multiple %multiple_of3A_2059, 16 : i32
      %swap3A_2061 = arith.index_cast %scan3A_1999 : i32 to index
      %swap3A_2062 = arith.index_cast %multiple_of3A_2060 : i32 to index
      %swap3A_2063 = tpu.vector_load %arg9[%swap3A_2061, %swap3A_2062] {strides = array<i32>} : memref<16x2048xf32, #tpu.memory_space<vmem>>, vector<16xf32>,
      tpu.vector_store %arg9[%swap3A_2061, %swap3A_2062], %gather3A_2058 {strides = array<i32>} : memref<16x2048xf32, #tpu.memory_space<vmem>>, vector<16xf32>,
      %add3A_2064 = arith.constant 624 : i32
      %add3A_2065 = vector.broadcast %add3A_2064 : i32 to vector<16xi32>
      %add3A_2066 = arith.addi %add3A_2065, %iota3A_1295 : vector<16xi32>
      %gather3A_2067 = tpu.vector_load_idx %arg8[%add3A_2066, %add3A_2002] : memref<2048x16xf32, #tpu.memory_space<vmem>>[vector<16xi32>, vector<16xi32>], vector<16xf32>,
      %multiple_of3A_2068 = arith.constant 624 : i32
      %multiple_of3A_2069 = tpu.assume_multiple %multiple_of3A_2068, 16 : i32
      %swap3A_2070 = arith.index_cast %scan3A_1999 : i32 to index
      %swap3A_2071 = arith.index_cast %multiple_of3A_2069 : i32 to index
      %swap3A_2072 = tpu.vector_load %arg9[%swap3A_2070, %swap3A_2071] {strides = array<i32>} : memref<16x2048xf32, #tpu.memory_space<vmem>>, vector<16xf32>,
      tpu.vector_store %arg9[%swap3A_2070, %swap3A_2071], %gather3A_2067 {strides = array<i32>} : memref<16x2048xf32, #tpu.memory_space<vmem>>, vector<16xf32>,
    }
    %scan3A_1374 = arith.constant 16 : i32
    %dma_wait3A_1375 = arith.constant 5 : i32
    %dma_wait3A_1376 = arith.constant 640 : i32
    %dma_wait3A_1377 = arith.constant 0 : i32
    %dma_wait3A_1378 = tpu.memref_slice %arg8[%dma_wait3A_1376, %dma_wait3A_1377] : memref<2048x16xf32, #tpu.memory_space<vmem>> -> memref<128x16xf32, #tpu.memory_space<vmem>>
    %dma_wait3A_1379 = arith.constant 0 : i32
    %dma_wait3A_1380 = tpu.memref_slice %arg7[%dma_wait3A_1375, %dma_wait3A_1379] : memref<16x128xi32, #tpu.memory_space<vmem>> -> memref<1x128xi32, #tpu.memory_space<vmem>>
    %dma_wait3A_1381 = tpu.memref_squeeze %dma_wait3A_1380 : memref<1x128xi32, #tpu.memory_space<vmem>> -> memref<128xi32, #tpu.memory_space<vmem>>
    %dma_wait3A_1382 = arith.constant 0 : i32
    %dma_wait3A_1383 = arith.constant 0 : i32
    %dma_wait3A_1384 = tpu.memref_slice %arg3[%dma_wait3A_1382, %dma_wait3A_1383] : memref<3969x16xf32, #tpu.memory_space<hbm>> -> memref<3969x16xf32, #tpu.memory_space<hbm>>
    tpu.wait_indirect_dma semaphore(%arg10 : memref<!tpu.dma_semaphore, #tpu.memory_space<semaphore_mem>>) src(%dma_wait3A_1384 : memref<3969x16xf32, #tpu.memory_space<hbm>>) dst(%dma_wait3A_1378 : memref<128x16xf32, #tpu.memory_space<vmem>>)
    %scan3A_1385 = arith.constant 0 : i32
    %scan3A_1386 = arith.constant 0 : i32
    %scan3A_1387 = arith.constant 16 : i32
    %scan3A_1388 = arith.addi %scan3A_1386, %scan3A_1387 : i32
    %scan3A_1389 = arith.constant 1 : i32
    scf.for %scan3A_1999 = %scan3A_1386 to %scan3A_1388 step %scan3A_1389  : i32 {
      %broadcast_in_dim3A = arith.constant 0 : i32
      %broadcast_in_dim3A_2000 = vector.broadcast %broadcast_in_dim3A : i32 to vector<16xi32>
      %add3A_2001 = vector.broadcast %scan3A_1999 : i32 to vector<16xi32>
      %add3A_2002 = arith.addi %broadcast_in_dim3A_2000, %add3A_2001 : vector<16xi32>
      %add3A_2003 = arith.constant 640 : i32
      %add3A_2004 = vector.broadcast %add3A_2003 : i32 to vector<16xi32>
      %add3A_2005 = arith.addi %add3A_2004, %iota3A_1295 : vector<16xi32>
      %gather3A = tpu.vector_load_idx %arg8[%add3A_2005, %add3A_2002] : memref<2048x16xf32, #tpu.memory_space<vmem>>[vector<16xi32>, vector<16xi32>], vector<16xf32>,
      %multiple_of3A = arith.constant 640 : i32
      %multiple_of3A_2006 = tpu.assume_multiple %multiple_of3A, 16 : i32
      %swap3A_2007 = arith.index_cast %scan3A_1999 : i32 to index
      %swap3A_2008 = arith.index_cast %multiple_of3A_2006 : i32 to index
      %swap3A_2009 = tpu.vector_load %arg9[%swap3A_2007, %swap3A_2008] {strides = array<i32>} : memref<16x2048xf32, #tpu.memory_space<vmem>>, vector<16xf32>,
      tpu.vector_store %arg9[%swap3A_2007, %swap3A_2008], %gather3A {strides = array<i32>} : memref<16x2048xf32, #tpu.memory_space<vmem>>, vector<16xf32>,
      %add3A_2010 = arith.constant 656 : i32
      %add3A_2011 = vector.broadcast %add3A_2010 : i32 to vector<16xi32>
      %add3A_2012 = arith.addi %add3A_2011, %iota3A_1295 : vector<16xi32>
      %gather3A_2013 = tpu.vector_load_idx %arg8[%add3A_2012, %add3A_2002] : memref<2048x16xf32, #tpu.memory_space<vmem>>[vector<16xi32>, vector<16xi32>], vector<16xf32>,
      %multiple_of3A_2014 = arith.constant 656 : i32
      %multiple_of3A_2015 = tpu.assume_multiple %multiple_of3A_2014, 16 : i32
      %swap3A_2016 = arith.index_cast %scan3A_1999 : i32 to index
      %swap3A_2017 = arith.index_cast %multiple_of3A_2015 : i32 to index
      %swap3A_2018 = tpu.vector_load %arg9[%swap3A_2016, %swap3A_2017] {strides = array<i32>} : memref<16x2048xf32, #tpu.memory_space<vmem>>, vector<16xf32>,
      tpu.vector_store %arg9[%swap3A_2016, %swap3A_2017], %gather3A_2013 {strides = array<i32>} : memref<16x2048xf32, #tpu.memory_space<vmem>>, vector<16xf32>,
      %add3A_2019 = arith.constant 672 : i32
      %add3A_2020 = vector.broadcast %add3A_2019 : i32 to vector<16xi32>
      %add3A_2021 = arith.addi %add3A_2020, %iota3A_1295 : vector<16xi32>
      %gather3A_2022 = tpu.vector_load_idx %arg8[%add3A_2021, %add3A_2002] : memref<2048x16xf32, #tpu.memory_space<vmem>>[vector<16xi32>, vector<16xi32>], vector<16xf32>,
      %multiple_of3A_2023 = arith.constant 672 : i32
      %multiple_of3A_2024 = tpu.assume_multiple %multiple_of3A_2023, 16 : i32
      %swap3A_2025 = arith.index_cast %scan3A_1999 : i32 to index
      %swap3A_2026 = arith.index_cast %multiple_of3A_2024 : i32 to index
      %swap3A_2027 = tpu.vector_load %arg9[%swap3A_2025, %swap3A_2026] {strides = array<i32>} : memref<16x2048xf32, #tpu.memory_space<vmem>>, vector<16xf32>,
      tpu.vector_store %arg9[%swap3A_2025, %swap3A_2026], %gather3A_2022 {strides = array<i32>} : memref<16x2048xf32, #tpu.memory_space<vmem>>, vector<16xf32>,
      %add3A_2028 = arith.constant 688 : i32
      %add3A_2029 = vector.broadcast %add3A_2028 : i32 to vector<16xi32>
      %add3A_2030 = arith.addi %add3A_2029, %iota3A_1295 : vector<16xi32>
      %gather3A_2031 = tpu.vector_load_idx %arg8[%add3A_2030, %add3A_2002] : memref<2048x16xf32, #tpu.memory_space<vmem>>[vector<16xi32>, vector<16xi32>], vector<16xf32>,
      %multiple_of3A_2032 = arith.constant 688 : i32
      %multiple_of3A_2033 = tpu.assume_multiple %multiple_of3A_2032, 16 : i32
      %swap3A_2034 = arith.index_cast %scan3A_1999 : i32 to index
      %swap3A_2035 = arith.index_cast %multiple_of3A_2033 : i32 to index
      %swap3A_2036 = tpu.vector_load %arg9[%swap3A_2034, %swap3A_2035] {strides = array<i32>} : memref<16x2048xf32, #tpu.memory_space<vmem>>, vector<16xf32>,
      tpu.vector_store %arg9[%swap3A_2034, %swap3A_2035], %gather3A_2031 {strides = array<i32>} : memref<16x2048xf32, #tpu.memory_space<vmem>>, vector<16xf32>,
      %add3A_2037 = arith.constant 704 : i32
      %add3A_2038 = vector.broadcast %add3A_2037 : i32 to vector<16xi32>
      %add3A_2039 = arith.addi %add3A_2038, %iota3A_1295 : vector<16xi32>
      %gather3A_2040 = tpu.vector_load_idx %arg8[%add3A_2039, %add3A_2002] : memref<2048x16xf32, #tpu.memory_space<vmem>>[vector<16xi32>, vector<16xi32>], vector<16xf32>,
      %multiple_of3A_2041 = arith.constant 704 : i32
      %multiple_of3A_2042 = tpu.assume_multiple %multiple_of3A_2041, 16 : i32
      %swap3A_2043 = arith.index_cast %scan3A_1999 : i32 to index
      %swap3A_2044 = arith.index_cast %multiple_of3A_2042 : i32 to index
      %swap3A_2045 = tpu.vector_load %arg9[%swap3A_2043, %swap3A_2044] {strides = array<i32>} : memref<16x2048xf32, #tpu.memory_space<vmem>>, vector<16xf32>,
      tpu.vector_store %arg9[%swap3A_2043, %swap3A_2044], %gather3A_2040 {strides = array<i32>} : memref<16x2048xf32, #tpu.memory_space<vmem>>, vector<16xf32>,
      %add3A_2046 = arith.constant 720 : i32
      %add3A_2047 = vector.broadcast %add3A_2046 : i32 to vector<16xi32>
      %add3A_2048 = arith.addi %add3A_2047, %iota3A_1295 : vector<16xi32>
      %gather3A_2049 = tpu.vector_load_idx %arg8[%add3A_2048, %add3A_2002] : memref<2048x16xf32, #tpu.memory_space<vmem>>[vector<16xi32>, vector<16xi32>], vector<16xf32>,
      %multiple_of3A_2050 = arith.constant 720 : i32
      %multiple_of3A_2051 = tpu.assume_multiple %multiple_of3A_2050, 16 : i32
      %swap3A_2052 = arith.index_cast %scan3A_1999 : i32 to index
      %swap3A_2053 = arith.index_cast %multiple_of3A_2051 : i32 to index
      %swap3A_2054 = tpu.vector_load %arg9[%swap3A_2052, %swap3A_2053] {strides = array<i32>} : memref<16x2048xf32, #tpu.memory_space<vmem>>, vector<16xf32>,
      tpu.vector_store %arg9[%swap3A_2052, %swap3A_2053], %gather3A_2049 {strides = array<i32>} : memref<16x2048xf32, #tpu.memory_space<vmem>>, vector<16xf32>,
      %add3A_2055 = arith.constant 736 : i32
      %add3A_2056 = vector.broadcast %add3A_2055 : i32 to vector<16xi32>
      %add3A_2057 = arith.addi %add3A_2056, %iota3A_1295 : vector<16xi32>
      %gather3A_2058 = tpu.vector_load_idx %arg8[%add3A_2057, %add3A_2002] : memref<2048x16xf32, #tpu.memory_space<vmem>>[vector<16xi32>, vector<16xi32>], vector<16xf32>,
      %multiple_of3A_2059 = arith.constant 736 : i32
      %multiple_of3A_2060 = tpu.assume_multiple %multiple_of3A_2059, 16 : i32
      %swap3A_2061 = arith.index_cast %scan3A_1999 : i32 to index
      %swap3A_2062 = arith.index_cast %multiple_of3A_2060 : i32 to index
      %swap3A_2063 = tpu.vector_load %arg9[%swap3A_2061, %swap3A_2062] {strides = array<i32>} : memref<16x2048xf32, #tpu.memory_space<vmem>>, vector<16xf32>,
      tpu.vector_store %arg9[%swap3A_2061, %swap3A_2062], %gather3A_2058 {strides = array<i32>} : memref<16x2048xf32, #tpu.memory_space<vmem>>, vector<16xf32>,
      %add3A_2064 = arith.constant 752 : i32
      %add3A_2065 = vector.broadcast %add3A_2064 : i32 to vector<16xi32>
      %add3A_2066 = arith.addi %add3A_2065, %iota3A_1295 : vector<16xi32>
      %gather3A_2067 = tpu.vector_load_idx %arg8[%add3A_2066, %add3A_2002] : memref<2048x16xf32, #tpu.memory_space<vmem>>[vector<16xi32>, vector<16xi32>], vector<16xf32>,
      %multiple_of3A_2068 = arith.constant 752 : i32
      %multiple_of3A_2069 = tpu.assume_multiple %multiple_of3A_2068, 16 : i32
      %swap3A_2070 = arith.index_cast %scan3A_1999 : i32 to index
      %swap3A_2071 = arith.index_cast %multiple_of3A_2069 : i32 to index
      %swap3A_2072 = tpu.vector_load %arg9[%swap3A_2070, %swap3A_2071] {strides = array<i32>} : memref<16x2048xf32, #tpu.memory_space<vmem>>, vector<16xf32>,
      tpu.vector_store %arg9[%swap3A_2070, %swap3A_2071], %gather3A_2067 {strides = array<i32>} : memref<16x2048xf32, #tpu.memory_space<vmem>>, vector<16xf32>,
    }
    %scan3A_1390 = arith.constant 16 : i32
    %dma_wait3A_1391 = arith.constant 6 : i32
    %dma_wait3A_1392 = arith.constant 768 : i32
    %dma_wait3A_1393 = arith.constant 0 : i32
    %dma_wait3A_1394 = tpu.memref_slice %arg8[%dma_wait3A_1392, %dma_wait3A_1393] : memref<2048x16xf32, #tpu.memory_space<vmem>> -> memref<128x16xf32, #tpu.memory_space<vmem>>
    %dma_wait3A_1395 = arith.constant 0 : i32
    %dma_wait3A_1396 = tpu.memref_slice %arg7[%dma_wait3A_1391, %dma_wait3A_1395] : memref<16x128xi32, #tpu.memory_space<vmem>> -> memref<1x128xi32, #tpu.memory_space<vmem>>
    %dma_wait3A_1397 = tpu.memref_squeeze %dma_wait3A_1396 : memref<1x128xi32, #tpu.memory_space<vmem>> -> memref<128xi32, #tpu.memory_space<vmem>>
    %dma_wait3A_1398 = arith.constant 0 : i32
    %dma_wait3A_1399 = arith.constant 0 : i32
    %dma_wait3A_1400 = tpu.memref_slice %arg3[%dma_wait3A_1398, %dma_wait3A_1399] : memref<3969x16xf32, #tpu.memory_space<hbm>> -> memref<3969x16xf32, #tpu.memory_space<hbm>>
    tpu.wait_indirect_dma semaphore(%arg10 : memref<!tpu.dma_semaphore, #tpu.memory_space<semaphore_mem>>) src(%dma_wait3A_1400 : memref<3969x16xf32, #tpu.memory_space<hbm>>) dst(%dma_wait3A_1394 : memref<128x16xf32, #tpu.memory_space<vmem>>)
    %scan3A_1401 = arith.constant 0 : i32
    %scan3A_1402 = arith.constant 0 : i32
    %scan3A_1403 = arith.constant 16 : i32
    %scan3A_1404 = arith.addi %scan3A_1402, %scan3A_1403 : i32
    %scan3A_1405 = arith.constant 1 : i32
    scf.for %scan3A_1999 = %scan3A_1402 to %scan3A_1404 step %scan3A_1405  : i32 {
      %broadcast_in_dim3A = arith.constant 0 : i32
      %broadcast_in_dim3A_2000 = vector.broadcast %broadcast_in_dim3A : i32 to vector<16xi32>
      %add3A_2001 = vector.broadcast %scan3A_1999 : i32 to vector<16xi32>
      %add3A_2002 = arith.addi %broadcast_in_dim3A_2000, %add3A_2001 : vector<16xi32>
      %add3A_2003 = arith.constant 768 : i32
      %add3A_2004 = vector.broadcast %add3A_2003 : i32 to vector<16xi32>
      %add3A_2005 = arith.addi %add3A_2004, %iota3A_1295 : vector<16xi32>
      %gather3A = tpu.vector_load_idx %arg8[%add3A_2005, %add3A_2002] : memref<2048x16xf32, #tpu.memory_space<vmem>>[vector<16xi32>, vector<16xi32>], vector<16xf32>,
      %multiple_of3A = arith.constant 768 : i32
      %multiple_of3A_2006 = tpu.assume_multiple %multiple_of3A, 16 : i32
      %swap3A_2007 = arith.index_cast %scan3A_1999 : i32 to index
      %swap3A_2008 = arith.index_cast %multiple_of3A_2006 : i32 to index
      %swap3A_2009 = tpu.vector_load %arg9[%swap3A_2007, %swap3A_2008] {strides = array<i32>} : memref<16x2048xf32, #tpu.memory_space<vmem>>, vector<16xf32>,
      tpu.vector_store %arg9[%swap3A_2007, %swap3A_2008], %gather3A {strides = array<i32>} : memref<16x2048xf32, #tpu.memory_space<vmem>>, vector<16xf32>,
      %add3A_2010 = arith.constant 784 : i32
      %add3A_2011 = vector.broadcast %add3A_2010 : i32 to vector<16xi32>
      %add3A_2012 = arith.addi %add3A_2011, %iota3A_1295 : vector<16xi32>
      %gather3A_2013 = tpu.vector_load_idx %arg8[%add3A_2012, %add3A_2002] : memref<2048x16xf32, #tpu.memory_space<vmem>>[vector<16xi32>, vector<16xi32>], vector<16xf32>,
      %multiple_of3A_2014 = arith.constant 784 : i32
      %multiple_of3A_2015 = tpu.assume_multiple %multiple_of3A_2014, 16 : i32
      %swap3A_2016 = arith.index_cast %scan3A_1999 : i32 to index
      %swap3A_2017 = arith.index_cast %multiple_of3A_2015 : i32 to index
      %swap3A_2018 = tpu.vector_load %arg9[%swap3A_2016, %swap3A_2017] {strides = array<i32>} : memref<16x2048xf32, #tpu.memory_space<vmem>>, vector<16xf32>,
      tpu.vector_store %arg9[%swap3A_2016, %swap3A_2017], %gather3A_2013 {strides = array<i32>} : memref<16x2048xf32, #tpu.memory_space<vmem>>, vector<16xf32>,
      %add3A_2019 = arith.constant 800 : i32
      %add3A_2020 = vector.broadcast %add3A_2019 : i32 to vector<16xi32>
      %add3A_2021 = arith.addi %add3A_2020, %iota3A_1295 : vector<16xi32>
      %gather3A_2022 = tpu.vector_load_idx %arg8[%add3A_2021, %add3A_2002] : memref<2048x16xf32, #tpu.memory_space<vmem>>[vector<16xi32>, vector<16xi32>], vector<16xf32>,
      %multiple_of3A_2023 = arith.constant 800 : i32
      %multiple_of3A_2024 = tpu.assume_multiple %multiple_of3A_2023, 16 : i32
      %swap3A_2025 = arith.index_cast %scan3A_1999 : i32 to index
      %swap3A_2026 = arith.index_cast %multiple_of3A_2024 : i32 to index
      %swap3A_2027 = tpu.vector_load %arg9[%swap3A_2025, %swap3A_2026] {strides = array<i32>} : memref<16x2048xf32, #tpu.memory_space<vmem>>, vector<16xf32>,
      tpu.vector_store %arg9[%swap3A_2025, %swap3A_2026], %gather3A_2022 {strides = array<i32>} : memref<16x2048xf32, #tpu.memory_space<vmem>>, vector<16xf32>,
      %add3A_2028 = arith.constant 816 : i32
      %add3A_2029 = vector.broadcast %add3A_2028 : i32 to vector<16xi32>
      %add3A_2030 = arith.addi %add3A_2029, %iota3A_1295 : vector<16xi32>
      %gather3A_2031 = tpu.vector_load_idx %arg8[%add3A_2030, %add3A_2002] : memref<2048x16xf32, #tpu.memory_space<vmem>>[vector<16xi32>, vector<16xi32>], vector<16xf32>,
      %multiple_of3A_2032 = arith.constant 816 : i32
      %multiple_of3A_2033 = tpu.assume_multiple %multiple_of3A_2032, 16 : i32
      %swap3A_2034 = arith.index_cast %scan3A_1999 : i32 to index
      %swap3A_2035 = arith.index_cast %multiple_of3A_2033 : i32 to index
      %swap3A_2036 = tpu.vector_load %arg9[%swap3A_2034, %swap3A_2035] {strides = array<i32>} : memref<16x2048xf32, #tpu.memory_space<vmem>>, vector<16xf32>,
      tpu.vector_store %arg9[%swap3A_2034, %swap3A_2035], %gather3A_2031 {strides = array<i32>} : memref<16x2048xf32, #tpu.memory_space<vmem>>, vector<16xf32>,
      %add3A_2037 = arith.constant 832 : i32
      %add3A_2038 = vector.broadcast %add3A_2037 : i32 to vector<16xi32>
      %add3A_2039 = arith.addi %add3A_2038, %iota3A_1295 : vector<16xi32>
      %gather3A_2040 = tpu.vector_load_idx %arg8[%add3A_2039, %add3A_2002] : memref<2048x16xf32, #tpu.memory_space<vmem>>[vector<16xi32>, vector<16xi32>], vector<16xf32>,
      %multiple_of3A_2041 = arith.constant 832 : i32
      %multiple_of3A_2042 = tpu.assume_multiple %multiple_of3A_2041, 16 : i32
      %swap3A_2043 = arith.index_cast %scan3A_1999 : i32 to index
      %swap3A_2044 = arith.index_cast %multiple_of3A_2042 : i32 to index
      %swap3A_2045 = tpu.vector_load %arg9[%swap3A_2043, %swap3A_2044] {strides = array<i32>} : memref<16x2048xf32, #tpu.memory_space<vmem>>, vector<16xf32>,
      tpu.vector_store %arg9[%swap3A_2043, %swap3A_2044], %gather3A_2040 {strides = array<i32>} : memref<16x2048xf32, #tpu.memory_space<vmem>>, vector<16xf32>,
      %add3A_2046 = arith.constant 848 : i32
      %add3A_2047 = vector.broadcast %add3A_2046 : i32 to vector<16xi32>
      %add3A_2048 = arith.addi %add3A_2047, %iota3A_1295 : vector<16xi32>
      %gather3A_2049 = tpu.vector_load_idx %arg8[%add3A_2048, %add3A_2002] : memref<2048x16xf32, #tpu.memory_space<vmem>>[vector<16xi32>, vector<16xi32>], vector<16xf32>,
      %multiple_of3A_2050 = arith.constant 848 : i32
      %multiple_of3A_2051 = tpu.assume_multiple %multiple_of3A_2050, 16 : i32
      %swap3A_2052 = arith.index_cast %scan3A_1999 : i32 to index
      %swap3A_2053 = arith.index_cast %multiple_of3A_2051 : i32 to index
      %swap3A_2054 = tpu.vector_load %arg9[%swap3A_2052, %swap3A_2053] {strides = array<i32>} : memref<16x2048xf32, #tpu.memory_space<vmem>>, vector<16xf32>,
      tpu.vector_store %arg9[%swap3A_2052, %swap3A_2053], %gather3A_2049 {strides = array<i32>} : memref<16x2048xf32, #tpu.memory_space<vmem>>, vector<16xf32>,
      %add3A_2055 = arith.constant 864 : i32
      %add3A_2056 = vector.broadcast %add3A_2055 : i32 to vector<16xi32>
      %add3A_2057 = arith.addi %add3A_2056, %iota3A_1295 : vector<16xi32>
      %gather3A_2058 = tpu.vector_load_idx %arg8[%add3A_2057, %add3A_2002] : memref<2048x16xf32, #tpu.memory_space<vmem>>[vector<16xi32>, vector<16xi32>], vector<16xf32>,
      %multiple_of3A_2059 = arith.constant 864 : i32
      %multiple_of3A_2060 = tpu.assume_multiple %multiple_of3A_2059, 16 : i32
      %swap3A_2061 = arith.index_cast %scan3A_1999 : i32 to index
      %swap3A_2062 = arith.index_cast %multiple_of3A_2060 : i32 to index
      %swap3A_2063 = tpu.vector_load %arg9[%swap3A_2061, %swap3A_2062] {strides = array<i32>} : memref<16x2048xf32, #tpu.memory_space<vmem>>, vector<16xf32>,
      tpu.vector_store %arg9[%swap3A_2061, %swap3A_2062], %gather3A_2058 {strides = array<i32>} : memref<16x2048xf32, #tpu.memory_space<vmem>>, vector<16xf32>,
      %add3A_2064 = arith.constant 880 : i32
      %add3A_2065 = vector.broadcast %add3A_2064 : i32 to vector<16xi32>
      %add3A_2066 = arith.addi %add3A_2065, %iota3A_1295 : vector<16xi32>
      %gather3A_2067 = tpu.vector_load_idx %arg8[%add3A_2066, %add3A_2002] : memref<2048x16xf32, #tpu.memory_space<vmem>>[vector<16xi32>, vector<16xi32>], vector<16xf32>,
      %multiple_of3A_2068 = arith.constant 880 : i32
      %multiple_of3A_2069 = tpu.assume_multiple %multiple_of3A_2068, 16 : i32
      %swap3A_2070 = arith.index_cast %scan3A_1999 : i32 to index
      %swap3A_2071 = arith.index_cast %multiple_of3A_2069 : i32 to index
      %swap3A_2072 = tpu.vector_load %arg9[%swap3A_2070, %swap3A_2071] {strides = array<i32>} : memref<16x2048xf32, #tpu.memory_space<vmem>>, vector<16xf32>,
      tpu.vector_store %arg9[%swap3A_2070, %swap3A_2071], %gather3A_2067 {strides = array<i32>} : memref<16x2048xf32, #tpu.memory_space<vmem>>, vector<16xf32>,
    }
    %scan3A_1406 = arith.constant 16 : i32
    %dma_wait3A_1407 = arith.constant 7 : i32
    %dma_wait3A_1408 = arith.constant 896 : i32
    %dma_wait3A_1409 = arith.constant 0 : i32
    %dma_wait3A_1410 = tpu.memref_slice %arg8[%dma_wait3A_1408, %dma_wait3A_1409] : memref<2048x16xf32, #tpu.memory_space<vmem>> -> memref<128x16xf32, #tpu.memory_space<vmem>>
    %dma_wait3A_1411 = arith.constant 0 : i32
    %dma_wait3A_1412 = tpu.memref_slice %arg7[%dma_wait3A_1407, %dma_wait3A_1411] : memref<16x128xi32, #tpu.memory_space<vmem>> -> memref<1x128xi32, #tpu.memory_space<vmem>>
    %dma_wait3A_1413 = tpu.memref_squeeze %dma_wait3A_1412 : memref<1x128xi32, #tpu.memory_space<vmem>> -> memref<128xi32, #tpu.memory_space<vmem>>
    %dma_wait3A_1414 = arith.constant 0 : i32
    %dma_wait3A_1415 = arith.constant 0 : i32
    %dma_wait3A_1416 = tpu.memref_slice %arg3[%dma_wait3A_1414, %dma_wait3A_1415] : memref<3969x16xf32, #tpu.memory_space<hbm>> -> memref<3969x16xf32, #tpu.memory_space<hbm>>
    tpu.wait_indirect_dma semaphore(%arg10 : memref<!tpu.dma_semaphore, #tpu.memory_space<semaphore_mem>>) src(%dma_wait3A_1416 : memref<3969x16xf32, #tpu.memory_space<hbm>>) dst(%dma_wait3A_1410 : memref<128x16xf32, #tpu.memory_space<vmem>>)
    %scan3A_1417 = arith.constant 0 : i32
    %scan3A_1418 = arith.constant 0 : i32
    %scan3A_1419 = arith.constant 16 : i32
    %scan3A_1420 = arith.addi %scan3A_1418, %scan3A_1419 : i32
    %scan3A_1421 = arith.constant 1 : i32
    scf.for %scan3A_1999 = %scan3A_1418 to %scan3A_1420 step %scan3A_1421  : i32 {
      %broadcast_in_dim3A = arith.constant 0 : i32
      %broadcast_in_dim3A_2000 = vector.broadcast %broadcast_in_dim3A : i32 to vector<16xi32>
      %add3A_2001 = vector.broadcast %scan3A_1999 : i32 to vector<16xi32>
      %add3A_2002 = arith.addi %broadcast_in_dim3A_2000, %add3A_2001 : vector<16xi32>
      %add3A_2003 = arith.constant 896 : i32
      %add3A_2004 = vector.broadcast %add3A_2003 : i32 to vector<16xi32>
      %add3A_2005 = arith.addi %add3A_2004, %iota3A_1295 : vector<16xi32>
      %gather3A = tpu.vector_load_idx %arg8[%add3A_2005, %add3A_2002] : memref<2048x16xf32, #tpu.memory_space<vmem>>[vector<16xi32>, vector<16xi32>], vector<16xf32>,
      %multiple_of3A = arith.constant 896 : i32
      %multiple_of3A_2006 = tpu.assume_multiple %multiple_of3A, 16 : i32
      %swap3A_2007 = arith.index_cast %scan3A_1999 : i32 to index
      %swap3A_2008 = arith.index_cast %multiple_of3A_2006 : i32 to index
      %swap3A_2009 = tpu.vector_load %arg9[%swap3A_2007, %swap3A_2008] {strides = array<i32>} : memref<16x2048xf32, #tpu.memory_space<vmem>>, vector<16xf32>,
      tpu.vector_store %arg9[%swap3A_2007, %swap3A_2008], %gather3A {strides = array<i32>} : memref<16x2048xf32, #tpu.memory_space<vmem>>, vector<16xf32>,
      %add3A_2010 = arith.constant 912 : i32
      %add3A_2011 = vector.broadcast %add3A_2010 : i32 to vector<16xi32>
      %add3A_2012 = arith.addi %add3A_2011, %iota3A_1295 : vector<16xi32>
      %gather3A_2013 = tpu.vector_load_idx %arg8[%add3A_2012, %add3A_2002] : memref<2048x16xf32, #tpu.memory_space<vmem>>[vector<16xi32>, vector<16xi32>], vector<16xf32>,
      %multiple_of3A_2014 = arith.constant 912 : i32
      %multiple_of3A_2015 = tpu.assume_multiple %multiple_of3A_2014, 16 : i32
      %swap3A_2016 = arith.index_cast %scan3A_1999 : i32 to index
      %swap3A_2017 = arith.index_cast %multiple_of3A_2015 : i32 to index
      %swap3A_2018 = tpu.vector_load %arg9[%swap3A_2016, %swap3A_2017] {strides = array<i32>} : memref<16x2048xf32, #tpu.memory_space<vmem>>, vector<16xf32>,
      tpu.vector_store %arg9[%swap3A_2016, %swap3A_2017], %gather3A_2013 {strides = array<i32>} : memref<16x2048xf32, #tpu.memory_space<vmem>>, vector<16xf32>,
      %add3A_2019 = arith.constant 928 : i32
      %add3A_2020 = vector.broadcast %add3A_2019 : i32 to vector<16xi32>
      %add3A_2021 = arith.addi %add3A_2020, %iota3A_1295 : vector<16xi32>
      %gather3A_2022 = tpu.vector_load_idx %arg8[%add3A_2021, %add3A_2002] : memref<2048x16xf32, #tpu.memory_space<vmem>>[vector<16xi32>, vector<16xi32>], vector<16xf32>,
      %multiple_of3A_2023 = arith.constant 928 : i32
      %multiple_of3A_2024 = tpu.assume_multiple %multiple_of3A_2023, 16 : i32
      %swap3A_2025 = arith.index_cast %scan3A_1999 : i32 to index
      %swap3A_2026 = arith.index_cast %multiple_of3A_2024 : i32 to index
      %swap3A_2027 = tpu.vector_load %arg9[%swap3A_2025, %swap3A_2026] {strides = array<i32>} : memref<16x2048xf32, #tpu.memory_space<vmem>>, vector<16xf32>,
      tpu.vector_store %arg9[%swap3A_2025, %swap3A_2026], %gather3A_2022 {strides = array<i32>} : memref<16x2048xf32, #tpu.memory_space<vmem>>, vector<16xf32>,
      %add3A_2028 = arith.constant 944 : i32
      %add3A_2029 = vector.broadcast %add3A_2028 : i32 to vector<16xi32>
      %add3A_2030 = arith.addi %add3A_2029, %iota3A_1295 : vector<16xi32>
      %gather3A_2031 = tpu.vector_load_idx %arg8[%add3A_2030, %add3A_2002] : memref<2048x16xf32, #tpu.memory_space<vmem>>[vector<16xi32>, vector<16xi32>], vector<16xf32>,
      %multiple_of3A_2032 = arith.constant 944 : i32
      %multiple_of3A_2033 = tpu.assume_multiple %multiple_of3A_2032, 16 : i32
      %swap3A_2034 = arith.index_cast %scan3A_1999 : i32 to index
      %swap3A_2035 = arith.index_cast %multiple_of3A_2033 : i32 to index
      %swap3A_2036 = tpu.vector_load %arg9[%swap3A_2034, %swap3A_2035] {strides = array<i32>} : memref<16x2048xf32, #tpu.memory_space<vmem>>, vector<16xf32>,
      tpu.vector_store %arg9[%swap3A_2034, %swap3A_2035], %gather3A_2031 {strides = array<i32>} : memref<16x2048xf32, #tpu.memory_space<vmem>>, vector<16xf32>,
      %add3A_2037 = arith.constant 960 : i32
      %add3A_2038 = vector.broadcast %add3A_2037 : i32 to vector<16xi32>
      %add3A_2039 = arith.addi %add3A_2038, %iota3A_1295 : vector<16xi32>
      %gather3A_2040 = tpu.vector_load_idx %arg8[%add3A_2039, %add3A_2002] : memref<2048x16xf32, #tpu.memory_space<vmem>>[vector<16xi32>, vector<16xi32>], vector<16xf32>,
      %multiple_of3A_2041 = arith.constant 960 : i32
      %multiple_of3A_2042 = tpu.assume_multiple %multiple_of3A_2041, 16 : i32
      %swap3A_2043 = arith.index_cast %scan3A_1999 : i32 to index
      %swap3A_2044 = arith.index_cast %multiple_of3A_2042 : i32 to index
      %swap3A_2045 = tpu.vector_load %arg9[%swap3A_2043, %swap3A_2044] {strides = array<i32>} : memref<16x2048xf32, #tpu.memory_space<vmem>>, vector<16xf32>,
      tpu.vector_store %arg9[%swap3A_2043, %swap3A_2044], %gather3A_2040 {strides = array<i32>} : memref<16x2048xf32, #tpu.memory_space<vmem>>, vector<16xf32>,
      %add3A_2046 = arith.constant 976 : i32
      %add3A_2047 = vector.broadcast %add3A_2046 : i32 to vector<16xi32>
      %add3A_2048 = arith.addi %add3A_2047, %iota3A_1295 : vector<16xi32>
      %gather3A_2049 = tpu.vector_load_idx %arg8[%add3A_2048, %add3A_2002] : memref<2048x16xf32, #tpu.memory_space<vmem>>[vector<16xi32>, vector<16xi32>], vector<16xf32>,
      %multiple_of3A_2050 = arith.constant 976 : i32
      %multiple_of3A_2051 = tpu.assume_multiple %multiple_of3A_2050, 16 : i32
      %swap3A_2052 = arith.index_cast %scan3A_1999 : i32 to index
      %swap3A_2053 = arith.index_cast %multiple_of3A_2051 : i32 to index
      %swap3A_2054 = tpu.vector_load %arg9[%swap3A_2052, %swap3A_2053] {strides = array<i32>} : memref<16x2048xf32, #tpu.memory_space<vmem>>, vector<16xf32>,
      tpu.vector_store %arg9[%swap3A_2052, %swap3A_2053], %gather3A_2049 {strides = array<i32>} : memref<16x2048xf32, #tpu.memory_space<vmem>>, vector<16xf32>,
      %add3A_2055 = arith.constant 992 : i32
      %add3A_2056 = vector.broadcast %add3A_2055 : i32 to vector<16xi32>
      %add3A_2057 = arith.addi %add3A_2056, %iota3A_1295 : vector<16xi32>
      %gather3A_2058 = tpu.vector_load_idx %arg8[%add3A_2057, %add3A_2002] : memref<2048x16xf32, #tpu.memory_space<vmem>>[vector<16xi32>, vector<16xi32>], vector<16xf32>,
      %multiple_of3A_2059 = arith.constant 992 : i32
      %multiple_of3A_2060 = tpu.assume_multiple %multiple_of3A_2059, 16 : i32
      %swap3A_2061 = arith.index_cast %scan3A_1999 : i32 to index
      %swap3A_2062 = arith.index_cast %multiple_of3A_2060 : i32 to index
      %swap3A_2063 = tpu.vector_load %arg9[%swap3A_2061, %swap3A_2062] {strides = array<i32>} : memref<16x2048xf32, #tpu.memory_space<vmem>>, vector<16xf32>,
      tpu.vector_store %arg9[%swap3A_2061, %swap3A_2062], %gather3A_2058 {strides = array<i32>} : memref<16x2048xf32, #tpu.memory_space<vmem>>, vector<16xf32>,
      %add3A_2064 = arith.constant 1008 : i32
      %add3A_2065 = vector.broadcast %add3A_2064 : i32 to vector<16xi32>
      %add3A_2066 = arith.addi %add3A_2065, %iota3A_1295 : vector<16xi32>
      %gather3A_2067 = tpu.vector_load_idx %arg8[%add3A_2066, %add3A_2002] : memref<2048x16xf32, #tpu.memory_space<vmem>>[vector<16xi32>, vector<16xi32>], vector<16xf32>,
      %multiple_of3A_2068 = arith.constant 1008 : i32
      %multiple_of3A_2069 = tpu.assume_multiple %multiple_of3A_2068, 16 : i32
      %swap3A_2070 = arith.index_cast %scan3A_1999 : i32 to index
      %swap3A_2071 = arith.index_cast %multiple_of3A_2069 : i32 to index
      %swap3A_2072 = tpu.vector_load %arg9[%swap3A_2070, %swap3A_2071] {strides = array<i32>} : memref<16x2048xf32, #tpu.memory_space<vmem>>, vector<16xf32>,
      tpu.vector_store %arg9[%swap3A_2070, %swap3A_2071], %gather3A_2067 {strides = array<i32>} : memref<16x2048xf32, #tpu.memory_space<vmem>>, vector<16xf32>,
    }
    %scan3A_1422 = arith.constant 16 : i32
    %dma_wait3A_1423 = arith.constant 8 : i32
    %dma_wait3A_1424 = arith.constant 1024 : i32
    %dma_wait3A_1425 = arith.constant 0 : i32
    %dma_wait3A_1426 = tpu.memref_slice %arg8[%dma_wait3A_1424, %dma_wait3A_1425] : memref<2048x16xf32, #tpu.memory_space<vmem>> -> memref<128x16xf32, #tpu.memory_space<vmem>>
    %dma_wait3A_1427 = arith.constant 0 : i32
    %dma_wait3A_1428 = tpu.memref_slice %arg7[%dma_wait3A_1423, %dma_wait3A_1427] : memref<16x128xi32, #tpu.memory_space<vmem>> -> memref<1x128xi32, #tpu.memory_space<vmem>>
    %dma_wait3A_1429 = tpu.memref_squeeze %dma_wait3A_1428 : memref<1x128xi32, #tpu.memory_space<vmem>> -> memref<128xi32, #tpu.memory_space<vmem>>
    %dma_wait3A_1430 = arith.constant 0 : i32
    %dma_wait3A_1431 = arith.constant 0 : i32
    %dma_wait3A_1432 = tpu.memref_slice %arg3[%dma_wait3A_1430, %dma_wait3A_1431] : memref<3969x16xf32, #tpu.memory_space<hbm>> -> memref<3969x16xf32, #tpu.memory_space<hbm>>
    tpu.wait_indirect_dma semaphore(%arg10 : memref<!tpu.dma_semaphore, #tpu.memory_space<semaphore_mem>>) src(%dma_wait3A_1432 : memref<3969x16xf32, #tpu.memory_space<hbm>>) dst(%dma_wait3A_1426 : memref<128x16xf32, #tpu.memory_space<vmem>>)
    %scan3A_1433 = arith.constant 0 : i32
    %scan3A_1434 = arith.constant 0 : i32
    %scan3A_1435 = arith.constant 16 : i32
    %scan3A_1436 = arith.addi %scan3A_1434, %scan3A_1435 : i32
    %scan3A_1437 = arith.constant 1 : i32
    scf.for %scan3A_1999 = %scan3A_1434 to %scan3A_1436 step %scan3A_1437  : i32 {
      %broadcast_in_dim3A = arith.constant 0 : i32
      %broadcast_in_dim3A_2000 = vector.broadcast %broadcast_in_dim3A : i32 to vector<16xi32>
      %add3A_2001 = vector.broadcast %scan3A_1999 : i32 to vector<16xi32>
      %add3A_2002 = arith.addi %broadcast_in_dim3A_2000, %add3A_2001 : vector<16xi32>
      %add3A_2003 = arith.constant 1024 : i32
      %add3A_2004 = vector.broadcast %add3A_2003 : i32 to vector<16xi32>
      %add3A_2005 = arith.addi %add3A_2004, %iota3A_1295 : vector<16xi32>
      %gather3A = tpu.vector_load_idx %arg8[%add3A_2005, %add3A_2002] : memref<2048x16xf32, #tpu.memory_space<vmem>>[vector<16xi32>, vector<16xi32>], vector<16xf32>,
      %multiple_of3A = arith.constant 1024 : i32
      %multiple_of3A_2006 = tpu.assume_multiple %multiple_of3A, 16 : i32
      %swap3A_2007 = arith.index_cast %scan3A_1999 : i32 to index
      %swap3A_2008 = arith.index_cast %multiple_of3A_2006 : i32 to index
      %swap3A_2009 = tpu.vector_load %arg9[%swap3A_2007, %swap3A_2008] {strides = array<i32>} : memref<16x2048xf32, #tpu.memory_space<vmem>>, vector<16xf32>,
      tpu.vector_store %arg9[%swap3A_2007, %swap3A_2008], %gather3A {strides = array<i32>} : memref<16x2048xf32, #tpu.memory_space<vmem>>, vector<16xf32>,
      %add3A_2010 = arith.constant 1040 : i32
      %add3A_2011 = vector.broadcast %add3A_2010 : i32 to vector<16xi32>
      %add3A_2012 = arith.addi %add3A_2011, %iota3A_1295 : vector<16xi32>
      %gather3A_2013 = tpu.vector_load_idx %arg8[%add3A_2012, %add3A_2002] : memref<2048x16xf32, #tpu.memory_space<vmem>>[vector<16xi32>, vector<16xi32>], vector<16xf32>,
      %multiple_of3A_2014 = arith.constant 1040 : i32
      %multiple_of3A_2015 = tpu.assume_multiple %multiple_of3A_2014, 16 : i32
      %swap3A_2016 = arith.index_cast %scan3A_1999 : i32 to index
      %swap3A_2017 = arith.index_cast %multiple_of3A_2015 : i32 to index
      %swap3A_2018 = tpu.vector_load %arg9[%swap3A_2016, %swap3A_2017] {strides = array<i32>} : memref<16x2048xf32, #tpu.memory_space<vmem>>, vector<16xf32>,
      tpu.vector_store %arg9[%swap3A_2016, %swap3A_2017], %gather3A_2013 {strides = array<i32>} : memref<16x2048xf32, #tpu.memory_space<vmem>>, vector<16xf32>,
      %add3A_2019 = arith.constant 1056 : i32
      %add3A_2020 = vector.broadcast %add3A_2019 : i32 to vector<16xi32>
      %add3A_2021 = arith.addi %add3A_2020, %iota3A_1295 : vector<16xi32>
      %gather3A_2022 = tpu.vector_load_idx %arg8[%add3A_2021, %add3A_2002] : memref<2048x16xf32, #tpu.memory_space<vmem>>[vector<16xi32>, vector<16xi32>], vector<16xf32>,
      %multiple_of3A_2023 = arith.constant 1056 : i32
      %multiple_of3A_2024 = tpu.assume_multiple %multiple_of3A_2023, 16 : i32
      %swap3A_2025 = arith.index_cast %scan3A_1999 : i32 to index
      %swap3A_2026 = arith.index_cast %multiple_of3A_2024 : i32 to index
      %swap3A_2027 = tpu.vector_load %arg9[%swap3A_2025, %swap3A_2026] {strides = array<i32>} : memref<16x2048xf32, #tpu.memory_space<vmem>>, vector<16xf32>,
      tpu.vector_store %arg9[%swap3A_2025, %swap3A_2026], %gather3A_2022 {strides = array<i32>} : memref<16x2048xf32, #tpu.memory_space<vmem>>, vector<16xf32>,
      %add3A_2028 = arith.constant 1072 : i32
      %add3A_2029 = vector.broadcast %add3A_2028 : i32 to vector<16xi32>
      %add3A_2030 = arith.addi %add3A_2029, %iota3A_1295 : vector<16xi32>
      %gather3A_2031 = tpu.vector_load_idx %arg8[%add3A_2030, %add3A_2002] : memref<2048x16xf32, #tpu.memory_space<vmem>>[vector<16xi32>, vector<16xi32>], vector<16xf32>,
      %multiple_of3A_2032 = arith.constant 1072 : i32
      %multiple_of3A_2033 = tpu.assume_multiple %multiple_of3A_2032, 16 : i32
      %swap3A_2034 = arith.index_cast %scan3A_1999 : i32 to index
      %swap3A_2035 = arith.index_cast %multiple_of3A_2033 : i32 to index
      %swap3A_2036 = tpu.vector_load %arg9[%swap3A_2034, %swap3A_2035] {strides = array<i32>} : memref<16x2048xf32, #tpu.memory_space<vmem>>, vector<16xf32>,
      tpu.vector_store %arg9[%swap3A_2034, %swap3A_2035], %gather3A_2031 {strides = array<i32>} : memref<16x2048xf32, #tpu.memory_space<vmem>>, vector<16xf32>,
      %add3A_2037 = arith.constant 1088 : i32
      %add3A_2038 = vector.broadcast %add3A_2037 : i32 to vector<16xi32>
      %add3A_2039 = arith.addi %add3A_2038, %iota3A_1295 : vector<16xi32>
      %gather3A_2040 = tpu.vector_load_idx %arg8[%add3A_2039, %add3A_2002] : memref<2048x16xf32, #tpu.memory_space<vmem>>[vector<16xi32>, vector<16xi32>], vector<16xf32>,
      %multiple_of3A_2041 = arith.constant 1088 : i32
      %multiple_of3A_2042 = tpu.assume_multiple %multiple_of3A_2041, 16 : i32
      %swap3A_2043 = arith.index_cast %scan3A_1999 : i32 to index
      %swap3A_2044 = arith.index_cast %multiple_of3A_2042 : i32 to index
      %swap3A_2045 = tpu.vector_load %arg9[%swap3A_2043, %swap3A_2044] {strides = array<i32>} : memref<16x2048xf32, #tpu.memory_space<vmem>>, vector<16xf32>,
      tpu.vector_store %arg9[%swap3A_2043, %swap3A_2044], %gather3A_2040 {strides = array<i32>} : memref<16x2048xf32, #tpu.memory_space<vmem>>, vector<16xf32>,
      %add3A_2046 = arith.constant 1104 : i32
      %add3A_2047 = vector.broadcast %add3A_2046 : i32 to vector<16xi32>
      %add3A_2048 = arith.addi %add3A_2047, %iota3A_1295 : vector<16xi32>
      %gather3A_2049 = tpu.vector_load_idx %arg8[%add3A_2048, %add3A_2002] : memref<2048x16xf32, #tpu.memory_space<vmem>>[vector<16xi32>, vector<16xi32>], vector<16xf32>,
      %multiple_of3A_2050 = arith.constant 1104 : i32
      %multiple_of3A_2051 = tpu.assume_multiple %multiple_of3A_2050, 16 : i32
      %swap3A_2052 = arith.index_cast %scan3A_1999 : i32 to index
      %swap3A_2053 = arith.index_cast %multiple_of3A_2051 : i32 to index
      %swap3A_2054 = tpu.vector_load %arg9[%swap3A_2052, %swap3A_2053] {strides = array<i32>} : memref<16x2048xf32, #tpu.memory_space<vmem>>, vector<16xf32>,
      tpu.vector_store %arg9[%swap3A_2052, %swap3A_2053], %gather3A_2049 {strides = array<i32>} : memref<16x2048xf32, #tpu.memory_space<vmem>>, vector<16xf32>,
      %add3A_2055 = arith.constant 1120 : i32
      %add3A_2056 = vector.broadcast %add3A_2055 : i32 to vector<16xi32>
      %add3A_2057 = arith.addi %add3A_2056, %iota3A_1295 : vector<16xi32>
      %gather3A_2058 = tpu.vector_load_idx %arg8[%add3A_2057, %add3A_2002] : memref<2048x16xf32, #tpu.memory_space<vmem>>[vector<16xi32>, vector<16xi32>], vector<16xf32>,
      %multiple_of3A_2059 = arith.constant 1120 : i32
      %multiple_of3A_2060 = tpu.assume_multiple %multiple_of3A_2059, 16 : i32
      %swap3A_2061 = arith.index_cast %scan3A_1999 : i32 to index
      %swap3A_2062 = arith.index_cast %multiple_of3A_2060 : i32 to index
      %swap3A_2063 = tpu.vector_load %arg9[%swap3A_2061, %swap3A_2062] {strides = array<i32>} : memref<16x2048xf32, #tpu.memory_space<vmem>>, vector<16xf32>,
      tpu.vector_store %arg9[%swap3A_2061, %swap3A_2062], %gather3A_2058 {strides = array<i32>} : memref<16x2048xf32, #tpu.memory_space<vmem>>, vector<16xf32>,
      %add3A_2064 = arith.constant 1136 : i32
      %add3A_2065 = vector.broadcast %add3A_2064 : i32 to vector<16xi32>
      %add3A_2066 = arith.addi %add3A_2065, %iota3A_1295 : vector<16xi32>
      %gather3A_2067 = tpu.vector_load_idx %arg8[%add3A_2066, %add3A_2002] : memref<2048x16xf32, #tpu.memory_space<vmem>>[vector<16xi32>, vector<16xi32>], vector<16xf32>,
      %multiple_of3A_2068 = arith.constant 1136 : i32
      %multiple_of3A_2069 = tpu.assume_multiple %multiple_of3A_2068, 16 : i32
      %swap3A_2070 = arith.index_cast %scan3A_1999 : i32 to index
      %swap3A_2071 = arith.index_cast %multiple_of3A_2069 : i32 to index
      %swap3A_2072 = tpu.vector_load %arg9[%swap3A_2070, %swap3A_2071] {strides = array<i32>} : memref<16x2048xf32, #tpu.memory_space<vmem>>, vector<16xf32>,
      tpu.vector_store %arg9[%swap3A_2070, %swap3A_2071], %gather3A_2067 {strides = array<i32>} : memref<16x2048xf32, #tpu.memory_space<vmem>>, vector<16xf32>,
    }
    %scan3A_1438 = arith.constant 16 : i32
    %dma_wait3A_1439 = arith.constant 9 : i32
    %dma_wait3A_1440 = arith.constant 1152 : i32
    %dma_wait3A_1441 = arith.constant 0 : i32
    %dma_wait3A_1442 = tpu.memref_slice %arg8[%dma_wait3A_1440, %dma_wait3A_1441] : memref<2048x16xf32, #tpu.memory_space<vmem>> -> memref<128x16xf32, #tpu.memory_space<vmem>>
    %dma_wait3A_1443 = arith.constant 0 : i32
    %dma_wait3A_1444 = tpu.memref_slice %arg7[%dma_wait3A_1439, %dma_wait3A_1443] : memref<16x128xi32, #tpu.memory_space<vmem>> -> memref<1x128xi32, #tpu.memory_space<vmem>>
    %dma_wait3A_1445 = tpu.memref_squeeze %dma_wait3A_1444 : memref<1x128xi32, #tpu.memory_space<vmem>> -> memref<128xi32, #tpu.memory_space<vmem>>
    %dma_wait3A_1446 = arith.constant 0 : i32
    %dma_wait3A_1447 = arith.constant 0 : i32
    %dma_wait3A_1448 = tpu.memref_slice %arg3[%dma_wait3A_1446, %dma_wait3A_1447] : memref<3969x16xf32, #tpu.memory_space<hbm>> -> memref<3969x16xf32, #tpu.memory_space<hbm>>
    tpu.wait_indirect_dma semaphore(%arg10 : memref<!tpu.dma_semaphore, #tpu.memory_space<semaphore_mem>>) src(%dma_wait3A_1448 : memref<3969x16xf32, #tpu.memory_space<hbm>>) dst(%dma_wait3A_1442 : memref<128x16xf32, #tpu.memory_space<vmem>>)
    %scan3A_1449 = arith.constant 0 : i32
    %scan3A_1450 = arith.constant 0 : i32
    %scan3A_1451 = arith.constant 16 : i32
    %scan3A_1452 = arith.addi %scan3A_1450, %scan3A_1451 : i32
    %scan3A_1453 = arith.constant 1 : i32
    scf.for %scan3A_1999 = %scan3A_1450 to %scan3A_1452 step %scan3A_1453  : i32 {
      %broadcast_in_dim3A = arith.constant 0 : i32
      %broadcast_in_dim3A_2000 = vector.broadcast %broadcast_in_dim3A : i32 to vector<16xi32>
      %add3A_2001 = vector.broadcast %scan3A_1999 : i32 to vector<16xi32>
      %add3A_2002 = arith.addi %broadcast_in_dim3A_2000, %add3A_2001 : vector<16xi32>
      %add3A_2003 = arith.constant 1152 : i32
      %add3A_2004 = vector.broadcast %add3A_2003 : i32 to vector<16xi32>
      %add3A_2005 = arith.addi %add3A_2004, %iota3A_1295 : vector<16xi32>
      %gather3A = tpu.vector_load_idx %arg8[%add3A_2005, %add3A_2002] : memref<2048x16xf32, #tpu.memory_space<vmem>>[vector<16xi32>, vector<16xi32>], vector<16xf32>,
      %multiple_of3A = arith.constant 1152 : i32
      %multiple_of3A_2006 = tpu.assume_multiple %multiple_of3A, 16 : i32
      %swap3A_2007 = arith.index_cast %scan3A_1999 : i32 to index
      %swap3A_2008 = arith.index_cast %multiple_of3A_2006 : i32 to index
      %swap3A_2009 = tpu.vector_load %arg9[%swap3A_2007, %swap3A_2008] {strides = array<i32>} : memref<16x2048xf32, #tpu.memory_space<vmem>>, vector<16xf32>,
      tpu.vector_store %arg9[%swap3A_2007, %swap3A_2008], %gather3A {strides = array<i32>} : memref<16x2048xf32, #tpu.memory_space<vmem>>, vector<16xf32>,
      %add3A_2010 = arith.constant 1168 : i32
      %add3A_2011 = vector.broadcast %add3A_2010 : i32 to vector<16xi32>
      %add3A_2012 = arith.addi %add3A_2011, %iota3A_1295 : vector<16xi32>
      %gather3A_2013 = tpu.vector_load_idx %arg8[%add3A_2012, %add3A_2002] : memref<2048x16xf32, #tpu.memory_space<vmem>>[vector<16xi32>, vector<16xi32>], vector<16xf32>,
      %multiple_of3A_2014 = arith.constant 1168 : i32
      %multiple_of3A_2015 = tpu.assume_multiple %multiple_of3A_2014, 16 : i32
      %swap3A_2016 = arith.index_cast %scan3A_1999 : i32 to index
      %swap3A_2017 = arith.index_cast %multiple_of3A_2015 : i32 to index
      %swap3A_2018 = tpu.vector_load %arg9[%swap3A_2016, %swap3A_2017] {strides = array<i32>} : memref<16x2048xf32, #tpu.memory_space<vmem>>, vector<16xf32>,
      tpu.vector_store %arg9[%swap3A_2016, %swap3A_2017], %gather3A_2013 {strides = array<i32>} : memref<16x2048xf32, #tpu.memory_space<vmem>>, vector<16xf32>,
      %add3A_2019 = arith.constant 1184 : i32
      %add3A_2020 = vector.broadcast %add3A_2019 : i32 to vector<16xi32>
      %add3A_2021 = arith.addi %add3A_2020, %iota3A_1295 : vector<16xi32>
      %gather3A_2022 = tpu.vector_load_idx %arg8[%add3A_2021, %add3A_2002] : memref<2048x16xf32, #tpu.memory_space<vmem>>[vector<16xi32>, vector<16xi32>], vector<16xf32>,
      %multiple_of3A_2023 = arith.constant 1184 : i32
      %multiple_of3A_2024 = tpu.assume_multiple %multiple_of3A_2023, 16 : i32
      %swap3A_2025 = arith.index_cast %scan3A_1999 : i32 to index
      %swap3A_2026 = arith.index_cast %multiple_of3A_2024 : i32 to index
      %swap3A_2027 = tpu.vector_load %arg9[%swap3A_2025, %swap3A_2026] {strides = array<i32>} : memref<16x2048xf32, #tpu.memory_space<vmem>>, vector<16xf32>,
      tpu.vector_store %arg9[%swap3A_2025, %swap3A_2026], %gather3A_2022 {strides = array<i32>} : memref<16x2048xf32, #tpu.memory_space<vmem>>, vector<16xf32>,
      %add3A_2028 = arith.constant 1200 : i32
      %add3A_2029 = vector.broadcast %add3A_2028 : i32 to vector<16xi32>
      %add3A_2030 = arith.addi %add3A_2029, %iota3A_1295 : vector<16xi32>
      %gather3A_2031 = tpu.vector_load_idx %arg8[%add3A_2030, %add3A_2002] : memref<2048x16xf32, #tpu.memory_space<vmem>>[vector<16xi32>, vector<16xi32>], vector<16xf32>,
      %multiple_of3A_2032 = arith.constant 1200 : i32
      %multiple_of3A_2033 = tpu.assume_multiple %multiple_of3A_2032, 16 : i32
      %swap3A_2034 = arith.index_cast %scan3A_1999 : i32 to index
      %swap3A_2035 = arith.index_cast %multiple_of3A_2033 : i32 to index
      %swap3A_2036 = tpu.vector_load %arg9[%swap3A_2034, %swap3A_2035] {strides = array<i32>} : memref<16x2048xf32, #tpu.memory_space<vmem>>, vector<16xf32>,
      tpu.vector_store %arg9[%swap3A_2034, %swap3A_2035], %gather3A_2031 {strides = array<i32>} : memref<16x2048xf32, #tpu.memory_space<vmem>>, vector<16xf32>,
      %add3A_2037 = arith.constant 1216 : i32
      %add3A_2038 = vector.broadcast %add3A_2037 : i32 to vector<16xi32>
      %add3A_2039 = arith.addi %add3A_2038, %iota3A_1295 : vector<16xi32>
      %gather3A_2040 = tpu.vector_load_idx %arg8[%add3A_2039, %add3A_2002] : memref<2048x16xf32, #tpu.memory_space<vmem>>[vector<16xi32>, vector<16xi32>], vector<16xf32>,
      %multiple_of3A_2041 = arith.constant 1216 : i32
      %multiple_of3A_2042 = tpu.assume_multiple %multiple_of3A_2041, 16 : i32
      %swap3A_2043 = arith.index_cast %scan3A_1999 : i32 to index
      %swap3A_2044 = arith.index_cast %multiple_of3A_2042 : i32 to index
      %swap3A_2045 = tpu.vector_load %arg9[%swap3A_2043, %swap3A_2044] {strides = array<i32>} : memref<16x2048xf32, #tpu.memory_space<vmem>>, vector<16xf32>,
      tpu.vector_store %arg9[%swap3A_2043, %swap3A_2044], %gather3A_2040 {strides = array<i32>} : memref<16x2048xf32, #tpu.memory_space<vmem>>, vector<16xf32>,
      %add3A_2046 = arith.constant 1232 : i32
      %add3A_2047 = vector.broadcast %add3A_2046 : i32 to vector<16xi32>
      %add3A_2048 = arith.addi %add3A_2047, %iota3A_1295 : vector<16xi32>
      %gather3A_2049 = tpu.vector_load_idx %arg8[%add3A_2048, %add3A_2002] : memref<2048x16xf32, #tpu.memory_space<vmem>>[vector<16xi32>, vector<16xi32>], vector<16xf32>,
      %multiple_of3A_2050 = arith.constant 1232 : i32
      %multiple_of3A_2051 = tpu.assume_multiple %multiple_of3A_2050, 16 : i32
      %swap3A_2052 = arith.index_cast %scan3A_1999 : i32 to index
      %swap3A_2053 = arith.index_cast %multiple_of3A_2051 : i32 to index
      %swap3A_2054 = tpu.vector_load %arg9[%swap3A_2052, %swap3A_2053] {strides = array<i32>} : memref<16x2048xf32, #tpu.memory_space<vmem>>, vector<16xf32>,
      tpu.vector_store %arg9[%swap3A_2052, %swap3A_2053], %gather3A_2049 {strides = array<i32>} : memref<16x2048xf32, #tpu.memory_space<vmem>>, vector<16xf32>,
      %add3A_2055 = arith.constant 1248 : i32
      %add3A_2056 = vector.broadcast %add3A_2055 : i32 to vector<16xi32>
      %add3A_2057 = arith.addi %add3A_2056, %iota3A_1295 : vector<16xi32>
      %gather3A_2058 = tpu.vector_load_idx %arg8[%add3A_2057, %add3A_2002] : memref<2048x16xf32, #tpu.memory_space<vmem>>[vector<16xi32>, vector<16xi32>], vector<16xf32>,
      %multiple_of3A_2059 = arith.constant 1248 : i32
      %multiple_of3A_2060 = tpu.assume_multiple %multiple_of3A_2059, 16 : i32
      %swap3A_2061 = arith.index_cast %scan3A_1999 : i32 to index
      %swap3A_2062 = arith.index_cast %multiple_of3A_2060 : i32 to index
      %swap3A_2063 = tpu.vector_load %arg9[%swap3A_2061, %swap3A_2062] {strides = array<i32>} : memref<16x2048xf32, #tpu.memory_space<vmem>>, vector<16xf32>,
      tpu.vector_store %arg9[%swap3A_2061, %swap3A_2062], %gather3A_2058 {strides = array<i32>} : memref<16x2048xf32, #tpu.memory_space<vmem>>, vector<16xf32>,
      %add3A_2064 = arith.constant 1264 : i32
      %add3A_2065 = vector.broadcast %add3A_2064 : i32 to vector<16xi32>
      %add3A_2066 = arith.addi %add3A_2065, %iota3A_1295 : vector<16xi32>
      %gather3A_2067 = tpu.vector_load_idx %arg8[%add3A_2066, %add3A_2002] : memref<2048x16xf32, #tpu.memory_space<vmem>>[vector<16xi32>, vector<16xi32>], vector<16xf32>,
      %multiple_of3A_2068 = arith.constant 1264 : i32
      %multiple_of3A_2069 = tpu.assume_multiple %multiple_of3A_2068, 16 : i32
      %swap3A_2070 = arith.index_cast %scan3A_1999 : i32 to index
      %swap3A_2071 = arith.index_cast %multiple_of3A_2069 : i32 to index
      %swap3A_2072 = tpu.vector_load %arg9[%swap3A_2070, %swap3A_2071] {strides = array<i32>} : memref<16x2048xf32, #tpu.memory_space<vmem>>, vector<16xf32>,
      tpu.vector_store %arg9[%swap3A_2070, %swap3A_2071], %gather3A_2067 {strides = array<i32>} : memref<16x2048xf32, #tpu.memory_space<vmem>>, vector<16xf32>,
    }
    %scan3A_1454 = arith.constant 16 : i32
    %dma_wait3A_1455 = arith.constant 10 : i32
    %dma_wait3A_1456 = arith.constant 1280 : i32
    %dma_wait3A_1457 = arith.constant 0 : i32
    %dma_wait3A_1458 = tpu.memref_slice %arg8[%dma_wait3A_1456, %dma_wait3A_1457] : memref<2048x16xf32, #tpu.memory_space<vmem>> -> memref<128x16xf32, #tpu.memory_space<vmem>>
    %dma_wait3A_1459 = arith.constant 0 : i32
    %dma_wait3A_1460 = tpu.memref_slice %arg7[%dma_wait3A_1455, %dma_wait3A_1459] : memref<16x128xi32, #tpu.memory_space<vmem>> -> memref<1x128xi32, #tpu.memory_space<vmem>>
    %dma_wait3A_1461 = tpu.memref_squeeze %dma_wait3A_1460 : memref<1x128xi32, #tpu.memory_space<vmem>> -> memref<128xi32, #tpu.memory_space<vmem>>
    %dma_wait3A_1462 = arith.constant 0 : i32
    %dma_wait3A_1463 = arith.constant 0 : i32
    %dma_wait3A_1464 = tpu.memref_slice %arg3[%dma_wait3A_1462, %dma_wait3A_1463] : memref<3969x16xf32, #tpu.memory_space<hbm>> -> memref<3969x16xf32, #tpu.memory_space<hbm>>
    tpu.wait_indirect_dma semaphore(%arg10 : memref<!tpu.dma_semaphore, #tpu.memory_space<semaphore_mem>>) src(%dma_wait3A_1464 : memref<3969x16xf32, #tpu.memory_space<hbm>>) dst(%dma_wait3A_1458 : memref<128x16xf32, #tpu.memory_space<vmem>>)
    %scan3A_1465 = arith.constant 0 : i32
    %scan3A_1466 = arith.constant 0 : i32
    %scan3A_1467 = arith.constant 16 : i32
    %scan3A_1468 = arith.addi %scan3A_1466, %scan3A_1467 : i32
    %scan3A_1469 = arith.constant 1 : i32
    scf.for %scan3A_1999 = %scan3A_1466 to %scan3A_1468 step %scan3A_1469  : i32 {
      %broadcast_in_dim3A = arith.constant 0 : i32
      %broadcast_in_dim3A_2000 = vector.broadcast %broadcast_in_dim3A : i32 to vector<16xi32>
      %add3A_2001 = vector.broadcast %scan3A_1999 : i32 to vector<16xi32>
      %add3A_2002 = arith.addi %broadcast_in_dim3A_2000, %add3A_2001 : vector<16xi32>
      %add3A_2003 = arith.constant 1280 : i32
      %add3A_2004 = vector.broadcast %add3A_2003 : i32 to vector<16xi32>
      %add3A_2005 = arith.addi %add3A_2004, %iota3A_1295 : vector<16xi32>
      %gather3A = tpu.vector_load_idx %arg8[%add3A_2005, %add3A_2002] : memref<2048x16xf32, #tpu.memory_space<vmem>>[vector<16xi32>, vector<16xi32>], vector<16xf32>,
      %multiple_of3A = arith.constant 1280 : i32
      %multiple_of3A_2006 = tpu.assume_multiple %multiple_of3A, 16 : i32
      %swap3A_2007 = arith.index_cast %scan3A_1999 : i32 to index
      %swap3A_2008 = arith.index_cast %multiple_of3A_2006 : i32 to index
      %swap3A_2009 = tpu.vector_load %arg9[%swap3A_2007, %swap3A_2008] {strides = array<i32>} : memref<16x2048xf32, #tpu.memory_space<vmem>>, vector<16xf32>,
      tpu.vector_store %arg9[%swap3A_2007, %swap3A_2008], %gather3A {strides = array<i32>} : memref<16x2048xf32, #tpu.memory_space<vmem>>, vector<16xf32>,
      %add3A_2010 = arith.constant 1296 : i32
      %add3A_2011 = vector.broadcast %add3A_2010 : i32 to vector<16xi32>
      %add3A_2012 = arith.addi %add3A_2011, %iota3A_1295 : vector<16xi32>
      %gather3A_2013 = tpu.vector_load_idx %arg8[%add3A_2012, %add3A_2002] : memref<2048x16xf32, #tpu.memory_space<vmem>>[vector<16xi32>, vector<16xi32>], vector<16xf32>,
      %multiple_of3A_2014 = arith.constant 1296 : i32
      %multiple_of3A_2015 = tpu.assume_multiple %multiple_of3A_2014, 16 : i32
      %swap3A_2016 = arith.index_cast %scan3A_1999 : i32 to index
      %swap3A_2017 = arith.index_cast %multiple_of3A_2015 : i32 to index
      %swap3A_2018 = tpu.vector_load %arg9[%swap3A_2016, %swap3A_2017] {strides = array<i32>} : memref<16x2048xf32, #tpu.memory_space<vmem>>, vector<16xf32>,
      tpu.vector_store %arg9[%swap3A_2016, %swap3A_2017], %gather3A_2013 {strides = array<i32>} : memref<16x2048xf32, #tpu.memory_space<vmem>>, vector<16xf32>,
      %add3A_2019 = arith.constant 1312 : i32
      %add3A_2020 = vector.broadcast %add3A_2019 : i32 to vector<16xi32>
      %add3A_2021 = arith.addi %add3A_2020, %iota3A_1295 : vector<16xi32>
      %gather3A_2022 = tpu.vector_load_idx %arg8[%add3A_2021, %add3A_2002] : memref<2048x16xf32, #tpu.memory_space<vmem>>[vector<16xi32>, vector<16xi32>], vector<16xf32>,
      %multiple_of3A_2023 = arith.constant 1312 : i32
      %multiple_of3A_2024 = tpu.assume_multiple %multiple_of3A_2023, 16 : i32
      %swap3A_2025 = arith.index_cast %scan3A_1999 : i32 to index
      %swap3A_2026 = arith.index_cast %multiple_of3A_2024 : i32 to index
      %swap3A_2027 = tpu.vector_load %arg9[%swap3A_2025, %swap3A_2026] {strides = array<i32>} : memref<16x2048xf32, #tpu.memory_space<vmem>>, vector<16xf32>,
      tpu.vector_store %arg9[%swap3A_2025, %swap3A_2026], %gather3A_2022 {strides = array<i32>} : memref<16x2048xf32, #tpu.memory_space<vmem>>, vector<16xf32>,
      %add3A_2028 = arith.constant 1328 : i32
      %add3A_2029 = vector.broadcast %add3A_2028 : i32 to vector<16xi32>
      %add3A_2030 = arith.addi %add3A_2029, %iota3A_1295 : vector<16xi32>
      %gather3A_2031 = tpu.vector_load_idx %arg8[%add3A_2030, %add3A_2002] : memref<2048x16xf32, #tpu.memory_space<vmem>>[vector<16xi32>, vector<16xi32>], vector<16xf32>,
      %multiple_of3A_2032 = arith.constant 1328 : i32
      %multiple_of3A_2033 = tpu.assume_multiple %multiple_of3A_2032, 16 : i32
      %swap3A_2034 = arith.index_cast %scan3A_1999 : i32 to index
      %swap3A_2035 = arith.index_cast %multiple_of3A_2033 : i32 to index
      %swap3A_2036 = tpu.vector_load %arg9[%swap3A_2034, %swap3A_2035] {strides = array<i32>} : memref<16x2048xf32, #tpu.memory_space<vmem>>, vector<16xf32>,
      tpu.vector_store %arg9[%swap3A_2034, %swap3A_2035], %gather3A_2031 {strides = array<i32>} : memref<16x2048xf32, #tpu.memory_space<vmem>>, vector<16xf32>,
      %add3A_2037 = arith.constant 1344 : i32
      %add3A_2038 = vector.broadcast %add3A_2037 : i32 to vector<16xi32>
      %add3A_2039 = arith.addi %add3A_2038, %iota3A_1295 : vector<16xi32>
      %gather3A_2040 = tpu.vector_load_idx %arg8[%add3A_2039, %add3A_2002] : memref<2048x16xf32, #tpu.memory_space<vmem>>[vector<16xi32>, vector<16xi32>], vector<16xf32>,
      %multiple_of3A_2041 = arith.constant 1344 : i32
      %multiple_of3A_2042 = tpu.assume_multiple %multiple_of3A_2041, 16 : i32
      %swap3A_2043 = arith.index_cast %scan3A_1999 : i32 to index
      %swap3A_2044 = arith.index_cast %multiple_of3A_2042 : i32 to index
      %swap3A_2045 = tpu.vector_load %arg9[%swap3A_2043, %swap3A_2044] {strides = array<i32>} : memref<16x2048xf32, #tpu.memory_space<vmem>>, vector<16xf32>,
      tpu.vector_store %arg9[%swap3A_2043, %swap3A_2044], %gather3A_2040 {strides = array<i32>} : memref<16x2048xf32, #tpu.memory_space<vmem>>, vector<16xf32>,
      %add3A_2046 = arith.constant 1360 : i32
      %add3A_2047 = vector.broadcast %add3A_2046 : i32 to vector<16xi32>
      %add3A_2048 = arith.addi %add3A_2047, %iota3A_1295 : vector<16xi32>
      %gather3A_2049 = tpu.vector_load_idx %arg8[%add3A_2048, %add3A_2002] : memref<2048x16xf32, #tpu.memory_space<vmem>>[vector<16xi32>, vector<16xi32>], vector<16xf32>,
      %multiple_of3A_2050 = arith.constant 1360 : i32
      %multiple_of3A_2051 = tpu.assume_multiple %multiple_of3A_2050, 16 : i32
      %swap3A_2052 = arith.index_cast %scan3A_1999 : i32 to index
      %swap3A_2053 = arith.index_cast %multiple_of3A_2051 : i32 to index
      %swap3A_2054 = tpu.vector_load %arg9[%swap3A_2052, %swap3A_2053] {strides = array<i32>} : memref<16x2048xf32, #tpu.memory_space<vmem>>, vector<16xf32>,
      tpu.vector_store %arg9[%swap3A_2052, %swap3A_2053], %gather3A_2049 {strides = array<i32>} : memref<16x2048xf32, #tpu.memory_space<vmem>>, vector<16xf32>,
      %add3A_2055 = arith.constant 1376 : i32
      %add3A_2056 = vector.broadcast %add3A_2055 : i32 to vector<16xi32>
      %add3A_2057 = arith.addi %add3A_2056, %iota3A_1295 : vector<16xi32>
      %gather3A_2058 = tpu.vector_load_idx %arg8[%add3A_2057, %add3A_2002] : memref<2048x16xf32, #tpu.memory_space<vmem>>[vector<16xi32>, vector<16xi32>], vector<16xf32>,
      %multiple_of3A_2059 = arith.constant 1376 : i32
      %multiple_of3A_2060 = tpu.assume_multiple %multiple_of3A_2059, 16 : i32
      %swap3A_2061 = arith.index_cast %scan3A_1999 : i32 to index
      %swap3A_2062 = arith.index_cast %multiple_of3A_2060 : i32 to index
      %swap3A_2063 = tpu.vector_load %arg9[%swap3A_2061, %swap3A_2062] {strides = array<i32>} : memref<16x2048xf32, #tpu.memory_space<vmem>>, vector<16xf32>,
      tpu.vector_store %arg9[%swap3A_2061, %swap3A_2062], %gather3A_2058 {strides = array<i32>} : memref<16x2048xf32, #tpu.memory_space<vmem>>, vector<16xf32>,
      %add3A_2064 = arith.constant 1392 : i32
      %add3A_2065 = vector.broadcast %add3A_2064 : i32 to vector<16xi32>
      %add3A_2066 = arith.addi %add3A_2065, %iota3A_1295 : vector<16xi32>
      %gather3A_2067 = tpu.vector_load_idx %arg8[%add3A_2066, %add3A_2002] : memref<2048x16xf32, #tpu.memory_space<vmem>>[vector<16xi32>, vector<16xi32>], vector<16xf32>,
      %multiple_of3A_2068 = arith.constant 1392 : i32
      %multiple_of3A_2069 = tpu.assume_multiple %multiple_of3A_2068, 16 : i32
      %swap3A_2070 = arith.index_cast %scan3A_1999 : i32 to index
      %swap3A_2071 = arith.index_cast %multiple_of3A_2069 : i32 to index
      %swap3A_2072 = tpu.vector_load %arg9[%swap3A_2070, %swap3A_2071] {strides = array<i32>} : memref<16x2048xf32, #tpu.memory_space<vmem>>, vector<16xf32>,
      tpu.vector_store %arg9[%swap3A_2070, %swap3A_2071], %gather3A_2067 {strides = array<i32>} : memref<16x2048xf32, #tpu.memory_space<vmem>>, vector<16xf32>,
    }
    %scan3A_1470 = arith.constant 16 : i32
    %dma_wait3A_1471 = arith.constant 11 : i32
    %dma_wait3A_1472 = arith.constant 1408 : i32
    %dma_wait3A_1473 = arith.constant 0 : i32
    %dma_wait3A_1474 = tpu.memref_slice %arg8[%dma_wait3A_1472, %dma_wait3A_1473] : memref<2048x16xf32, #tpu.memory_space<vmem>> -> memref<128x16xf32, #tpu.memory_space<vmem>>
    %dma_wait3A_1475 = arith.constant 0 : i32
    %dma_wait3A_1476 = tpu.memref_slice %arg7[%dma_wait3A_1471, %dma_wait3A_1475] : memref<16x128xi32, #tpu.memory_space<vmem>> -> memref<1x128xi32, #tpu.memory_space<vmem>>
    %dma_wait3A_1477 = tpu.memref_squeeze %dma_wait3A_1476 : memref<1x128xi32, #tpu.memory_space<vmem>> -> memref<128xi32, #tpu.memory_space<vmem>>
    %dma_wait3A_1478 = arith.constant 0 : i32
    %dma_wait3A_1479 = arith.constant 0 : i32
    %dma_wait3A_1480 = tpu.memref_slice %arg3[%dma_wait3A_1478, %dma_wait3A_1479] : memref<3969x16xf32, #tpu.memory_space<hbm>> -> memref<3969x16xf32, #tpu.memory_space<hbm>>
    tpu.wait_indirect_dma semaphore(%arg10 : memref<!tpu.dma_semaphore, #tpu.memory_space<semaphore_mem>>) src(%dma_wait3A_1480 : memref<3969x16xf32, #tpu.memory_space<hbm>>) dst(%dma_wait3A_1474 : memref<128x16xf32, #tpu.memory_space<vmem>>)
    %scan3A_1481 = arith.constant 0 : i32
    %scan3A_1482 = arith.constant 0 : i32
    %scan3A_1483 = arith.constant 16 : i32
    %scan3A_1484 = arith.addi %scan3A_1482, %scan3A_1483 : i32
    %scan3A_1485 = arith.constant 1 : i32
    scf.for %scan3A_1999 = %scan3A_1482 to %scan3A_1484 step %scan3A_1485  : i32 {
      %broadcast_in_dim3A = arith.constant 0 : i32
      %broadcast_in_dim3A_2000 = vector.broadcast %broadcast_in_dim3A : i32 to vector<16xi32>
      %add3A_2001 = vector.broadcast %scan3A_1999 : i32 to vector<16xi32>
      %add3A_2002 = arith.addi %broadcast_in_dim3A_2000, %add3A_2001 : vector<16xi32>
      %add3A_2003 = arith.constant 1408 : i32
      %add3A_2004 = vector.broadcast %add3A_2003 : i32 to vector<16xi32>
      %add3A_2005 = arith.addi %add3A_2004, %iota3A_1295 : vector<16xi32>
      %gather3A = tpu.vector_load_idx %arg8[%add3A_2005, %add3A_2002] : memref<2048x16xf32, #tpu.memory_space<vmem>>[vector<16xi32>, vector<16xi32>], vector<16xf32>,
      %multiple_of3A = arith.constant 1408 : i32
      %multiple_of3A_2006 = tpu.assume_multiple %multiple_of3A, 16 : i32
      %swap3A_2007 = arith.index_cast %scan3A_1999 : i32 to index
      %swap3A_2008 = arith.index_cast %multiple_of3A_2006 : i32 to index
      %swap3A_2009 = tpu.vector_load %arg9[%swap3A_2007, %swap3A_2008] {strides = array<i32>} : memref<16x2048xf32, #tpu.memory_space<vmem>>, vector<16xf32>,
      tpu.vector_store %arg9[%swap3A_2007, %swap3A_2008], %gather3A {strides = array<i32>} : memref<16x2048xf32, #tpu.memory_space<vmem>>, vector<16xf32>,
      %add3A_2010 = arith.constant 1424 : i32
      %add3A_2011 = vector.broadcast %add3A_2010 : i32 to vector<16xi32>
      %add3A_2012 = arith.addi %add3A_2011, %iota3A_1295 : vector<16xi32>
      %gather3A_2013 = tpu.vector_load_idx %arg8[%add3A_2012, %add3A_2002] : memref<2048x16xf32, #tpu.memory_space<vmem>>[vector<16xi32>, vector<16xi32>], vector<16xf32>,
      %multiple_of3A_2014 = arith.constant 1424 : i32
      %multiple_of3A_2015 = tpu.assume_multiple %multiple_of3A_2014, 16 : i32
      %swap3A_2016 = arith.index_cast %scan3A_1999 : i32 to index
      %swap3A_2017 = arith.index_cast %multiple_of3A_2015 : i32 to index
      %swap3A_2018 = tpu.vector_load %arg9[%swap3A_2016, %swap3A_2017] {strides = array<i32>} : memref<16x2048xf32, #tpu.memory_space<vmem>>, vector<16xf32>,
      tpu.vector_store %arg9[%swap3A_2016, %swap3A_2017], %gather3A_2013 {strides = array<i32>} : memref<16x2048xf32, #tpu.memory_space<vmem>>, vector<16xf32>,
      %add3A_2019 = arith.constant 1440 : i32
      %add3A_2020 = vector.broadcast %add3A_2019 : i32 to vector<16xi32>
      %add3A_2021 = arith.addi %add3A_2020, %iota3A_1295 : vector<16xi32>
      %gather3A_2022 = tpu.vector_load_idx %arg8[%add3A_2021, %add3A_2002] : memref<2048x16xf32, #tpu.memory_space<vmem>>[vector<16xi32>, vector<16xi32>], vector<16xf32>,
      %multiple_of3A_2023 = arith.constant 1440 : i32
      %multiple_of3A_2024 = tpu.assume_multiple %multiple_of3A_2023, 16 : i32
      %swap3A_2025 = arith.index_cast %scan3A_1999 : i32 to index
      %swap3A_2026 = arith.index_cast %multiple_of3A_2024 : i32 to index
      %swap3A_2027 = tpu.vector_load %arg9[%swap3A_2025, %swap3A_2026] {strides = array<i32>} : memref<16x2048xf32, #tpu.memory_space<vmem>>, vector<16xf32>,
      tpu.vector_store %arg9[%swap3A_2025, %swap3A_2026], %gather3A_2022 {strides = array<i32>} : memref<16x2048xf32, #tpu.memory_space<vmem>>, vector<16xf32>,
      %add3A_2028 = arith.constant 1456 : i32
      %add3A_2029 = vector.broadcast %add3A_2028 : i32 to vector<16xi32>
      %add3A_2030 = arith.addi %add3A_2029, %iota3A_1295 : vector<16xi32>
      %gather3A_2031 = tpu.vector_load_idx %arg8[%add3A_2030, %add3A_2002] : memref<2048x16xf32, #tpu.memory_space<vmem>>[vector<16xi32>, vector<16xi32>], vector<16xf32>,
      %multiple_of3A_2032 = arith.constant 1456 : i32
      %multiple_of3A_2033 = tpu.assume_multiple %multiple_of3A_2032, 16 : i32
      %swap3A_2034 = arith.index_cast %scan3A_1999 : i32 to index
      %swap3A_2035 = arith.index_cast %multiple_of3A_2033 : i32 to index
      %swap3A_2036 = tpu.vector_load %arg9[%swap3A_2034, %swap3A_2035] {strides = array<i32>} : memref<16x2048xf32, #tpu.memory_space<vmem>>, vector<16xf32>,
      tpu.vector_store %arg9[%swap3A_2034, %swap3A_2035], %gather3A_2031 {strides = array<i32>} : memref<16x2048xf32, #tpu.memory_space<vmem>>, vector<16xf32>,
      %add3A_2037 = arith.constant 1472 : i32
      %add3A_2038 = vector.broadcast %add3A_2037 : i32 to vector<16xi32>
      %add3A_2039 = arith.addi %add3A_2038, %iota3A_1295 : vector<16xi32>
      %gather3A_2040 = tpu.vector_load_idx %arg8[%add3A_2039, %add3A_2002] : memref<2048x16xf32, #tpu.memory_space<vmem>>[vector<16xi32>, vector<16xi32>], vector<16xf32>,
      %multiple_of3A_2041 = arith.constant 1472 : i32
      %multiple_of3A_2042 = tpu.assume_multiple %multiple_of3A_2041, 16 : i32
      %swap3A_2043 = arith.index_cast %scan3A_1999 : i32 to index
      %swap3A_2044 = arith.index_cast %multiple_of3A_2042 : i32 to index
      %swap3A_2045 = tpu.vector_load %arg9[%swap3A_2043, %swap3A_2044] {strides = array<i32>} : memref<16x2048xf32, #tpu.memory_space<vmem>>, vector<16xf32>,
      tpu.vector_store %arg9[%swap3A_2043, %swap3A_2044], %gather3A_2040 {strides = array<i32>} : memref<16x2048xf32, #tpu.memory_space<vmem>>, vector<16xf32>,
      %add3A_2046 = arith.constant 1488 : i32
      %add3A_2047 = vector.broadcast %add3A_2046 : i32 to vector<16xi32>
      %add3A_2048 = arith.addi %add3A_2047, %iota3A_1295 : vector<16xi32>
      %gather3A_2049 = tpu.vector_load_idx %arg8[%add3A_2048, %add3A_2002] : memref<2048x16xf32, #tpu.memory_space<vmem>>[vector<16xi32>, vector<16xi32>], vector<16xf32>,
      %multiple_of3A_2050 = arith.constant 1488 : i32
      %multiple_of3A_2051 = tpu.assume_multiple %multiple_of3A_2050, 16 : i32
      %swap3A_2052 = arith.index_cast %scan3A_1999 : i32 to index
      %swap3A_2053 = arith.index_cast %multiple_of3A_2051 : i32 to index
      %swap3A_2054 = tpu.vector_load %arg9[%swap3A_2052, %swap3A_2053] {strides = array<i32>} : memref<16x2048xf32, #tpu.memory_space<vmem>>, vector<16xf32>,
      tpu.vector_store %arg9[%swap3A_2052, %swap3A_2053], %gather3A_2049 {strides = array<i32>} : memref<16x2048xf32, #tpu.memory_space<vmem>>, vector<16xf32>,
      %add3A_2055 = arith.constant 1504 : i32
      %add3A_2056 = vector.broadcast %add3A_2055 : i32 to vector<16xi32>
      %add3A_2057 = arith.addi %add3A_2056, %iota3A_1295 : vector<16xi32>
      %gather3A_2058 = tpu.vector_load_idx %arg8[%add3A_2057, %add3A_2002] : memref<2048x16xf32, #tpu.memory_space<vmem>>[vector<16xi32>, vector<16xi32>], vector<16xf32>,
      %multiple_of3A_2059 = arith.constant 1504 : i32
      %multiple_of3A_2060 = tpu.assume_multiple %multiple_of3A_2059, 16 : i32
      %swap3A_2061 = arith.index_cast %scan3A_1999 : i32 to index
      %swap3A_2062 = arith.index_cast %multiple_of3A_2060 : i32 to index
      %swap3A_2063 = tpu.vector_load %arg9[%swap3A_2061, %swap3A_2062] {strides = array<i32>} : memref<16x2048xf32, #tpu.memory_space<vmem>>, vector<16xf32>,
      tpu.vector_store %arg9[%swap3A_2061, %swap3A_2062], %gather3A_2058 {strides = array<i32>} : memref<16x2048xf32, #tpu.memory_space<vmem>>, vector<16xf32>,
      %add3A_2064 = arith.constant 1520 : i32
      %add3A_2065 = vector.broadcast %add3A_2064 : i32 to vector<16xi32>
      %add3A_2066 = arith.addi %add3A_2065, %iota3A_1295 : vector<16xi32>
      %gather3A_2067 = tpu.vector_load_idx %arg8[%add3A_2066, %add3A_2002] : memref<2048x16xf32, #tpu.memory_space<vmem>>[vector<16xi32>, vector<16xi32>], vector<16xf32>,
      %multiple_of3A_2068 = arith.constant 1520 : i32
      %multiple_of3A_2069 = tpu.assume_multiple %multiple_of3A_2068, 16 : i32
      %swap3A_2070 = arith.index_cast %scan3A_1999 : i32 to index
      %swap3A_2071 = arith.index_cast %multiple_of3A_2069 : i32 to index
      %swap3A_2072 = tpu.vector_load %arg9[%swap3A_2070, %swap3A_2071] {strides = array<i32>} : memref<16x2048xf32, #tpu.memory_space<vmem>>, vector<16xf32>,
      tpu.vector_store %arg9[%swap3A_2070, %swap3A_2071], %gather3A_2067 {strides = array<i32>} : memref<16x2048xf32, #tpu.memory_space<vmem>>, vector<16xf32>,
    }
    %scan3A_1486 = arith.constant 16 : i32
    %dma_wait3A_1487 = arith.constant 12 : i32
    %dma_wait3A_1488 = arith.constant 1536 : i32
    %dma_wait3A_1489 = arith.constant 0 : i32
    %dma_wait3A_1490 = tpu.memref_slice %arg8[%dma_wait3A_1488, %dma_wait3A_1489] : memref<2048x16xf32, #tpu.memory_space<vmem>> -> memref<128x16xf32, #tpu.memory_space<vmem>>
    %dma_wait3A_1491 = arith.constant 0 : i32
    %dma_wait3A_1492 = tpu.memref_slice %arg7[%dma_wait3A_1487, %dma_wait3A_1491] : memref<16x128xi32, #tpu.memory_space<vmem>> -> memref<1x128xi32, #tpu.memory_space<vmem>>
    %dma_wait3A_1493 = tpu.memref_squeeze %dma_wait3A_1492 : memref<1x128xi32, #tpu.memory_space<vmem>> -> memref<128xi32, #tpu.memory_space<vmem>>
    %dma_wait3A_1494 = arith.constant 0 : i32
    %dma_wait3A_1495 = arith.constant 0 : i32
    %dma_wait3A_1496 = tpu.memref_slice %arg3[%dma_wait3A_1494, %dma_wait3A_1495] : memref<3969x16xf32, #tpu.memory_space<hbm>> -> memref<3969x16xf32, #tpu.memory_space<hbm>>
    tpu.wait_indirect_dma semaphore(%arg10 : memref<!tpu.dma_semaphore, #tpu.memory_space<semaphore_mem>>) src(%dma_wait3A_1496 : memref<3969x16xf32, #tpu.memory_space<hbm>>) dst(%dma_wait3A_1490 : memref<128x16xf32, #tpu.memory_space<vmem>>)
    %scan3A_1497 = arith.constant 0 : i32
    %scan3A_1498 = arith.constant 0 : i32
    %scan3A_1499 = arith.constant 16 : i32
    %scan3A_1500 = arith.addi %scan3A_1498, %scan3A_1499 : i32
    %scan3A_1501 = arith.constant 1 : i32
    scf.for %scan3A_1999 = %scan3A_1498 to %scan3A_1500 step %scan3A_1501  : i32 {
      %broadcast_in_dim3A = arith.constant 0 : i32
      %broadcast_in_dim3A_2000 = vector.broadcast %broadcast_in_dim3A : i32 to vector<16xi32>
      %add3A_2001 = vector.broadcast %scan3A_1999 : i32 to vector<16xi32>
      %add3A_2002 = arith.addi %broadcast_in_dim3A_2000, %add3A_2001 : vector<16xi32>
      %add3A_2003 = arith.constant 1536 : i32
      %add3A_2004 = vector.broadcast %add3A_2003 : i32 to vector<16xi32>
      %add3A_2005 = arith.addi %add3A_2004, %iota3A_1295 : vector<16xi32>
      %gather3A = tpu.vector_load_idx %arg8[%add3A_2005, %add3A_2002] : memref<2048x16xf32, #tpu.memory_space<vmem>>[vector<16xi32>, vector<16xi32>], vector<16xf32>,
      %multiple_of3A = arith.constant 1536 : i32
      %multiple_of3A_2006 = tpu.assume_multiple %multiple_of3A, 16 : i32
      %swap3A_2007 = arith.index_cast %scan3A_1999 : i32 to index
      %swap3A_2008 = arith.index_cast %multiple_of3A_2006 : i32 to index
      %swap3A_2009 = tpu.vector_load %arg9[%swap3A_2007, %swap3A_2008] {strides = array<i32>} : memref<16x2048xf32, #tpu.memory_space<vmem>>, vector<16xf32>,
      tpu.vector_store %arg9[%swap3A_2007, %swap3A_2008], %gather3A {strides = array<i32>} : memref<16x2048xf32, #tpu.memory_space<vmem>>, vector<16xf32>,
      %add3A_2010 = arith.constant 1552 : i32
      %add3A_2011 = vector.broadcast %add3A_2010 : i32 to vector<16xi32>
      %add3A_2012 = arith.addi %add3A_2011, %iota3A_1295 : vector<16xi32>
      %gather3A_2013 = tpu.vector_load_idx %arg8[%add3A_2012, %add3A_2002] : memref<2048x16xf32, #tpu.memory_space<vmem>>[vector<16xi32>, vector<16xi32>], vector<16xf32>,
      %multiple_of3A_2014 = arith.constant 1552 : i32
      %multiple_of3A_2015 = tpu.assume_multiple %multiple_of3A_2014, 16 : i32
      %swap3A_2016 = arith.index_cast %scan3A_1999 : i32 to index
      %swap3A_2017 = arith.index_cast %multiple_of3A_2015 : i32 to index
      %swap3A_2018 = tpu.vector_load %arg9[%swap3A_2016, %swap3A_2017] {strides = array<i32>} : memref<16x2048xf32, #tpu.memory_space<vmem>>, vector<16xf32>,
      tpu.vector_store %arg9[%swap3A_2016, %swap3A_2017], %gather3A_2013 {strides = array<i32>} : memref<16x2048xf32, #tpu.memory_space<vmem>>, vector<16xf32>,
      %add3A_2019 = arith.constant 1568 : i32
      %add3A_2020 = vector.broadcast %add3A_2019 : i32 to vector<16xi32>
      %add3A_2021 = arith.addi %add3A_2020, %iota3A_1295 : vector<16xi32>
      %gather3A_2022 = tpu.vector_load_idx %arg8[%add3A_2021, %add3A_2002] : memref<2048x16xf32, #tpu.memory_space<vmem>>[vector<16xi32>, vector<16xi32>], vector<16xf32>,
      %multiple_of3A_2023 = arith.constant 1568 : i32
      %multiple_of3A_2024 = tpu.assume_multiple %multiple_of3A_2023, 16 : i32
      %swap3A_2025 = arith.index_cast %scan3A_1999 : i32 to index
      %swap3A_2026 = arith.index_cast %multiple_of3A_2024 : i32 to index
      %swap3A_2027 = tpu.vector_load %arg9[%swap3A_2025, %swap3A_2026] {strides = array<i32>} : memref<16x2048xf32, #tpu.memory_space<vmem>>, vector<16xf32>,
      tpu.vector_store %arg9[%swap3A_2025, %swap3A_2026], %gather3A_2022 {strides = array<i32>} : memref<16x2048xf32, #tpu.memory_space<vmem>>, vector<16xf32>,
      %add3A_2028 = arith.constant 1584 : i32
      %add3A_2029 = vector.broadcast %add3A_2028 : i32 to vector<16xi32>
      %add3A_2030 = arith.addi %add3A_2029, %iota3A_1295 : vector<16xi32>
      %gather3A_2031 = tpu.vector_load_idx %arg8[%add3A_2030, %add3A_2002] : memref<2048x16xf32, #tpu.memory_space<vmem>>[vector<16xi32>, vector<16xi32>], vector<16xf32>,
      %multiple_of3A_2032 = arith.constant 1584 : i32
      %multiple_of3A_2033 = tpu.assume_multiple %multiple_of3A_2032, 16 : i32
      %swap3A_2034 = arith.index_cast %scan3A_1999 : i32 to index
      %swap3A_2035 = arith.index_cast %multiple_of3A_2033 : i32 to index
      %swap3A_2036 = tpu.vector_load %arg9[%swap3A_2034, %swap3A_2035] {strides = array<i32>} : memref<16x2048xf32, #tpu.memory_space<vmem>>, vector<16xf32>,
      tpu.vector_store %arg9[%swap3A_2034, %swap3A_2035], %gather3A_2031 {strides = array<i32>} : memref<16x2048xf32, #tpu.memory_space<vmem>>, vector<16xf32>,
      %add3A_2037 = arith.constant 1600 : i32
      %add3A_2038 = vector.broadcast %add3A_2037 : i32 to vector<16xi32>
      %add3A_2039 = arith.addi %add3A_2038, %iota3A_1295 : vector<16xi32>
      %gather3A_2040 = tpu.vector_load_idx %arg8[%add3A_2039, %add3A_2002] : memref<2048x16xf32, #tpu.memory_space<vmem>>[vector<16xi32>, vector<16xi32>], vector<16xf32>,
      %multiple_of3A_2041 = arith.constant 1600 : i32
      %multiple_of3A_2042 = tpu.assume_multiple %multiple_of3A_2041, 16 : i32
      %swap3A_2043 = arith.index_cast %scan3A_1999 : i32 to index
      %swap3A_2044 = arith.index_cast %multiple_of3A_2042 : i32 to index
      %swap3A_2045 = tpu.vector_load %arg9[%swap3A_2043, %swap3A_2044] {strides = array<i32>} : memref<16x2048xf32, #tpu.memory_space<vmem>>, vector<16xf32>,
      tpu.vector_store %arg9[%swap3A_2043, %swap3A_2044], %gather3A_2040 {strides = array<i32>} : memref<16x2048xf32, #tpu.memory_space<vmem>>, vector<16xf32>,
      %add3A_2046 = arith.constant 1616 : i32
      %add3A_2047 = vector.broadcast %add3A_2046 : i32 to vector<16xi32>
      %add3A_2048 = arith.addi %add3A_2047, %iota3A_1295 : vector<16xi32>
      %gather3A_2049 = tpu.vector_load_idx %arg8[%add3A_2048, %add3A_2002] : memref<2048x16xf32, #tpu.memory_space<vmem>>[vector<16xi32>, vector<16xi32>], vector<16xf32>,
      %multiple_of3A_2050 = arith.constant 1616 : i32
      %multiple_of3A_2051 = tpu.assume_multiple %multiple_of3A_2050, 16 : i32
      %swap3A_2052 = arith.index_cast %scan3A_1999 : i32 to index
      %swap3A_2053 = arith.index_cast %multiple_of3A_2051 : i32 to index
      %swap3A_2054 = tpu.vector_load %arg9[%swap3A_2052, %swap3A_2053] {strides = array<i32>} : memref<16x2048xf32, #tpu.memory_space<vmem>>, vector<16xf32>,
      tpu.vector_store %arg9[%swap3A_2052, %swap3A_2053], %gather3A_2049 {strides = array<i32>} : memref<16x2048xf32, #tpu.memory_space<vmem>>, vector<16xf32>,
      %add3A_2055 = arith.constant 1632 : i32
      %add3A_2056 = vector.broadcast %add3A_2055 : i32 to vector<16xi32>
      %add3A_2057 = arith.addi %add3A_2056, %iota3A_1295 : vector<16xi32>
      %gather3A_2058 = tpu.vector_load_idx %arg8[%add3A_2057, %add3A_2002] : memref<2048x16xf32, #tpu.memory_space<vmem>>[vector<16xi32>, vector<16xi32>], vector<16xf32>,
      %multiple_of3A_2059 = arith.constant 1632 : i32
      %multiple_of3A_2060 = tpu.assume_multiple %multiple_of3A_2059, 16 : i32
      %swap3A_2061 = arith.index_cast %scan3A_1999 : i32 to index
      %swap3A_2062 = arith.index_cast %multiple_of3A_2060 : i32 to index
      %swap3A_2063 = tpu.vector_load %arg9[%swap3A_2061, %swap3A_2062] {strides = array<i32>} : memref<16x2048xf32, #tpu.memory_space<vmem>>, vector<16xf32>,
      tpu.vector_store %arg9[%swap3A_2061, %swap3A_2062], %gather3A_2058 {strides = array<i32>} : memref<16x2048xf32, #tpu.memory_space<vmem>>, vector<16xf32>,
      %add3A_2064 = arith.constant 1648 : i32
      %add3A_2065 = vector.broadcast %add3A_2064 : i32 to vector<16xi32>
      %add3A_2066 = arith.addi %add3A_2065, %iota3A_1295 : vector<16xi32>
      %gather3A_2067 = tpu.vector_load_idx %arg8[%add3A_2066, %add3A_2002] : memref<2048x16xf32, #tpu.memory_space<vmem>>[vector<16xi32>, vector<16xi32>], vector<16xf32>,
      %multiple_of3A_2068 = arith.constant 1648 : i32
      %multiple_of3A_2069 = tpu.assume_multiple %multiple_of3A_2068, 16 : i32
      %swap3A_2070 = arith.index_cast %scan3A_1999 : i32 to index
      %swap3A_2071 = arith.index_cast %multiple_of3A_2069 : i32 to index
      %swap3A_2072 = tpu.vector_load %arg9[%swap3A_2070, %swap3A_2071] {strides = array<i32>} : memref<16x2048xf32, #tpu.memory_space<vmem>>, vector<16xf32>,
      tpu.vector_store %arg9[%swap3A_2070, %swap3A_2071], %gather3A_2067 {strides = array<i32>} : memref<16x2048xf32, #tpu.memory_space<vmem>>, vector<16xf32>,
    }
    %scan3A_1502 = arith.constant 16 : i32
    %dma_wait3A_1503 = arith.constant 13 : i32
    %dma_wait3A_1504 = arith.constant 1664 : i32
    %dma_wait3A_1505 = arith.constant 0 : i32
    %dma_wait3A_1506 = tpu.memref_slice %arg8[%dma_wait3A_1504, %dma_wait3A_1505] : memref<2048x16xf32, #tpu.memory_space<vmem>> -> memref<128x16xf32, #tpu.memory_space<vmem>>
    %dma_wait3A_1507 = arith.constant 0 : i32
    %dma_wait3A_1508 = tpu.memref_slice %arg7[%dma_wait3A_1503, %dma_wait3A_1507] : memref<16x128xi32, #tpu.memory_space<vmem>> -> memref<1x128xi32, #tpu.memory_space<vmem>>
    %dma_wait3A_1509 = tpu.memref_squeeze %dma_wait3A_1508 : memref<1x128xi32, #tpu.memory_space<vmem>> -> memref<128xi32, #tpu.memory_space<vmem>>
    %dma_wait3A_1510 = arith.constant 0 : i32
    %dma_wait3A_1511 = arith.constant 0 : i32
    %dma_wait3A_1512 = tpu.memref_slice %arg3[%dma_wait3A_1510, %dma_wait3A_1511] : memref<3969x16xf32, #tpu.memory_space<hbm>> -> memref<3969x16xf32, #tpu.memory_space<hbm>>
    tpu.wait_indirect_dma semaphore(%arg10 : memref<!tpu.dma_semaphore, #tpu.memory_space<semaphore_mem>>) src(%dma_wait3A_1512 : memref<3969x16xf32, #tpu.memory_space<hbm>>) dst(%dma_wait3A_1506 : memref<128x16xf32, #tpu.memory_space<vmem>>)
    %scan3A_1513 = arith.constant 0 : i32
    %scan3A_1514 = arith.constant 0 : i32
    %scan3A_1515 = arith.constant 16 : i32
    %scan3A_1516 = arith.addi %scan3A_1514, %scan3A_1515 : i32
    %scan3A_1517 = arith.constant 1 : i32
    scf.for %scan3A_1999 = %scan3A_1514 to %scan3A_1516 step %scan3A_1517  : i32 {
      %broadcast_in_dim3A = arith.constant 0 : i32
      %broadcast_in_dim3A_2000 = vector.broadcast %broadcast_in_dim3A : i32 to vector<16xi32>
      %add3A_2001 = vector.broadcast %scan3A_1999 : i32 to vector<16xi32>
      %add3A_2002 = arith.addi %broadcast_in_dim3A_2000, %add3A_2001 : vector<16xi32>
      %add3A_2003 = arith.constant 1664 : i32
      %add3A_2004 = vector.broadcast %add3A_2003 : i32 to vector<16xi32>
      %add3A_2005 = arith.addi %add3A_2004, %iota3A_1295 : vector<16xi32>
      %gather3A = tpu.vector_load_idx %arg8[%add3A_2005, %add3A_2002] : memref<2048x16xf32, #tpu.memory_space<vmem>>[vector<16xi32>, vector<16xi32>], vector<16xf32>,
      %multiple_of3A = arith.constant 1664 : i32
      %multiple_of3A_2006 = tpu.assume_multiple %multiple_of3A, 16 : i32
      %swap3A_2007 = arith.index_cast %scan3A_1999 : i32 to index
      %swap3A_2008 = arith.index_cast %multiple_of3A_2006 : i32 to index
      %swap3A_2009 = tpu.vector_load %arg9[%swap3A_2007, %swap3A_2008] {strides = array<i32>} : memref<16x2048xf32, #tpu.memory_space<vmem>>, vector<16xf32>,
      tpu.vector_store %arg9[%swap3A_2007, %swap3A_2008], %gather3A {strides = array<i32>} : memref<16x2048xf32, #tpu.memory_space<vmem>>, vector<16xf32>,
      %add3A_2010 = arith.constant 1680 : i32
      %add3A_2011 = vector.broadcast %add3A_2010 : i32 to vector<16xi32>
      %add3A_2012 = arith.addi %add3A_2011, %iota3A_1295 : vector<16xi32>
      %gather3A_2013 = tpu.vector_load_idx %arg8[%add3A_2012, %add3A_2002] : memref<2048x16xf32, #tpu.memory_space<vmem>>[vector<16xi32>, vector<16xi32>], vector<16xf32>,
      %multiple_of3A_2014 = arith.constant 1680 : i32
      %multiple_of3A_2015 = tpu.assume_multiple %multiple_of3A_2014, 16 : i32
      %swap3A_2016 = arith.index_cast %scan3A_1999 : i32 to index
      %swap3A_2017 = arith.index_cast %multiple_of3A_2015 : i32 to index
      %swap3A_2018 = tpu.vector_load %arg9[%swap3A_2016, %swap3A_2017] {strides = array<i32>} : memref<16x2048xf32, #tpu.memory_space<vmem>>, vector<16xf32>,
      tpu.vector_store %arg9[%swap3A_2016, %swap3A_2017], %gather3A_2013 {strides = array<i32>} : memref<16x2048xf32, #tpu.memory_space<vmem>>, vector<16xf32>,
      %add3A_2019 = arith.constant 1696 : i32
      %add3A_2020 = vector.broadcast %add3A_2019 : i32 to vector<16xi32>
      %add3A_2021 = arith.addi %add3A_2020, %iota3A_1295 : vector<16xi32>
      %gather3A_2022 = tpu.vector_load_idx %arg8[%add3A_2021, %add3A_2002] : memref<2048x16xf32, #tpu.memory_space<vmem>>[vector<16xi32>, vector<16xi32>], vector<16xf32>,
      %multiple_of3A_2023 = arith.constant 1696 : i32
      %multiple_of3A_2024 = tpu.assume_multiple %multiple_of3A_2023, 16 : i32
      %swap3A_2025 = arith.index_cast %scan3A_1999 : i32 to index
      %swap3A_2026 = arith.index_cast %multiple_of3A_2024 : i32 to index
      %swap3A_2027 = tpu.vector_load %arg9[%swap3A_2025, %swap3A_2026] {strides = array<i32>} : memref<16x2048xf32, #tpu.memory_space<vmem>>, vector<16xf32>,
      tpu.vector_store %arg9[%swap3A_2025, %swap3A_2026], %gather3A_2022 {strides = array<i32>} : memref<16x2048xf32, #tpu.memory_space<vmem>>, vector<16xf32>,
      %add3A_2028 = arith.constant 1712 : i32
      %add3A_2029 = vector.broadcast %add3A_2028 : i32 to vector<16xi32>
      %add3A_2030 = arith.addi %add3A_2029, %iota3A_1295 : vector<16xi32>
      %gather3A_2031 = tpu.vector_load_idx %arg8[%add3A_2030, %add3A_2002] : memref<2048x16xf32, #tpu.memory_space<vmem>>[vector<16xi32>, vector<16xi32>], vector<16xf32>,
      %multiple_of3A_2032 = arith.constant 1712 : i32
      %multiple_of3A_2033 = tpu.assume_multiple %multiple_of3A_2032, 16 : i32
      %swap3A_2034 = arith.index_cast %scan3A_1999 : i32 to index
      %swap3A_2035 = arith.index_cast %multiple_of3A_2033 : i32 to index
      %swap3A_2036 = tpu.vector_load %arg9[%swap3A_2034, %swap3A_2035] {strides = array<i32>} : memref<16x2048xf32, #tpu.memory_space<vmem>>, vector<16xf32>,
      tpu.vector_store %arg9[%swap3A_2034, %swap3A_2035], %gather3A_2031 {strides = array<i32>} : memref<16x2048xf32, #tpu.memory_space<vmem>>, vector<16xf32>,
      %add3A_2037 = arith.constant 1728 : i32
      %add3A_2038 = vector.broadcast %add3A_2037 : i32 to vector<16xi32>
      %add3A_2039 = arith.addi %add3A_2038, %iota3A_1295 : vector<16xi32>
      %gather3A_2040 = tpu.vector_load_idx %arg8[%add3A_2039, %add3A_2002] : memref<2048x16xf32, #tpu.memory_space<vmem>>[vector<16xi32>, vector<16xi32>], vector<16xf32>,
      %multiple_of3A_2041 = arith.constant 1728 : i32
      %multiple_of3A_2042 = tpu.assume_multiple %multiple_of3A_2041, 16 : i32
      %swap3A_2043 = arith.index_cast %scan3A_1999 : i32 to index
      %swap3A_2044 = arith.index_cast %multiple_of3A_2042 : i32 to index
      %swap3A_2045 = tpu.vector_load %arg9[%swap3A_2043, %swap3A_2044] {strides = array<i32>} : memref<16x2048xf32, #tpu.memory_space<vmem>>, vector<16xf32>,
      tpu.vector_store %arg9[%swap3A_2043, %swap3A_2044], %gather3A_2040 {strides = array<i32>} : memref<16x2048xf32, #tpu.memory_space<vmem>>, vector<16xf32>,
      %add3A_2046 = arith.constant 1744 : i32
      %add3A_2047 = vector.broadcast %add3A_2046 : i32 to vector<16xi32>
      %add3A_2048 = arith.addi %add3A_2047, %iota3A_1295 : vector<16xi32>
      %gather3A_2049 = tpu.vector_load_idx %arg8[%add3A_2048, %add3A_2002] : memref<2048x16xf32, #tpu.memory_space<vmem>>[vector<16xi32>, vector<16xi32>], vector<16xf32>,
      %multiple_of3A_2050 = arith.constant 1744 : i32
      %multiple_of3A_2051 = tpu.assume_multiple %multiple_of3A_2050, 16 : i32
      %swap3A_2052 = arith.index_cast %scan3A_1999 : i32 to index
      %swap3A_2053 = arith.index_cast %multiple_of3A_2051 : i32 to index
      %swap3A_2054 = tpu.vector_load %arg9[%swap3A_2052, %swap3A_2053] {strides = array<i32>} : memref<16x2048xf32, #tpu.memory_space<vmem>>, vector<16xf32>,
      tpu.vector_store %arg9[%swap3A_2052, %swap3A_2053], %gather3A_2049 {strides = array<i32>} : memref<16x2048xf32, #tpu.memory_space<vmem>>, vector<16xf32>,
      %add3A_2055 = arith.constant 1760 : i32
      %add3A_2056 = vector.broadcast %add3A_2055 : i32 to vector<16xi32>
      %add3A_2057 = arith.addi %add3A_2056, %iota3A_1295 : vector<16xi32>
      %gather3A_2058 = tpu.vector_load_idx %arg8[%add3A_2057, %add3A_2002] : memref<2048x16xf32, #tpu.memory_space<vmem>>[vector<16xi32>, vector<16xi32>], vector<16xf32>,
      %multiple_of3A_2059 = arith.constant 1760 : i32
      %multiple_of3A_2060 = tpu.assume_multiple %multiple_of3A_2059, 16 : i32
      %swap3A_2061 = arith.index_cast %scan3A_1999 : i32 to index
      %swap3A_2062 = arith.index_cast %multiple_of3A_2060 : i32 to index
      %swap3A_2063 = tpu.vector_load %arg9[%swap3A_2061, %swap3A_2062] {strides = array<i32>} : memref<16x2048xf32, #tpu.memory_space<vmem>>, vector<16xf32>,
      tpu.vector_store %arg9[%swap3A_2061, %swap3A_2062], %gather3A_2058 {strides = array<i32>} : memref<16x2048xf32, #tpu.memory_space<vmem>>, vector<16xf32>,
      %add3A_2064 = arith.constant 1776 : i32
      %add3A_2065 = vector.broadcast %add3A_2064 : i32 to vector<16xi32>
      %add3A_2066 = arith.addi %add3A_2065, %iota3A_1295 : vector<16xi32>
      %gather3A_2067 = tpu.vector_load_idx %arg8[%add3A_2066, %add3A_2002] : memref<2048x16xf32, #tpu.memory_space<vmem>>[vector<16xi32>, vector<16xi32>], vector<16xf32>,
      %multiple_of3A_2068 = arith.constant 1776 : i32
      %multiple_of3A_2069 = tpu.assume_multiple %multiple_of3A_2068, 16 : i32
      %swap3A_2070 = arith.index_cast %scan3A_1999 : i32 to index
      %swap3A_2071 = arith.index_cast %multiple_of3A_2069 : i32 to index
      %swap3A_2072 = tpu.vector_load %arg9[%swap3A_2070, %swap3A_2071] {strides = array<i32>} : memref<16x2048xf32, #tpu.memory_space<vmem>>, vector<16xf32>,
      tpu.vector_store %arg9[%swap3A_2070, %swap3A_2071], %gather3A_2067 {strides = array<i32>} : memref<16x2048xf32, #tpu.memory_space<vmem>>, vector<16xf32>,
    }
    %scan3A_1518 = arith.constant 16 : i32
    %dma_wait3A_1519 = arith.constant 14 : i32
    %dma_wait3A_1520 = arith.constant 1792 : i32
    %dma_wait3A_1521 = arith.constant 0 : i32
    %dma_wait3A_1522 = tpu.memref_slice %arg8[%dma_wait3A_1520, %dma_wait3A_1521] : memref<2048x16xf32, #tpu.memory_space<vmem>> -> memref<128x16xf32, #tpu.memory_space<vmem>>
    %dma_wait3A_1523 = arith.constant 0 : i32
    %dma_wait3A_1524 = tpu.memref_slice %arg7[%dma_wait3A_1519, %dma_wait3A_1523] : memref<16x128xi32, #tpu.memory_space<vmem>> -> memref<1x128xi32, #tpu.memory_space<vmem>>
    %dma_wait3A_1525 = tpu.memref_squeeze %dma_wait3A_1524 : memref<1x128xi32, #tpu.memory_space<vmem>> -> memref<128xi32, #tpu.memory_space<vmem>>
    %dma_wait3A_1526 = arith.constant 0 : i32
    %dma_wait3A_1527 = arith.constant 0 : i32
    %dma_wait3A_1528 = tpu.memref_slice %arg3[%dma_wait3A_1526, %dma_wait3A_1527] : memref<3969x16xf32, #tpu.memory_space<hbm>> -> memref<3969x16xf32, #tpu.memory_space<hbm>>
    tpu.wait_indirect_dma semaphore(%arg10 : memref<!tpu.dma_semaphore, #tpu.memory_space<semaphore_mem>>) src(%dma_wait3A_1528 : memref<3969x16xf32, #tpu.memory_space<hbm>>) dst(%dma_wait3A_1522 : memref<128x16xf32, #tpu.memory_space<vmem>>)
    %scan3A_1529 = arith.constant 0 : i32
    %scan3A_1530 = arith.constant 0 : i32
    %scan3A_1531 = arith.constant 16 : i32
    %scan3A_1532 = arith.addi %scan3A_1530, %scan3A_1531 : i32
    %scan3A_1533 = arith.constant 1 : i32
    scf.for %scan3A_1999 = %scan3A_1530 to %scan3A_1532 step %scan3A_1533  : i32 {
      %broadcast_in_dim3A = arith.constant 0 : i32
      %broadcast_in_dim3A_2000 = vector.broadcast %broadcast_in_dim3A : i32 to vector<16xi32>
      %add3A_2001 = vector.broadcast %scan3A_1999 : i32 to vector<16xi32>
      %add3A_2002 = arith.addi %broadcast_in_dim3A_2000, %add3A_2001 : vector<16xi32>
      %add3A_2003 = arith.constant 1792 : i32
      %add3A_2004 = vector.broadcast %add3A_2003 : i32 to vector<16xi32>
      %add3A_2005 = arith.addi %add3A_2004, %iota3A_1295 : vector<16xi32>
      %gather3A = tpu.vector_load_idx %arg8[%add3A_2005, %add3A_2002] : memref<2048x16xf32, #tpu.memory_space<vmem>>[vector<16xi32>, vector<16xi32>], vector<16xf32>,
      %multiple_of3A = arith.constant 1792 : i32
      %multiple_of3A_2006 = tpu.assume_multiple %multiple_of3A, 16 : i32
      %swap3A_2007 = arith.index_cast %scan3A_1999 : i32 to index
      %swap3A_2008 = arith.index_cast %multiple_of3A_2006 : i32 to index
      %swap3A_2009 = tpu.vector_load %arg9[%swap3A_2007, %swap3A_2008] {strides = array<i32>} : memref<16x2048xf32, #tpu.memory_space<vmem>>, vector<16xf32>,
      tpu.vector_store %arg9[%swap3A_2007, %swap3A_2008], %gather3A {strides = array<i32>} : memref<16x2048xf32, #tpu.memory_space<vmem>>, vector<16xf32>,
      %add3A_2010 = arith.constant 1808 : i32
      %add3A_2011 = vector.broadcast %add3A_2010 : i32 to vector<16xi32>
      %add3A_2012 = arith.addi %add3A_2011, %iota3A_1295 : vector<16xi32>
      %gather3A_2013 = tpu.vector_load_idx %arg8[%add3A_2012, %add3A_2002] : memref<2048x16xf32, #tpu.memory_space<vmem>>[vector<16xi32>, vector<16xi32>], vector<16xf32>,
      %multiple_of3A_2014 = arith.constant 1808 : i32
      %multiple_of3A_2015 = tpu.assume_multiple %multiple_of3A_2014, 16 : i32
      %swap3A_2016 = arith.index_cast %scan3A_1999 : i32 to index
      %swap3A_2017 = arith.index_cast %multiple_of3A_2015 : i32 to index
      %swap3A_2018 = tpu.vector_load %arg9[%swap3A_2016, %swap3A_2017] {strides = array<i32>} : memref<16x2048xf32, #tpu.memory_space<vmem>>, vector<16xf32>,
      tpu.vector_store %arg9[%swap3A_2016, %swap3A_2017], %gather3A_2013 {strides = array<i32>} : memref<16x2048xf32, #tpu.memory_space<vmem>>, vector<16xf32>,
      %add3A_2019 = arith.constant 1824 : i32
      %add3A_2020 = vector.broadcast %add3A_2019 : i32 to vector<16xi32>
      %add3A_2021 = arith.addi %add3A_2020, %iota3A_1295 : vector<16xi32>
      %gather3A_2022 = tpu.vector_load_idx %arg8[%add3A_2021, %add3A_2002] : memref<2048x16xf32, #tpu.memory_space<vmem>>[vector<16xi32>, vector<16xi32>], vector<16xf32>,
      %multiple_of3A_2023 = arith.constant 1824 : i32
      %multiple_of3A_2024 = tpu.assume_multiple %multiple_of3A_2023, 16 : i32
      %swap3A_2025 = arith.index_cast %scan3A_1999 : i32 to index
      %swap3A_2026 = arith.index_cast %multiple_of3A_2024 : i32 to index
      %swap3A_2027 = tpu.vector_load %arg9[%swap3A_2025, %swap3A_2026] {strides = array<i32>} : memref<16x2048xf32, #tpu.memory_space<vmem>>, vector<16xf32>,
      tpu.vector_store %arg9[%swap3A_2025, %swap3A_2026], %gather3A_2022 {strides = array<i32>} : memref<16x2048xf32, #tpu.memory_space<vmem>>, vector<16xf32>,
      %add3A_2028 = arith.constant 1840 : i32
      %add3A_2029 = vector.broadcast %add3A_2028 : i32 to vector<16xi32>
      %add3A_2030 = arith.addi %add3A_2029, %iota3A_1295 : vector<16xi32>
      %gather3A_2031 = tpu.vector_load_idx %arg8[%add3A_2030, %add3A_2002] : memref<2048x16xf32, #tpu.memory_space<vmem>>[vector<16xi32>, vector<16xi32>], vector<16xf32>,
      %multiple_of3A_2032 = arith.constant 1840 : i32
      %multiple_of3A_2033 = tpu.assume_multiple %multiple_of3A_2032, 16 : i32
      %swap3A_2034 = arith.index_cast %scan3A_1999 : i32 to index
      %swap3A_2035 = arith.index_cast %multiple_of3A_2033 : i32 to index
      %swap3A_2036 = tpu.vector_load %arg9[%swap3A_2034, %swap3A_2035] {strides = array<i32>} : memref<16x2048xf32, #tpu.memory_space<vmem>>, vector<16xf32>,
      tpu.vector_store %arg9[%swap3A_2034, %swap3A_2035], %gather3A_2031 {strides = array<i32>} : memref<16x2048xf32, #tpu.memory_space<vmem>>, vector<16xf32>,
      %add3A_2037 = arith.constant 1856 : i32
      %add3A_2038 = vector.broadcast %add3A_2037 : i32 to vector<16xi32>
      %add3A_2039 = arith.addi %add3A_2038, %iota3A_1295 : vector<16xi32>
      %gather3A_2040 = tpu.vector_load_idx %arg8[%add3A_2039, %add3A_2002] : memref<2048x16xf32, #tpu.memory_space<vmem>>[vector<16xi32>, vector<16xi32>], vector<16xf32>,
      %multiple_of3A_2041 = arith.constant 1856 : i32
      %multiple_of3A_2042 = tpu.assume_multiple %multiple_of3A_2041, 16 : i32
      %swap3A_2043 = arith.index_cast %scan3A_1999 : i32 to index
      %swap3A_2044 = arith.index_cast %multiple_of3A_2042 : i32 to index
      %swap3A_2045 = tpu.vector_load %arg9[%swap3A_2043, %swap3A_2044] {strides = array<i32>} : memref<16x2048xf32, #tpu.memory_space<vmem>>, vector<16xf32>,
      tpu.vector_store %arg9[%swap3A_2043, %swap3A_2044], %gather3A_2040 {strides = array<i32>} : memref<16x2048xf32, #tpu.memory_space<vmem>>, vector<16xf32>,
      %add3A_2046 = arith.constant 1872 : i32
      %add3A_2047 = vector.broadcast %add3A_2046 : i32 to vector<16xi32>
      %add3A_2048 = arith.addi %add3A_2047, %iota3A_1295 : vector<16xi32>
      %gather3A_2049 = tpu.vector_load_idx %arg8[%add3A_2048, %add3A_2002] : memref<2048x16xf32, #tpu.memory_space<vmem>>[vector<16xi32>, vector<16xi32>], vector<16xf32>,
      %multiple_of3A_2050 = arith.constant 1872 : i32
      %multiple_of3A_2051 = tpu.assume_multiple %multiple_of3A_2050, 16 : i32
      %swap3A_2052 = arith.index_cast %scan3A_1999 : i32 to index
      %swap3A_2053 = arith.index_cast %multiple_of3A_2051 : i32 to index
      %swap3A_2054 = tpu.vector_load %arg9[%swap3A_2052, %swap3A_2053] {strides = array<i32>} : memref<16x2048xf32, #tpu.memory_space<vmem>>, vector<16xf32>,
      tpu.vector_store %arg9[%swap3A_2052, %swap3A_2053], %gather3A_2049 {strides = array<i32>} : memref<16x2048xf32, #tpu.memory_space<vmem>>, vector<16xf32>,
      %add3A_2055 = arith.constant 1888 : i32
      %add3A_2056 = vector.broadcast %add3A_2055 : i32 to vector<16xi32>
      %add3A_2057 = arith.addi %add3A_2056, %iota3A_1295 : vector<16xi32>
      %gather3A_2058 = tpu.vector_load_idx %arg8[%add3A_2057, %add3A_2002] : memref<2048x16xf32, #tpu.memory_space<vmem>>[vector<16xi32>, vector<16xi32>], vector<16xf32>,
      %multiple_of3A_2059 = arith.constant 1888 : i32
      %multiple_of3A_2060 = tpu.assume_multiple %multiple_of3A_2059, 16 : i32
      %swap3A_2061 = arith.index_cast %scan3A_1999 : i32 to index
      %swap3A_2062 = arith.index_cast %multiple_of3A_2060 : i32 to index
      %swap3A_2063 = tpu.vector_load %arg9[%swap3A_2061, %swap3A_2062] {strides = array<i32>} : memref<16x2048xf32, #tpu.memory_space<vmem>>, vector<16xf32>,
      tpu.vector_store %arg9[%swap3A_2061, %swap3A_2062], %gather3A_2058 {strides = array<i32>} : memref<16x2048xf32, #tpu.memory_space<vmem>>, vector<16xf32>,
      %add3A_2064 = arith.constant 1904 : i32
      %add3A_2065 = vector.broadcast %add3A_2064 : i32 to vector<16xi32>
      %add3A_2066 = arith.addi %add3A_2065, %iota3A_1295 : vector<16xi32>
      %gather3A_2067 = tpu.vector_load_idx %arg8[%add3A_2066, %add3A_2002] : memref<2048x16xf32, #tpu.memory_space<vmem>>[vector<16xi32>, vector<16xi32>], vector<16xf32>,
      %multiple_of3A_2068 = arith.constant 1904 : i32
      %multiple_of3A_2069 = tpu.assume_multiple %multiple_of3A_2068, 16 : i32
      %swap3A_2070 = arith.index_cast %scan3A_1999 : i32 to index
      %swap3A_2071 = arith.index_cast %multiple_of3A_2069 : i32 to index
      %swap3A_2072 = tpu.vector_load %arg9[%swap3A_2070, %swap3A_2071] {strides = array<i32>} : memref<16x2048xf32, #tpu.memory_space<vmem>>, vector<16xf32>,
      tpu.vector_store %arg9[%swap3A_2070, %swap3A_2071], %gather3A_2067 {strides = array<i32>} : memref<16x2048xf32, #tpu.memory_space<vmem>>, vector<16xf32>,
    }
    %scan3A_1534 = arith.constant 16 : i32
    %dma_wait3A_1535 = arith.constant 15 : i32
    %dma_wait3A_1536 = arith.constant 1920 : i32
    %dma_wait3A_1537 = arith.constant 0 : i32
    %dma_wait3A_1538 = tpu.memref_slice %arg8[%dma_wait3A_1536, %dma_wait3A_1537] : memref<2048x16xf32, #tpu.memory_space<vmem>> -> memref<128x16xf32, #tpu.memory_space<vmem>>
    %dma_wait3A_1539 = arith.constant 0 : i32
    %dma_wait3A_1540 = tpu.memref_slice %arg7[%dma_wait3A_1535, %dma_wait3A_1539] : memref<16x128xi32, #tpu.memory_space<vmem>> -> memref<1x128xi32, #tpu.memory_space<vmem>>
    %dma_wait3A_1541 = tpu.memref_squeeze %dma_wait3A_1540 : memref<1x128xi32, #tpu.memory_space<vmem>> -> memref<128xi32, #tpu.memory_space<vmem>>
    %dma_wait3A_1542 = arith.constant 0 : i32
    %dma_wait3A_1543 = arith.constant 0 : i32
    %dma_wait3A_1544 = tpu.memref_slice %arg3[%dma_wait3A_1542, %dma_wait3A_1543] : memref<3969x16xf32, #tpu.memory_space<hbm>> -> memref<3969x16xf32, #tpu.memory_space<hbm>>
    tpu.wait_indirect_dma semaphore(%arg10 : memref<!tpu.dma_semaphore, #tpu.memory_space<semaphore_mem>>) src(%dma_wait3A_1544 : memref<3969x16xf32, #tpu.memory_space<hbm>>) dst(%dma_wait3A_1538 : memref<128x16xf32, #tpu.memory_space<vmem>>)
    %scan3A_1545 = arith.constant 0 : i32
    %scan3A_1546 = arith.constant 0 : i32
    %scan3A_1547 = arith.constant 16 : i32
    %scan3A_1548 = arith.addi %scan3A_1546, %scan3A_1547 : i32
    %scan3A_1549 = arith.constant 1 : i32
    scf.for %scan3A_1999 = %scan3A_1546 to %scan3A_1548 step %scan3A_1549  : i32 {
      %broadcast_in_dim3A = arith.constant 0 : i32
      %broadcast_in_dim3A_2000 = vector.broadcast %broadcast_in_dim3A : i32 to vector<16xi32>
      %add3A_2001 = vector.broadcast %scan3A_1999 : i32 to vector<16xi32>
      %add3A_2002 = arith.addi %broadcast_in_dim3A_2000, %add3A_2001 : vector<16xi32>
      %add3A_2003 = arith.constant 1920 : i32
      %add3A_2004 = vector.broadcast %add3A_2003 : i32 to vector<16xi32>
      %add3A_2005 = arith.addi %add3A_2004, %iota3A_1295 : vector<16xi32>
      %gather3A = tpu.vector_load_idx %arg8[%add3A_2005, %add3A_2002] : memref<2048x16xf32, #tpu.memory_space<vmem>>[vector<16xi32>, vector<16xi32>], vector<16xf32>,
      %multiple_of3A = arith.constant 1920 : i32
      %multiple_of3A_2006 = tpu.assume_multiple %multiple_of3A, 16 : i32
      %swap3A_2007 = arith.index_cast %scan3A_1999 : i32 to index
      %swap3A_2008 = arith.index_cast %multiple_of3A_2006 : i32 to index
      %swap3A_2009 = tpu.vector_load %arg9[%swap3A_2007, %swap3A_2008] {strides = array<i32>} : memref<16x2048xf32, #tpu.memory_space<vmem>>, vector<16xf32>,
      tpu.vector_store %arg9[%swap3A_2007, %swap3A_2008], %gather3A {strides = array<i32>} : memref<16x2048xf32, #tpu.memory_space<vmem>>, vector<16xf32>,
      %add3A_2010 = arith.constant 1936 : i32
      %add3A_2011 = vector.broadcast %add3A_2010 : i32 to vector<16xi32>
      %add3A_2012 = arith.addi %add3A_2011, %iota3A_1295 : vector<16xi32>
      %gather3A_2013 = tpu.vector_load_idx %arg8[%add3A_2012, %add3A_2002] : memref<2048x16xf32, #tpu.memory_space<vmem>>[vector<16xi32>, vector<16xi32>], vector<16xf32>,
      %multiple_of3A_2014 = arith.constant 1936 : i32
      %multiple_of3A_2015 = tpu.assume_multiple %multiple_of3A_2014, 16 : i32
      %swap3A_2016 = arith.index_cast %scan3A_1999 : i32 to index
      %swap3A_2017 = arith.index_cast %multiple_of3A_2015 : i32 to index
      %swap3A_2018 = tpu.vector_load %arg9[%swap3A_2016, %swap3A_2017] {strides = array<i32>} : memref<16x2048xf32, #tpu.memory_space<vmem>>, vector<16xf32>,
      tpu.vector_store %arg9[%swap3A_2016, %swap3A_2017], %gather3A_2013 {strides = array<i32>} : memref<16x2048xf32, #tpu.memory_space<vmem>>, vector<16xf32>,
      %add3A_2019 = arith.constant 1952 : i32
      %add3A_2020 = vector.broadcast %add3A_2019 : i32 to vector<16xi32>
      %add3A_2021 = arith.addi %add3A_2020, %iota3A_1295 : vector<16xi32>
      %gather3A_2022 = tpu.vector_load_idx %arg8[%add3A_2021, %add3A_2002] : memref<2048x16xf32, #tpu.memory_space<vmem>>[vector<16xi32>, vector<16xi32>], vector<16xf32>,
      %multiple_of3A_2023 = arith.constant 1952 : i32
      %multiple_of3A_2024 = tpu.assume_multiple %multiple_of3A_2023, 16 : i32
      %swap3A_2025 = arith.index_cast %scan3A_1999 : i32 to index
      %swap3A_2026 = arith.index_cast %multiple_of3A_2024 : i32 to index
      %swap3A_2027 = tpu.vector_load %arg9[%swap3A_2025, %swap3A_2026] {strides = array<i32>} : memref<16x2048xf32, #tpu.memory_space<vmem>>, vector<16xf32>,
      tpu.vector_store %arg9[%swap3A_2025, %swap3A_2026], %gather3A_2022 {strides = array<i32>} : memref<16x2048xf32, #tpu.memory_space<vmem>>, vector<16xf32>,
      %add3A_2028 = arith.constant 1968 : i32
      %add3A_2029 = vector.broadcast %add3A_2028 : i32 to vector<16xi32>
      %add3A_2030 = arith.addi %add3A_2029, %iota3A_1295 : vector<16xi32>
      %gather3A_2031 = tpu.vector_load_idx %arg8[%add3A_2030, %add3A_2002] : memref<2048x16xf32, #tpu.memory_space<vmem>>[vector<16xi32>, vector<16xi32>], vector<16xf32>,
      %multiple_of3A_2032 = arith.constant 1968 : i32
      %multiple_of3A_2033 = tpu.assume_multiple %multiple_of3A_2032, 16 : i32
      %swap3A_2034 = arith.index_cast %scan3A_1999 : i32 to index
      %swap3A_2035 = arith.index_cast %multiple_of3A_2033 : i32 to index
      %swap3A_2036 = tpu.vector_load %arg9[%swap3A_2034, %swap3A_2035] {strides = array<i32>} : memref<16x2048xf32, #tpu.memory_space<vmem>>, vector<16xf32>,
      tpu.vector_store %arg9[%swap3A_2034, %swap3A_2035], %gather3A_2031 {strides = array<i32>} : memref<16x2048xf32, #tpu.memory_space<vmem>>, vector<16xf32>,
      %add3A_2037 = arith.constant 1984 : i32
      %add3A_2038 = vector.broadcast %add3A_2037 : i32 to vector<16xi32>
      %add3A_2039 = arith.addi %add3A_2038, %iota3A_1295 : vector<16xi32>
      %gather3A_2040 = tpu.vector_load_idx %arg8[%add3A_2039, %add3A_2002] : memref<2048x16xf32, #tpu.memory_space<vmem>>[vector<16xi32>, vector<16xi32>], vector<16xf32>,
      %multiple_of3A_2041 = arith.constant 1984 : i32
      %multiple_of3A_2042 = tpu.assume_multiple %multiple_of3A_2041, 16 : i32
      %swap3A_2043 = arith.index_cast %scan3A_1999 : i32 to index
      %swap3A_2044 = arith.index_cast %multiple_of3A_2042 : i32 to index
      %swap3A_2045 = tpu.vector_load %arg9[%swap3A_2043, %swap3A_2044] {strides = array<i32>} : memref<16x2048xf32, #tpu.memory_space<vmem>>, vector<16xf32>,
      tpu.vector_store %arg9[%swap3A_2043, %swap3A_2044], %gather3A_2040 {strides = array<i32>} : memref<16x2048xf32, #tpu.memory_space<vmem>>, vector<16xf32>,
      %add3A_2046 = arith.constant 2000 : i32
      %add3A_2047 = vector.broadcast %add3A_2046 : i32 to vector<16xi32>
      %add3A_2048 = arith.addi %add3A_2047, %iota3A_1295 : vector<16xi32>
      %gather3A_2049 = tpu.vector_load_idx %arg8[%add3A_2048, %add3A_2002] : memref<2048x16xf32, #tpu.memory_space<vmem>>[vector<16xi32>, vector<16xi32>], vector<16xf32>,
      %multiple_of3A_2050 = arith.constant 2000 : i32
      %multiple_of3A_2051 = tpu.assume_multiple %multiple_of3A_2050, 16 : i32
      %swap3A_2052 = arith.index_cast %scan3A_1999 : i32 to index
      %swap3A_2053 = arith.index_cast %multiple_of3A_2051 : i32 to index
      %swap3A_2054 = tpu.vector_load %arg9[%swap3A_2052, %swap3A_2053] {strides = array<i32>} : memref<16x2048xf32, #tpu.memory_space<vmem>>, vector<16xf32>,
      tpu.vector_store %arg9[%swap3A_2052, %swap3A_2053], %gather3A_2049 {strides = array<i32>} : memref<16x2048xf32, #tpu.memory_space<vmem>>, vector<16xf32>,
      %add3A_2055 = arith.constant 2016 : i32
      %add3A_2056 = vector.broadcast %add3A_2055 : i32 to vector<16xi32>
      %add3A_2057 = arith.addi %add3A_2056, %iota3A_1295 : vector<16xi32>
      %gather3A_2058 = tpu.vector_load_idx %arg8[%add3A_2057, %add3A_2002] : memref<2048x16xf32, #tpu.memory_space<vmem>>[vector<16xi32>, vector<16xi32>], vector<16xf32>,
      %multiple_of3A_2059 = arith.constant 2016 : i32
      %multiple_of3A_2060 = tpu.assume_multiple %multiple_of3A_2059, 16 : i32
      %swap3A_2061 = arith.index_cast %scan3A_1999 : i32 to index
      %swap3A_2062 = arith.index_cast %multiple_of3A_2060 : i32 to index
      %swap3A_2063 = tpu.vector_load %arg9[%swap3A_2061, %swap3A_2062] {strides = array<i32>} : memref<16x2048xf32, #tpu.memory_space<vmem>>, vector<16xf32>,
      tpu.vector_store %arg9[%swap3A_2061, %swap3A_2062], %gather3A_2058 {strides = array<i32>} : memref<16x2048xf32, #tpu.memory_space<vmem>>, vector<16xf32>,
      %add3A_2064 = arith.constant 2032 : i32
      %add3A_2065 = vector.broadcast %add3A_2064 : i32 to vector<16xi32>
      %add3A_2066 = arith.addi %add3A_2065, %iota3A_1295 : vector<16xi32>
      %gather3A_2067 = tpu.vector_load_idx %arg8[%add3A_2066, %add3A_2002] : memref<2048x16xf32, #tpu.memory_space<vmem>>[vector<16xi32>, vector<16xi32>], vector<16xf32>,
      %multiple_of3A_2068 = arith.constant 2032 : i32
      %multiple_of3A_2069 = tpu.assume_multiple %multiple_of3A_2068, 16 : i32
      %swap3A_2070 = arith.index_cast %scan3A_1999 : i32 to index
      %swap3A_2071 = arith.index_cast %multiple_of3A_2069 : i32 to index
      %swap3A_2072 = tpu.vector_load %arg9[%swap3A_2070, %swap3A_2071] {strides = array<i32>} : memref<16x2048xf32, #tpu.memory_space<vmem>>, vector<16xf32>,
      tpu.vector_store %arg9[%swap3A_2070, %swap3A_2071], %gather3A_2067 {strides = array<i32>} : memref<16x2048xf32, #tpu.memory_space<vmem>>, vector<16xf32>,
    }
    %scan3A_1550 = arith.constant 16 : i32
    %dma_start3A_1551 = arith.constant 0 : i32
    %dma_start3A_1552 = arith.constant 0 : i32
    %dma_start3A_1553 = arith.constant 0 : i32
    %dma_start3A_1554 = tpu.memref_slice %arg9[%dma_start3A_1551, %dma_start3A_1553] : memref<16x2048xf32, #tpu.memory_space<vmem>> -> memref<1x2048xf32, #tpu.memory_space<vmem>>
    %dma_start3A_1555 = tpu.memref_squeeze %dma_start3A_1554 : memref<1x2048xf32, #tpu.memory_space<vmem>> -> memref<2048xf32, #tpu.memory_space<vmem>>
    %dma_start3A_1556 = arith.constant 0 : i32
    %dma_start3A_1557 = tpu.memref_slice %arg4[%dma_start3A_1552, %add3A, %dma_start3A_1556] : memref<16x32x2048xf32, #tpu.memory_space<hbm>> -> memref<1x1x2048xf32, #tpu.memory_space<hbm>>
    %dma_start3A_1558 = tpu.memref_squeeze %dma_start3A_1557 : memref<1x1x2048xf32, #tpu.memory_space<hbm>> -> memref<2048xf32, #tpu.memory_space<hbm>>
    %dma_start3A_1559 = arith.constant 0 : i32
    %dma_start3A_1560 = tpu.memref_slice %arg4[%dma_start3A_1552, %add3A, %dma_start3A_1559] : memref<16x32x2048xf32, #tpu.memory_space<hbm>> -> memref<1x1x2048xf32, #tpu.memory_space<hbm>>
    %dma_start3A_1561 = tpu.memref_squeeze %dma_start3A_1560 : memref<1x1x2048xf32, #tpu.memory_space<hbm>> -> memref<2048xf32, #tpu.memory_space<hbm>>
    %dma_start3A_1562 = arith.constant 0 : i32
    %dma_start3A_1563 = tpu.memref_slice %arg9[%dma_start3A_1551, %dma_start3A_1562] : memref<16x2048xf32, #tpu.memory_space<vmem>> -> memref<1x2048xf32, #tpu.memory_space<vmem>>
    %dma_start3A_1564 = tpu.memref_squeeze %dma_start3A_1563 : memref<1x2048xf32, #tpu.memory_space<vmem>> -> memref<2048xf32, #tpu.memory_space<vmem>>
    tpu.enqueue_dma source(%dma_start3A_1564 : memref<2048xf32, #tpu.memory_space<vmem>>) target(%dma_start3A_1561 : memref<2048xf32, #tpu.memory_space<hbm>>) target_semaphore(%arg10 : memref<!tpu.dma_semaphore, #tpu.memory_space<semaphore_mem>>)
    %dma_start3A_1565 = arith.constant 1 : i32
    %dma_start3A_1566 = arith.constant 1 : i32
    %dma_start3A_1567 = arith.constant 0 : i32
    %dma_start3A_1568 = tpu.memref_slice %arg9[%dma_start3A_1565, %dma_start3A_1567] : memref<16x2048xf32, #tpu.memory_space<vmem>> -> memref<1x2048xf32, #tpu.memory_space<vmem>>
    %dma_start3A_1569 = tpu.memref_squeeze %dma_start3A_1568 : memref<1x2048xf32, #tpu.memory_space<vmem>> -> memref<2048xf32, #tpu.memory_space<vmem>>
    %dma_start3A_1570 = arith.constant 0 : i32
    %dma_start3A_1571 = tpu.memref_slice %arg4[%dma_start3A_1566, %add3A, %dma_start3A_1570] : memref<16x32x2048xf32, #tpu.memory_space<hbm>> -> memref<1x1x2048xf32, #tpu.memory_space<hbm>>
    %dma_start3A_1572 = tpu.memref_squeeze %dma_start3A_1571 : memref<1x1x2048xf32, #tpu.memory_space<hbm>> -> memref<2048xf32, #tpu.memory_space<hbm>>
    %dma_start3A_1573 = arith.constant 0 : i32
    %dma_start3A_1574 = tpu.memref_slice %arg4[%dma_start3A_1566, %add3A, %dma_start3A_1573] : memref<16x32x2048xf32, #tpu.memory_space<hbm>> -> memref<1x1x2048xf32, #tpu.memory_space<hbm>>
    %dma_start3A_1575 = tpu.memref_squeeze %dma_start3A_1574 : memref<1x1x2048xf32, #tpu.memory_space<hbm>> -> memref<2048xf32, #tpu.memory_space<hbm>>
    %dma_start3A_1576 = arith.constant 0 : i32
    %dma_start3A_1577 = tpu.memref_slice %arg9[%dma_start3A_1565, %dma_start3A_1576] : memref<16x2048xf32, #tpu.memory_space<vmem>> -> memref<1x2048xf32, #tpu.memory_space<vmem>>
    %dma_start3A_1578 = tpu.memref_squeeze %dma_start3A_1577 : memref<1x2048xf32, #tpu.memory_space<vmem>> -> memref<2048xf32, #tpu.memory_space<vmem>>
    tpu.enqueue_dma source(%dma_start3A_1578 : memref<2048xf32, #tpu.memory_space<vmem>>) target(%dma_start3A_1575 : memref<2048xf32, #tpu.memory_space<hbm>>) target_semaphore(%arg10 : memref<!tpu.dma_semaphore, #tpu.memory_space<semaphore_mem>>)
    %dma_start3A_1579 = arith.constant 2 : i32
    %dma_start3A_1580 = arith.constant 2 : i32
    %dma_start3A_1581 = arith.constant 0 : i32
    %dma_start3A_1582 = tpu.memref_slice %arg9[%dma_start3A_1579, %dma_start3A_1581] : memref<16x2048xf32, #tpu.memory_space<vmem>> -> memref<1x2048xf32, #tpu.memory_space<vmem>>
    %dma_start3A_1583 = tpu.memref_squeeze %dma_start3A_1582 : memref<1x2048xf32, #tpu.memory_space<vmem>> -> memref<2048xf32, #tpu.memory_space<vmem>>
    %dma_start3A_1584 = arith.constant 0 : i32
    %dma_start3A_1585 = tpu.memref_slice %arg4[%dma_start3A_1580, %add3A, %dma_start3A_1584] : memref<16x32x2048xf32, #tpu.memory_space<hbm>> -> memref<1x1x2048xf32, #tpu.memory_space<hbm>>
    %dma_start3A_1586 = tpu.memref_squeeze %dma_start3A_1585 : memref<1x1x2048xf32, #tpu.memory_space<hbm>> -> memref<2048xf32, #tpu.memory_space<hbm>>
    %dma_start3A_1587 = arith.constant 0 : i32
    %dma_start3A_1588 = tpu.memref_slice %arg4[%dma_start3A_1580, %add3A, %dma_start3A_1587] : memref<16x32x2048xf32, #tpu.memory_space<hbm>> -> memref<1x1x2048xf32, #tpu.memory_space<hbm>>
    %dma_start3A_1589 = tpu.memref_squeeze %dma_start3A_1588 : memref<1x1x2048xf32, #tpu.memory_space<hbm>> -> memref<2048xf32, #tpu.memory_space<hbm>>
    %dma_start3A_1590 = arith.constant 0 : i32
    %dma_start3A_1591 = tpu.memref_slice %arg9[%dma_start3A_1579, %dma_start3A_1590] : memref<16x2048xf32, #tpu.memory_space<vmem>> -> memref<1x2048xf32, #tpu.memory_space<vmem>>
    %dma_start3A_1592 = tpu.memref_squeeze %dma_start3A_1591 : memref<1x2048xf32, #tpu.memory_space<vmem>> -> memref<2048xf32, #tpu.memory_space<vmem>>
    tpu.enqueue_dma source(%dma_start3A_1592 : memref<2048xf32, #tpu.memory_space<vmem>>) target(%dma_start3A_1589 : memref<2048xf32, #tpu.memory_space<hbm>>) target_semaphore(%arg10 : memref<!tpu.dma_semaphore, #tpu.memory_space<semaphore_mem>>)
    %dma_start3A_1593 = arith.constant 3 : i32
    %dma_start3A_1594 = arith.constant 3 : i32
    %dma_start3A_1595 = arith.constant 0 : i32
    %dma_start3A_1596 = tpu.memref_slice %arg9[%dma_start3A_1593, %dma_start3A_1595] : memref<16x2048xf32, #tpu.memory_space<vmem>> -> memref<1x2048xf32, #tpu.memory_space<vmem>>
    %dma_start3A_1597 = tpu.memref_squeeze %dma_start3A_1596 : memref<1x2048xf32, #tpu.memory_space<vmem>> -> memref<2048xf32, #tpu.memory_space<vmem>>
    %dma_start3A_1598 = arith.constant 0 : i32
    %dma_start3A_1599 = tpu.memref_slice %arg4[%dma_start3A_1594, %add3A, %dma_start3A_1598] : memref<16x32x2048xf32, #tpu.memory_space<hbm>> -> memref<1x1x2048xf32, #tpu.memory_space<hbm>>
    %dma_start3A_1600 = tpu.memref_squeeze %dma_start3A_1599 : memref<1x1x2048xf32, #tpu.memory_space<hbm>> -> memref<2048xf32, #tpu.memory_space<hbm>>
    %dma_start3A_1601 = arith.constant 0 : i32
    %dma_start3A_1602 = tpu.memref_slice %arg4[%dma_start3A_1594, %add3A, %dma_start3A_1601] : memref<16x32x2048xf32, #tpu.memory_space<hbm>> -> memref<1x1x2048xf32, #tpu.memory_space<hbm>>
    %dma_start3A_1603 = tpu.memref_squeeze %dma_start3A_1602 : memref<1x1x2048xf32, #tpu.memory_space<hbm>> -> memref<2048xf32, #tpu.memory_space<hbm>>
    %dma_start3A_1604 = arith.constant 0 : i32
    %dma_start3A_1605 = tpu.memref_slice %arg9[%dma_start3A_1593, %dma_start3A_1604] : memref<16x2048xf32, #tpu.memory_space<vmem>> -> memref<1x2048xf32, #tpu.memory_space<vmem>>
    %dma_start3A_1606 = tpu.memref_squeeze %dma_start3A_1605 : memref<1x2048xf32, #tpu.memory_space<vmem>> -> memref<2048xf32, #tpu.memory_space<vmem>>
    tpu.enqueue_dma source(%dma_start3A_1606 : memref<2048xf32, #tpu.memory_space<vmem>>) target(%dma_start3A_1603 : memref<2048xf32, #tpu.memory_space<hbm>>) target_semaphore(%arg10 : memref<!tpu.dma_semaphore, #tpu.memory_space<semaphore_mem>>)
    %dma_start3A_1607 = arith.constant 4 : i32
    %dma_start3A_1608 = arith.constant 4 : i32
    %dma_start3A_1609 = arith.constant 0 : i32
    %dma_start3A_1610 = tpu.memref_slice %arg9[%dma_start3A_1607, %dma_start3A_1609] : memref<16x2048xf32, #tpu.memory_space<vmem>> -> memref<1x2048xf32, #tpu.memory_space<vmem>>
    %dma_start3A_1611 = tpu.memref_squeeze %dma_start3A_1610 : memref<1x2048xf32, #tpu.memory_space<vmem>> -> memref<2048xf32, #tpu.memory_space<vmem>>
    %dma_start3A_1612 = arith.constant 0 : i32
    %dma_start3A_1613 = tpu.memref_slice %arg4[%dma_start3A_1608, %add3A, %dma_start3A_1612] : memref<16x32x2048xf32, #tpu.memory_space<hbm>> -> memref<1x1x2048xf32, #tpu.memory_space<hbm>>
    %dma_start3A_1614 = tpu.memref_squeeze %dma_start3A_1613 : memref<1x1x2048xf32, #tpu.memory_space<hbm>> -> memref<2048xf32, #tpu.memory_space<hbm>>
    %dma_start3A_1615 = arith.constant 0 : i32
    %dma_start3A_1616 = tpu.memref_slice %arg4[%dma_start3A_1608, %add3A, %dma_start3A_1615] : memref<16x32x2048xf32, #tpu.memory_space<hbm>> -> memref<1x1x2048xf32, #tpu.memory_space<hbm>>
    %dma_start3A_1617 = tpu.memref_squeeze %dma_start3A_1616 : memref<1x1x2048xf32, #tpu.memory_space<hbm>> -> memref<2048xf32, #tpu.memory_space<hbm>>
    %dma_start3A_1618 = arith.constant 0 : i32
    %dma_start3A_1619 = tpu.memref_slice %arg9[%dma_start3A_1607, %dma_start3A_1618] : memref<16x2048xf32, #tpu.memory_space<vmem>> -> memref<1x2048xf32, #tpu.memory_space<vmem>>
    %dma_start3A_1620 = tpu.memref_squeeze %dma_start3A_1619 : memref<1x2048xf32, #tpu.memory_space<vmem>> -> memref<2048xf32, #tpu.memory_space<vmem>>
    tpu.enqueue_dma source(%dma_start3A_1620 : memref<2048xf32, #tpu.memory_space<vmem>>) target(%dma_start3A_1617 : memref<2048xf32, #tpu.memory_space<hbm>>) target_semaphore(%arg10 : memref<!tpu.dma_semaphore, #tpu.memory_space<semaphore_mem>>)
    %dma_start3A_1621 = arith.constant 5 : i32
    %dma_start3A_1622 = arith.constant 5 : i32
    %dma_start3A_1623 = arith.constant 0 : i32
    %dma_start3A_1624 = tpu.memref_slice %arg9[%dma_start3A_1621, %dma_start3A_1623] : memref<16x2048xf32, #tpu.memory_space<vmem>> -> memref<1x2048xf32, #tpu.memory_space<vmem>>
    %dma_start3A_1625 = tpu.memref_squeeze %dma_start3A_1624 : memref<1x2048xf32, #tpu.memory_space<vmem>> -> memref<2048xf32, #tpu.memory_space<vmem>>
    %dma_start3A_1626 = arith.constant 0 : i32
    %dma_start3A_1627 = tpu.memref_slice %arg4[%dma_start3A_1622, %add3A, %dma_start3A_1626] : memref<16x32x2048xf32, #tpu.memory_space<hbm>> -> memref<1x1x2048xf32, #tpu.memory_space<hbm>>
    %dma_start3A_1628 = tpu.memref_squeeze %dma_start3A_1627 : memref<1x1x2048xf32, #tpu.memory_space<hbm>> -> memref<2048xf32, #tpu.memory_space<hbm>>
    %dma_start3A_1629 = arith.constant 0 : i32
    %dma_start3A_1630 = tpu.memref_slice %arg4[%dma_start3A_1622, %add3A, %dma_start3A_1629] : memref<16x32x2048xf32, #tpu.memory_space<hbm>> -> memref<1x1x2048xf32, #tpu.memory_space<hbm>>
    %dma_start3A_1631 = tpu.memref_squeeze %dma_start3A_1630 : memref<1x1x2048xf32, #tpu.memory_space<hbm>> -> memref<2048xf32, #tpu.memory_space<hbm>>
    %dma_start3A_1632 = arith.constant 0 : i32
    %dma_start3A_1633 = tpu.memref_slice %arg9[%dma_start3A_1621, %dma_start3A_1632] : memref<16x2048xf32, #tpu.memory_space<vmem>> -> memref<1x2048xf32, #tpu.memory_space<vmem>>
    %dma_start3A_1634 = tpu.memref_squeeze %dma_start3A_1633 : memref<1x2048xf32, #tpu.memory_space<vmem>> -> memref<2048xf32, #tpu.memory_space<vmem>>
    tpu.enqueue_dma source(%dma_start3A_1634 : memref<2048xf32, #tpu.memory_space<vmem>>) target(%dma_start3A_1631 : memref<2048xf32, #tpu.memory_space<hbm>>) target_semaphore(%arg10 : memref<!tpu.dma_semaphore, #tpu.memory_space<semaphore_mem>>)
    %dma_start3A_1635 = arith.constant 6 : i32
    %dma_start3A_1636 = arith.constant 6 : i32
    %dma_start3A_1637 = arith.constant 0 : i32
    %dma_start3A_1638 = tpu.memref_slice %arg9[%dma_start3A_1635, %dma_start3A_1637] : memref<16x2048xf32, #tpu.memory_space<vmem>> -> memref<1x2048xf32, #tpu.memory_space<vmem>>
    %dma_start3A_1639 = tpu.memref_squeeze %dma_start3A_1638 : memref<1x2048xf32, #tpu.memory_space<vmem>> -> memref<2048xf32, #tpu.memory_space<vmem>>
    %dma_start3A_1640 = arith.constant 0 : i32
    %dma_start3A_1641 = tpu.memref_slice %arg4[%dma_start3A_1636, %add3A, %dma_start3A_1640] : memref<16x32x2048xf32, #tpu.memory_space<hbm>> -> memref<1x1x2048xf32, #tpu.memory_space<hbm>>
    %dma_start3A_1642 = tpu.memref_squeeze %dma_start3A_1641 : memref<1x1x2048xf32, #tpu.memory_space<hbm>> -> memref<2048xf32, #tpu.memory_space<hbm>>
    %dma_start3A_1643 = arith.constant 0 : i32
    %dma_start3A_1644 = tpu.memref_slice %arg4[%dma_start3A_1636, %add3A, %dma_start3A_1643] : memref<16x32x2048xf32, #tpu.memory_space<hbm>> -> memref<1x1x2048xf32, #tpu.memory_space<hbm>>
    %dma_start3A_1645 = tpu.memref_squeeze %dma_start3A_1644 : memref<1x1x2048xf32, #tpu.memory_space<hbm>> -> memref<2048xf32, #tpu.memory_space<hbm>>
    %dma_start3A_1646 = arith.constant 0 : i32
    %dma_start3A_1647 = tpu.memref_slice %arg9[%dma_start3A_1635, %dma_start3A_1646] : memref<16x2048xf32, #tpu.memory_space<vmem>> -> memref<1x2048xf32, #tpu.memory_space<vmem>>
    %dma_start3A_1648 = tpu.memref_squeeze %dma_start3A_1647 : memref<1x2048xf32, #tpu.memory_space<vmem>> -> memref<2048xf32, #tpu.memory_space<vmem>>
    tpu.enqueue_dma source(%dma_start3A_1648 : memref<2048xf32, #tpu.memory_space<vmem>>) target(%dma_start3A_1645 : memref<2048xf32, #tpu.memory_space<hbm>>) target_semaphore(%arg10 : memref<!tpu.dma_semaphore, #tpu.memory_space<semaphore_mem>>)
    %dma_start3A_1649 = arith.constant 7 : i32
    %dma_start3A_1650 = arith.constant 7 : i32
    %dma_start3A_1651 = arith.constant 0 : i32
    %dma_start3A_1652 = tpu.memref_slice %arg9[%dma_start3A_1649, %dma_start3A_1651] : memref<16x2048xf32, #tpu.memory_space<vmem>> -> memref<1x2048xf32, #tpu.memory_space<vmem>>
    %dma_start3A_1653 = tpu.memref_squeeze %dma_start3A_1652 : memref<1x2048xf32, #tpu.memory_space<vmem>> -> memref<2048xf32, #tpu.memory_space<vmem>>
    %dma_start3A_1654 = arith.constant 0 : i32
    %dma_start3A_1655 = tpu.memref_slice %arg4[%dma_start3A_1650, %add3A, %dma_start3A_1654] : memref<16x32x2048xf32, #tpu.memory_space<hbm>> -> memref<1x1x2048xf32, #tpu.memory_space<hbm>>
    %dma_start3A_1656 = tpu.memref_squeeze %dma_start3A_1655 : memref<1x1x2048xf32, #tpu.memory_space<hbm>> -> memref<2048xf32, #tpu.memory_space<hbm>>
    %dma_start3A_1657 = arith.constant 0 : i32
    %dma_start3A_1658 = tpu.memref_slice %arg4[%dma_start3A_1650, %add3A, %dma_start3A_1657] : memref<16x32x2048xf32, #tpu.memory_space<hbm>> -> memref<1x1x2048xf32, #tpu.memory_space<hbm>>
    %dma_start3A_1659 = tpu.memref_squeeze %dma_start3A_1658 : memref<1x1x2048xf32, #tpu.memory_space<hbm>> -> memref<2048xf32, #tpu.memory_space<hbm>>
    %dma_start3A_1660 = arith.constant 0 : i32
    %dma_start3A_1661 = tpu.memref_slice %arg9[%dma_start3A_1649, %dma_start3A_1660] : memref<16x2048xf32, #tpu.memory_space<vmem>> -> memref<1x2048xf32, #tpu.memory_space<vmem>>
    %dma_start3A_1662 = tpu.memref_squeeze %dma_start3A_1661 : memref<1x2048xf32, #tpu.memory_space<vmem>> -> memref<2048xf32, #tpu.memory_space<vmem>>
    tpu.enqueue_dma source(%dma_start3A_1662 : memref<2048xf32, #tpu.memory_space<vmem>>) target(%dma_start3A_1659 : memref<2048xf32, #tpu.memory_space<hbm>>) target_semaphore(%arg10 : memref<!tpu.dma_semaphore, #tpu.memory_space<semaphore_mem>>)
    %dma_start3A_1663 = arith.constant 8 : i32
    %dma_start3A_1664 = arith.constant 8 : i32
    %dma_start3A_1665 = arith.constant 0 : i32
    %dma_start3A_1666 = tpu.memref_slice %arg9[%dma_start3A_1663, %dma_start3A_1665] : memref<16x2048xf32, #tpu.memory_space<vmem>> -> memref<1x2048xf32, #tpu.memory_space<vmem>>
    %dma_start3A_1667 = tpu.memref_squeeze %dma_start3A_1666 : memref<1x2048xf32, #tpu.memory_space<vmem>> -> memref<2048xf32, #tpu.memory_space<vmem>>
    %dma_start3A_1668 = arith.constant 0 : i32
    %dma_start3A_1669 = tpu.memref_slice %arg4[%dma_start3A_1664, %add3A, %dma_start3A_1668] : memref<16x32x2048xf32, #tpu.memory_space<hbm>> -> memref<1x1x2048xf32, #tpu.memory_space<hbm>>
    %dma_start3A_1670 = tpu.memref_squeeze %dma_start3A_1669 : memref<1x1x2048xf32, #tpu.memory_space<hbm>> -> memref<2048xf32, #tpu.memory_space<hbm>>
    %dma_start3A_1671 = arith.constant 0 : i32
    %dma_start3A_1672 = tpu.memref_slice %arg4[%dma_start3A_1664, %add3A, %dma_start3A_1671] : memref<16x32x2048xf32, #tpu.memory_space<hbm>> -> memref<1x1x2048xf32, #tpu.memory_space<hbm>>
    %dma_start3A_1673 = tpu.memref_squeeze %dma_start3A_1672 : memref<1x1x2048xf32, #tpu.memory_space<hbm>> -> memref<2048xf32, #tpu.memory_space<hbm>>
    %dma_start3A_1674 = arith.constant 0 : i32
    %dma_start3A_1675 = tpu.memref_slice %arg9[%dma_start3A_1663, %dma_start3A_1674] : memref<16x2048xf32, #tpu.memory_space<vmem>> -> memref<1x2048xf32, #tpu.memory_space<vmem>>
    %dma_start3A_1676 = tpu.memref_squeeze %dma_start3A_1675 : memref<1x2048xf32, #tpu.memory_space<vmem>> -> memref<2048xf32, #tpu.memory_space<vmem>>
    tpu.enqueue_dma source(%dma_start3A_1676 : memref<2048xf32, #tpu.memory_space<vmem>>) target(%dma_start3A_1673 : memref<2048xf32, #tpu.memory_space<hbm>>) target_semaphore(%arg10 : memref<!tpu.dma_semaphore, #tpu.memory_space<semaphore_mem>>)
    %dma_start3A_1677 = arith.constant 9 : i32
    %dma_start3A_1678 = arith.constant 9 : i32
    %dma_start3A_1679 = arith.constant 0 : i32
    %dma_start3A_1680 = tpu.memref_slice %arg9[%dma_start3A_1677, %dma_start3A_1679] : memref<16x2048xf32, #tpu.memory_space<vmem>> -> memref<1x2048xf32, #tpu.memory_space<vmem>>
    %dma_start3A_1681 = tpu.memref_squeeze %dma_start3A_1680 : memref<1x2048xf32, #tpu.memory_space<vmem>> -> memref<2048xf32, #tpu.memory_space<vmem>>
    %dma_start3A_1682 = arith.constant 0 : i32
    %dma_start3A_1683 = tpu.memref_slice %arg4[%dma_start3A_1678, %add3A, %dma_start3A_1682] : memref<16x32x2048xf32, #tpu.memory_space<hbm>> -> memref<1x1x2048xf32, #tpu.memory_space<hbm>>
    %dma_start3A_1684 = tpu.memref_squeeze %dma_start3A_1683 : memref<1x1x2048xf32, #tpu.memory_space<hbm>> -> memref<2048xf32, #tpu.memory_space<hbm>>
    %dma_start3A_1685 = arith.constant 0 : i32
    %dma_start3A_1686 = tpu.memref_slice %arg4[%dma_start3A_1678, %add3A, %dma_start3A_1685] : memref<16x32x2048xf32, #tpu.memory_space<hbm>> -> memref<1x1x2048xf32, #tpu.memory_space<hbm>>
    %dma_start3A_1687 = tpu.memref_squeeze %dma_start3A_1686 : memref<1x1x2048xf32, #tpu.memory_space<hbm>> -> memref<2048xf32, #tpu.memory_space<hbm>>
    %dma_start3A_1688 = arith.constant 0 : i32
    %dma_start3A_1689 = tpu.memref_slice %arg9[%dma_start3A_1677, %dma_start3A_1688] : memref<16x2048xf32, #tpu.memory_space<vmem>> -> memref<1x2048xf32, #tpu.memory_space<vmem>>
    %dma_start3A_1690 = tpu.memref_squeeze %dma_start3A_1689 : memref<1x2048xf32, #tpu.memory_space<vmem>> -> memref<2048xf32, #tpu.memory_space<vmem>>
    tpu.enqueue_dma source(%dma_start3A_1690 : memref<2048xf32, #tpu.memory_space<vmem>>) target(%dma_start3A_1687 : memref<2048xf32, #tpu.memory_space<hbm>>) target_semaphore(%arg10 : memref<!tpu.dma_semaphore, #tpu.memory_space<semaphore_mem>>)
    %dma_start3A_1691 = arith.constant 10 : i32
    %dma_start3A_1692 = arith.constant 10 : i32
    %dma_start3A_1693 = arith.constant 0 : i32
    %dma_start3A_1694 = tpu.memref_slice %arg9[%dma_start3A_1691, %dma_start3A_1693] : memref<16x2048xf32, #tpu.memory_space<vmem>> -> memref<1x2048xf32, #tpu.memory_space<vmem>>
    %dma_start3A_1695 = tpu.memref_squeeze %dma_start3A_1694 : memref<1x2048xf32, #tpu.memory_space<vmem>> -> memref<2048xf32, #tpu.memory_space<vmem>>
    %dma_start3A_1696 = arith.constant 0 : i32
    %dma_start3A_1697 = tpu.memref_slice %arg4[%dma_start3A_1692, %add3A, %dma_start3A_1696] : memref<16x32x2048xf32, #tpu.memory_space<hbm>> -> memref<1x1x2048xf32, #tpu.memory_space<hbm>>
    %dma_start3A_1698 = tpu.memref_squeeze %dma_start3A_1697 : memref<1x1x2048xf32, #tpu.memory_space<hbm>> -> memref<2048xf32, #tpu.memory_space<hbm>>
    %dma_start3A_1699 = arith.constant 0 : i32
    %dma_start3A_1700 = tpu.memref_slice %arg4[%dma_start3A_1692, %add3A, %dma_start3A_1699] : memref<16x32x2048xf32, #tpu.memory_space<hbm>> -> memref<1x1x2048xf32, #tpu.memory_space<hbm>>
    %dma_start3A_1701 = tpu.memref_squeeze %dma_start3A_1700 : memref<1x1x2048xf32, #tpu.memory_space<hbm>> -> memref<2048xf32, #tpu.memory_space<hbm>>
    %dma_start3A_1702 = arith.constant 0 : i32
    %dma_start3A_1703 = tpu.memref_slice %arg9[%dma_start3A_1691, %dma_start3A_1702] : memref<16x2048xf32, #tpu.memory_space<vmem>> -> memref<1x2048xf32, #tpu.memory_space<vmem>>
    %dma_start3A_1704 = tpu.memref_squeeze %dma_start3A_1703 : memref<1x2048xf32, #tpu.memory_space<vmem>> -> memref<2048xf32, #tpu.memory_space<vmem>>
    tpu.enqueue_dma source(%dma_start3A_1704 : memref<2048xf32, #tpu.memory_space<vmem>>) target(%dma_start3A_1701 : memref<2048xf32, #tpu.memory_space<hbm>>) target_semaphore(%arg10 : memref<!tpu.dma_semaphore, #tpu.memory_space<semaphore_mem>>)
    %dma_start3A_1705 = arith.constant 11 : i32
    %dma_start3A_1706 = arith.constant 11 : i32
    %dma_start3A_1707 = arith.constant 0 : i32
    %dma_start3A_1708 = tpu.memref_slice %arg9[%dma_start3A_1705, %dma_start3A_1707] : memref<16x2048xf32, #tpu.memory_space<vmem>> -> memref<1x2048xf32, #tpu.memory_space<vmem>>
    %dma_start3A_1709 = tpu.memref_squeeze %dma_start3A_1708 : memref<1x2048xf32, #tpu.memory_space<vmem>> -> memref<2048xf32, #tpu.memory_space<vmem>>
    %dma_start3A_1710 = arith.constant 0 : i32
    %dma_start3A_1711 = tpu.memref_slice %arg4[%dma_start3A_1706, %add3A, %dma_start3A_1710] : memref<16x32x2048xf32, #tpu.memory_space<hbm>> -> memref<1x1x2048xf32, #tpu.memory_space<hbm>>
    %dma_start3A_1712 = tpu.memref_squeeze %dma_start3A_1711 : memref<1x1x2048xf32, #tpu.memory_space<hbm>> -> memref<2048xf32, #tpu.memory_space<hbm>>
    %dma_start3A_1713 = arith.constant 0 : i32
    %dma_start3A_1714 = tpu.memref_slice %arg4[%dma_start3A_1706, %add3A, %dma_start3A_1713] : memref<16x32x2048xf32, #tpu.memory_space<hbm>> -> memref<1x1x2048xf32, #tpu.memory_space<hbm>>
    %dma_start3A_1715 = tpu.memref_squeeze %dma_start3A_1714 : memref<1x1x2048xf32, #tpu.memory_space<hbm>> -> memref<2048xf32, #tpu.memory_space<hbm>>
    %dma_start3A_1716 = arith.constant 0 : i32
    %dma_start3A_1717 = tpu.memref_slice %arg9[%dma_start3A_1705, %dma_start3A_1716] : memref<16x2048xf32, #tpu.memory_space<vmem>> -> memref<1x2048xf32, #tpu.memory_space<vmem>>
    %dma_start3A_1718 = tpu.memref_squeeze %dma_start3A_1717 : memref<1x2048xf32, #tpu.memory_space<vmem>> -> memref<2048xf32, #tpu.memory_space<vmem>>
    tpu.enqueue_dma source(%dma_start3A_1718 : memref<2048xf32, #tpu.memory_space<vmem>>) target(%dma_start3A_1715 : memref<2048xf32, #tpu.memory_space<hbm>>) target_semaphore(%arg10 : memref<!tpu.dma_semaphore, #tpu.memory_space<semaphore_mem>>)
    %dma_start3A_1719 = arith.constant 12 : i32
    %dma_start3A_1720 = arith.constant 12 : i32
    %dma_start3A_1721 = arith.constant 0 : i32
    %dma_start3A_1722 = tpu.memref_slice %arg9[%dma_start3A_1719, %dma_start3A_1721] : memref<16x2048xf32, #tpu.memory_space<vmem>> -> memref<1x2048xf32, #tpu.memory_space<vmem>>
    %dma_start3A_1723 = tpu.memref_squeeze %dma_start3A_1722 : memref<1x2048xf32, #tpu.memory_space<vmem>> -> memref<2048xf32, #tpu.memory_space<vmem>>
    %dma_start3A_1724 = arith.constant 0 : i32
    %dma_start3A_1725 = tpu.memref_slice %arg4[%dma_start3A_1720, %add3A, %dma_start3A_1724] : memref<16x32x2048xf32, #tpu.memory_space<hbm>> -> memref<1x1x2048xf32, #tpu.memory_space<hbm>>
    %dma_start3A_1726 = tpu.memref_squeeze %dma_start3A_1725 : memref<1x1x2048xf32, #tpu.memory_space<hbm>> -> memref<2048xf32, #tpu.memory_space<hbm>>
    %dma_start3A_1727 = arith.constant 0 : i32
    %dma_start3A_1728 = tpu.memref_slice %arg4[%dma_start3A_1720, %add3A, %dma_start3A_1727] : memref<16x32x2048xf32, #tpu.memory_space<hbm>> -> memref<1x1x2048xf32, #tpu.memory_space<hbm>>
    %dma_start3A_1729 = tpu.memref_squeeze %dma_start3A_1728 : memref<1x1x2048xf32, #tpu.memory_space<hbm>> -> memref<2048xf32, #tpu.memory_space<hbm>>
    %dma_start3A_1730 = arith.constant 0 : i32
    %dma_start3A_1731 = tpu.memref_slice %arg9[%dma_start3A_1719, %dma_start3A_1730] : memref<16x2048xf32, #tpu.memory_space<vmem>> -> memref<1x2048xf32, #tpu.memory_space<vmem>>
    %dma_start3A_1732 = tpu.memref_squeeze %dma_start3A_1731 : memref<1x2048xf32, #tpu.memory_space<vmem>> -> memref<2048xf32, #tpu.memory_space<vmem>>
    tpu.enqueue_dma source(%dma_start3A_1732 : memref<2048xf32, #tpu.memory_space<vmem>>) target(%dma_start3A_1729 : memref<2048xf32, #tpu.memory_space<hbm>>) target_semaphore(%arg10 : memref<!tpu.dma_semaphore, #tpu.memory_space<semaphore_mem>>)
    %dma_start3A_1733 = arith.constant 13 : i32
    %dma_start3A_1734 = arith.constant 13 : i32
    %dma_start3A_1735 = arith.constant 0 : i32
    %dma_start3A_1736 = tpu.memref_slice %arg9[%dma_start3A_1733, %dma_start3A_1735] : memref<16x2048xf32, #tpu.memory_space<vmem>> -> memref<1x2048xf32, #tpu.memory_space<vmem>>
    %dma_start3A_1737 = tpu.memref_squeeze %dma_start3A_1736 : memref<1x2048xf32, #tpu.memory_space<vmem>> -> memref<2048xf32, #tpu.memory_space<vmem>>
    %dma_start3A_1738 = arith.constant 0 : i32
    %dma_start3A_1739 = tpu.memref_slice %arg4[%dma_start3A_1734, %add3A, %dma_start3A_1738] : memref<16x32x2048xf32, #tpu.memory_space<hbm>> -> memref<1x1x2048xf32, #tpu.memory_space<hbm>>
    %dma_start3A_1740 = tpu.memref_squeeze %dma_start3A_1739 : memref<1x1x2048xf32, #tpu.memory_space<hbm>> -> memref<2048xf32, #tpu.memory_space<hbm>>
    %dma_start3A_1741 = arith.constant 0 : i32
    %dma_start3A_1742 = tpu.memref_slice %arg4[%dma_start3A_1734, %add3A, %dma_start3A_1741] : memref<16x32x2048xf32, #tpu.memory_space<hbm>> -> memref<1x1x2048xf32, #tpu.memory_space<hbm>>
    %dma_start3A_1743 = tpu.memref_squeeze %dma_start3A_1742 : memref<1x1x2048xf32, #tpu.memory_space<hbm>> -> memref<2048xf32, #tpu.memory_space<hbm>>
    %dma_start3A_1744 = arith.constant 0 : i32
    %dma_start3A_1745 = tpu.memref_slice %arg9[%dma_start3A_1733, %dma_start3A_1744] : memref<16x2048xf32, #tpu.memory_space<vmem>> -> memref<1x2048xf32, #tpu.memory_space<vmem>>
    %dma_start3A_1746 = tpu.memref_squeeze %dma_start3A_1745 : memref<1x2048xf32, #tpu.memory_space<vmem>> -> memref<2048xf32, #tpu.memory_space<vmem>>
    tpu.enqueue_dma source(%dma_start3A_1746 : memref<2048xf32, #tpu.memory_space<vmem>>) target(%dma_start3A_1743 : memref<2048xf32, #tpu.memory_space<hbm>>) target_semaphore(%arg10 : memref<!tpu.dma_semaphore, #tpu.memory_space<semaphore_mem>>)
    %dma_start3A_1747 = arith.constant 14 : i32
    %dma_start3A_1748 = arith.constant 14 : i32
    %dma_start3A_1749 = arith.constant 0 : i32
    %dma_start3A_1750 = tpu.memref_slice %arg9[%dma_start3A_1747, %dma_start3A_1749] : memref<16x2048xf32, #tpu.memory_space<vmem>> -> memref<1x2048xf32, #tpu.memory_space<vmem>>
    %dma_start3A_1751 = tpu.memref_squeeze %dma_start3A_1750 : memref<1x2048xf32, #tpu.memory_space<vmem>> -> memref<2048xf32, #tpu.memory_space<vmem>>
    %dma_start3A_1752 = arith.constant 0 : i32
    %dma_start3A_1753 = tpu.memref_slice %arg4[%dma_start3A_1748, %add3A, %dma_start3A_1752] : memref<16x32x2048xf32, #tpu.memory_space<hbm>> -> memref<1x1x2048xf32, #tpu.memory_space<hbm>>
    %dma_start3A_1754 = tpu.memref_squeeze %dma_start3A_1753 : memref<1x1x2048xf32, #tpu.memory_space<hbm>> -> memref<2048xf32, #tpu.memory_space<hbm>>
    %dma_start3A_1755 = arith.constant 0 : i32
    %dma_start3A_1756 = tpu.memref_slice %arg4[%dma_start3A_1748, %add3A, %dma_start3A_1755] : memref<16x32x2048xf32, #tpu.memory_space<hbm>> -> memref<1x1x2048xf32, #tpu.memory_space<hbm>>
    %dma_start3A_1757 = tpu.memref_squeeze %dma_start3A_1756 : memref<1x1x2048xf32, #tpu.memory_space<hbm>> -> memref<2048xf32, #tpu.memory_space<hbm>>
    %dma_start3A_1758 = arith.constant 0 : i32
    %dma_start3A_1759 = tpu.memref_slice %arg9[%dma_start3A_1747, %dma_start3A_1758] : memref<16x2048xf32, #tpu.memory_space<vmem>> -> memref<1x2048xf32, #tpu.memory_space<vmem>>
    %dma_start3A_1760 = tpu.memref_squeeze %dma_start3A_1759 : memref<1x2048xf32, #tpu.memory_space<vmem>> -> memref<2048xf32, #tpu.memory_space<vmem>>
    tpu.enqueue_dma source(%dma_start3A_1760 : memref<2048xf32, #tpu.memory_space<vmem>>) target(%dma_start3A_1757 : memref<2048xf32, #tpu.memory_space<hbm>>) target_semaphore(%arg10 : memref<!tpu.dma_semaphore, #tpu.memory_space<semaphore_mem>>)
    %dma_start3A_1761 = arith.constant 15 : i32
    %dma_start3A_1762 = arith.constant 15 : i32
    %dma_start3A_1763 = arith.constant 0 : i32
    %dma_start3A_1764 = tpu.memref_slice %arg9[%dma_start3A_1761, %dma_start3A_1763] : memref<16x2048xf32, #tpu.memory_space<vmem>> -> memref<1x2048xf32, #tpu.memory_space<vmem>>
    %dma_start3A_1765 = tpu.memref_squeeze %dma_start3A_1764 : memref<1x2048xf32, #tpu.memory_space<vmem>> -> memref<2048xf32, #tpu.memory_space<vmem>>
    %dma_start3A_1766 = arith.constant 0 : i32
    %dma_start3A_1767 = tpu.memref_slice %arg4[%dma_start3A_1762, %add3A, %dma_start3A_1766] : memref<16x32x2048xf32, #tpu.memory_space<hbm>> -> memref<1x1x2048xf32, #tpu.memory_space<hbm>>
    %dma_start3A_1768 = tpu.memref_squeeze %dma_start3A_1767 : memref<1x1x2048xf32, #tpu.memory_space<hbm>> -> memref<2048xf32, #tpu.memory_space<hbm>>
    %dma_start3A_1769 = arith.constant 0 : i32
    %dma_start3A_1770 = tpu.memref_slice %arg4[%dma_start3A_1762, %add3A, %dma_start3A_1769] : memref<16x32x2048xf32, #tpu.memory_space<hbm>> -> memref<1x1x2048xf32, #tpu.memory_space<hbm>>
    %dma_start3A_1771 = tpu.memref_squeeze %dma_start3A_1770 : memref<1x1x2048xf32, #tpu.memory_space<hbm>> -> memref<2048xf32, #tpu.memory_space<hbm>>
    %dma_start3A_1772 = arith.constant 0 : i32
    %dma_start3A_1773 = tpu.memref_slice %arg9[%dma_start3A_1761, %dma_start3A_1772] : memref<16x2048xf32, #tpu.memory_space<vmem>> -> memref<1x2048xf32, #tpu.memory_space<vmem>>
    %dma_start3A_1774 = tpu.memref_squeeze %dma_start3A_1773 : memref<1x2048xf32, #tpu.memory_space<vmem>> -> memref<2048xf32, #tpu.memory_space<vmem>>
    tpu.enqueue_dma source(%dma_start3A_1774 : memref<2048xf32, #tpu.memory_space<vmem>>) target(%dma_start3A_1771 : memref<2048xf32, #tpu.memory_space<hbm>>) target_semaphore(%arg10 : memref<!tpu.dma_semaphore, #tpu.memory_space<semaphore_mem>>)
    %dma_wait3A_1775 = arith.constant 0 : i32
    %dma_wait3A_1776 = arith.constant 0 : i32
    %dma_wait3A_1777 = arith.constant 0 : i32
    %dma_wait3A_1778 = tpu.memref_slice %arg9[%dma_wait3A_1775, %dma_wait3A_1777] : memref<16x2048xf32, #tpu.memory_space<vmem>> -> memref<1x2048xf32, #tpu.memory_space<vmem>>
    %dma_wait3A_1779 = tpu.memref_squeeze %dma_wait3A_1778 : memref<1x2048xf32, #tpu.memory_space<vmem>> -> memref<2048xf32, #tpu.memory_space<vmem>>
    %dma_wait3A_1780 = arith.constant 0 : i32
    %dma_wait3A_1781 = tpu.memref_slice %arg4[%dma_wait3A_1776, %add3A, %dma_wait3A_1780] : memref<16x32x2048xf32, #tpu.memory_space<hbm>> -> memref<1x1x2048xf32, #tpu.memory_space<hbm>>
    %dma_wait3A_1782 = tpu.memref_squeeze %dma_wait3A_1781 : memref<1x1x2048xf32, #tpu.memory_space<hbm>> -> memref<2048xf32, #tpu.memory_space<hbm>>
    %dma_wait3A_1783 = arith.constant 0 : i32
    %dma_wait3A_1784 = tpu.memref_slice %arg4[%dma_wait3A_1776, %add3A, %dma_wait3A_1783] : memref<16x32x2048xf32, #tpu.memory_space<hbm>> -> memref<1x1x2048xf32, #tpu.memory_space<hbm>>
    %dma_wait3A_1785 = tpu.memref_squeeze %dma_wait3A_1784 : memref<1x1x2048xf32, #tpu.memory_space<hbm>> -> memref<2048xf32, #tpu.memory_space<hbm>>
    %dma_wait3A_1786 = arith.constant 0 : i32
    %dma_wait3A_1787 = tpu.memref_slice %arg9[%dma_wait3A_1775, %dma_wait3A_1786] : memref<16x2048xf32, #tpu.memory_space<vmem>> -> memref<1x2048xf32, #tpu.memory_space<vmem>>
    %dma_wait3A_1788 = tpu.memref_squeeze %dma_wait3A_1787 : memref<1x2048xf32, #tpu.memory_space<vmem>> -> memref<2048xf32, #tpu.memory_space<vmem>>
    tpu.wait_dma2 semaphore(%arg10 : memref<!tpu.dma_semaphore, #tpu.memory_space<semaphore_mem>>) src(%dma_wait3A_1788 : memref<2048xf32, #tpu.memory_space<vmem>>) dst(%dma_wait3A_1785 : memref<2048xf32, #tpu.memory_space<hbm>>)
    %dma_wait3A_1789 = arith.constant 1 : i32
    %dma_wait3A_1790 = arith.constant 1 : i32
    %dma_wait3A_1791 = arith.constant 0 : i32
    %dma_wait3A_1792 = tpu.memref_slice %arg9[%dma_wait3A_1789, %dma_wait3A_1791] : memref<16x2048xf32, #tpu.memory_space<vmem>> -> memref<1x2048xf32, #tpu.memory_space<vmem>>
    %dma_wait3A_1793 = tpu.memref_squeeze %dma_wait3A_1792 : memref<1x2048xf32, #tpu.memory_space<vmem>> -> memref<2048xf32, #tpu.memory_space<vmem>>
    %dma_wait3A_1794 = arith.constant 0 : i32
    %dma_wait3A_1795 = tpu.memref_slice %arg4[%dma_wait3A_1790, %add3A, %dma_wait3A_1794] : memref<16x32x2048xf32, #tpu.memory_space<hbm>> -> memref<1x1x2048xf32, #tpu.memory_space<hbm>>
    %dma_wait3A_1796 = tpu.memref_squeeze %dma_wait3A_1795 : memref<1x1x2048xf32, #tpu.memory_space<hbm>> -> memref<2048xf32, #tpu.memory_space<hbm>>
    %dma_wait3A_1797 = arith.constant 0 : i32
    %dma_wait3A_1798 = tpu.memref_slice %arg4[%dma_wait3A_1790, %add3A, %dma_wait3A_1797] : memref<16x32x2048xf32, #tpu.memory_space<hbm>> -> memref<1x1x2048xf32, #tpu.memory_space<hbm>>
    %dma_wait3A_1799 = tpu.memref_squeeze %dma_wait3A_1798 : memref<1x1x2048xf32, #tpu.memory_space<hbm>> -> memref<2048xf32, #tpu.memory_space<hbm>>
    %dma_wait3A_1800 = arith.constant 0 : i32
    %dma_wait3A_1801 = tpu.memref_slice %arg9[%dma_wait3A_1789, %dma_wait3A_1800] : memref<16x2048xf32, #tpu.memory_space<vmem>> -> memref<1x2048xf32, #tpu.memory_space<vmem>>
    %dma_wait3A_1802 = tpu.memref_squeeze %dma_wait3A_1801 : memref<1x2048xf32, #tpu.memory_space<vmem>> -> memref<2048xf32, #tpu.memory_space<vmem>>
    tpu.wait_dma2 semaphore(%arg10 : memref<!tpu.dma_semaphore, #tpu.memory_space<semaphore_mem>>) src(%dma_wait3A_1802 : memref<2048xf32, #tpu.memory_space<vmem>>) dst(%dma_wait3A_1799 : memref<2048xf32, #tpu.memory_space<hbm>>)
    %dma_wait3A_1803 = arith.constant 2 : i32
    %dma_wait3A_1804 = arith.constant 2 : i32
    %dma_wait3A_1805 = arith.constant 0 : i32
    %dma_wait3A_1806 = tpu.memref_slice %arg9[%dma_wait3A_1803, %dma_wait3A_1805] : memref<16x2048xf32, #tpu.memory_space<vmem>> -> memref<1x2048xf32, #tpu.memory_space<vmem>>
    %dma_wait3A_1807 = tpu.memref_squeeze %dma_wait3A_1806 : memref<1x2048xf32, #tpu.memory_space<vmem>> -> memref<2048xf32, #tpu.memory_space<vmem>>
    %dma_wait3A_1808 = arith.constant 0 : i32
    %dma_wait3A_1809 = tpu.memref_slice %arg4[%dma_wait3A_1804, %add3A, %dma_wait3A_1808] : memref<16x32x2048xf32, #tpu.memory_space<hbm>> -> memref<1x1x2048xf32, #tpu.memory_space<hbm>>
    %dma_wait3A_1810 = tpu.memref_squeeze %dma_wait3A_1809 : memref<1x1x2048xf32, #tpu.memory_space<hbm>> -> memref<2048xf32, #tpu.memory_space<hbm>>
    %dma_wait3A_1811 = arith.constant 0 : i32
    %dma_wait3A_1812 = tpu.memref_slice %arg4[%dma_wait3A_1804, %add3A, %dma_wait3A_1811] : memref<16x32x2048xf32, #tpu.memory_space<hbm>> -> memref<1x1x2048xf32, #tpu.memory_space<hbm>>
    %dma_wait3A_1813 = tpu.memref_squeeze %dma_wait3A_1812 : memref<1x1x2048xf32, #tpu.memory_space<hbm>> -> memref<2048xf32, #tpu.memory_space<hbm>>
    %dma_wait3A_1814 = arith.constant 0 : i32
    %dma_wait3A_1815 = tpu.memref_slice %arg9[%dma_wait3A_1803, %dma_wait3A_1814] : memref<16x2048xf32, #tpu.memory_space<vmem>> -> memref<1x2048xf32, #tpu.memory_space<vmem>>
    %dma_wait3A_1816 = tpu.memref_squeeze %dma_wait3A_1815 : memref<1x2048xf32, #tpu.memory_space<vmem>> -> memref<2048xf32, #tpu.memory_space<vmem>>
    tpu.wait_dma2 semaphore(%arg10 : memref<!tpu.dma_semaphore, #tpu.memory_space<semaphore_mem>>) src(%dma_wait3A_1816 : memref<2048xf32, #tpu.memory_space<vmem>>) dst(%dma_wait3A_1813 : memref<2048xf32, #tpu.memory_space<hbm>>)
    %dma_wait3A_1817 = arith.constant 3 : i32
    %dma_wait3A_1818 = arith.constant 3 : i32
    %dma_wait3A_1819 = arith.constant 0 : i32
    %dma_wait3A_1820 = tpu.memref_slice %arg9[%dma_wait3A_1817, %dma_wait3A_1819] : memref<16x2048xf32, #tpu.memory_space<vmem>> -> memref<1x2048xf32, #tpu.memory_space<vmem>>
    %dma_wait3A_1821 = tpu.memref_squeeze %dma_wait3A_1820 : memref<1x2048xf32, #tpu.memory_space<vmem>> -> memref<2048xf32, #tpu.memory_space<vmem>>
    %dma_wait3A_1822 = arith.constant 0 : i32
    %dma_wait3A_1823 = tpu.memref_slice %arg4[%dma_wait3A_1818, %add3A, %dma_wait3A_1822] : memref<16x32x2048xf32, #tpu.memory_space<hbm>> -> memref<1x1x2048xf32, #tpu.memory_space<hbm>>
    %dma_wait3A_1824 = tpu.memref_squeeze %dma_wait3A_1823 : memref<1x1x2048xf32, #tpu.memory_space<hbm>> -> memref<2048xf32, #tpu.memory_space<hbm>>
    %dma_wait3A_1825 = arith.constant 0 : i32
    %dma_wait3A_1826 = tpu.memref_slice %arg4[%dma_wait3A_1818, %add3A, %dma_wait3A_1825] : memref<16x32x2048xf32, #tpu.memory_space<hbm>> -> memref<1x1x2048xf32, #tpu.memory_space<hbm>>
    %dma_wait3A_1827 = tpu.memref_squeeze %dma_wait3A_1826 : memref<1x1x2048xf32, #tpu.memory_space<hbm>> -> memref<2048xf32, #tpu.memory_space<hbm>>
    %dma_wait3A_1828 = arith.constant 0 : i32
    %dma_wait3A_1829 = tpu.memref_slice %arg9[%dma_wait3A_1817, %dma_wait3A_1828] : memref<16x2048xf32, #tpu.memory_space<vmem>> -> memref<1x2048xf32, #tpu.memory_space<vmem>>
    %dma_wait3A_1830 = tpu.memref_squeeze %dma_wait3A_1829 : memref<1x2048xf32, #tpu.memory_space<vmem>> -> memref<2048xf32, #tpu.memory_space<vmem>>
    tpu.wait_dma2 semaphore(%arg10 : memref<!tpu.dma_semaphore, #tpu.memory_space<semaphore_mem>>) src(%dma_wait3A_1830 : memref<2048xf32, #tpu.memory_space<vmem>>) dst(%dma_wait3A_1827 : memref<2048xf32, #tpu.memory_space<hbm>>)
    %dma_wait3A_1831 = arith.constant 4 : i32
    %dma_wait3A_1832 = arith.constant 4 : i32
    %dma_wait3A_1833 = arith.constant 0 : i32
    %dma_wait3A_1834 = tpu.memref_slice %arg9[%dma_wait3A_1831, %dma_wait3A_1833] : memref<16x2048xf32, #tpu.memory_space<vmem>> -> memref<1x2048xf32, #tpu.memory_space<vmem>>
    %dma_wait3A_1835 = tpu.memref_squeeze %dma_wait3A_1834 : memref<1x2048xf32, #tpu.memory_space<vmem>> -> memref<2048xf32, #tpu.memory_space<vmem>>
    %dma_wait3A_1836 = arith.constant 0 : i32
    %dma_wait3A_1837 = tpu.memref_slice %arg4[%dma_wait3A_1832, %add3A, %dma_wait3A_1836] : memref<16x32x2048xf32, #tpu.memory_space<hbm>> -> memref<1x1x2048xf32, #tpu.memory_space<hbm>>
    %dma_wait3A_1838 = tpu.memref_squeeze %dma_wait3A_1837 : memref<1x1x2048xf32, #tpu.memory_space<hbm>> -> memref<2048xf32, #tpu.memory_space<hbm>>
    %dma_wait3A_1839 = arith.constant 0 : i32
    %dma_wait3A_1840 = tpu.memref_slice %arg4[%dma_wait3A_1832, %add3A, %dma_wait3A_1839] : memref<16x32x2048xf32, #tpu.memory_space<hbm>> -> memref<1x1x2048xf32, #tpu.memory_space<hbm>>
    %dma_wait3A_1841 = tpu.memref_squeeze %dma_wait3A_1840 : memref<1x1x2048xf32, #tpu.memory_space<hbm>> -> memref<2048xf32, #tpu.memory_space<hbm>>
    %dma_wait3A_1842 = arith.constant 0 : i32
    %dma_wait3A_1843 = tpu.memref_slice %arg9[%dma_wait3A_1831, %dma_wait3A_1842] : memref<16x2048xf32, #tpu.memory_space<vmem>> -> memref<1x2048xf32, #tpu.memory_space<vmem>>
    %dma_wait3A_1844 = tpu.memref_squeeze %dma_wait3A_1843 : memref<1x2048xf32, #tpu.memory_space<vmem>> -> memref<2048xf32, #tpu.memory_space<vmem>>
    tpu.wait_dma2 semaphore(%arg10 : memref<!tpu.dma_semaphore, #tpu.memory_space<semaphore_mem>>) src(%dma_wait3A_1844 : memref<2048xf32, #tpu.memory_space<vmem>>) dst(%dma_wait3A_1841 : memref<2048xf32, #tpu.memory_space<hbm>>)
    %dma_wait3A_1845 = arith.constant 5 : i32
    %dma_wait3A_1846 = arith.constant 5 : i32
    %dma_wait3A_1847 = arith.constant 0 : i32
    %dma_wait3A_1848 = tpu.memref_slice %arg9[%dma_wait3A_1845, %dma_wait3A_1847] : memref<16x2048xf32, #tpu.memory_space<vmem>> -> memref<1x2048xf32, #tpu.memory_space<vmem>>
    %dma_wait3A_1849 = tpu.memref_squeeze %dma_wait3A_1848 : memref<1x2048xf32, #tpu.memory_space<vmem>> -> memref<2048xf32, #tpu.memory_space<vmem>>
    %dma_wait3A_1850 = arith.constant 0 : i32
    %dma_wait3A_1851 = tpu.memref_slice %arg4[%dma_wait3A_1846, %add3A, %dma_wait3A_1850] : memref<16x32x2048xf32, #tpu.memory_space<hbm>> -> memref<1x1x2048xf32, #tpu.memory_space<hbm>>
    %dma_wait3A_1852 = tpu.memref_squeeze %dma_wait3A_1851 : memref<1x1x2048xf32, #tpu.memory_space<hbm>> -> memref<2048xf32, #tpu.memory_space<hbm>>
    %dma_wait3A_1853 = arith.constant 0 : i32
    %dma_wait3A_1854 = tpu.memref_slice %arg4[%dma_wait3A_1846, %add3A, %dma_wait3A_1853] : memref<16x32x2048xf32, #tpu.memory_space<hbm>> -> memref<1x1x2048xf32, #tpu.memory_space<hbm>>
    %dma_wait3A_1855 = tpu.memref_squeeze %dma_wait3A_1854 : memref<1x1x2048xf32, #tpu.memory_space<hbm>> -> memref<2048xf32, #tpu.memory_space<hbm>>
    %dma_wait3A_1856 = arith.constant 0 : i32
    %dma_wait3A_1857 = tpu.memref_slice %arg9[%dma_wait3A_1845, %dma_wait3A_1856] : memref<16x2048xf32, #tpu.memory_space<vmem>> -> memref<1x2048xf32, #tpu.memory_space<vmem>>
    %dma_wait3A_1858 = tpu.memref_squeeze %dma_wait3A_1857 : memref<1x2048xf32, #tpu.memory_space<vmem>> -> memref<2048xf32, #tpu.memory_space<vmem>>
    tpu.wait_dma2 semaphore(%arg10 : memref<!tpu.dma_semaphore, #tpu.memory_space<semaphore_mem>>) src(%dma_wait3A_1858 : memref<2048xf32, #tpu.memory_space<vmem>>) dst(%dma_wait3A_1855 : memref<2048xf32, #tpu.memory_space<hbm>>)
    %dma_wait3A_1859 = arith.constant 6 : i32
    %dma_wait3A_1860 = arith.constant 6 : i32
    %dma_wait3A_1861 = arith.constant 0 : i32
    %dma_wait3A_1862 = tpu.memref_slice %arg9[%dma_wait3A_1859, %dma_wait3A_1861] : memref<16x2048xf32, #tpu.memory_space<vmem>> -> memref<1x2048xf32, #tpu.memory_space<vmem>>
    %dma_wait3A_1863 = tpu.memref_squeeze %dma_wait3A_1862 : memref<1x2048xf32, #tpu.memory_space<vmem>> -> memref<2048xf32, #tpu.memory_space<vmem>>
    %dma_wait3A_1864 = arith.constant 0 : i32
    %dma_wait3A_1865 = tpu.memref_slice %arg4[%dma_wait3A_1860, %add3A, %dma_wait3A_1864] : memref<16x32x2048xf32, #tpu.memory_space<hbm>> -> memref<1x1x2048xf32, #tpu.memory_space<hbm>>
    %dma_wait3A_1866 = tpu.memref_squeeze %dma_wait3A_1865 : memref<1x1x2048xf32, #tpu.memory_space<hbm>> -> memref<2048xf32, #tpu.memory_space<hbm>>
    %dma_wait3A_1867 = arith.constant 0 : i32
    %dma_wait3A_1868 = tpu.memref_slice %arg4[%dma_wait3A_1860, %add3A, %dma_wait3A_1867] : memref<16x32x2048xf32, #tpu.memory_space<hbm>> -> memref<1x1x2048xf32, #tpu.memory_space<hbm>>
    %dma_wait3A_1869 = tpu.memref_squeeze %dma_wait3A_1868 : memref<1x1x2048xf32, #tpu.memory_space<hbm>> -> memref<2048xf32, #tpu.memory_space<hbm>>
    %dma_wait3A_1870 = arith.constant 0 : i32
    %dma_wait3A_1871 = tpu.memref_slice %arg9[%dma_wait3A_1859, %dma_wait3A_1870] : memref<16x2048xf32, #tpu.memory_space<vmem>> -> memref<1x2048xf32, #tpu.memory_space<vmem>>
    %dma_wait3A_1872 = tpu.memref_squeeze %dma_wait3A_1871 : memref<1x2048xf32, #tpu.memory_space<vmem>> -> memref<2048xf32, #tpu.memory_space<vmem>>
    tpu.wait_dma2 semaphore(%arg10 : memref<!tpu.dma_semaphore, #tpu.memory_space<semaphore_mem>>) src(%dma_wait3A_1872 : memref<2048xf32, #tpu.memory_space<vmem>>) dst(%dma_wait3A_1869 : memref<2048xf32, #tpu.memory_space<hbm>>)
    %dma_wait3A_1873 = arith.constant 7 : i32
    %dma_wait3A_1874 = arith.constant 7 : i32
    %dma_wait3A_1875 = arith.constant 0 : i32
    %dma_wait3A_1876 = tpu.memref_slice %arg9[%dma_wait3A_1873, %dma_wait3A_1875] : memref<16x2048xf32, #tpu.memory_space<vmem>> -> memref<1x2048xf32, #tpu.memory_space<vmem>>
    %dma_wait3A_1877 = tpu.memref_squeeze %dma_wait3A_1876 : memref<1x2048xf32, #tpu.memory_space<vmem>> -> memref<2048xf32, #tpu.memory_space<vmem>>
    %dma_wait3A_1878 = arith.constant 0 : i32
    %dma_wait3A_1879 = tpu.memref_slice %arg4[%dma_wait3A_1874, %add3A, %dma_wait3A_1878] : memref<16x32x2048xf32, #tpu.memory_space<hbm>> -> memref<1x1x2048xf32, #tpu.memory_space<hbm>>
    %dma_wait3A_1880 = tpu.memref_squeeze %dma_wait3A_1879 : memref<1x1x2048xf32, #tpu.memory_space<hbm>> -> memref<2048xf32, #tpu.memory_space<hbm>>
    %dma_wait3A_1881 = arith.constant 0 : i32
    %dma_wait3A_1882 = tpu.memref_slice %arg4[%dma_wait3A_1874, %add3A, %dma_wait3A_1881] : memref<16x32x2048xf32, #tpu.memory_space<hbm>> -> memref<1x1x2048xf32, #tpu.memory_space<hbm>>
    %dma_wait3A_1883 = tpu.memref_squeeze %dma_wait3A_1882 : memref<1x1x2048xf32, #tpu.memory_space<hbm>> -> memref<2048xf32, #tpu.memory_space<hbm>>
    %dma_wait3A_1884 = arith.constant 0 : i32
    %dma_wait3A_1885 = tpu.memref_slice %arg9[%dma_wait3A_1873, %dma_wait3A_1884] : memref<16x2048xf32, #tpu.memory_space<vmem>> -> memref<1x2048xf32, #tpu.memory_space<vmem>>
    %dma_wait3A_1886 = tpu.memref_squeeze %dma_wait3A_1885 : memref<1x2048xf32, #tpu.memory_space<vmem>> -> memref<2048xf32, #tpu.memory_space<vmem>>
    tpu.wait_dma2 semaphore(%arg10 : memref<!tpu.dma_semaphore, #tpu.memory_space<semaphore_mem>>) src(%dma_wait3A_1886 : memref<2048xf32, #tpu.memory_space<vmem>>) dst(%dma_wait3A_1883 : memref<2048xf32, #tpu.memory_space<hbm>>)
    %dma_wait3A_1887 = arith.constant 8 : i32
    %dma_wait3A_1888 = arith.constant 8 : i32
    %dma_wait3A_1889 = arith.constant 0 : i32
    %dma_wait3A_1890 = tpu.memref_slice %arg9[%dma_wait3A_1887, %dma_wait3A_1889] : memref<16x2048xf32, #tpu.memory_space<vmem>> -> memref<1x2048xf32, #tpu.memory_space<vmem>>
    %dma_wait3A_1891 = tpu.memref_squeeze %dma_wait3A_1890 : memref<1x2048xf32, #tpu.memory_space<vmem>> -> memref<2048xf32, #tpu.memory_space<vmem>>
    %dma_wait3A_1892 = arith.constant 0 : i32
    %dma_wait3A_1893 = tpu.memref_slice %arg4[%dma_wait3A_1888, %add3A, %dma_wait3A_1892] : memref<16x32x2048xf32, #tpu.memory_space<hbm>> -> memref<1x1x2048xf32, #tpu.memory_space<hbm>>
    %dma_wait3A_1894 = tpu.memref_squeeze %dma_wait3A_1893 : memref<1x1x2048xf32, #tpu.memory_space<hbm>> -> memref<2048xf32, #tpu.memory_space<hbm>>
    %dma_wait3A_1895 = arith.constant 0 : i32
    %dma_wait3A_1896 = tpu.memref_slice %arg4[%dma_wait3A_1888, %add3A, %dma_wait3A_1895] : memref<16x32x2048xf32, #tpu.memory_space<hbm>> -> memref<1x1x2048xf32, #tpu.memory_space<hbm>>
    %dma_wait3A_1897 = tpu.memref_squeeze %dma_wait3A_1896 : memref<1x1x2048xf32, #tpu.memory_space<hbm>> -> memref<2048xf32, #tpu.memory_space<hbm>>
    %dma_wait3A_1898 = arith.constant 0 : i32
    %dma_wait3A_1899 = tpu.memref_slice %arg9[%dma_wait3A_1887, %dma_wait3A_1898] : memref<16x2048xf32, #tpu.memory_space<vmem>> -> memref<1x2048xf32, #tpu.memory_space<vmem>>
    %dma_wait3A_1900 = tpu.memref_squeeze %dma_wait3A_1899 : memref<1x2048xf32, #tpu.memory_space<vmem>> -> memref<2048xf32, #tpu.memory_space<vmem>>
    tpu.wait_dma2 semaphore(%arg10 : memref<!tpu.dma_semaphore, #tpu.memory_space<semaphore_mem>>) src(%dma_wait3A_1900 : memref<2048xf32, #tpu.memory_space<vmem>>) dst(%dma_wait3A_1897 : memref<2048xf32, #tpu.memory_space<hbm>>)
    %dma_wait3A_1901 = arith.constant 9 : i32
    %dma_wait3A_1902 = arith.constant 9 : i32
    %dma_wait3A_1903 = arith.constant 0 : i32
    %dma_wait3A_1904 = tpu.memref_slice %arg9[%dma_wait3A_1901, %dma_wait3A_1903] : memref<16x2048xf32, #tpu.memory_space<vmem>> -> memref<1x2048xf32, #tpu.memory_space<vmem>>
    %dma_wait3A_1905 = tpu.memref_squeeze %dma_wait3A_1904 : memref<1x2048xf32, #tpu.memory_space<vmem>> -> memref<2048xf32, #tpu.memory_space<vmem>>
    %dma_wait3A_1906 = arith.constant 0 : i32
    %dma_wait3A_1907 = tpu.memref_slice %arg4[%dma_wait3A_1902, %add3A, %dma_wait3A_1906] : memref<16x32x2048xf32, #tpu.memory_space<hbm>> -> memref<1x1x2048xf32, #tpu.memory_space<hbm>>
    %dma_wait3A_1908 = tpu.memref_squeeze %dma_wait3A_1907 : memref<1x1x2048xf32, #tpu.memory_space<hbm>> -> memref<2048xf32, #tpu.memory_space<hbm>>
    %dma_wait3A_1909 = arith.constant 0 : i32
    %dma_wait3A_1910 = tpu.memref_slice %arg4[%dma_wait3A_1902, %add3A, %dma_wait3A_1909] : memref<16x32x2048xf32, #tpu.memory_space<hbm>> -> memref<1x1x2048xf32, #tpu.memory_space<hbm>>
    %dma_wait3A_1911 = tpu.memref_squeeze %dma_wait3A_1910 : memref<1x1x2048xf32, #tpu.memory_space<hbm>> -> memref<2048xf32, #tpu.memory_space<hbm>>
    %dma_wait3A_1912 = arith.constant 0 : i32
    %dma_wait3A_1913 = tpu.memref_slice %arg9[%dma_wait3A_1901, %dma_wait3A_1912] : memref<16x2048xf32, #tpu.memory_space<vmem>> -> memref<1x2048xf32, #tpu.memory_space<vmem>>
    %dma_wait3A_1914 = tpu.memref_squeeze %dma_wait3A_1913 : memref<1x2048xf32, #tpu.memory_space<vmem>> -> memref<2048xf32, #tpu.memory_space<vmem>>
    tpu.wait_dma2 semaphore(%arg10 : memref<!tpu.dma_semaphore, #tpu.memory_space<semaphore_mem>>) src(%dma_wait3A_1914 : memref<2048xf32, #tpu.memory_space<vmem>>) dst(%dma_wait3A_1911 : memref<2048xf32, #tpu.memory_space<hbm>>)
    %dma_wait3A_1915 = arith.constant 10 : i32
    %dma_wait3A_1916 = arith.constant 10 : i32
    %dma_wait3A_1917 = arith.constant 0 : i32
    %dma_wait3A_1918 = tpu.memref_slice %arg9[%dma_wait3A_1915, %dma_wait3A_1917] : memref<16x2048xf32, #tpu.memory_space<vmem>> -> memref<1x2048xf32, #tpu.memory_space<vmem>>
    %dma_wait3A_1919 = tpu.memref_squeeze %dma_wait3A_1918 : memref<1x2048xf32, #tpu.memory_space<vmem>> -> memref<2048xf32, #tpu.memory_space<vmem>>
    %dma_wait3A_1920 = arith.constant 0 : i32
    %dma_wait3A_1921 = tpu.memref_slice %arg4[%dma_wait3A_1916, %add3A, %dma_wait3A_1920] : memref<16x32x2048xf32, #tpu.memory_space<hbm>> -> memref<1x1x2048xf32, #tpu.memory_space<hbm>>
    %dma_wait3A_1922 = tpu.memref_squeeze %dma_wait3A_1921 : memref<1x1x2048xf32, #tpu.memory_space<hbm>> -> memref<2048xf32, #tpu.memory_space<hbm>>
    %dma_wait3A_1923 = arith.constant 0 : i32
    %dma_wait3A_1924 = tpu.memref_slice %arg4[%dma_wait3A_1916, %add3A, %dma_wait3A_1923] : memref<16x32x2048xf32, #tpu.memory_space<hbm>> -> memref<1x1x2048xf32, #tpu.memory_space<hbm>>
    %dma_wait3A_1925 = tpu.memref_squeeze %dma_wait3A_1924 : memref<1x1x2048xf32, #tpu.memory_space<hbm>> -> memref<2048xf32, #tpu.memory_space<hbm>>
    %dma_wait3A_1926 = arith.constant 0 : i32
    %dma_wait3A_1927 = tpu.memref_slice %arg9[%dma_wait3A_1915, %dma_wait3A_1926] : memref<16x2048xf32, #tpu.memory_space<vmem>> -> memref<1x2048xf32, #tpu.memory_space<vmem>>
    %dma_wait3A_1928 = tpu.memref_squeeze %dma_wait3A_1927 : memref<1x2048xf32, #tpu.memory_space<vmem>> -> memref<2048xf32, #tpu.memory_space<vmem>>
    tpu.wait_dma2 semaphore(%arg10 : memref<!tpu.dma_semaphore, #tpu.memory_space<semaphore_mem>>) src(%dma_wait3A_1928 : memref<2048xf32, #tpu.memory_space<vmem>>) dst(%dma_wait3A_1925 : memref<2048xf32, #tpu.memory_space<hbm>>)
    %dma_wait3A_1929 = arith.constant 11 : i32
    %dma_wait3A_1930 = arith.constant 11 : i32
    %dma_wait3A_1931 = arith.constant 0 : i32
    %dma_wait3A_1932 = tpu.memref_slice %arg9[%dma_wait3A_1929, %dma_wait3A_1931] : memref<16x2048xf32, #tpu.memory_space<vmem>> -> memref<1x2048xf32, #tpu.memory_space<vmem>>
    %dma_wait3A_1933 = tpu.memref_squeeze %dma_wait3A_1932 : memref<1x2048xf32, #tpu.memory_space<vmem>> -> memref<2048xf32, #tpu.memory_space<vmem>>
    %dma_wait3A_1934 = arith.constant 0 : i32
    %dma_wait3A_1935 = tpu.memref_slice %arg4[%dma_wait3A_1930, %add3A, %dma_wait3A_1934] : memref<16x32x2048xf32, #tpu.memory_space<hbm>> -> memref<1x1x2048xf32, #tpu.memory_space<hbm>>
    %dma_wait3A_1936 = tpu.memref_squeeze %dma_wait3A_1935 : memref<1x1x2048xf32, #tpu.memory_space<hbm>> -> memref<2048xf32, #tpu.memory_space<hbm>>
    %dma_wait3A_1937 = arith.constant 0 : i32
    %dma_wait3A_1938 = tpu.memref_slice %arg4[%dma_wait3A_1930, %add3A, %dma_wait3A_1937] : memref<16x32x2048xf32, #tpu.memory_space<hbm>> -> memref<1x1x2048xf32, #tpu.memory_space<hbm>>
    %dma_wait3A_1939 = tpu.memref_squeeze %dma_wait3A_1938 : memref<1x1x2048xf32, #tpu.memory_space<hbm>> -> memref<2048xf32, #tpu.memory_space<hbm>>
    %dma_wait3A_1940 = arith.constant 0 : i32
    %dma_wait3A_1941 = tpu.memref_slice %arg9[%dma_wait3A_1929, %dma_wait3A_1940] : memref<16x2048xf32, #tpu.memory_space<vmem>> -> memref<1x2048xf32, #tpu.memory_space<vmem>>
    %dma_wait3A_1942 = tpu.memref_squeeze %dma_wait3A_1941 : memref<1x2048xf32, #tpu.memory_space<vmem>> -> memref<2048xf32, #tpu.memory_space<vmem>>
    tpu.wait_dma2 semaphore(%arg10 : memref<!tpu.dma_semaphore, #tpu.memory_space<semaphore_mem>>) src(%dma_wait3A_1942 : memref<2048xf32, #tpu.memory_space<vmem>>) dst(%dma_wait3A_1939 : memref<2048xf32, #tpu.memory_space<hbm>>)
    %dma_wait3A_1943 = arith.constant 12 : i32
    %dma_wait3A_1944 = arith.constant 12 : i32
    %dma_wait3A_1945 = arith.constant 0 : i32
    %dma_wait3A_1946 = tpu.memref_slice %arg9[%dma_wait3A_1943, %dma_wait3A_1945] : memref<16x2048xf32, #tpu.memory_space<vmem>> -> memref<1x2048xf32, #tpu.memory_space<vmem>>
    %dma_wait3A_1947 = tpu.memref_squeeze %dma_wait3A_1946 : memref<1x2048xf32, #tpu.memory_space<vmem>> -> memref<2048xf32, #tpu.memory_space<vmem>>
    %dma_wait3A_1948 = arith.constant 0 : i32
    %dma_wait3A_1949 = tpu.memref_slice %arg4[%dma_wait3A_1944, %add3A, %dma_wait3A_1948] : memref<16x32x2048xf32, #tpu.memory_space<hbm>> -> memref<1x1x2048xf32, #tpu.memory_space<hbm>>
    %dma_wait3A_1950 = tpu.memref_squeeze %dma_wait3A_1949 : memref<1x1x2048xf32, #tpu.memory_space<hbm>> -> memref<2048xf32, #tpu.memory_space<hbm>>
    %dma_wait3A_1951 = arith.constant 0 : i32
    %dma_wait3A_1952 = tpu.memref_slice %arg4[%dma_wait3A_1944, %add3A, %dma_wait3A_1951] : memref<16x32x2048xf32, #tpu.memory_space<hbm>> -> memref<1x1x2048xf32, #tpu.memory_space<hbm>>
    %dma_wait3A_1953 = tpu.memref_squeeze %dma_wait3A_1952 : memref<1x1x2048xf32, #tpu.memory_space<hbm>> -> memref<2048xf32, #tpu.memory_space<hbm>>
    %dma_wait3A_1954 = arith.constant 0 : i32
    %dma_wait3A_1955 = tpu.memref_slice %arg9[%dma_wait3A_1943, %dma_wait3A_1954] : memref<16x2048xf32, #tpu.memory_space<vmem>> -> memref<1x2048xf32, #tpu.memory_space<vmem>>
    %dma_wait3A_1956 = tpu.memref_squeeze %dma_wait3A_1955 : memref<1x2048xf32, #tpu.memory_space<vmem>> -> memref<2048xf32, #tpu.memory_space<vmem>>
    tpu.wait_dma2 semaphore(%arg10 : memref<!tpu.dma_semaphore, #tpu.memory_space<semaphore_mem>>) src(%dma_wait3A_1956 : memref<2048xf32, #tpu.memory_space<vmem>>) dst(%dma_wait3A_1953 : memref<2048xf32, #tpu.memory_space<hbm>>)
    %dma_wait3A_1957 = arith.constant 13 : i32
    %dma_wait3A_1958 = arith.constant 13 : i32
    %dma_wait3A_1959 = arith.constant 0 : i32
    %dma_wait3A_1960 = tpu.memref_slice %arg9[%dma_wait3A_1957, %dma_wait3A_1959] : memref<16x2048xf32, #tpu.memory_space<vmem>> -> memref<1x2048xf32, #tpu.memory_space<vmem>>
    %dma_wait3A_1961 = tpu.memref_squeeze %dma_wait3A_1960 : memref<1x2048xf32, #tpu.memory_space<vmem>> -> memref<2048xf32, #tpu.memory_space<vmem>>
    %dma_wait3A_1962 = arith.constant 0 : i32
    %dma_wait3A_1963 = tpu.memref_slice %arg4[%dma_wait3A_1958, %add3A, %dma_wait3A_1962] : memref<16x32x2048xf32, #tpu.memory_space<hbm>> -> memref<1x1x2048xf32, #tpu.memory_space<hbm>>
    %dma_wait3A_1964 = tpu.memref_squeeze %dma_wait3A_1963 : memref<1x1x2048xf32, #tpu.memory_space<hbm>> -> memref<2048xf32, #tpu.memory_space<hbm>>
    %dma_wait3A_1965 = arith.constant 0 : i32
    %dma_wait3A_1966 = tpu.memref_slice %arg4[%dma_wait3A_1958, %add3A, %dma_wait3A_1965] : memref<16x32x2048xf32, #tpu.memory_space<hbm>> -> memref<1x1x2048xf32, #tpu.memory_space<hbm>>
    %dma_wait3A_1967 = tpu.memref_squeeze %dma_wait3A_1966 : memref<1x1x2048xf32, #tpu.memory_space<hbm>> -> memref<2048xf32, #tpu.memory_space<hbm>>
    %dma_wait3A_1968 = arith.constant 0 : i32
    %dma_wait3A_1969 = tpu.memref_slice %arg9[%dma_wait3A_1957, %dma_wait3A_1968] : memref<16x2048xf32, #tpu.memory_space<vmem>> -> memref<1x2048xf32, #tpu.memory_space<vmem>>
    %dma_wait3A_1970 = tpu.memref_squeeze %dma_wait3A_1969 : memref<1x2048xf32, #tpu.memory_space<vmem>> -> memref<2048xf32, #tpu.memory_space<vmem>>
    tpu.wait_dma2 semaphore(%arg10 : memref<!tpu.dma_semaphore, #tpu.memory_space<semaphore_mem>>) src(%dma_wait3A_1970 : memref<2048xf32, #tpu.memory_space<vmem>>) dst(%dma_wait3A_1967 : memref<2048xf32, #tpu.memory_space<hbm>>)
    %dma_wait3A_1971 = arith.constant 14 : i32
    %dma_wait3A_1972 = arith.constant 14 : i32
    %dma_wait3A_1973 = arith.constant 0 : i32
    %dma_wait3A_1974 = tpu.memref_slice %arg9[%dma_wait3A_1971, %dma_wait3A_1973] : memref<16x2048xf32, #tpu.memory_space<vmem>> -> memref<1x2048xf32, #tpu.memory_space<vmem>>
    %dma_wait3A_1975 = tpu.memref_squeeze %dma_wait3A_1974 : memref<1x2048xf32, #tpu.memory_space<vmem>> -> memref<2048xf32, #tpu.memory_space<vmem>>
    %dma_wait3A_1976 = arith.constant 0 : i32
    %dma_wait3A_1977 = tpu.memref_slice %arg4[%dma_wait3A_1972, %add3A, %dma_wait3A_1976] : memref<16x32x2048xf32, #tpu.memory_space<hbm>> -> memref<1x1x2048xf32, #tpu.memory_space<hbm>>
    %dma_wait3A_1978 = tpu.memref_squeeze %dma_wait3A_1977 : memref<1x1x2048xf32, #tpu.memory_space<hbm>> -> memref<2048xf32, #tpu.memory_space<hbm>>
    %dma_wait3A_1979 = arith.constant 0 : i32
    %dma_wait3A_1980 = tpu.memref_slice %arg4[%dma_wait3A_1972, %add3A, %dma_wait3A_1979] : memref<16x32x2048xf32, #tpu.memory_space<hbm>> -> memref<1x1x2048xf32, #tpu.memory_space<hbm>>
    %dma_wait3A_1981 = tpu.memref_squeeze %dma_wait3A_1980 : memref<1x1x2048xf32, #tpu.memory_space<hbm>> -> memref<2048xf32, #tpu.memory_space<hbm>>
    %dma_wait3A_1982 = arith.constant 0 : i32
    %dma_wait3A_1983 = tpu.memref_slice %arg9[%dma_wait3A_1971, %dma_wait3A_1982] : memref<16x2048xf32, #tpu.memory_space<vmem>> -> memref<1x2048xf32, #tpu.memory_space<vmem>>
    %dma_wait3A_1984 = tpu.memref_squeeze %dma_wait3A_1983 : memref<1x2048xf32, #tpu.memory_space<vmem>> -> memref<2048xf32, #tpu.memory_space<vmem>>
    tpu.wait_dma2 semaphore(%arg10 : memref<!tpu.dma_semaphore, #tpu.memory_space<semaphore_mem>>) src(%dma_wait3A_1984 : memref<2048xf32, #tpu.memory_space<vmem>>) dst(%dma_wait3A_1981 : memref<2048xf32, #tpu.memory_space<hbm>>)
    %dma_wait3A_1985 = arith.constant 15 : i32
    %dma_wait3A_1986 = arith.constant 15 : i32
    %dma_wait3A_1987 = arith.constant 0 : i32
    %dma_wait3A_1988 = tpu.memref_slice %arg9[%dma_wait3A_1985, %dma_wait3A_1987] : memref<16x2048xf32, #tpu.memory_space<vmem>> -> memref<1x2048xf32, #tpu.memory_space<vmem>>
    %dma_wait3A_1989 = tpu.memref_squeeze %dma_wait3A_1988 : memref<1x2048xf32, #tpu.memory_space<vmem>> -> memref<2048xf32, #tpu.memory_space<vmem>>
    %dma_wait3A_1990 = arith.constant 0 : i32
    %dma_wait3A_1991 = tpu.memref_slice %arg4[%dma_wait3A_1986, %add3A, %dma_wait3A_1990] : memref<16x32x2048xf32, #tpu.memory_space<hbm>> -> memref<1x1x2048xf32, #tpu.memory_space<hbm>>
    %dma_wait3A_1992 = tpu.memref_squeeze %dma_wait3A_1991 : memref<1x1x2048xf32, #tpu.memory_space<hbm>> -> memref<2048xf32, #tpu.memory_space<hbm>>
    %dma_wait3A_1993 = arith.constant 0 : i32
    %dma_wait3A_1994 = tpu.memref_slice %arg4[%dma_wait3A_1986, %add3A, %dma_wait3A_1993] : memref<16x32x2048xf32, #tpu.memory_space<hbm>> -> memref<1x1x2048xf32, #tpu.memory_space<hbm>>
    %dma_wait3A_1995 = tpu.memref_squeeze %dma_wait3A_1994 : memref<1x1x2048xf32, #tpu.memory_space<hbm>> -> memref<2048xf32, #tpu.memory_space<hbm>>
    %dma_wait3A_1996 = arith.constant 0 : i32
    %dma_wait3A_1997 = tpu.memref_slice %arg9[%dma_wait3A_1985, %dma_wait3A_1996] : memref<16x2048xf32, #tpu.memory_space<vmem>> -> memref<1x2048xf32, #tpu.memory_space<vmem>>
    %dma_wait3A_1998 = tpu.memref_squeeze %dma_wait3A_1997 : memref<1x2048xf32, #tpu.memory_space<vmem>> -> memref<2048xf32, #tpu.memory_space<vmem>>
    tpu.wait_dma2 semaphore(%arg10 : memref<!tpu.dma_semaphore, #tpu.memory_space<semaphore_mem>>) src(%dma_wait3A_1998 : memref<2048xf32, #tpu.memory_space<vmem>>) dst(%dma_wait3A_1995 : memref<2048xf32, #tpu.memory_space<hbm>>)
    return
  }
}

module attributes {stable_mosaic.version = 14 : i64} {
  func.func @_expand_body(%arg0: i32, %arg1: memref<1x32x2048xf32, #tpu.memory_space<vmem>>, %arg2: memref<1x32x32x1024xf32, #tpu.memory_space<vmem>>) attributes {dimension_semantics = [#tpu.dimension_semantics<parallel>], iteration_bounds = array<i64: 16>, scalar_prefetch = 0 : i64, scratch_operands = 0 : i64, tpu.core_type = #tpu.core_type<tc>, window_params = [{transform_indices = @transform_0, window_bounds = array<i64: 1, 32, 2048>}, {transform_indices = @transform_1, window_bounds = array<i64: 1, 32, 32, 1024>}]} {
    %get3A = arith.constant 0 : index
    %get3A_0 = arith.constant 0 : index
    %get3A_1 = arith.constant 0 : index
    %get3A_2 = vector.load %arg1[%get3A, %get3A_0, %get3A_1] : memref<1x32x2048xf32, #tpu.memory_space<vmem>>, vector<1x32x2048xf32>
    %get3A_3 = vector.shape_cast %get3A_2 : vector<1x32x2048xf32> to vector<32x2048xf32>
    %slice3A = vector.extract_strided_slice %get3A_3 {offsets = [0, 992], sizes = [32, 1024], strides = [1, 1]} : vector<32x2048xf32> to vector<32x1024xf32>
    %swap3A = arith.constant 0 : index
    %swap3A_4 = arith.constant 0 : index
    %swap3A_5 = arith.constant 0 : index
    %swap3A_6 = arith.constant 0 : index
    %swap3A_7 = vector.load %arg2[%swap3A, %swap3A_4, %swap3A_5, %swap3A_6] : memref<1x32x32x1024xf32, #tpu.memory_space<vmem>>, vector<1x1x32x1024xf32>
    %swap3A_8 = vector.shape_cast %swap3A_7 : vector<1x1x32x1024xf32> to vector<32x1024xf32>
    %swap3A_9 = vector.shape_cast %slice3A : vector<32x1024xf32> to vector<1x1x32x1024xf32>
    tpu.vector_store %arg2[%swap3A, %swap3A_4, %swap3A_5, %swap3A_6], %swap3A_9 {strides = array<i32>} : memref<1x32x32x1024xf32, #tpu.memory_space<vmem>>, vector<1x1x32x1024xf32>,
    %slice3A_10 = vector.extract_strided_slice %get3A_3 {offsets = [0, 960], sizes = [32, 1024], strides = [1, 1]} : vector<32x2048xf32> to vector<32x1024xf32>
    %swap3A_11 = arith.constant 0 : index
    %swap3A_12 = arith.constant 1 : index
    %swap3A_13 = arith.constant 0 : index
    %swap3A_14 = arith.constant 0 : index
    %swap3A_15 = vector.load %arg2[%swap3A_11, %swap3A_12, %swap3A_13, %swap3A_14] : memref<1x32x32x1024xf32, #tpu.memory_space<vmem>>, vector<1x1x32x1024xf32>
    %swap3A_16 = vector.shape_cast %swap3A_15 : vector<1x1x32x1024xf32> to vector<32x1024xf32>
    %swap3A_17 = vector.shape_cast %slice3A_10 : vector<32x1024xf32> to vector<1x1x32x1024xf32>
    tpu.vector_store %arg2[%swap3A_11, %swap3A_12, %swap3A_13, %swap3A_14], %swap3A_17 {strides = array<i32>} : memref<1x32x32x1024xf32, #tpu.memory_space<vmem>>, vector<1x1x32x1024xf32>,
    %slice3A_18 = vector.extract_strided_slice %get3A_3 {offsets = [0, 928], sizes = [32, 1024], strides = [1, 1]} : vector<32x2048xf32> to vector<32x1024xf32>
    %swap3A_19 = arith.constant 0 : index
    %swap3A_20 = arith.constant 2 : index
    %swap3A_21 = arith.constant 0 : index
    %swap3A_22 = arith.constant 0 : index
    %swap3A_23 = vector.load %arg2[%swap3A_19, %swap3A_20, %swap3A_21, %swap3A_22] : memref<1x32x32x1024xf32, #tpu.memory_space<vmem>>, vector<1x1x32x1024xf32>
    %swap3A_24 = vector.shape_cast %swap3A_23 : vector<1x1x32x1024xf32> to vector<32x1024xf32>
    %swap3A_25 = vector.shape_cast %slice3A_18 : vector<32x1024xf32> to vector<1x1x32x1024xf32>
    tpu.vector_store %arg2[%swap3A_19, %swap3A_20, %swap3A_21, %swap3A_22], %swap3A_25 {strides = array<i32>} : memref<1x32x32x1024xf32, #tpu.memory_space<vmem>>, vector<1x1x32x1024xf32>,
    %slice3A_26 = vector.extract_strided_slice %get3A_3 {offsets = [0, 896], sizes = [32, 1024], strides = [1, 1]} : vector<32x2048xf32> to vector<32x1024xf32>
    %swap3A_27 = arith.constant 0 : index
    %swap3A_28 = arith.constant 3 : index
    %swap3A_29 = arith.constant 0 : index
    %swap3A_30 = arith.constant 0 : index
    %swap3A_31 = vector.load %arg2[%swap3A_27, %swap3A_28, %swap3A_29, %swap3A_30] : memref<1x32x32x1024xf32, #tpu.memory_space<vmem>>, vector<1x1x32x1024xf32>
    %swap3A_32 = vector.shape_cast %swap3A_31 : vector<1x1x32x1024xf32> to vector<32x1024xf32>
    %swap3A_33 = vector.shape_cast %slice3A_26 : vector<32x1024xf32> to vector<1x1x32x1024xf32>
    tpu.vector_store %arg2[%swap3A_27, %swap3A_28, %swap3A_29, %swap3A_30], %swap3A_33 {strides = array<i32>} : memref<1x32x32x1024xf32, #tpu.memory_space<vmem>>, vector<1x1x32x1024xf32>,
    %slice3A_34 = vector.extract_strided_slice %get3A_3 {offsets = [0, 864], sizes = [32, 1024], strides = [1, 1]} : vector<32x2048xf32> to vector<32x1024xf32>
    %swap3A_35 = arith.constant 0 : index
    %swap3A_36 = arith.constant 4 : index
    %swap3A_37 = arith.constant 0 : index
    %swap3A_38 = arith.constant 0 : index
    %swap3A_39 = vector.load %arg2[%swap3A_35, %swap3A_36, %swap3A_37, %swap3A_38] : memref<1x32x32x1024xf32, #tpu.memory_space<vmem>>, vector<1x1x32x1024xf32>
    %swap3A_40 = vector.shape_cast %swap3A_39 : vector<1x1x32x1024xf32> to vector<32x1024xf32>
    %swap3A_41 = vector.shape_cast %slice3A_34 : vector<32x1024xf32> to vector<1x1x32x1024xf32>
    tpu.vector_store %arg2[%swap3A_35, %swap3A_36, %swap3A_37, %swap3A_38], %swap3A_41 {strides = array<i32>} : memref<1x32x32x1024xf32, #tpu.memory_space<vmem>>, vector<1x1x32x1024xf32>,
    %slice3A_42 = vector.extract_strided_slice %get3A_3 {offsets = [0, 832], sizes = [32, 1024], strides = [1, 1]} : vector<32x2048xf32> to vector<32x1024xf32>
    %swap3A_43 = arith.constant 0 : index
    %swap3A_44 = arith.constant 5 : index
    %swap3A_45 = arith.constant 0 : index
    %swap3A_46 = arith.constant 0 : index
    %swap3A_47 = vector.load %arg2[%swap3A_43, %swap3A_44, %swap3A_45, %swap3A_46] : memref<1x32x32x1024xf32, #tpu.memory_space<vmem>>, vector<1x1x32x1024xf32>
    %swap3A_48 = vector.shape_cast %swap3A_47 : vector<1x1x32x1024xf32> to vector<32x1024xf32>
    %swap3A_49 = vector.shape_cast %slice3A_42 : vector<32x1024xf32> to vector<1x1x32x1024xf32>
    tpu.vector_store %arg2[%swap3A_43, %swap3A_44, %swap3A_45, %swap3A_46], %swap3A_49 {strides = array<i32>} : memref<1x32x32x1024xf32, #tpu.memory_space<vmem>>, vector<1x1x32x1024xf32>,
    %slice3A_50 = vector.extract_strided_slice %get3A_3 {offsets = [0, 800], sizes = [32, 1024], strides = [1, 1]} : vector<32x2048xf32> to vector<32x1024xf32>
    %swap3A_51 = arith.constant 0 : index
    %swap3A_52 = arith.constant 6 : index
    %swap3A_53 = arith.constant 0 : index
    %swap3A_54 = arith.constant 0 : index
    %swap3A_55 = vector.load %arg2[%swap3A_51, %swap3A_52, %swap3A_53, %swap3A_54] : memref<1x32x32x1024xf32, #tpu.memory_space<vmem>>, vector<1x1x32x1024xf32>
    %swap3A_56 = vector.shape_cast %swap3A_55 : vector<1x1x32x1024xf32> to vector<32x1024xf32>
    %swap3A_57 = vector.shape_cast %slice3A_50 : vector<32x1024xf32> to vector<1x1x32x1024xf32>
    tpu.vector_store %arg2[%swap3A_51, %swap3A_52, %swap3A_53, %swap3A_54], %swap3A_57 {strides = array<i32>} : memref<1x32x32x1024xf32, #tpu.memory_space<vmem>>, vector<1x1x32x1024xf32>,
    %slice3A_58 = vector.extract_strided_slice %get3A_3 {offsets = [0, 768], sizes = [32, 1024], strides = [1, 1]} : vector<32x2048xf32> to vector<32x1024xf32>
    %swap3A_59 = arith.constant 0 : index
    %swap3A_60 = arith.constant 7 : index
    %swap3A_61 = arith.constant 0 : index
    %swap3A_62 = arith.constant 0 : index
    %swap3A_63 = vector.load %arg2[%swap3A_59, %swap3A_60, %swap3A_61, %swap3A_62] : memref<1x32x32x1024xf32, #tpu.memory_space<vmem>>, vector<1x1x32x1024xf32>
    %swap3A_64 = vector.shape_cast %swap3A_63 : vector<1x1x32x1024xf32> to vector<32x1024xf32>
    %swap3A_65 = vector.shape_cast %slice3A_58 : vector<32x1024xf32> to vector<1x1x32x1024xf32>
    tpu.vector_store %arg2[%swap3A_59, %swap3A_60, %swap3A_61, %swap3A_62], %swap3A_65 {strides = array<i32>} : memref<1x32x32x1024xf32, #tpu.memory_space<vmem>>, vector<1x1x32x1024xf32>,
    %slice3A_66 = vector.extract_strided_slice %get3A_3 {offsets = [0, 736], sizes = [32, 1024], strides = [1, 1]} : vector<32x2048xf32> to vector<32x1024xf32>
    %swap3A_67 = arith.constant 0 : index
    %swap3A_68 = arith.constant 8 : index
    %swap3A_69 = arith.constant 0 : index
    %swap3A_70 = arith.constant 0 : index
    %swap3A_71 = vector.load %arg2[%swap3A_67, %swap3A_68, %swap3A_69, %swap3A_70] : memref<1x32x32x1024xf32, #tpu.memory_space<vmem>>, vector<1x1x32x1024xf32>
    %swap3A_72 = vector.shape_cast %swap3A_71 : vector<1x1x32x1024xf32> to vector<32x1024xf32>
    %swap3A_73 = vector.shape_cast %slice3A_66 : vector<32x1024xf32> to vector<1x1x32x1024xf32>
    tpu.vector_store %arg2[%swap3A_67, %swap3A_68, %swap3A_69, %swap3A_70], %swap3A_73 {strides = array<i32>} : memref<1x32x32x1024xf32, #tpu.memory_space<vmem>>, vector<1x1x32x1024xf32>,
    %slice3A_74 = vector.extract_strided_slice %get3A_3 {offsets = [0, 704], sizes = [32, 1024], strides = [1, 1]} : vector<32x2048xf32> to vector<32x1024xf32>
    %swap3A_75 = arith.constant 0 : index
    %swap3A_76 = arith.constant 9 : index
    %swap3A_77 = arith.constant 0 : index
    %swap3A_78 = arith.constant 0 : index
    %swap3A_79 = vector.load %arg2[%swap3A_75, %swap3A_76, %swap3A_77, %swap3A_78] : memref<1x32x32x1024xf32, #tpu.memory_space<vmem>>, vector<1x1x32x1024xf32>
    %swap3A_80 = vector.shape_cast %swap3A_79 : vector<1x1x32x1024xf32> to vector<32x1024xf32>
    %swap3A_81 = vector.shape_cast %slice3A_74 : vector<32x1024xf32> to vector<1x1x32x1024xf32>
    tpu.vector_store %arg2[%swap3A_75, %swap3A_76, %swap3A_77, %swap3A_78], %swap3A_81 {strides = array<i32>} : memref<1x32x32x1024xf32, #tpu.memory_space<vmem>>, vector<1x1x32x1024xf32>,
    %slice3A_82 = vector.extract_strided_slice %get3A_3 {offsets = [0, 672], sizes = [32, 1024], strides = [1, 1]} : vector<32x2048xf32> to vector<32x1024xf32>
    %swap3A_83 = arith.constant 0 : index
    %swap3A_84 = arith.constant 10 : index
    %swap3A_85 = arith.constant 0 : index
    %swap3A_86 = arith.constant 0 : index
    %swap3A_87 = vector.load %arg2[%swap3A_83, %swap3A_84, %swap3A_85, %swap3A_86] : memref<1x32x32x1024xf32, #tpu.memory_space<vmem>>, vector<1x1x32x1024xf32>
    %swap3A_88 = vector.shape_cast %swap3A_87 : vector<1x1x32x1024xf32> to vector<32x1024xf32>
    %swap3A_89 = vector.shape_cast %slice3A_82 : vector<32x1024xf32> to vector<1x1x32x1024xf32>
    tpu.vector_store %arg2[%swap3A_83, %swap3A_84, %swap3A_85, %swap3A_86], %swap3A_89 {strides = array<i32>} : memref<1x32x32x1024xf32, #tpu.memory_space<vmem>>, vector<1x1x32x1024xf32>,
    %slice3A_90 = vector.extract_strided_slice %get3A_3 {offsets = [0, 640], sizes = [32, 1024], strides = [1, 1]} : vector<32x2048xf32> to vector<32x1024xf32>
    %swap3A_91 = arith.constant 0 : index
    %swap3A_92 = arith.constant 11 : index
    %swap3A_93 = arith.constant 0 : index
    %swap3A_94 = arith.constant 0 : index
    %swap3A_95 = vector.load %arg2[%swap3A_91, %swap3A_92, %swap3A_93, %swap3A_94] : memref<1x32x32x1024xf32, #tpu.memory_space<vmem>>, vector<1x1x32x1024xf32>
    %swap3A_96 = vector.shape_cast %swap3A_95 : vector<1x1x32x1024xf32> to vector<32x1024xf32>
    %swap3A_97 = vector.shape_cast %slice3A_90 : vector<32x1024xf32> to vector<1x1x32x1024xf32>
    tpu.vector_store %arg2[%swap3A_91, %swap3A_92, %swap3A_93, %swap3A_94], %swap3A_97 {strides = array<i32>} : memref<1x32x32x1024xf32, #tpu.memory_space<vmem>>, vector<1x1x32x1024xf32>,
    %slice3A_98 = vector.extract_strided_slice %get3A_3 {offsets = [0, 608], sizes = [32, 1024], strides = [1, 1]} : vector<32x2048xf32> to vector<32x1024xf32>
    %swap3A_99 = arith.constant 0 : index
    %swap3A_100 = arith.constant 12 : index
    %swap3A_101 = arith.constant 0 : index
    %swap3A_102 = arith.constant 0 : index
    %swap3A_103 = vector.load %arg2[%swap3A_99, %swap3A_100, %swap3A_101, %swap3A_102] : memref<1x32x32x1024xf32, #tpu.memory_space<vmem>>, vector<1x1x32x1024xf32>
    %swap3A_104 = vector.shape_cast %swap3A_103 : vector<1x1x32x1024xf32> to vector<32x1024xf32>
    %swap3A_105 = vector.shape_cast %slice3A_98 : vector<32x1024xf32> to vector<1x1x32x1024xf32>
    tpu.vector_store %arg2[%swap3A_99, %swap3A_100, %swap3A_101, %swap3A_102], %swap3A_105 {strides = array<i32>} : memref<1x32x32x1024xf32, #tpu.memory_space<vmem>>, vector<1x1x32x1024xf32>,
    %slice3A_106 = vector.extract_strided_slice %get3A_3 {offsets = [0, 576], sizes = [32, 1024], strides = [1, 1]} : vector<32x2048xf32> to vector<32x1024xf32>
    %swap3A_107 = arith.constant 0 : index
    %swap3A_108 = arith.constant 13 : index
    %swap3A_109 = arith.constant 0 : index
    %swap3A_110 = arith.constant 0 : index
    %swap3A_111 = vector.load %arg2[%swap3A_107, %swap3A_108, %swap3A_109, %swap3A_110] : memref<1x32x32x1024xf32, #tpu.memory_space<vmem>>, vector<1x1x32x1024xf32>
    %swap3A_112 = vector.shape_cast %swap3A_111 : vector<1x1x32x1024xf32> to vector<32x1024xf32>
    %swap3A_113 = vector.shape_cast %slice3A_106 : vector<32x1024xf32> to vector<1x1x32x1024xf32>
    tpu.vector_store %arg2[%swap3A_107, %swap3A_108, %swap3A_109, %swap3A_110], %swap3A_113 {strides = array<i32>} : memref<1x32x32x1024xf32, #tpu.memory_space<vmem>>, vector<1x1x32x1024xf32>,
    %slice3A_114 = vector.extract_strided_slice %get3A_3 {offsets = [0, 544], sizes = [32, 1024], strides = [1, 1]} : vector<32x2048xf32> to vector<32x1024xf32>
    %swap3A_115 = arith.constant 0 : index
    %swap3A_116 = arith.constant 14 : index
    %swap3A_117 = arith.constant 0 : index
    %swap3A_118 = arith.constant 0 : index
    %swap3A_119 = vector.load %arg2[%swap3A_115, %swap3A_116, %swap3A_117, %swap3A_118] : memref<1x32x32x1024xf32, #tpu.memory_space<vmem>>, vector<1x1x32x1024xf32>
    %swap3A_120 = vector.shape_cast %swap3A_119 : vector<1x1x32x1024xf32> to vector<32x1024xf32>
    %swap3A_121 = vector.shape_cast %slice3A_114 : vector<32x1024xf32> to vector<1x1x32x1024xf32>
    tpu.vector_store %arg2[%swap3A_115, %swap3A_116, %swap3A_117, %swap3A_118], %swap3A_121 {strides = array<i32>} : memref<1x32x32x1024xf32, #tpu.memory_space<vmem>>, vector<1x1x32x1024xf32>,
    %slice3A_122 = vector.extract_strided_slice %get3A_3 {offsets = [0, 512], sizes = [32, 1024], strides = [1, 1]} : vector<32x2048xf32> to vector<32x1024xf32>
    %swap3A_123 = arith.constant 0 : index
    %swap3A_124 = arith.constant 15 : index
    %swap3A_125 = arith.constant 0 : index
    %swap3A_126 = arith.constant 0 : index
    %swap3A_127 = vector.load %arg2[%swap3A_123, %swap3A_124, %swap3A_125, %swap3A_126] : memref<1x32x32x1024xf32, #tpu.memory_space<vmem>>, vector<1x1x32x1024xf32>
    %swap3A_128 = vector.shape_cast %swap3A_127 : vector<1x1x32x1024xf32> to vector<32x1024xf32>
    %swap3A_129 = vector.shape_cast %slice3A_122 : vector<32x1024xf32> to vector<1x1x32x1024xf32>
    tpu.vector_store %arg2[%swap3A_123, %swap3A_124, %swap3A_125, %swap3A_126], %swap3A_129 {strides = array<i32>} : memref<1x32x32x1024xf32, #tpu.memory_space<vmem>>, vector<1x1x32x1024xf32>,
    %slice3A_130 = vector.extract_strided_slice %get3A_3 {offsets = [0, 480], sizes = [32, 1024], strides = [1, 1]} : vector<32x2048xf32> to vector<32x1024xf32>
    %swap3A_131 = arith.constant 0 : index
    %swap3A_132 = arith.constant 16 : index
    %swap3A_133 = arith.constant 0 : index
    %swap3A_134 = arith.constant 0 : index
    %swap3A_135 = vector.load %arg2[%swap3A_131, %swap3A_132, %swap3A_133, %swap3A_134] : memref<1x32x32x1024xf32, #tpu.memory_space<vmem>>, vector<1x1x32x1024xf32>
    %swap3A_136 = vector.shape_cast %swap3A_135 : vector<1x1x32x1024xf32> to vector<32x1024xf32>
    %swap3A_137 = vector.shape_cast %slice3A_130 : vector<32x1024xf32> to vector<1x1x32x1024xf32>
    tpu.vector_store %arg2[%swap3A_131, %swap3A_132, %swap3A_133, %swap3A_134], %swap3A_137 {strides = array<i32>} : memref<1x32x32x1024xf32, #tpu.memory_space<vmem>>, vector<1x1x32x1024xf32>,
    %slice3A_138 = vector.extract_strided_slice %get3A_3 {offsets = [0, 448], sizes = [32, 1024], strides = [1, 1]} : vector<32x2048xf32> to vector<32x1024xf32>
    %swap3A_139 = arith.constant 0 : index
    %swap3A_140 = arith.constant 17 : index
    %swap3A_141 = arith.constant 0 : index
    %swap3A_142 = arith.constant 0 : index
    %swap3A_143 = vector.load %arg2[%swap3A_139, %swap3A_140, %swap3A_141, %swap3A_142] : memref<1x32x32x1024xf32, #tpu.memory_space<vmem>>, vector<1x1x32x1024xf32>
    %swap3A_144 = vector.shape_cast %swap3A_143 : vector<1x1x32x1024xf32> to vector<32x1024xf32>
    %swap3A_145 = vector.shape_cast %slice3A_138 : vector<32x1024xf32> to vector<1x1x32x1024xf32>
    tpu.vector_store %arg2[%swap3A_139, %swap3A_140, %swap3A_141, %swap3A_142], %swap3A_145 {strides = array<i32>} : memref<1x32x32x1024xf32, #tpu.memory_space<vmem>>, vector<1x1x32x1024xf32>,
    %slice3A_146 = vector.extract_strided_slice %get3A_3 {offsets = [0, 416], sizes = [32, 1024], strides = [1, 1]} : vector<32x2048xf32> to vector<32x1024xf32>
    %swap3A_147 = arith.constant 0 : index
    %swap3A_148 = arith.constant 18 : index
    %swap3A_149 = arith.constant 0 : index
    %swap3A_150 = arith.constant 0 : index
    %swap3A_151 = vector.load %arg2[%swap3A_147, %swap3A_148, %swap3A_149, %swap3A_150] : memref<1x32x32x1024xf32, #tpu.memory_space<vmem>>, vector<1x1x32x1024xf32>
    %swap3A_152 = vector.shape_cast %swap3A_151 : vector<1x1x32x1024xf32> to vector<32x1024xf32>
    %swap3A_153 = vector.shape_cast %slice3A_146 : vector<32x1024xf32> to vector<1x1x32x1024xf32>
    tpu.vector_store %arg2[%swap3A_147, %swap3A_148, %swap3A_149, %swap3A_150], %swap3A_153 {strides = array<i32>} : memref<1x32x32x1024xf32, #tpu.memory_space<vmem>>, vector<1x1x32x1024xf32>,
    %slice3A_154 = vector.extract_strided_slice %get3A_3 {offsets = [0, 384], sizes = [32, 1024], strides = [1, 1]} : vector<32x2048xf32> to vector<32x1024xf32>
    %swap3A_155 = arith.constant 0 : index
    %swap3A_156 = arith.constant 19 : index
    %swap3A_157 = arith.constant 0 : index
    %swap3A_158 = arith.constant 0 : index
    %swap3A_159 = vector.load %arg2[%swap3A_155, %swap3A_156, %swap3A_157, %swap3A_158] : memref<1x32x32x1024xf32, #tpu.memory_space<vmem>>, vector<1x1x32x1024xf32>
    %swap3A_160 = vector.shape_cast %swap3A_159 : vector<1x1x32x1024xf32> to vector<32x1024xf32>
    %swap3A_161 = vector.shape_cast %slice3A_154 : vector<32x1024xf32> to vector<1x1x32x1024xf32>
    tpu.vector_store %arg2[%swap3A_155, %swap3A_156, %swap3A_157, %swap3A_158], %swap3A_161 {strides = array<i32>} : memref<1x32x32x1024xf32, #tpu.memory_space<vmem>>, vector<1x1x32x1024xf32>,
    %slice3A_162 = vector.extract_strided_slice %get3A_3 {offsets = [0, 352], sizes = [32, 1024], strides = [1, 1]} : vector<32x2048xf32> to vector<32x1024xf32>
    %swap3A_163 = arith.constant 0 : index
    %swap3A_164 = arith.constant 20 : index
    %swap3A_165 = arith.constant 0 : index
    %swap3A_166 = arith.constant 0 : index
    %swap3A_167 = vector.load %arg2[%swap3A_163, %swap3A_164, %swap3A_165, %swap3A_166] : memref<1x32x32x1024xf32, #tpu.memory_space<vmem>>, vector<1x1x32x1024xf32>
    %swap3A_168 = vector.shape_cast %swap3A_167 : vector<1x1x32x1024xf32> to vector<32x1024xf32>
    %swap3A_169 = vector.shape_cast %slice3A_162 : vector<32x1024xf32> to vector<1x1x32x1024xf32>
    tpu.vector_store %arg2[%swap3A_163, %swap3A_164, %swap3A_165, %swap3A_166], %swap3A_169 {strides = array<i32>} : memref<1x32x32x1024xf32, #tpu.memory_space<vmem>>, vector<1x1x32x1024xf32>,
    %slice3A_170 = vector.extract_strided_slice %get3A_3 {offsets = [0, 320], sizes = [32, 1024], strides = [1, 1]} : vector<32x2048xf32> to vector<32x1024xf32>
    %swap3A_171 = arith.constant 0 : index
    %swap3A_172 = arith.constant 21 : index
    %swap3A_173 = arith.constant 0 : index
    %swap3A_174 = arith.constant 0 : index
    %swap3A_175 = vector.load %arg2[%swap3A_171, %swap3A_172, %swap3A_173, %swap3A_174] : memref<1x32x32x1024xf32, #tpu.memory_space<vmem>>, vector<1x1x32x1024xf32>
    %swap3A_176 = vector.shape_cast %swap3A_175 : vector<1x1x32x1024xf32> to vector<32x1024xf32>
    %swap3A_177 = vector.shape_cast %slice3A_170 : vector<32x1024xf32> to vector<1x1x32x1024xf32>
    tpu.vector_store %arg2[%swap3A_171, %swap3A_172, %swap3A_173, %swap3A_174], %swap3A_177 {strides = array<i32>} : memref<1x32x32x1024xf32, #tpu.memory_space<vmem>>, vector<1x1x32x1024xf32>,
    %slice3A_178 = vector.extract_strided_slice %get3A_3 {offsets = [0, 288], sizes = [32, 1024], strides = [1, 1]} : vector<32x2048xf32> to vector<32x1024xf32>
    %swap3A_179 = arith.constant 0 : index
    %swap3A_180 = arith.constant 22 : index
    %swap3A_181 = arith.constant 0 : index
    %swap3A_182 = arith.constant 0 : index
    %swap3A_183 = vector.load %arg2[%swap3A_179, %swap3A_180, %swap3A_181, %swap3A_182] : memref<1x32x32x1024xf32, #tpu.memory_space<vmem>>, vector<1x1x32x1024xf32>
    %swap3A_184 = vector.shape_cast %swap3A_183 : vector<1x1x32x1024xf32> to vector<32x1024xf32>
    %swap3A_185 = vector.shape_cast %slice3A_178 : vector<32x1024xf32> to vector<1x1x32x1024xf32>
    tpu.vector_store %arg2[%swap3A_179, %swap3A_180, %swap3A_181, %swap3A_182], %swap3A_185 {strides = array<i32>} : memref<1x32x32x1024xf32, #tpu.memory_space<vmem>>, vector<1x1x32x1024xf32>,
    %slice3A_186 = vector.extract_strided_slice %get3A_3 {offsets = [0, 256], sizes = [32, 1024], strides = [1, 1]} : vector<32x2048xf32> to vector<32x1024xf32>
    %swap3A_187 = arith.constant 0 : index
    %swap3A_188 = arith.constant 23 : index
    %swap3A_189 = arith.constant 0 : index
    %swap3A_190 = arith.constant 0 : index
    %swap3A_191 = vector.load %arg2[%swap3A_187, %swap3A_188, %swap3A_189, %swap3A_190] : memref<1x32x32x1024xf32, #tpu.memory_space<vmem>>, vector<1x1x32x1024xf32>
    %swap3A_192 = vector.shape_cast %swap3A_191 : vector<1x1x32x1024xf32> to vector<32x1024xf32>
    %swap3A_193 = vector.shape_cast %slice3A_186 : vector<32x1024xf32> to vector<1x1x32x1024xf32>
    tpu.vector_store %arg2[%swap3A_187, %swap3A_188, %swap3A_189, %swap3A_190], %swap3A_193 {strides = array<i32>} : memref<1x32x32x1024xf32, #tpu.memory_space<vmem>>, vector<1x1x32x1024xf32>,
    %slice3A_194 = vector.extract_strided_slice %get3A_3 {offsets = [0, 224], sizes = [32, 1024], strides = [1, 1]} : vector<32x2048xf32> to vector<32x1024xf32>
    %swap3A_195 = arith.constant 0 : index
    %swap3A_196 = arith.constant 24 : index
    %swap3A_197 = arith.constant 0 : index
    %swap3A_198 = arith.constant 0 : index
    %swap3A_199 = vector.load %arg2[%swap3A_195, %swap3A_196, %swap3A_197, %swap3A_198] : memref<1x32x32x1024xf32, #tpu.memory_space<vmem>>, vector<1x1x32x1024xf32>
    %swap3A_200 = vector.shape_cast %swap3A_199 : vector<1x1x32x1024xf32> to vector<32x1024xf32>
    %swap3A_201 = vector.shape_cast %slice3A_194 : vector<32x1024xf32> to vector<1x1x32x1024xf32>
    tpu.vector_store %arg2[%swap3A_195, %swap3A_196, %swap3A_197, %swap3A_198], %swap3A_201 {strides = array<i32>} : memref<1x32x32x1024xf32, #tpu.memory_space<vmem>>, vector<1x1x32x1024xf32>,
    %slice3A_202 = vector.extract_strided_slice %get3A_3 {offsets = [0, 192], sizes = [32, 1024], strides = [1, 1]} : vector<32x2048xf32> to vector<32x1024xf32>
    %swap3A_203 = arith.constant 0 : index
    %swap3A_204 = arith.constant 25 : index
    %swap3A_205 = arith.constant 0 : index
    %swap3A_206 = arith.constant 0 : index
    %swap3A_207 = vector.load %arg2[%swap3A_203, %swap3A_204, %swap3A_205, %swap3A_206] : memref<1x32x32x1024xf32, #tpu.memory_space<vmem>>, vector<1x1x32x1024xf32>
    %swap3A_208 = vector.shape_cast %swap3A_207 : vector<1x1x32x1024xf32> to vector<32x1024xf32>
    %swap3A_209 = vector.shape_cast %slice3A_202 : vector<32x1024xf32> to vector<1x1x32x1024xf32>
    tpu.vector_store %arg2[%swap3A_203, %swap3A_204, %swap3A_205, %swap3A_206], %swap3A_209 {strides = array<i32>} : memref<1x32x32x1024xf32, #tpu.memory_space<vmem>>, vector<1x1x32x1024xf32>,
    %slice3A_210 = vector.extract_strided_slice %get3A_3 {offsets = [0, 160], sizes = [32, 1024], strides = [1, 1]} : vector<32x2048xf32> to vector<32x1024xf32>
    %swap3A_211 = arith.constant 0 : index
    %swap3A_212 = arith.constant 26 : index
    %swap3A_213 = arith.constant 0 : index
    %swap3A_214 = arith.constant 0 : index
    %swap3A_215 = vector.load %arg2[%swap3A_211, %swap3A_212, %swap3A_213, %swap3A_214] : memref<1x32x32x1024xf32, #tpu.memory_space<vmem>>, vector<1x1x32x1024xf32>
    %swap3A_216 = vector.shape_cast %swap3A_215 : vector<1x1x32x1024xf32> to vector<32x1024xf32>
    %swap3A_217 = vector.shape_cast %slice3A_210 : vector<32x1024xf32> to vector<1x1x32x1024xf32>
    tpu.vector_store %arg2[%swap3A_211, %swap3A_212, %swap3A_213, %swap3A_214], %swap3A_217 {strides = array<i32>} : memref<1x32x32x1024xf32, #tpu.memory_space<vmem>>, vector<1x1x32x1024xf32>,
    %slice3A_218 = vector.extract_strided_slice %get3A_3 {offsets = [0, 128], sizes = [32, 1024], strides = [1, 1]} : vector<32x2048xf32> to vector<32x1024xf32>
    %swap3A_219 = arith.constant 0 : index
    %swap3A_220 = arith.constant 27 : index
    %swap3A_221 = arith.constant 0 : index
    %swap3A_222 = arith.constant 0 : index
    %swap3A_223 = vector.load %arg2[%swap3A_219, %swap3A_220, %swap3A_221, %swap3A_222] : memref<1x32x32x1024xf32, #tpu.memory_space<vmem>>, vector<1x1x32x1024xf32>
    %swap3A_224 = vector.shape_cast %swap3A_223 : vector<1x1x32x1024xf32> to vector<32x1024xf32>
    %swap3A_225 = vector.shape_cast %slice3A_218 : vector<32x1024xf32> to vector<1x1x32x1024xf32>
    tpu.vector_store %arg2[%swap3A_219, %swap3A_220, %swap3A_221, %swap3A_222], %swap3A_225 {strides = array<i32>} : memref<1x32x32x1024xf32, #tpu.memory_space<vmem>>, vector<1x1x32x1024xf32>,
    %slice3A_226 = vector.extract_strided_slice %get3A_3 {offsets = [0, 96], sizes = [32, 1024], strides = [1, 1]} : vector<32x2048xf32> to vector<32x1024xf32>
    %swap3A_227 = arith.constant 0 : index
    %swap3A_228 = arith.constant 28 : index
    %swap3A_229 = arith.constant 0 : index
    %swap3A_230 = arith.constant 0 : index
    %swap3A_231 = vector.load %arg2[%swap3A_227, %swap3A_228, %swap3A_229, %swap3A_230] : memref<1x32x32x1024xf32, #tpu.memory_space<vmem>>, vector<1x1x32x1024xf32>
    %swap3A_232 = vector.shape_cast %swap3A_231 : vector<1x1x32x1024xf32> to vector<32x1024xf32>
    %swap3A_233 = vector.shape_cast %slice3A_226 : vector<32x1024xf32> to vector<1x1x32x1024xf32>
    tpu.vector_store %arg2[%swap3A_227, %swap3A_228, %swap3A_229, %swap3A_230], %swap3A_233 {strides = array<i32>} : memref<1x32x32x1024xf32, #tpu.memory_space<vmem>>, vector<1x1x32x1024xf32>,
    %slice3A_234 = vector.extract_strided_slice %get3A_3 {offsets = [0, 64], sizes = [32, 1024], strides = [1, 1]} : vector<32x2048xf32> to vector<32x1024xf32>
    %swap3A_235 = arith.constant 0 : index
    %swap3A_236 = arith.constant 29 : index
    %swap3A_237 = arith.constant 0 : index
    %swap3A_238 = arith.constant 0 : index
    %swap3A_239 = vector.load %arg2[%swap3A_235, %swap3A_236, %swap3A_237, %swap3A_238] : memref<1x32x32x1024xf32, #tpu.memory_space<vmem>>, vector<1x1x32x1024xf32>
    %swap3A_240 = vector.shape_cast %swap3A_239 : vector<1x1x32x1024xf32> to vector<32x1024xf32>
    %swap3A_241 = vector.shape_cast %slice3A_234 : vector<32x1024xf32> to vector<1x1x32x1024xf32>
    tpu.vector_store %arg2[%swap3A_235, %swap3A_236, %swap3A_237, %swap3A_238], %swap3A_241 {strides = array<i32>} : memref<1x32x32x1024xf32, #tpu.memory_space<vmem>>, vector<1x1x32x1024xf32>,
    %slice3A_242 = vector.extract_strided_slice %get3A_3 {offsets = [0, 32], sizes = [32, 1024], strides = [1, 1]} : vector<32x2048xf32> to vector<32x1024xf32>
    %swap3A_243 = arith.constant 0 : index
    %swap3A_244 = arith.constant 30 : index
    %swap3A_245 = arith.constant 0 : index
    %swap3A_246 = arith.constant 0 : index
    %swap3A_247 = vector.load %arg2[%swap3A_243, %swap3A_244, %swap3A_245, %swap3A_246] : memref<1x32x32x1024xf32, #tpu.memory_space<vmem>>, vector<1x1x32x1024xf32>
    %swap3A_248 = vector.shape_cast %swap3A_247 : vector<1x1x32x1024xf32> to vector<32x1024xf32>
    %swap3A_249 = vector.shape_cast %slice3A_242 : vector<32x1024xf32> to vector<1x1x32x1024xf32>
    tpu.vector_store %arg2[%swap3A_243, %swap3A_244, %swap3A_245, %swap3A_246], %swap3A_249 {strides = array<i32>} : memref<1x32x32x1024xf32, #tpu.memory_space<vmem>>, vector<1x1x32x1024xf32>,
    %slice3A_250 = vector.extract_strided_slice %get3A_3 {offsets = [0, 0], sizes = [32, 1024], strides = [1, 1]} : vector<32x2048xf32> to vector<32x1024xf32>
    %swap3A_251 = arith.constant 0 : index
    %swap3A_252 = arith.constant 31 : index
    %swap3A_253 = arith.constant 0 : index
    %swap3A_254 = arith.constant 0 : index
    %swap3A_255 = vector.load %arg2[%swap3A_251, %swap3A_252, %swap3A_253, %swap3A_254] : memref<1x32x32x1024xf32, #tpu.memory_space<vmem>>, vector<1x1x32x1024xf32>
    %swap3A_256 = vector.shape_cast %swap3A_255 : vector<1x1x32x1024xf32> to vector<32x1024xf32>
    %swap3A_257 = vector.shape_cast %slice3A_250 : vector<32x1024xf32> to vector<1x1x32x1024xf32>
    tpu.vector_store %arg2[%swap3A_251, %swap3A_252, %swap3A_253, %swap3A_254], %swap3A_257 {strides = array<i32>} : memref<1x32x32x1024xf32, #tpu.memory_space<vmem>>, vector<1x1x32x1024xf32>,
    return
  }
  func.func @transform_0(%arg0: i32) -> (i32, i32, i32) {
    %c0_i32 = arith.constant 0 : i32
    %c0_i32_0 = arith.constant 0 : i32
    %c0_i32_1 = arith.constant 0 : i32
    return %arg0, %c0_i32, %c0_i32_0 : i32, i32, i32
  }
  func.func @transform_1(%arg0: i32) -> (i32, i32, i32, i32) {
    %c0_i32 = arith.constant 0 : i32
    %c0_i32_0 = arith.constant 0 : i32
    %c0_i32_1 = arith.constant 0 : i32
    %c0_i32_2 = arith.constant 0 : i32
    return %arg0, %c0_i32, %c0_i32_0, %c0_i32_1 : i32, i32, i32, i32
  }
}

</mosaic_0001>

<sc_bundles>
// kernel: kernel.4.cloned.1.call-start
scs
__scs_entry_jumppad:
0x0: {  	(pc) =	sbr.rel $0x88, $3  }
0x1: {  	(tag) =	ssettag $0x0;
	lr =	simm.s32 $0x1  }
0x2: {  	[smem:$0x3F9F] =	sst lr;
	_ =	strace $0xD0000000  }
0x3: {  	_ = 	snop  }
0x4: {  	_ = 	snop  }
0x5: {  	_ = 	snop  }
0x6: {  	_ = 	snop  }
0x7: {  	_ = 	snop  }
__scs_overlays_trampoline_lowered:
0x8: {  	[smem:$0x3FAE] =	sst s0  }
0x9: {  	[smem:$0x3FAF] =	sst s1  }
0xa: {  	[smem:$0x3FB0] =	sst s2  }
0xb: {  	[smem:$0x3FB1] =	sst s3  }
0xc: {  	[smem:$0x3FB2] =	sst s4  }
0xd: {  	[smem:$0x3FB3] =	sst s5  }
0xe: {  	[smem:$0x3FB4] =	sst s6  }
0xf: {  	[smem:$0x3FB5] =	sst s7  }
0x10: {  	[smem:$0x3FB6] =	sst s8  }
0x11: {  	[smem:$0x3FB7] =	sst s9;
	s0 =	simm.s32 @!p0 $0x0  }
0x12: {  	s1 =	sld [smem:$0x3F9D];
	s0 =	simm.s32 @p0 $0x1  }
0x13: {  	[smem:$0x3FB8] =	sst s0;
	s0 =	simm.s32 @!p1 $0x0  }
0x14: {  	s2 =	sld [smem:$0x3F9C];
	s0 =	simm.s32 @p1 $0x1  }
0x15: {  	[smem:$0x3FB9] =	sst s0;
	s0 =	simm.s32 @!p2 $0x0  }
0x16: {  	s3 =	sld [smem:$0x3FDB];
	s0 =	simm.s32 @p2 $0x1  }
0x17: {  	s4 =	simm.s32 $0x1BF5;
	[smem:$0x3FBB] =	sst s0  }
0x18: {  	s0 =	sld [smem:$0x3F9E];
	_ =	swait.ge [sflag:s4], $0x0  }
0x19: {  	s7 =	sld [smem:$0x3F9F]  }
0x1a: {  	s8 =	sadd.s32 $0xFFFFE003, lr  }
0x1b: {  	s9 =	sadd.s32 $0xFFFFFEF7, lr;
	s5 =	simm.s32 $0xFFFFFFFF;
	p2 =	slt.u32 s8, $0xFFFFF086  }
0x1c: {  	p1 =	slt.u32 s9, $0xF7A;
	s5 =	simm.s32 @!p2 $0x0  }
0x1d: {  	s5 =	simm.s32 @p1 $0x1;
	p0 =	seq.s32 s7, s2  }
0x1e: {  	s7 =	smul.u32 @!p0 $0xF7A, s2;
	p2 =	seq.s32 @!p0 s5, $0x0  }
0x1f: {  	s9 =	smul.u32 $0xF7A, s1;
	s8 =	simm.s32 @!p0 $0x1BF5;
	p2 =	por !p2, p0  }
0x20: {  	[sflag:s8] =	ssyncset.s32 @!p0 $0xFFFFF086;
	s6 =	sadd.s32 @!p0 s3, s7;
	s7 =	simm.s32 @!p0 $0x108  }
0x21: {  	s3 =	sadd.s32 s3, s9;
	s6 =	sadd.s32 @!p0 $0x88, s6;
	s7 =	simm.s32 @p2 $0x1082  }
0x22: {  	[simem:s7], [sflag:s8] =	dma.local @!p0 [hbm:s6], $0xF7A  }
0x23: {  	s9 =	sor.u32 $0xD0000000, s2;
	s6 =	simm.s32 $0x108;
	_ =	swait.ge @!p0 [sflag:s8], $0x0  }
0x24: {  	s3 =	sadd.s32 $0x88, s3;
	s6 =	simm.s32 @!p1 $0x1082;
	[sflag:s4] =	ssyncset.s32 $0xFFFFF086  }
0x25: {  	[simem:s6], [sflag:s4] =	dma.local [hbm:s3], $0xF7A  }
0x26: {  	[smem:$0x3F9F] =	sst s1;
	(tag) =	ssettag s2;
	_ =	strace s9  }
0x27: {  	s1 =	sld [smem:$0x3FAF]  }
0x28: {  	s2 =	sld [smem:$0x3FB0]  }
0x29: {  	s4 =	sld [smem:$0x3FB2]  }
0x2a: {  	p0 =	seq.s32 s5, $0x0;
	s5 =	sld [smem:$0x3FB3]  }
0x2b: {  	s6 =	sld [smem:$0x3FB4]  }
0x2c: {  	s7 =	sld [smem:$0x3FB5]  }
0x2d: {  	s3 =	simm.s32 $0x108;
	s8 =	sld [smem:$0x3FB6]  }
0x2e: {  	s3 =	simm.s32 @!p0 $0x1082;
	s9 =	sld [smem:$0x3FB7]  }
0x2f: {  	lr =	sadd.s32 s0, s3;
	s0 =	sld [smem:$0x3FAE]  }
0x30: {  	s3 =	sld [smem:$0x3FB1]  }
0x31: {  	[smem:$0x3FBA] =	sst s10  }
0x32: {  	s10 =	sld [smem:$0x3FB8];
	_ =	sdelay $0x3  }
0x33: {  	p0 =	seq.s32 s10, $0x1;
	s10 =	sld [smem:$0x3FBA];
	_ =	sdelay $0x3  }
0x34: {  	[smem:$0x3FBA] =	sst s10  }
0x35: {  	s10 =	sld [smem:$0x3FB9];
	_ =	sdelay $0x3  }
0x36: {  	p1 =	seq.s32 s10, $0x1;
	s10 =	sld [smem:$0x3FBA];
	_ =	sdelay $0x3  }
0x37: {  	[smem:$0x3FBA] =	sst s10  }
0x38: {  	s10 =	sld [smem:$0x3FBB]  }
0x39: {  	_ = 	snop;
	(pc) =	sbr.ind lr, $3  }
0x3a: {  	_ = 	snop  }
0x3b: {  	_ = 	snop  }
0x3c: {  	p2 =	seq.s32 s10, $0x1;
	s10 =	sld [smem:$0x3FBA]  }
0x3d: {  	_ =	shalt  }
0x3e: {  	_ =	shalt  }
0x3f: {  	_ =	shalt  }
0x40: {  	_ =	shalt  }
0x41: {  	_ =	shalt  }
0x42: {  	_ =	shalt  }
0x43: {  	_ =	shalt  }
0x44: {  	_ =	shalt  }
0x45: {  	_ =	shalt  }
0x46: {  	_ =	shalt  }
0x47: {  	_ =	shalt  }
0x48: {  	_ =	shalt  }
0x49: {  	_ =	shalt  }
0x4a: {  	_ =	shalt  }
0x4b: {  	_ =	shalt  }
0x4c: {  	_ =	shalt  }
0x4d: {  	_ =	shalt  }
0x4e: {  	_ =	shalt  }
0x4f: {  	_ =	shalt  }
0x50: {  	_ =	shalt  }
0x51: {  	_ =	shalt  }
0x52: {  	_ =	shalt  }
0x53: {  	_ =	shalt  }
0x54: {  	_ =	shalt  }
0x55: {  	_ =	shalt  }
0x56: {  	_ =	shalt  }
0x57: {  	_ =	shalt  }
0x58: {  	_ =	shalt  }
0x59: {  	_ =	shalt  }
0x5a: {  	_ =	shalt  }
0x5b: {  	_ =	shalt  }
0x5c: {  	_ =	shalt  }
0x5d: {  	_ =	shalt  }
0x5e: {  	_ =	shalt  }
0x5f: {  	_ =	shalt  }
0x60: {  	_ =	shalt  }
0x61: {  	_ =	shalt  }
0x62: {  	_ =	shalt  }
0x63: {  	_ =	shalt  }
0x64: {  	_ =	shalt  }
0x65: {  	_ =	shalt  }
0x66: {  	_ =	shalt  }
0x67: {  	_ =	shalt  }
0x68: {  	_ =	shalt  }
0x69: {  	_ =	shalt  }
0x6a: {  	_ =	shalt  }
0x6b: {  	_ =	shalt  }
0x6c: {  	_ =	shalt  }
0x6d: {  	_ =	shalt  }
0x6e: {  	_ =	shalt  }
0x6f: {  	_ =	shalt  }
0x70: {  	_ =	shalt  }
0x71: {  	_ =	shalt  }
0x72: {  	_ =	shalt  }
0x73: {  	_ =	shalt  }
0x74: {  	_ =	shalt  }
0x75: {  	_ =	shalt  }
0x76: {  	_ =	shalt  }
0x77: {  	_ =	shalt  }
0x78: {  	_ =	shalt  }
0x79: {  	_ =	shalt  }
0x7a: {  	_ =	shalt  }
0x7b: {  	_ =	shalt  }
0x7c: {  	_ =	shalt  }
0x7d: {  	_ =	shalt  }
0x7e: {  	_ =	shalt  }
0x7f: {  	_ =	shalt  }
0x80: {  	_ =	shalt  }
0x81: {  	_ =	shalt  }
0x82: {  	_ =	shalt  }
0x83: {  	_ =	shalt  }
0x84: {  	_ =	shalt  }
0x85: {  	_ =	shalt  }
0x86: {  	_ =	shalt  }
0x87: {  	_ =	shalt  }
.Lfunc_end0:
.L_simem_size_0:
called_computation_lowered:
.L_overlay_start_0:
0x88: {  	s2 =	sld [smem:$0x3FD9]  }
0x89: {  	s3 =	sld [smem:$0x3FFE];
	_ =	sdelay $0x1  }
0x8a: {  	s1 =	srdreg.scid  }
0x8b: {  	s0 =	sand.u32 $0x1, s1  }
0x8c: {  	s17 =	sshll.u32 s0, $0xA;
	s2 =	sadd.s32 s3, s2  }
0x8d: {  	s2 =	sadd.s32 s2, s17  }
0x8e: {  	[smem:$0x3FC6] =	sst s2  }
0x8f: {  	_ = 	snop  }
0x90: {  	s2 =	sld [smem:$0x3FD0];
	(tm) =	ssettm $0x1  }
0x91: {  	s18 =	sld [smem:$0x3FFB];
	_ =	sdelay $0x3  }
0x92: {  	_ =	strace s18  }
0x93: {  	s3 =	sld [smem:$0x3FFC];
	_ =	sdelay $0x3  }
0x94: {  	_ =	strace s3  }
0x95: {  	s3 =	sld [smem:$0x3FFD];
	_ =	sdelay $0x3  }
0x96: {  	_ =	strace s3  }
0x97: {  	_ =	strace $0x8FFFFFFF  }
0x98: {  	s19 =	sld [smem:$0x3FDB];
	_ =	sdelay $0x1  }
0x99: {  	s4 =	simm.s32 $_scs_section_size  }
0x9a: {  	s5 =	simm.s32 $_size__tile_overlayer_lowered;
	s6 =	simm.s32 $_tile_overlayer_lowered  }
0x9b: {  	s22 =	simm.s32 $0x1BFF;
	s21 =	sshll.u32 s6, $0x1;
	s3 =	sadd.s32 s4, s19  }
0x9c: {  	s7 =	simm.s32 $0x0;
	s20 =	sshll.u32 s5, $0x1;
	s5 =	sadd.s32 s21, s3  }
0x9d: {  	[timem:s7], [sflag:s22] =	dma.local [hbm:s5], s20  }
0x9e: {  	_ =	swait.ge [sflag:s22], s20  }
0x9f: {  	s4 =	ssub.s32 $0x0, s20;
	[sflag:s22] =	ssyncset.done $0x0  }
0xa0: {  	[sflag:s22] =	ssyncadd.s32 s4;
	_ =	sdelay $0x1  }
0xa1: {  	s23 =	simm.s32 $0x1B8B  }
0xa2: {  	_ =	swait.ge [sflag:s23], $0x1  }
0xa3: {  	[sflag:s23] =	ssyncset.done $0x0  }
0xa4: {  	s25 =	simm.s32 $0x1B8E;
	s24 =	sld [smem:$0x3FFE];
	[sflag:s23] =	ssyncadd.s32 $0xFFFFFFFF  }
0xa5: {  	s26 =	simm.s32 $execute0_lowered;
	[smem:$0x3FD2] =	sst s25  }
0xa6: {  	s5 =	sshll.u32 s26, $0x1;
	_ =	strace $0x80000046;
	[dreg:$0x1] =	wrdreg $0xFFFFFFFF  }
0xa7: {  	s28 =	simm.s32 $_size_execute0_lowered;
	s3 =	sadd.s32 s3, s5;
	[dreg:$0x0] =	wrdreg $0x0  }
0xa8: {  	s5 =	sshll.u32 s28, $0x1;
	[dreg:$0x2] =	wrdreg s3  }
0xa9: {  	[dreg:$0x3] =	wrdreg s5  }
0xaa: {  	[dreg:$0x4] =	wrdreg $0xC0  }
0xab: {  	_ =	task [dreg:s7], $0x5FFFF  }
0xac: {  	[dreg:$0x1] =	wrdreg $0xFFFFFFFF  }
0xad: {  	[dreg:$0x0] =	wrdreg $0x60  }
0xae: {  	[dreg:$0x2] =	wrdreg s2  }
0xaf: {  	[dreg:$0x3] =	wrdreg s24  }
0xb0: {  	[dreg:$0x4] =	wrdreg $0x9  }
0xb1: {  	_ =	task.clear_ibuf [dreg:s7], $0x5FFFF;
	_ =	strace $0x90000046  }
0xb2: {  	s29 =	simm.s32 $0x9;
	_ =	strace $0x80000048  }
0xb3: {  	_ =	swait.ge [sflag:s29], $0x1  }
0xb4: {  	[sflag:s29] =	ssyncadd.s32 $0xFFFFFFFF  }
0xb5: {  	_ =	strace $0x90000048  }
0xb6: {  	_ =	sfence  }
0xb7: {  	s30 =	sld [smem:$0x0];
	_ =	sdelay $0x2  }
0xb8: {  	s31 =	sshll.u32 s1, $0xD;
	s1 =	sshrl.u32 s1, $0x2  }
0xb9: {  	s3 =	sand.u32 $0x4000, s31;
	s1 =	sadd.s32 s1, s30  }
0xba: {  	s0 =	sor.u32 s3, s0;
	s1 =	sshll.u32 s1, $0x11  }
0xbb: {  	s0 =	sor.u32 s1, s0  }
0xbc: {  	s0 =	sadd.s32 $0x8F2B, s0  }
0xbd: {  	[sflag:s0] =	ssyncadd.remote.s32 $0x1  }
0xbe: {  	_ =	sfence.sel $0xFFFF  }
0xbf: {  	[dreg:$0x0] =	wrdreg $0xFFFFFFFF;
	(pc) =	sbr.abs _section_cstart, $3  }
0xc0: {  	[dreg:$0x1] =	wrdreg $0xFFFFFFFF  }
0xc1: {  	_ =	task.clear_ibuf [dreg:s7], $0x2FFFF;
	_ =	strace $0x9FFFFFFF  }
0xc2: {  	(tm) =	ssettm $0x7FFFFFFF  }
0xc3: {  	_ =	shalt  }
tec
execute0_lowered:
.L_overlay_start_1:
0x0: {  	(tag) =	ssettag $0x1  }
0x1: {  	s1 =	srdreg.scid;
	s2 =	stileid.u32  }
0x2: {  	v0 =	vlaneseq.u32;
	s1 =	sand.u32 $0x1, s1;
	s2 =	sshll.u32 s2, $0x1  }
0x3: {  	v1 =	vmul.u32 $0xFFFFFC00, v0;
	s2 =	sor.u32 s1, s2  }
0x4: {  	v2 =	vmov s2  }
0x5: {  	s0 =	rddreg [dreg:$0x1];
	s3 =	simm.s32 $0x0;
	v3 =	vadd.s32 $0x7C00, v1;
	v2 =	vshll.u32 v2, $0x5  }
0x6: {  	[smem:$0x7FF] =	sst s3;
	v4 =	vadd.s32 $0x1, v0;
	v3 =	vor.u32 v3, v2  }
0x7: {  	_ =	strace $0x80000047;
	s5 =	sshll.u32 s2, $0x8;
	s2 =	sshll.u32 s2, $0x5;
	[tilespmem:$0x1FF80] =	vst v3;
	v3 =	vadd.s32 $0x3C00, v1;
	v1 =	vmul.u32 $0x10, v0;
	v0 =	vadd.s32 $0x11, v0  }
0x8: {  	v2 =	vor.u32 v3, v2;
	v0 =	vadd.s32 s2, v0  }
0x9: {  	[tilespmem:$0x1FF90] =	vst v2;
	v2 =	vor.u32 s2, v4;
	v6 =	vor.u32 $0x100, v1;
	v7 =	vor.u32 $0x200, v1  }
0xa: {  	v8 =	vor.u32 $0x300, v1;
	v61 =	vor.u32 $0x400, v1;
	v9 =	vor.u32 $0x500, v1  }
0xb: {  	v10 =	vor.u32 $0x600, v1;
	v11 =	vor.u32 $0x700, v1;
	v12 =	vor.u32 $0x800, v1  }
0xc: {  	v13 =	vor.u32 $0x900, v1;
	v14 =	vor.u32 $0xA00, v1;
	v15 =	vor.u32 $0xB00, v1  }
0xd: {  	v16 =	vor.u32 $0xC00, v1;
	v17 =	vor.u32 $0xD00, v1;
	v18 =	vor.u32 $0xE00, v1  }
0xe: {  	v19 =	vor.u32 $0xF00, v1;
	v20 =	vor.u32 $0x1000, v1;
	v21 =	vor.u32 $0x1100, v1  }
0xf: {  	v22 =	vor.u32 $0x1200, v1;
	v23 =	vor.u32 $0x1300, v1;
	v24 =	vor.u32 $0x1400, v1  }
0x10: {  	s26 =	simm.s32 $0x1040;
	v25 =	vor.u32 $0x1500, v1;
	v26 =	vor.u32 $0x1600, v1;
	v27 =	vor.u32 $0x1700, v1  }
0x11: {  	s22 =	simm.s32 $0xF840;
	s25 =	simm.s32 $0x10040;
	s1 =	ssub.s32 $0x2, s1;
	v28 =	vor.u32 $0x1800, v1;
	v29 =	vor.u32 $0x1900, v1;
	v30 =	vor.u32 $0x1A00, v1  }
0x12: {  	s4 =	sadd.s32 $0x600, s0;
	s6 =	sshrl.u32 s1, $0x1;
	s0 =	sadd.s32 s5, s0;
	v31 =	vor.u32 $0x1B00, v1;
	v32 =	vor.u32 $0x1C00, v1;
	v33 =	vor.u32 $0x1D00, v1  }
0x13: {  	s28 =	simm.s32 $0x10840;
	s1 =	ssub.s32 s1, s6;
	s5 =	sadd.s32 $0x2600, s0;
	v34 =	vor.u32 $0x1E00, v1;
	v35 =	vor.u32 $0x1F00, v1;
	v36 =	vor.u32 $0x2000, v1  }
0x14: {  	s6 =	sadd.s32 $0x4600, s0;
	s7 =	sadd.s32 $0x6600, s0;
	s8 =	sadd.s32 $0x8600, s0;
	v37 =	vor.u32 $0x2100, v1;
	v38 =	vor.u32 $0x2200, v1;
	v39 =	vor.u32 $0x2300, v1  }
0x15: {  	s9 =	sadd.s32 $0xA600, s0;
	s10 =	sadd.s32 $0xC600, s0;
	s11 =	sadd.s32 $0xE600, s0;
	v40 =	vor.u32 $0x2400, v1;
	v41 =	vor.u32 $0x2500, v1;
	v42 =	vor.u32 $0x2600, v1  }
0x16: {  	s12 =	sadd.s32 $0x10600, s0;
	s13 =	sadd.s32 $0x12600, s0;
	[tilespmem:$0x1FFB0] =	vst v0;
	v43 =	vor.u32 $0x2700, v1;
	v44 =	vor.u32 $0x2800, v1;
	v45 =	vor.u32 $0x2900, v1  }
0x17: {  	s14 =	sadd.s32 $0x14600, s0;
	s15 =	sadd.s32 $0x16600, s0;
	v46 =	vor.u32 $0x2A00, v1;
	v47 =	vor.u32 $0x2B00, v1;
	v48 =	vor.u32 $0x2C00, v1;
	[tilespmem:$0x1FFA0] =	vst v2  }
0x18: {  	s23 =	simm.s32 $0x1;
	s16 =	sadd.s32 $0x18600, s0;
	s17 =	sadd.s32 $0x1A600, s0;
	v49 =	vor.u32 $0x2D00, v1;
	v50 =	vor.u32 $0x2E00, v1;
	v51 =	vor.u32 $0x2F00, v1;
	[tilespmem:$0x1FFC0] =	vst v6  }
0x19: {  	s24 =	simm.s32 $0x80;
	s18 =	sadd.s32 $0x1C600, s0;
	s19 =	sadd.s32 $0x1E600, s0;
	v52 =	vor.u32 $0x3000, v1;
	v53 =	vor.u32 $0x3100, v1;
	v54 =	vor.u32 $0x3200, v1;
	[tilespmem:$0x1FFD0] =	vst v7  }
0x1a: {  	s29 =	simm.s32 $0x0;
	s20 =	sadd.s32 $0x20600, s0;
	s0 =	simm.s32 $0xE040;
	v55 =	vor.u32 $0x3300, v1;
	v56 =	vor.u32 $0x3400, v1;
	v57 =	vor.u32 $0x3500, v1;
	[tilespmem:$0x1FFE0] =	vst v8  }
0x1b: {  	s21 =	smax.u32 s1, $0x1;
	s1 =	simm.s32 $0xF040;
	s2 =	simm.s32 $0xE840;
	v58 =	vor.u32 $0x3600, v1;
	v59 =	vor.u32 $0x3700, v1;
	v60 =	vor.u32 $0x3800, v1;
	[tilespmem:$0x1FFF0] =	vst v61  }
.LBB2_1:
0x1c: {  	v0 =	vld [tilespmem:$0x1FF80];
	_ =	sdelay $0x4  }
0x1d: {  	[tilespmem:$0x0] =	vst v0;
	v0 =	vld [tilespmem:$0x1FF90];
	_ =	sdelay $0x4  }
0x1e: {  	[tilespmem:$0x10] =	vst v0;
	v0 =	vld [tilespmem:$0x1FFA0];
	_ =	sdelay $0x4  }
0x1f: {  	[tilespmem:$0x20] =	vst v0;
	v0 =	vld [tilespmem:$0x1FFB0];
	_ =	sdelay $0x4  }
0x20: {  	s30 =	rddreg [dreg:$0x0];
	s31 =	simm.s32 $0x40;
	[tilespmem:$0x30] =	vst v0  }
0x21: {  	[tilespmem:s31], [sflag:$0x1] =	stream.indirect.gather [hbm4b:s30+s31], $0x20, s3, s31, $0xb8;
	[tilespmem:$0x11040] =	vst v63  }
0x22: {  	_ =	swait.ge [sflag:s23], $0x800  }
0x23: {  	[sflag:s23] =	ssyncset.done $0x0  }
0x24: {  	[sflag:s23] =	ssyncadd.s32 $0xFFFFF800  }
0x25: {  	v0 =	vld [tilespmem:$0x40]  }
0x26: {  	v2 =	vld [tilespmem:$0x50]  }
0x27: {  	v3 =	vld [tilespmem:$0x60]  }
0x28: {  	v4 =	vld [tilespmem:$0x70]  }
0x29: {  	v5 =	vld [tilespmem:$0x80]  }
0x2a: {  	[tilespmem:$0x840] =	vst v0;
	v0 =	vld [tilespmem:$0x90]  }
0x2b: {  	[tilespmem:$0x850] =	vst v2;
	v2 =	vld [tilespmem:$0xA0]  }
0x2c: {  	[tilespmem:$0x860] =	vst v3;
	v3 =	vld [tilespmem:$0xB0]  }
0x2d: {  	[tilespmem:$0x870] =	vst v4;
	v4 =	vld [tilespmem:$0xC0]  }
0x2e: {  	[tilespmem:$0x880] =	vst v5;
	v5 =	vld [tilespmem:$0xD0]  }
0x2f: {  	[tilespmem:$0x890] =	vst v0;
	v0 =	vld [tilespmem:$0xE0]  }
0x30: {  	[tilespmem:$0x8A0] =	vst v2;
	v2 =	vld [tilespmem:$0xF0]  }
0x31: {  	[tilespmem:$0x8B0] =	vst v3;
	v3 =	vld [tilespmem:$0x100]  }
0x32: {  	[tilespmem:$0x8C0] =	vst v4;
	v4 =	vld [tilespmem:$0x110]  }
0x33: {  	[tilespmem:$0x8D0] =	vst v5;
	v5 =	vld [tilespmem:$0x120]  }
0x34: {  	[tilespmem:$0x8E0] =	vst v0;
	v0 =	vld [tilespmem:$0x130]  }
0x35: {  	[tilespmem:$0x8F0] =	vst v2;
	v2 =	vld [tilespmem:$0x140]  }
0x36: {  	[tilespmem:$0x900] =	vst v3;
	v3 =	vld [tilespmem:$0x150]  }
0x37: {  	[tilespmem:$0x910] =	vst v4;
	v4 =	vld [tilespmem:$0x160]  }
0x38: {  	[tilespmem:$0x920] =	vst v5;
	v5 =	vld [tilespmem:$0x170]  }
0x39: {  	[tilespmem:$0x930] =	vst v0;
	v0 =	vld [tilespmem:$0x180]  }
0x3a: {  	[tilespmem:$0x940] =	vst v2;
	v2 =	vld [tilespmem:$0x190]  }
0x3b: {  	[tilespmem:$0x950] =	vst v3;
	v3 =	vld [tilespmem:$0x1A0]  }
0x3c: {  	[tilespmem:$0x960] =	vst v4;
	v4 =	vld [tilespmem:$0x1B0]  }
0x3d: {  	[tilespmem:$0x970] =	vst v5;
	v5 =	vld [tilespmem:$0x1C0]  }
0x3e: {  	[tilespmem:$0x980] =	vst v0;
	v0 =	vld [tilespmem:$0x1D0]  }
0x3f: {  	[tilespmem:$0x990] =	vst v2;
	v2 =	vld [tilespmem:$0x1E0]  }
0x40: {  	[tilespmem:$0x9A0] =	vst v3;
	v3 =	vld [tilespmem:$0x1F0]  }
0x41: {  	[tilespmem:$0x9B0] =	vst v4;
	v4 =	vld [tilespmem:$0x200]  }
0x42: {  	[tilespmem:$0x9C0] =	vst v5;
	v5 =	vld [tilespmem:$0x210]  }
0x43: {  	[tilespmem:$0x9D0] =	vst v0;
	v0 =	vld [tilespmem:$0x220]  }
0x44: {  	[tilespmem:$0x9E0] =	vst v2;
	v2 =	vld [tilespmem:$0x230]  }
0x45: {  	[tilespmem:$0x9F0] =	vst v3;
	v3 =	vld [tilespmem:$0x240]  }
0x46: {  	[tilespmem:$0xA00] =	vst v4;
	v4 =	vld [tilespmem:$0x250]  }
0x47: {  	[tilespmem:$0xA10] =	vst v5;
	v5 =	vld [tilespmem:$0x260]  }
0x48: {  	[tilespmem:$0xA20] =	vst v0;
	v0 =	vld [tilespmem:$0x270]  }
0x49: {  	[tilespmem:$0xA30] =	vst v2;
	v2 =	vld [tilespmem:$0x280]  }
0x4a: {  	[tilespmem:$0xA40] =	vst v3;
	v3 =	vld [tilespmem:$0x290]  }
0x4b: {  	[tilespmem:$0xA50] =	vst v4;
	v4 =	vld [tilespmem:$0x2A0]  }
0x4c: {  	[tilespmem:$0xA60] =	vst v5;
	v5 =	vld [tilespmem:$0x2B0]  }
0x4d: {  	[tilespmem:$0xA70] =	vst v0;
	v0 =	vld [tilespmem:$0x2C0]  }
0x4e: {  	[tilespmem:$0xA80] =	vst v2;
	v2 =	vld [tilespmem:$0x2D0]  }
0x4f: {  	[tilespmem:$0xA90] =	vst v3;
	v3 =	vld [tilespmem:$0x2E0]  }
0x50: {  	[tilespmem:$0xAA0] =	vst v4;
	v4 =	vld [tilespmem:$0x2F0]  }
0x51: {  	[tilespmem:$0xAB0] =	vst v5;
	v5 =	vld [tilespmem:$0x300]  }
0x52: {  	[tilespmem:$0xAC0] =	vst v0;
	v0 =	vld [tilespmem:$0x310]  }
0x53: {  	[tilespmem:$0xAD0] =	vst v2;
	v2 =	vld [tilespmem:$0x320]  }
0x54: {  	[tilespmem:$0xAE0] =	vst v3;
	v3 =	vld [tilespmem:$0x330]  }
0x55: {  	[tilespmem:$0xAF0] =	vst v4;
	v4 =	vld [tilespmem:$0x340]  }
0x56: {  	[tilespmem:$0xB00] =	vst v5;
	v5 =	vld [tilespmem:$0x350]  }
0x57: {  	[tilespmem:$0xB10] =	vst v0;
	v0 =	vld [tilespmem:$0x360]  }
0x58: {  	[tilespmem:$0xB20] =	vst v2;
	v2 =	vld [tilespmem:$0x370]  }
0x59: {  	[tilespmem:$0xB30] =	vst v3;
	v3 =	vld [tilespmem:$0x380]  }
0x5a: {  	[tilespmem:$0xB40] =	vst v4;
	v4 =	vld [tilespmem:$0x390]  }
0x5b: {  	[tilespmem:$0xB50] =	vst v5;
	v5 =	vld [tilespmem:$0x3A0]  }
0x5c: {  	[tilespmem:$0xB60] =	vst v0;
	v0 =	vld [tilespmem:$0x3B0]  }
0x5d: {  	[tilespmem:$0xB70] =	vst v2;
	v2 =	vld [tilespmem:$0x3C0]  }
0x5e: {  	[tilespmem:$0xB80] =	vst v3;
	v3 =	vld [tilespmem:$0x3D0]  }
0x5f: {  	[tilespmem:$0xB90] =	vst v4;
	v4 =	vld [tilespmem:$0x3E0]  }
0x60: {  	[tilespmem:$0xBA0] =	vst v5;
	v5 =	vld [tilespmem:$0x3F0]  }
0x61: {  	[tilespmem:$0xBB0] =	vst v0;
	v0 =	vld [tilespmem:$0x400]  }
0x62: {  	[tilespmem:$0xBC0] =	vst v2;
	v2 =	vld [tilespmem:$0x410]  }
0x63: {  	[tilespmem:$0xBD0] =	vst v3;
	v3 =	vld [tilespmem:$0x420]  }
0x64: {  	[tilespmem:$0xBE0] =	vst v4;
	v4 =	vld [tilespmem:$0x430]  }
0x65: {  	[tilespmem:$0xBF0] =	vst v5;
	v5 =	vld [tilespmem:$0x440]  }
0x66: {  	[tilespmem:$0xC00] =	vst v0;
	v0 =	vld [tilespmem:$0x450]  }
0x67: {  	[tilespmem:$0xC10] =	vst v2;
	v2 =	vld [tilespmem:$0x460]  }
0x68: {  	[tilespmem:$0xC20] =	vst v3;
	v3 =	vld [tilespmem:$0x470]  }
0x69: {  	[tilespmem:$0xC30] =	vst v4;
	v4 =	vld [tilespmem:$0x480]  }
0x6a: {  	[tilespmem:$0xC40] =	vst v5;
	v5 =	vld [tilespmem:$0x490]  }
0x6b: {  	[tilespmem:$0xC50] =	vst v0;
	v0 =	vld [tilespmem:$0x4A0]  }
0x6c: {  	[tilespmem:$0xC60] =	vst v2;
	v2 =	vld [tilespmem:$0x4B0]  }
0x6d: {  	[tilespmem:$0xC70] =	vst v3;
	v3 =	vld [tilespmem:$0x4C0]  }
0x6e: {  	[tilespmem:$0xC80] =	vst v4;
	v4 =	vld [tilespmem:$0x4D0]  }
0x6f: {  	[tilespmem:$0xC90] =	vst v5;
	v5 =	vld [tilespmem:$0x4E0]  }
0x70: {  	[tilespmem:$0xCA0] =	vst v0;
	v0 =	vld [tilespmem:$0x4F0]  }
0x71: {  	[tilespmem:$0xCB0] =	vst v2;
	v2 =	vld [tilespmem:$0x500]  }
0x72: {  	[tilespmem:$0xCC0] =	vst v3;
	v3 =	vld [tilespmem:$0x510]  }
0x73: {  	[tilespmem:$0xCD0] =	vst v4;
	v4 =	vld [tilespmem:$0x520]  }
0x74: {  	[tilespmem:$0xCE0] =	vst v5;
	v5 =	vld [tilespmem:$0x530]  }
0x75: {  	[tilespmem:$0xCF0] =	vst v0;
	v0 =	vld [tilespmem:$0x540]  }
0x76: {  	[tilespmem:$0xD00] =	vst v2;
	v2 =	vld [tilespmem:$0x550]  }
0x77: {  	[tilespmem:$0xD10] =	vst v3;
	v3 =	vld [tilespmem:$0x560]  }
0x78: {  	[tilespmem:$0xD20] =	vst v4;
	v4 =	vld [tilespmem:$0x570]  }
0x79: {  	[tilespmem:$0xD30] =	vst v5;
	v5 =	vld [tilespmem:$0x580]  }
0x7a: {  	[tilespmem:$0xD40] =	vst v0;
	v0 =	vld [tilespmem:$0x590]  }
0x7b: {  	[tilespmem:$0xD50] =	vst v2;
	v2 =	vld [tilespmem:$0x5A0]  }
0x7c: {  	[tilespmem:$0xD60] =	vst v3;
	v3 =	vld [tilespmem:$0x5B0]  }
0x7d: {  	[tilespmem:$0xD70] =	vst v4;
	v4 =	vld [tilespmem:$0x5C0]  }
0x7e: {  	[tilespmem:$0xD80] =	vst v5;
	v5 =	vld [tilespmem:$0x5D0]  }
0x7f: {  	[tilespmem:$0xD90] =	vst v0;
	v0 =	vld [tilespmem:$0x5E0]  }
0x80: {  	[tilespmem:$0xDA0] =	vst v2;
	v2 =	vld [tilespmem:$0x5F0]  }
0x81: {  	[tilespmem:$0xDB0] =	vst v3;
	v3 =	vld [tilespmem:$0x600]  }
0x82: {  	[tilespmem:$0xDC0] =	vst v4;
	v4 =	vld [tilespmem:$0x610]  }
0x83: {  	[tilespmem:$0xDD0] =	vst v5;
	v5 =	vld [tilespmem:$0x620]  }
0x84: {  	[tilespmem:$0xDE0] =	vst v0;
	v0 =	vld [tilespmem:$0x630]  }
0x85: {  	[tilespmem:$0xDF0] =	vst v2;
	v2 =	vld [tilespmem:$0x640]  }
0x86: {  	[tilespmem:$0xE00] =	vst v3;
	v3 =	vld [tilespmem:$0x650]  }
0x87: {  	[tilespmem:$0xE10] =	vst v4;
	v4 =	vld [tilespmem:$0x660]  }
0x88: {  	[tilespmem:$0xE20] =	vst v5;
	v5 =	vld [tilespmem:$0x670]  }
0x89: {  	[tilespmem:$0xE30] =	vst v0;
	v0 =	vld [tilespmem:$0x680]  }
0x8a: {  	[tilespmem:$0xE40] =	vst v2;
	v2 =	vld [tilespmem:$0x690]  }
0x8b: {  	[tilespmem:$0xE50] =	vst v3;
	v3 =	vld [tilespmem:$0x6A0]  }
0x8c: {  	[tilespmem:$0xE60] =	vst v4;
	v4 =	vld [tilespmem:$0x6B0]  }
0x8d: {  	[tilespmem:$0xE70] =	vst v5;
	v5 =	vld [tilespmem:$0x6C0]  }
0x8e: {  	[tilespmem:$0xE80] =	vst v0;
	v0 =	vld [tilespmem:$0x6D0]  }
0x8f: {  	[tilespmem:$0xE90] =	vst v2;
	v2 =	vld [tilespmem:$0x6E0]  }
0x90: {  	[tilespmem:$0xEA0] =	vst v3;
	v3 =	vld [tilespmem:$0x6F0]  }
0x91: {  	[tilespmem:$0xEB0] =	vst v4;
	v4 =	vld [tilespmem:$0x700]  }
0x92: {  	[tilespmem:$0xEC0] =	vst v5;
	v5 =	vld [tilespmem:$0x710]  }
0x93: {  	[tilespmem:$0xED0] =	vst v0;
	v0 =	vld [tilespmem:$0x720]  }
0x94: {  	[tilespmem:$0xEE0] =	vst v2;
	v2 =	vld [tilespmem:$0x730]  }
0x95: {  	[tilespmem:$0xEF0] =	vst v3;
	v3 =	vld [tilespmem:$0x740]  }
0x96: {  	[tilespmem:$0xF00] =	vst v4;
	v4 =	vld [tilespmem:$0x750]  }
0x97: {  	[tilespmem:$0xF10] =	vst v5;
	v5 =	vld [tilespmem:$0x760]  }
0x98: {  	[tilespmem:$0xF20] =	vst v0;
	v0 =	vld [tilespmem:$0x770]  }
0x99: {  	[tilespmem:$0xF30] =	vst v2;
	v2 =	vld [tilespmem:$0x780]  }
0x9a: {  	[tilespmem:$0xF40] =	vst v3;
	v3 =	vld [tilespmem:$0x790]  }
0x9b: {  	[tilespmem:$0xF50] =	vst v4;
	v4 =	vld [tilespmem:$0x7A0]  }
0x9c: {  	[tilespmem:$0xF60] =	vst v5;
	v5 =	vld [tilespmem:$0x7B0]  }
0x9d: {  	[tilespmem:$0xF70] =	vst v0;
	v0 =	vld [tilespmem:$0x7C0]  }
0x9e: {  	[tilespmem:$0xF80] =	vst v2;
	v2 =	vld [tilespmem:$0x7D0]  }
0x9f: {  	[tilespmem:$0xF90] =	vst v3;
	v3 =	vld [tilespmem:$0x7E0]  }
0xa0: {  	[tilespmem:$0xFA0] =	vst v4;
	v4 =	vld [tilespmem:$0x7F0]  }
0xa1: {  	[tilespmem:$0xFB0] =	vst v5;
	v5 =	vld [tilespmem:$0x800]  }
0xa2: {  	[tilespmem:$0xFC0] =	vst v0;
	v0 =	vld [tilespmem:$0x810]  }
0xa3: {  	[tilespmem:$0xFD0] =	vst v2;
	v2 =	vld [tilespmem:$0x820]  }
0xa4: {  	[tilespmem:$0xFE0] =	vst v3;
	v3 =	vld [tilespmem:$0x830]  }
0xa5: {  	[tilespmem:$0xFF0] =	vst v4  }
0xa6: {  	[tilespmem:$0x1000] =	vst v5  }
0xa7: {  	[tilespmem:$0x1010] =	vst v0  }
0xa8: {  	[tilespmem:$0x1020] =	vst v2  }
0xa9: {  	s30 =	simm.s32 $0x840;
	[tilespmem:$0x1030] =	vst v3  }
0xaa: {  	[tilespmem:s26], [sflag:$0x1] =	stream.indirect.gather [hbm4b:s4+s24], $0x10, s30, s24, $0xb8;
	[tilespmem:$0x11040] =	vst v63  }
0xab: {  	s31 =	simm.s32 $0x1840;
	s30 =	simm.s32 $0x8C0  }
0xac: {  	[tilespmem:s31], [sflag:$0x1] =	stream.indirect.gather [hbm4b:s4+s24], $0x10, s30, s24, $0xb8;
	[tilespmem:$0x11040] =	vst v63  }
0xad: {  	s30 =	simm.s32 $0x940;
	s31 =	simm.s32 $0x2040  }
0xae: {  	[tilespmem:s31], [sflag:$0x1] =	stream.indirect.gather [hbm4b:s4+s24], $0x10, s30, s24, $0xb8;
	[tilespmem:$0x11040] =	vst v63  }
0xaf: {  	s30 =	simm.s32 $0x9C0;
	s31 =	simm.s32 $0x2840  }
0xb0: {  	[tilespmem:s31], [sflag:$0x1] =	stream.indirect.gather [hbm4b:s4+s24], $0x10, s30, s24, $0xb8;
	[tilespmem:$0x11040] =	vst v63  }
0xb1: {  	s30 =	simm.s32 $0xA40;
	s31 =	simm.s32 $0x3040  }
0xb2: {  	[tilespmem:s31], [sflag:$0x1] =	stream.indirect.gather [hbm4b:s4+s24], $0x10, s30, s24, $0xb8;
	[tilespmem:$0x11040] =	vst v63  }
0xb3: {  	s30 =	simm.s32 $0xAC0;
	s31 =	simm.s32 $0x3840  }
0xb4: {  	[tilespmem:s31], [sflag:$0x1] =	stream.indirect.gather [hbm4b:s4+s24], $0x10, s30, s24, $0xb8;
	[tilespmem:$0x11040] =	vst v63  }
0xb5: {  	s30 =	simm.s32 $0xB40;
	s31 =	simm.s32 $0x4040  }
0xb6: {  	[tilespmem:s31], [sflag:$0x1] =	stream.indirect.gather [hbm4b:s4+s24], $0x10, s30, s24, $0xb8;
	[tilespmem:$0x11040] =	vst v63  }
0xb7: {  	s30 =	simm.s32 $0xBC0;
	s31 =	simm.s32 $0x4840  }
0xb8: {  	[tilespmem:s31], [sflag:$0x1] =	stream.indirect.gather [hbm4b:s4+s24], $0x10, s30, s24, $0xb8;
	[tilespmem:$0x11040] =	vst v63  }
0xb9: {  	s30 =	simm.s32 $0xC40;
	s31 =	simm.s32 $0x5040  }
0xba: {  	[tilespmem:s31], [sflag:$0x1] =	stream.indirect.gather [hbm4b:s4+s24], $0x10, s30, s24, $0xb8;
	[tilespmem:$0x11040] =	vst v63  }
0xbb: {  	s30 =	simm.s32 $0xCC0;
	s31 =	simm.s32 $0x5840  }
0xbc: {  	[tilespmem:s31], [sflag:$0x1] =	stream.indirect.gather [hbm4b:s4+s24], $0x10, s30, s24, $0xb8;
	[tilespmem:$0x11040] =	vst v63  }
0xbd: {  	s30 =	simm.s32 $0xD40;
	s31 =	simm.s32 $0x6040  }
0xbe: {  	[tilespmem:s31], [sflag:$0x1] =	stream.indirect.gather [hbm4b:s4+s24], $0x10, s30, s24, $0xb8;
	[tilespmem:$0x11040] =	vst v63  }
0xbf: {  	s30 =	simm.s32 $0xDC0;
	s31 =	simm.s32 $0x6840  }
0xc0: {  	[tilespmem:s31], [sflag:$0x1] =	stream.indirect.gather [hbm4b:s4+s24], $0x10, s30, s24, $0xb8;
	[tilespmem:$0x11040] =	vst v63  }
0xc1: {  	s30 =	simm.s32 $0xE40;
	s31 =	simm.s32 $0x7040  }
0xc2: {  	[tilespmem:s31], [sflag:$0x1] =	stream.indirect.gather [hbm4b:s4+s24], $0x10, s30, s24, $0xb8;
	[tilespmem:$0x11040] =	vst v63  }
0xc3: {  	v0 =	vmov s3;
	s30 =	simm.s32 $0xEC0;
	s31 =	simm.s32 $0x7840  }
0xc4: {  	v0 =	vand.u32 $0xF, v0;
	[tilespmem:s31], [sflag:$0x1] =	stream.indirect.gather [hbm4b:s4+s24], $0x10, s30, s24, $0xb8;
	[tilespmem:$0x11040] =	vst v63  }
0xc5: {  	v0 =	vbroadcast v0, $0x0;
	s30 =	simm.s32 $0xF40;
	s31 =	simm.s32 $0x8040  }
0xc6: {  	[tilespmem:s31], [sflag:$0x1] =	stream.indirect.gather [hbm4b:s4+s24], $0x10, s30, s24, $0xb8;
	[tilespmem:$0x11040] =	vst v63  }
0xc7: {  	v2 =	vor.u32 v1, v0;
	s30 =	simm.s32 $0xFC0;
	s31 =	simm.s32 $0x8840  }
0xc8: {  	[tilespmem:s31], [sflag:$0x1] =	stream.indirect.gather [hbm4b:s4+s24], $0x10, s30, s24, $0xb8;
	[tilespmem:$0x11040] =	vst v63  }
0xc9: {  	_ =	swait.ge [sflag:s23], $0x800  }
0xca: {  	[sflag:s23] =	ssyncset.done $0x0  }
0xcb: {  	[sflag:s23] =	ssyncadd.s32 $0xFFFFF800  }
0xcc: {  	v2 =	vld.idx.msk [tilespmem:v2+s26+$0x0], $0xffff  }
0xcd: {  	v3 =	vor.u32 v6, v0;
	_ =	sdelay $0x2  }
0xce: {  	s30 =	simm.s32 $0x9080  }
0xcf: {  	[tilespmem:s30+$0xFFFFFFC0] =	vst v2  }
0xd0: {  	v2 =	vld.idx.msk [tilespmem:v3+s26+$0x0], $0xffff  }
0xd1: {  	v3 =	vor.u32 v7, v0;
	_ =	sdelay $0x3  }
0xd2: {  	[tilespmem:s30+$0xFFFFFFD0] =	vst v2  }
0xd3: {  	v2 =	vld.idx.msk [tilespmem:v3+s26+$0x0], $0xffff  }
0xd4: {  	v3 =	vor.u32 v8, v0;
	_ =	sdelay $0x3  }
0xd5: {  	[tilespmem:s30+$0xFFFFFFE0] =	vst v2  }
0xd6: {  	v2 =	vld.idx.msk [tilespmem:v3+s26+$0x0], $0xffff  }
0xd7: {  	v3 =	vor.u32 v61, v0;
	_ =	sdelay $0x3  }
0xd8: {  	[tilespmem:s30+$0xFFFFFFF0] =	vst v2  }
0xd9: {  	v2 =	vld.idx.msk [tilespmem:v3+s26+$0x0], $0xffff  }
0xda: {  	v3 =	vor.u32 v9, v0;
	_ =	sdelay $0x3  }
0xdb: {  	[tilespmem:s30+$0x0] =	vst v2  }
0xdc: {  	v2 =	vld.idx.msk [tilespmem:v3+s26+$0x0], $0xffff  }
0xdd: {  	v3 =	vor.u32 v10, v0;
	_ =	sdelay $0x3  }
0xde: {  	[tilespmem:s30+$0x10] =	vst v2  }
0xdf: {  	v2 =	vld.idx.msk [tilespmem:v3+s26+$0x0], $0xffff  }
0xe0: {  	v0 =	vor.u32 v11, v0;
	_ =	sdelay $0x1  }
0xe1: {  	s31 =	simm.s32 $0x1  }
0xe2: {  	v3 =	vmov s31;
	s31 =	simm.s32 $0x2  }
.LBB2_2:
0xe3: {  	p0 =	sne.s32 s31, $0xF;
	v3 =	vand.u32 $0xF, v3;
	[tilespmem:s30+$0x20] =	vst v2  }
0xe4: {  	v3 =	vbroadcast v3, $0x0;
	v0 =	vld.idx.msk [tilespmem:v0+s26+$0x0], $0xffff;
	_ =	sdelay $0x1  }
0xe5: {  	v2 =	vor.u32 v1, v3;
	_ =	sdelay $0x3  }
0xe6: {  	[tilespmem:s30+$0x30] =	vst v0  }
0xe7: {  	v0 =	vld.idx.msk [tilespmem:v2+s26+$0x0], $0xffff;
	_ =	sdelay $0x1  }
0xe8: {  	v2 =	vor.u32 v6, v3;
	_ =	sdelay $0x2  }
0xe9: {  	s30 =	sadd.s32 $0x800, s30  }
0xea: {  	[tilespmem:s30+$0xFFFFFFC0] =	vst v0  }
0xeb: {  	v0 =	vld.idx.msk [tilespmem:v2+s26+$0x0], $0xffff;
	_ =	sdelay $0x1  }
0xec: {  	v2 =	vor.u32 v7, v3;
	_ =	sdelay $0x3  }
0xed: {  	[tilespmem:s30+$0xFFFFFFD0] =	vst v0  }
0xee: {  	v0 =	vld.idx.msk [tilespmem:v2+s26+$0x0], $0xffff;
	_ =	sdelay $0x1  }
0xef: {  	v2 =	vor.u32 v8, v3;
	_ =	sdelay $0x3  }
0xf0: {  	[tilespmem:s30+$0xFFFFFFE0] =	vst v0  }
0xf1: {  	v0 =	vld.idx.msk [tilespmem:v2+s26+$0x0], $0xffff;
	_ =	sdelay $0x1  }
0xf2: {  	v2 =	vor.u32 v61, v3;
	_ =	sdelay $0x3  }
0xf3: {  	[tilespmem:s30+$0xFFFFFFF0] =	vst v0  }
0xf4: {  	v0 =	vld.idx.msk [tilespmem:v2+s26+$0x0], $0xffff;
	_ =	sdelay $0x1  }
0xf5: {  	v2 =	vor.u32 v9, v3;
	_ =	sdelay $0x3  }
0xf6: {  	[tilespmem:s30+$0x0] =	vst v0  }
0xf7: {  	v0 =	vld.idx.msk [tilespmem:v2+s26+$0x0], $0xffff;
	_ =	sdelay $0x1  }
0xf8: {  	v2 =	vor.u32 v10, v3;
	_ =	sdelay $0x3  }
0xf9: {  	[tilespmem:s30+$0x10] =	vst v0  }
0xfa: {  	v2 =	vld.idx.msk [tilespmem:v2+s26+$0x0], $0xffff  }
.Ltmp0:
0xfb: {  	(pc) =	sbr.rel @p0 .LBB2_2-.Ltmp0, $2  }
0xfc: {  	v0 =	vor.u32 v11, v3;
	_ =	sdelay $0x2  }
0xfd: {  	v3 =	vmov s31;
	s31 =	sadd.s32 $0x1, s31  }
0xfe: {  	_ =	sdelay $0x1  }
0xff: {  	v3 =	vand.u32 $0xF, v3  }
0x100: {  	[tilespmem:s30+$0x20] =	vst v2;
	v2 =	vbroadcast v3, $0x0  }
0x101: {  	v0 =	vld.idx.msk [tilespmem:v0+s26+$0x0], $0xffff  }
0x102: {  	v3 =	vor.u32 v1, v2;
	_ =	sdelay $0x3  }
0x103: {  	[tilespmem:s30+$0x30] =	vst v0  }
0x104: {  	v0 =	vld.idx.msk [tilespmem:v3+s26+$0x0], $0xffff  }
0x105: {  	v3 =	vor.u32 v6, v2;
	_ =	sdelay $0x2  }
0x106: {  	s30 =	sadd.s32 $0x800, s30  }
0x107: {  	[tilespmem:s30+$0xFFFFFFC0] =	vst v0  }
0x108: {  	v0 =	vld.idx.msk [tilespmem:v3+s26+$0x0], $0xffff  }
0x109: {  	v3 =	vor.u32 v7, v2;
	_ =	sdelay $0x3  }
0x10a: {  	[tilespmem:s30+$0xFFFFFFD0] =	vst v0  }
0x10b: {  	v0 =	vld.idx.msk [tilespmem:v3+s26+$0x0], $0xffff  }
0x10c: {  	v3 =	vor.u32 v8, v2;
	_ =	sdelay $0x3  }
0x10d: {  	[tilespmem:s30+$0xFFFFFFE0] =	vst v0  }
0x10e: {  	v0 =	vld.idx.msk [tilespmem:v3+s26+$0x0], $0xffff  }
0x10f: {  	v3 =	vor.u32 v61, v2;
	_ =	sdelay $0x3  }
0x110: {  	[tilespmem:s30+$0xFFFFFFF0] =	vst v0  }
0x111: {  	v0 =	vld.idx.msk [tilespmem:v3+s26+$0x0], $0xffff  }
0x112: {  	v3 =	vor.u32 v9, v2;
	_ =	sdelay $0x3  }
0x113: {  	[tilespmem:s30+$0x0] =	vst v0  }
0x114: {  	v0 =	vld.idx.msk [tilespmem:v3+s26+$0x0], $0xffff  }
0x115: {  	v3 =	vor.u32 v10, v2;
	_ =	sdelay $0x3  }
0x116: {  	[tilespmem:s30+$0x10] =	vst v0  }
0x117: {  	v0 =	vld.idx.msk [tilespmem:v3+s26+$0x0], $0xffff  }
0x118: {  	v2 =	vor.u32 v11, v2;
	_ =	sdelay $0x3  }
0x119: {  	s31 =	simm.s32 $0x0;
	[tilespmem:s30+$0x20] =	vst v0  }
0x11a: {  	v0 =	vld.idx.msk [tilespmem:v2+s26+$0x0], $0xffff;
	v2 =	vmov s31  }
0x11b: {  	v2 =	vand.u32 $0xF, v2  }
0x11c: {  	v3 =	vbroadcast v2, $0x0;
	_ =	sdelay $0x1  }
0x11d: {  	v2 =	vor.u32 v12, v3  }
0x11e: {  	[tilespmem:s30+$0x30] =	vst v0  }
0x11f: {  	_ =	swait.ge [sflag:s23], $0x800  }
0x120: {  	[sflag:s23] =	ssyncset.done $0x0  }
0x121: {  	[sflag:s23] =	ssyncadd.s32 $0xFFFFF800  }
0x122: {  	v0 =	vld.idx.msk [tilespmem:v2+s26+$0x0], $0xffff  }
0x123: {  	v2 =	vor.u32 v13, v3;
	_ =	sdelay $0x2  }
0x124: {  	s30 =	simm.s32 $0x9130  }
0x125: {  	[tilespmem:s30+$0xFFFFFF90] =	vst v0  }
0x126: {  	v0 =	vld.idx.msk [tilespmem:v2+s26+$0x0], $0xffff  }
0x127: {  	v2 =	vor.u32 v14, v3;
	_ =	sdelay $0x3  }
0x128: {  	[tilespmem:s30+$0xFFFFFFA0] =	vst v0  }
0x129: {  	v0 =	vld.idx.msk [tilespmem:v2+s26+$0x0], $0xffff  }
0x12a: {  	v2 =	vor.u32 v15, v3;
	_ =	sdelay $0x3  }
0x12b: {  	[tilespmem:s30+$0xFFFFFFB0] =	vst v0  }
0x12c: {  	v0 =	vld.idx.msk [tilespmem:v2+s26+$0x0], $0xffff  }
0x12d: {  	v2 =	vor.u32 v16, v3;
	_ =	sdelay $0x3  }
0x12e: {  	[tilespmem:s30+$0xFFFFFFC0] =	vst v0  }
0x12f: {  	v0 =	vld.idx.msk [tilespmem:v2+s26+$0x0], $0xffff  }
0x130: {  	v2 =	vor.u32 v17, v3;
	_ =	sdelay $0x3  }
0x131: {  	[tilespmem:s30+$0xFFFFFFD0] =	vst v0  }
0x132: {  	v0 =	vld.idx.msk [tilespmem:v2+s26+$0x0], $0xffff  }
0x133: {  	v2 =	vor.u32 v18, v3;
	_ =	sdelay $0x3  }
0x134: {  	[tilespmem:s30+$0xFFFFFFE0] =	vst v0  }
0x135: {  	v2 =	vld.idx.msk [tilespmem:v2+s26+$0x0], $0xffff  }
0x136: {  	v0 =	vor.u32 v19, v3;
	_ =	sdelay $0x1  }
0x137: {  	s31 =	simm.s32 $0x1  }
0x138: {  	v3 =	vmov s31;
	s31 =	simm.s32 $0x2  }
.LBB2_4:
0x139: {  	p0 =	sne.s32 s31, $0xF;
	v3 =	vand.u32 $0xF, v3;
	[tilespmem:s30+$0xFFFFFFF0] =	vst v2  }
0x13a: {  	v3 =	vbroadcast v3, $0x0;
	v0 =	vld.idx.msk [tilespmem:v0+s26+$0x0], $0xffff;
	_ =	sdelay $0x1  }
0x13b: {  	v2 =	vor.u32 v12, v3;
	_ =	sdelay $0x3  }
0x13c: {  	[tilespmem:s30+$0x0] =	vst v0  }
0x13d: {  	v0 =	vld.idx.msk [tilespmem:v2+s26+$0x0], $0xffff;
	_ =	sdelay $0x1  }
0x13e: {  	v2 =	vor.u32 v13, v3;
	_ =	sdelay $0x2  }
0x13f: {  	s30 =	sadd.s32 $0x800, s30  }
0x140: {  	[tilespmem:s30+$0xFFFFFF90] =	vst v0  }
0x141: {  	v0 =	vld.idx.msk [tilespmem:v2+s26+$0x0], $0xffff;
	_ =	sdelay $0x1  }
0x142: {  	v2 =	vor.u32 v14, v3;
	_ =	sdelay $0x3  }
0x143: {  	[tilespmem:s30+$0xFFFFFFA0] =	vst v0  }
0x144: {  	v0 =	vld.idx.msk [tilespmem:v2+s26+$0x0], $0xffff;
	_ =	sdelay $0x1  }
0x145: {  	v2 =	vor.u32 v15, v3;
	_ =	sdelay $0x3  }
0x146: {  	[tilespmem:s30+$0xFFFFFFB0] =	vst v0  }
0x147: {  	v0 =	vld.idx.msk [tilespmem:v2+s26+$0x0], $0xffff;
	_ =	sdelay $0x1  }
0x148: {  	v2 =	vor.u32 v16, v3;
	_ =	sdelay $0x3  }
0x149: {  	[tilespmem:s30+$0xFFFFFFC0] =	vst v0  }
0x14a: {  	v0 =	vld.idx.msk [tilespmem:v2+s26+$0x0], $0xffff;
	_ =	sdelay $0x1  }
0x14b: {  	v2 =	vor.u32 v17, v3;
	_ =	sdelay $0x3  }
0x14c: {  	[tilespmem:s30+$0xFFFFFFD0] =	vst v0  }
0x14d: {  	v0 =	vld.idx.msk [tilespmem:v2+s26+$0x0], $0xffff;
	_ =	sdelay $0x1  }
0x14e: {  	v2 =	vor.u32 v18, v3;
	_ =	sdelay $0x3  }
0x14f: {  	[tilespmem:s30+$0xFFFFFFE0] =	vst v0  }
0x150: {  	v2 =	vld.idx.msk [tilespmem:v2+s26+$0x0], $0xffff  }
.Ltmp1:
0x151: {  	(pc) =	sbr.rel @p0 .LBB2_4-.Ltmp1, $2  }
0x152: {  	v0 =	vor.u32 v19, v3;
	_ =	sdelay $0x2  }
0x153: {  	v3 =	vmov s31;
	s31 =	sadd.s32 $0x1, s31  }
0x154: {  	_ =	sdelay $0x1  }
0x155: {  	v3 =	vand.u32 $0xF, v3  }
0x156: {  	[tilespmem:s30+$0xFFFFFFF0] =	vst v2;
	v2 =	vbroadcast v3, $0x0  }
0x157: {  	v0 =	vld.idx.msk [tilespmem:v0+s26+$0x0], $0xffff  }
0x158: {  	v3 =	vor.u32 v12, v2;
	_ =	sdelay $0x3  }
0x159: {  	[tilespmem:s30+$0x0] =	vst v0  }
0x15a: {  	v0 =	vld.idx.msk [tilespmem:v3+s26+$0x0], $0xffff  }
0x15b: {  	v3 =	vor.u32 v13, v2;
	_ =	sdelay $0x2  }
0x15c: {  	s30 =	sadd.s32 $0x800, s30  }
0x15d: {  	[tilespmem:s30+$0xFFFFFF90] =	vst v0  }
0x15e: {  	v0 =	vld.idx.msk [tilespmem:v3+s26+$0x0], $0xffff  }
0x15f: {  	v3 =	vor.u32 v14, v2;
	_ =	sdelay $0x3  }
0x160: {  	[tilespmem:s30+$0xFFFFFFA0] =	vst v0  }
0x161: {  	v0 =	vld.idx.msk [tilespmem:v3+s26+$0x0], $0xffff  }
0x162: {  	v3 =	vor.u32 v15, v2;
	_ =	sdelay $0x3  }
0x163: {  	[tilespmem:s30+$0xFFFFFFB0] =	vst v0  }
0x164: {  	v0 =	vld.idx.msk [tilespmem:v3+s26+$0x0], $0xffff  }
0x165: {  	v3 =	vor.u32 v16, v2;
	_ =	sdelay $0x3  }
0x166: {  	[tilespmem:s30+$0xFFFFFFC0] =	vst v0  }
0x167: {  	v0 =	vld.idx.msk [tilespmem:v3+s26+$0x0], $0xffff  }
0x168: {  	v3 =	vor.u32 v17, v2;
	_ =	sdelay $0x3  }
0x169: {  	[tilespmem:s30+$0xFFFFFFD0] =	vst v0  }
0x16a: {  	v0 =	vld.idx.msk [tilespmem:v3+s26+$0x0], $0xffff  }
0x16b: {  	v3 =	vor.u32 v18, v2;
	_ =	sdelay $0x3  }
0x16c: {  	[tilespmem:s30+$0xFFFFFFE0] =	vst v0  }
0x16d: {  	v0 =	vld.idx.msk [tilespmem:v3+s26+$0x0], $0xffff  }
0x16e: {  	v2 =	vor.u32 v19, v2;
	_ =	sdelay $0x3  }
0x16f: {  	s31 =	simm.s32 $0x0;
	[tilespmem:s30+$0xFFFFFFF0] =	vst v0  }
0x170: {  	v0 =	vld.idx.msk [tilespmem:v2+s26+$0x0], $0xffff;
	v2 =	vmov s31  }
0x171: {  	v2 =	vand.u32 $0xF, v2  }
0x172: {  	v3 =	vbroadcast v2, $0x0;
	_ =	sdelay $0x1  }
0x173: {  	v2 =	vor.u32 v20, v3  }
0x174: {  	[tilespmem:s30+$0x0] =	vst v0  }
0x175: {  	_ =	swait.ge [sflag:s23], $0x800  }
0x176: {  	[sflag:s23] =	ssyncset.done $0x0  }
0x177: {  	[sflag:s23] =	ssyncadd.s32 $0xFFFFF800  }
0x178: {  	v0 =	vld.idx.msk [tilespmem:v2+s26+$0x0], $0xffff  }
0x179: {  	v2 =	vor.u32 v21, v3;
	_ =	sdelay $0x2  }
0x17a: {  	s30 =	simm.s32 $0x91B0  }
0x17b: {  	[tilespmem:s30+$0xFFFFFF90] =	vst v0  }
0x17c: {  	v0 =	vld.idx.msk [tilespmem:v2+s26+$0x0], $0xffff  }
0x17d: {  	v2 =	vor.u32 v22, v3;
	_ =	sdelay $0x3  }
0x17e: {  	[tilespmem:s30+$0xFFFFFFA0] =	vst v0  }
0x17f: {  	v0 =	vld.idx.msk [tilespmem:v2+s26+$0x0], $0xffff  }
0x180: {  	v2 =	vor.u32 v23, v3;
	_ =	sdelay $0x3  }
0x181: {  	[tilespmem:s30+$0xFFFFFFB0] =	vst v0  }
0x182: {  	v0 =	vld.idx.msk [tilespmem:v2+s26+$0x0], $0xffff  }
0x183: {  	v2 =	vor.u32 v24, v3;
	_ =	sdelay $0x3  }
0x184: {  	[tilespmem:s30+$0xFFFFFFC0] =	vst v0  }
0x185: {  	v0 =	vld.idx.msk [tilespmem:v2+s26+$0x0], $0xffff  }
0x186: {  	v2 =	vor.u32 v25, v3;
	_ =	sdelay $0x3  }
0x187: {  	[tilespmem:s30+$0xFFFFFFD0] =	vst v0  }
0x188: {  	v0 =	vld.idx.msk [tilespmem:v2+s26+$0x0], $0xffff  }
0x189: {  	v2 =	vor.u32 v26, v3;
	_ =	sdelay $0x3  }
0x18a: {  	[tilespmem:s30+$0xFFFFFFE0] =	vst v0  }
0x18b: {  	v2 =	vld.idx.msk [tilespmem:v2+s26+$0x0], $0xffff  }
0x18c: {  	v0 =	vor.u32 v27, v3;
	_ =	sdelay $0x1  }
0x18d: {  	s31 =	simm.s32 $0x1  }
0x18e: {  	v3 =	vmov s31;
	s31 =	simm.s32 $0x2  }
.LBB2_6:
0x18f: {  	p0 =	sne.s32 s31, $0xF;
	v3 =	vand.u32 $0xF, v3;
	[tilespmem:s30+$0xFFFFFFF0] =	vst v2  }
0x190: {  	v3 =	vbroadcast v3, $0x0;
	v0 =	vld.idx.msk [tilespmem:v0+s26+$0x0], $0xffff;
	_ =	sdelay $0x1  }
0x191: {  	v2 =	vor.u32 v20, v3;
	_ =	sdelay $0x3  }
0x192: {  	[tilespmem:s30+$0x0] =	vst v0  }
0x193: {  	v0 =	vld.idx.msk [tilespmem:v2+s26+$0x0], $0xffff;
	_ =	sdelay $0x1  }
0x194: {  	v2 =	vor.u32 v21, v3;
	_ =	sdelay $0x2  }
0x195: {  	s30 =	sadd.s32 $0x800, s30  }
0x196: {  	[tilespmem:s30+$0xFFFFFF90] =	vst v0  }
0x197: {  	v0 =	vld.idx.msk [tilespmem:v2+s26+$0x0], $0xffff;
	_ =	sdelay $0x1  }
0x198: {  	v2 =	vor.u32 v22, v3;
	_ =	sdelay $0x3  }
0x199: {  	[tilespmem:s30+$0xFFFFFFA0] =	vst v0  }
0x19a: {  	v0 =	vld.idx.msk [tilespmem:v2+s26+$0x0], $0xffff;
	_ =	sdelay $0x1  }
0x19b: {  	v2 =	vor.u32 v23, v3;
	_ =	sdelay $0x3  }
0x19c: {  	[tilespmem:s30+$0xFFFFFFB0] =	vst v0  }
0x19d: {  	v0 =	vld.idx.msk [tilespmem:v2+s26+$0x0], $0xffff;
	_ =	sdelay $0x1  }
0x19e: {  	v2 =	vor.u32 v24, v3;
	_ =	sdelay $0x3  }
0x19f: {  	[tilespmem:s30+$0xFFFFFFC0] =	vst v0  }
0x1a0: {  	v0 =	vld.idx.msk [tilespmem:v2+s26+$0x0], $0xffff;
	_ =	sdelay $0x1  }
0x1a1: {  	v2 =	vor.u32 v25, v3;
	_ =	sdelay $0x3  }
0x1a2: {  	[tilespmem:s30+$0xFFFFFFD0] =	vst v0  }
0x1a3: {  	v0 =	vld.idx.msk [tilespmem:v2+s26+$0x0], $0xffff;
	_ =	sdelay $0x1  }
0x1a4: {  	v2 =	vor.u32 v26, v3;
	_ =	sdelay $0x3  }
0x1a5: {  	[tilespmem:s30+$0xFFFFFFE0] =	vst v0  }
0x1a6: {  	v2 =	vld.idx.msk [tilespmem:v2+s26+$0x0], $0xffff  }
.Ltmp2:
0x1a7: {  	(pc) =	sbr.rel @p0 .LBB2_6-.Ltmp2, $2  }
0x1a8: {  	v0 =	vor.u32 v27, v3;
	_ =	sdelay $0x2  }
0x1a9: {  	v3 =	vmov s31;
	s31 =	sadd.s32 $0x1, s31  }
0x1aa: {  	_ =	sdelay $0x1  }
0x1ab: {  	v3 =	vand.u32 $0xF, v3  }
0x1ac: {  	[tilespmem:s30+$0xFFFFFFF0] =	vst v2;
	v2 =	vbroadcast v3, $0x0  }
0x1ad: {  	v0 =	vld.idx.msk [tilespmem:v0+s26+$0x0], $0xffff  }
0x1ae: {  	v3 =	vor.u32 v20, v2;
	_ =	sdelay $0x3  }
0x1af: {  	[tilespmem:s30+$0x0] =	vst v0  }
0x1b0: {  	v0 =	vld.idx.msk [tilespmem:v3+s26+$0x0], $0xffff  }
0x1b1: {  	v3 =	vor.u32 v21, v2;
	_ =	sdelay $0x2  }
0x1b2: {  	s30 =	sadd.s32 $0x800, s30  }
0x1b3: {  	[tilespmem:s30+$0xFFFFFF90] =	vst v0  }
0x1b4: {  	v0 =	vld.idx.msk [tilespmem:v3+s26+$0x0], $0xffff  }
0x1b5: {  	v3 =	vor.u32 v22, v2;
	_ =	sdelay $0x3  }
0x1b6: {  	[tilespmem:s30+$0xFFFFFFA0] =	vst v0  }
0x1b7: {  	v0 =	vld.idx.msk [tilespmem:v3+s26+$0x0], $0xffff  }
0x1b8: {  	v3 =	vor.u32 v23, v2;
	_ =	sdelay $0x3  }
0x1b9: {  	[tilespmem:s30+$0xFFFFFFB0] =	vst v0  }
0x1ba: {  	v0 =	vld.idx.msk [tilespmem:v3+s26+$0x0], $0xffff  }
0x1bb: {  	v3 =	vor.u32 v24, v2;
	_ =	sdelay $0x3  }
0x1bc: {  	[tilespmem:s30+$0xFFFFFFC0] =	vst v0  }
0x1bd: {  	v0 =	vld.idx.msk [tilespmem:v3+s26+$0x0], $0xffff  }
0x1be: {  	v3 =	vor.u32 v25, v2;
	_ =	sdelay $0x3  }
0x1bf: {  	[tilespmem:s30+$0xFFFFFFD0] =	vst v0  }
0x1c0: {  	v0 =	vld.idx.msk [tilespmem:v3+s26+$0x0], $0xffff  }
0x1c1: {  	v3 =	vor.u32 v26, v2;
	_ =	sdelay $0x3  }
0x1c2: {  	[tilespmem:s30+$0xFFFFFFE0] =	vst v0  }
0x1c3: {  	v0 =	vld.idx.msk [tilespmem:v3+s26+$0x0], $0xffff  }
0x1c4: {  	v2 =	vor.u32 v27, v2;
	_ =	sdelay $0x3  }
0x1c5: {  	s31 =	simm.s32 $0x0;
	[tilespmem:s30+$0xFFFFFFF0] =	vst v0  }
0x1c6: {  	v0 =	vld.idx.msk [tilespmem:v2+s26+$0x0], $0xffff;
	v2 =	vmov s31  }
0x1c7: {  	v2 =	vand.u32 $0xF, v2  }
0x1c8: {  	v3 =	vbroadcast v2, $0x0;
	_ =	sdelay $0x1  }
0x1c9: {  	v2 =	vor.u32 v28, v3  }
0x1ca: {  	[tilespmem:s30+$0x0] =	vst v0  }
0x1cb: {  	_ =	swait.ge [sflag:s23], $0x800  }
0x1cc: {  	[sflag:s23] =	ssyncset.done $0x0  }
0x1cd: {  	[sflag:s23] =	ssyncadd.s32 $0xFFFFF800  }
0x1ce: {  	v0 =	vld.idx.msk [tilespmem:v2+s26+$0x0], $0xffff  }
0x1cf: {  	v2 =	vor.u32 v29, v3;
	_ =	sdelay $0x2  }
0x1d0: {  	s30 =	simm.s32 $0x9230  }
0x1d1: {  	[tilespmem:s30+$0xFFFFFF90] =	vst v0  }
0x1d2: {  	v0 =	vld.idx.msk [tilespmem:v2+s26+$0x0], $0xffff  }
0x1d3: {  	v2 =	vor.u32 v30, v3;
	_ =	sdelay $0x3  }
0x1d4: {  	[tilespmem:s30+$0xFFFFFFA0] =	vst v0  }
0x1d5: {  	v0 =	vld.idx.msk [tilespmem:v2+s26+$0x0], $0xffff  }
0x1d6: {  	v2 =	vor.u32 v31, v3;
	_ =	sdelay $0x3  }
0x1d7: {  	[tilespmem:s30+$0xFFFFFFB0] =	vst v0  }
0x1d8: {  	v0 =	vld.idx.msk [tilespmem:v2+s26+$0x0], $0xffff  }
0x1d9: {  	v2 =	vor.u32 v32, v3;
	_ =	sdelay $0x3  }
0x1da: {  	[tilespmem:s30+$0xFFFFFFC0] =	vst v0  }
0x1db: {  	v0 =	vld.idx.msk [tilespmem:v2+s26+$0x0], $0xffff  }
0x1dc: {  	v2 =	vor.u32 v33, v3;
	_ =	sdelay $0x3  }
0x1dd: {  	[tilespmem:s30+$0xFFFFFFD0] =	vst v0  }
0x1de: {  	v0 =	vld.idx.msk [tilespmem:v2+s26+$0x0], $0xffff  }
0x1df: {  	v2 =	vor.u32 v34, v3;
	_ =	sdelay $0x3  }
0x1e0: {  	[tilespmem:s30+$0xFFFFFFE0] =	vst v0  }
0x1e1: {  	v2 =	vld.idx.msk [tilespmem:v2+s26+$0x0], $0xffff  }
0x1e2: {  	v0 =	vor.u32 v35, v3;
	_ =	sdelay $0x1  }
0x1e3: {  	s31 =	simm.s32 $0x1  }
0x1e4: {  	v3 =	vmov s31;
	s31 =	simm.s32 $0x2  }
.LBB2_8:
0x1e5: {  	p0 =	sne.s32 s31, $0xF;
	v3 =	vand.u32 $0xF, v3;
	[tilespmem:s30+$0xFFFFFFF0] =	vst v2  }
0x1e6: {  	v3 =	vbroadcast v3, $0x0;
	v0 =	vld.idx.msk [tilespmem:v0+s26+$0x0], $0xffff;
	_ =	sdelay $0x1  }
0x1e7: {  	v2 =	vor.u32 v28, v3;
	_ =	sdelay $0x3  }
0x1e8: {  	[tilespmem:s30+$0x0] =	vst v0  }
0x1e9: {  	v0 =	vld.idx.msk [tilespmem:v2+s26+$0x0], $0xffff;
	_ =	sdelay $0x1  }
0x1ea: {  	v2 =	vor.u32 v29, v3;
	_ =	sdelay $0x2  }
0x1eb: {  	s30 =	sadd.s32 $0x800, s30  }
0x1ec: {  	[tilespmem:s30+$0xFFFFFF90] =	vst v0  }
0x1ed: {  	v0 =	vld.idx.msk [tilespmem:v2+s26+$0x0], $0xffff;
	_ =	sdelay $0x1  }
0x1ee: {  	v2 =	vor.u32 v30, v3;
	_ =	sdelay $0x3  }
0x1ef: {  	[tilespmem:s30+$0xFFFFFFA0] =	vst v0  }
0x1f0: {  	v0 =	vld.idx.msk [tilespmem:v2+s26+$0x0], $0xffff;
	_ =	sdelay $0x1  }
0x1f1: {  	v2 =	vor.u32 v31, v3;
	_ =	sdelay $0x3  }
0x1f2: {  	[tilespmem:s30+$0xFFFFFFB0] =	vst v0  }
0x1f3: {  	v0 =	vld.idx.msk [tilespmem:v2+s26+$0x0], $0xffff;
	_ =	sdelay $0x1  }
0x1f4: {  	v2 =	vor.u32 v32, v3;
	_ =	sdelay $0x3  }
0x1f5: {  	[tilespmem:s30+$0xFFFFFFC0] =	vst v0  }
0x1f6: {  	v0 =	vld.idx.msk [tilespmem:v2+s26+$0x0], $0xffff;
	_ =	sdelay $0x1  }
0x1f7: {  	v2 =	vor.u32 v33, v3;
	_ =	sdelay $0x3  }
0x1f8: {  	[tilespmem:s30+$0xFFFFFFD0] =	vst v0  }
0x1f9: {  	v0 =	vld.idx.msk [tilespmem:v2+s26+$0x0], $0xffff;
	_ =	sdelay $0x1  }
0x1fa: {  	v2 =	vor.u32 v34, v3;
	_ =	sdelay $0x3  }
0x1fb: {  	[tilespmem:s30+$0xFFFFFFE0] =	vst v0  }
0x1fc: {  	v2 =	vld.idx.msk [tilespmem:v2+s26+$0x0], $0xffff  }
.Ltmp3:
0x1fd: {  	(pc) =	sbr.rel @p0 .LBB2_8-.Ltmp3, $2  }
0x1fe: {  	v0 =	vor.u32 v35, v3;
	_ =	sdelay $0x2  }
0x1ff: {  	v3 =	vmov s31;
	s31 =	sadd.s32 $0x1, s31  }
0x200: {  	_ =	sdelay $0x1  }
0x201: {  	v3 =	vand.u32 $0xF, v3  }
0x202: {  	[tilespmem:s30+$0xFFFFFFF0] =	vst v2;
	v2 =	vbroadcast v3, $0x0  }
0x203: {  	v0 =	vld.idx.msk [tilespmem:v0+s26+$0x0], $0xffff  }
0x204: {  	v3 =	vor.u32 v28, v2;
	_ =	sdelay $0x3  }
0x205: {  	[tilespmem:s30+$0x0] =	vst v0  }
0x206: {  	v0 =	vld.idx.msk [tilespmem:v3+s26+$0x0], $0xffff  }
0x207: {  	v3 =	vor.u32 v29, v2;
	_ =	sdelay $0x2  }
0x208: {  	s30 =	sadd.s32 $0x800, s30  }
0x209: {  	[tilespmem:s30+$0xFFFFFF90] =	vst v0  }
0x20a: {  	v0 =	vld.idx.msk [tilespmem:v3+s26+$0x0], $0xffff  }
0x20b: {  	v3 =	vor.u32 v30, v2;
	_ =	sdelay $0x3  }
0x20c: {  	[tilespmem:s30+$0xFFFFFFA0] =	vst v0  }
0x20d: {  	v0 =	vld.idx.msk [tilespmem:v3+s26+$0x0], $0xffff  }
0x20e: {  	v3 =	vor.u32 v31, v2;
	_ =	sdelay $0x3  }
0x20f: {  	[tilespmem:s30+$0xFFFFFFB0] =	vst v0  }
0x210: {  	v0 =	vld.idx.msk [tilespmem:v3+s26+$0x0], $0xffff  }
0x211: {  	v3 =	vor.u32 v32, v2;
	_ =	sdelay $0x3  }
0x212: {  	[tilespmem:s30+$0xFFFFFFC0] =	vst v0  }
0x213: {  	v0 =	vld.idx.msk [tilespmem:v3+s26+$0x0], $0xffff  }
0x214: {  	v3 =	vor.u32 v33, v2;
	_ =	sdelay $0x3  }
0x215: {  	[tilespmem:s30+$0xFFFFFFD0] =	vst v0  }
0x216: {  	v0 =	vld.idx.msk [tilespmem:v3+s26+$0x0], $0xffff  }
0x217: {  	v3 =	vor.u32 v34, v2;
	_ =	sdelay $0x3  }
0x218: {  	[tilespmem:s30+$0xFFFFFFE0] =	vst v0  }
0x219: {  	v0 =	vld.idx.msk [tilespmem:v3+s26+$0x0], $0xffff  }
0x21a: {  	v2 =	vor.u32 v35, v2;
	_ =	sdelay $0x3  }
0x21b: {  	s31 =	simm.s32 $0x0;
	[tilespmem:s30+$0xFFFFFFF0] =	vst v0  }
0x21c: {  	v0 =	vld.idx.msk [tilespmem:v2+s26+$0x0], $0xffff;
	v2 =	vmov s31  }
0x21d: {  	v2 =	vand.u32 $0xF, v2  }
0x21e: {  	v3 =	vbroadcast v2, $0x0;
	_ =	sdelay $0x1  }
0x21f: {  	v2 =	vor.u32 v36, v3  }
0x220: {  	[tilespmem:s30+$0x0] =	vst v0  }
0x221: {  	_ =	swait.ge [sflag:s23], $0x800  }
0x222: {  	[sflag:s23] =	ssyncset.done $0x0  }
0x223: {  	[sflag:s23] =	ssyncadd.s32 $0xFFFFF800  }
0x224: {  	v0 =	vld.idx.msk [tilespmem:v2+s26+$0x0], $0xffff  }
0x225: {  	v2 =	vor.u32 v37, v3;
	_ =	sdelay $0x2  }
0x226: {  	s30 =	simm.s32 $0x92B0  }
0x227: {  	[tilespmem:s30+$0xFFFFFF90] =	vst v0  }
0x228: {  	v0 =	vld.idx.msk [tilespmem:v2+s26+$0x0], $0xffff  }
0x229: {  	v2 =	vor.u32 v38, v3;
	_ =	sdelay $0x3  }
0x22a: {  	[tilespmem:s30+$0xFFFFFFA0] =	vst v0  }
0x22b: {  	v0 =	vld.idx.msk [tilespmem:v2+s26+$0x0], $0xffff  }
0x22c: {  	v2 =	vor.u32 v39, v3;
	_ =	sdelay $0x3  }
0x22d: {  	[tilespmem:s30+$0xFFFFFFB0] =	vst v0  }
0x22e: {  	v0 =	vld.idx.msk [tilespmem:v2+s26+$0x0], $0xffff  }
0x22f: {  	v2 =	vor.u32 v40, v3;
	_ =	sdelay $0x3  }
0x230: {  	[tilespmem:s30+$0xFFFFFFC0] =	vst v0  }
0x231: {  	v0 =	vld.idx.msk [tilespmem:v2+s26+$0x0], $0xffff  }
0x232: {  	v2 =	vor.u32 v41, v3;
	_ =	sdelay $0x3  }
0x233: {  	[tilespmem:s30+$0xFFFFFFD0] =	vst v0  }
0x234: {  	v0 =	vld.idx.msk [tilespmem:v2+s26+$0x0], $0xffff  }
0x235: {  	v2 =	vor.u32 v42, v3;
	_ =	sdelay $0x3  }
0x236: {  	[tilespmem:s30+$0xFFFFFFE0] =	vst v0  }
0x237: {  	v2 =	vld.idx.msk [tilespmem:v2+s26+$0x0], $0xffff  }
0x238: {  	v0 =	vor.u32 v43, v3;
	_ =	sdelay $0x1  }
0x239: {  	s31 =	simm.s32 $0x1  }
0x23a: {  	v3 =	vmov s31;
	s31 =	simm.s32 $0x2  }
.LBB2_10:
0x23b: {  	p0 =	sne.s32 s31, $0xF;
	v3 =	vand.u32 $0xF, v3;
	[tilespmem:s30+$0xFFFFFFF0] =	vst v2  }
0x23c: {  	v3 =	vbroadcast v3, $0x0;
	v0 =	vld.idx.msk [tilespmem:v0+s26+$0x0], $0xffff;
	_ =	sdelay $0x1  }
0x23d: {  	v2 =	vor.u32 v36, v3;
	_ =	sdelay $0x3  }
0x23e: {  	[tilespmem:s30+$0x0] =	vst v0  }
0x23f: {  	v0 =	vld.idx.msk [tilespmem:v2+s26+$0x0], $0xffff;
	_ =	sdelay $0x1  }
0x240: {  	v2 =	vor.u32 v37, v3;
	_ =	sdelay $0x2  }
0x241: {  	s30 =	sadd.s32 $0x800, s30  }
0x242: {  	[tilespmem:s30+$0xFFFFFF90] =	vst v0  }
0x243: {  	v0 =	vld.idx.msk [tilespmem:v2+s26+$0x0], $0xffff;
	_ =	sdelay $0x1  }
0x244: {  	v2 =	vor.u32 v38, v3;
	_ =	sdelay $0x3  }
0x245: {  	[tilespmem:s30+$0xFFFFFFA0] =	vst v0  }
0x246: {  	v0 =	vld.idx.msk [tilespmem:v2+s26+$0x0], $0xffff;
	_ =	sdelay $0x1  }
0x247: {  	v2 =	vor.u32 v39, v3;
	_ =	sdelay $0x3  }
0x248: {  	[tilespmem:s30+$0xFFFFFFB0] =	vst v0  }
0x249: {  	v0 =	vld.idx.msk [tilespmem:v2+s26+$0x0], $0xffff;
	_ =	sdelay $0x1  }
0x24a: {  	v2 =	vor.u32 v40, v3;
	_ =	sdelay $0x3  }
0x24b: {  	[tilespmem:s30+$0xFFFFFFC0] =	vst v0  }
0x24c: {  	v0 =	vld.idx.msk [tilespmem:v2+s26+$0x0], $0xffff;
	_ =	sdelay $0x1  }
0x24d: {  	v2 =	vor.u32 v41, v3;
	_ =	sdelay $0x3  }
0x24e: {  	[tilespmem:s30+$0xFFFFFFD0] =	vst v0  }
0x24f: {  	v0 =	vld.idx.msk [tilespmem:v2+s26+$0x0], $0xffff;
	_ =	sdelay $0x1  }
0x250: {  	v2 =	vor.u32 v42, v3;
	_ =	sdelay $0x3  }
0x251: {  	[tilespmem:s30+$0xFFFFFFE0] =	vst v0  }
0x252: {  	v2 =	vld.idx.msk [tilespmem:v2+s26+$0x0], $0xffff  }
.Ltmp4:
0x253: {  	(pc) =	sbr.rel @p0 .LBB2_10-.Ltmp4, $2  }
0x254: {  	v0 =	vor.u32 v43, v3;
	_ =	sdelay $0x2  }
0x255: {  	v3 =	vmov s31;
	s31 =	sadd.s32 $0x1, s31  }
0x256: {  	_ =	sdelay $0x1  }
0x257: {  	v3 =	vand.u32 $0xF, v3  }
0x258: {  	[tilespmem:s30+$0xFFFFFFF0] =	vst v2;
	v2 =	vbroadcast v3, $0x0  }
0x259: {  	v0 =	vld.idx.msk [tilespmem:v0+s26+$0x0], $0xffff  }
0x25a: {  	v3 =	vor.u32 v36, v2;
	_ =	sdelay $0x3  }
0x25b: {  	[tilespmem:s30+$0x0] =	vst v0  }
0x25c: {  	v0 =	vld.idx.msk [tilespmem:v3+s26+$0x0], $0xffff  }
0x25d: {  	v3 =	vor.u32 v37, v2;
	_ =	sdelay $0x2  }
0x25e: {  	s30 =	sadd.s32 $0x800, s30  }
0x25f: {  	[tilespmem:s30+$0xFFFFFF90] =	vst v0  }
0x260: {  	v0 =	vld.idx.msk [tilespmem:v3+s26+$0x0], $0xffff  }
0x261: {  	v3 =	vor.u32 v38, v2;
	_ =	sdelay $0x3  }
0x262: {  	[tilespmem:s30+$0xFFFFFFA0] =	vst v0  }
0x263: {  	v0 =	vld.idx.msk [tilespmem:v3+s26+$0x0], $0xffff  }
0x264: {  	v3 =	vor.u32 v39, v2;
	_ =	sdelay $0x3  }
0x265: {  	[tilespmem:s30+$0xFFFFFFB0] =	vst v0  }
0x266: {  	v0 =	vld.idx.msk [tilespmem:v3+s26+$0x0], $0xffff  }
0x267: {  	v3 =	vor.u32 v40, v2;
	_ =	sdelay $0x3  }
0x268: {  	[tilespmem:s30+$0xFFFFFFC0] =	vst v0  }
0x269: {  	v0 =	vld.idx.msk [tilespmem:v3+s26+$0x0], $0xffff  }
0x26a: {  	v3 =	vor.u32 v41, v2;
	_ =	sdelay $0x3  }
0x26b: {  	[tilespmem:s30+$0xFFFFFFD0] =	vst v0  }
0x26c: {  	v0 =	vld.idx.msk [tilespmem:v3+s26+$0x0], $0xffff  }
0x26d: {  	v3 =	vor.u32 v42, v2;
	_ =	sdelay $0x3  }
0x26e: {  	[tilespmem:s30+$0xFFFFFFE0] =	vst v0  }
0x26f: {  	v0 =	vld.idx.msk [tilespmem:v3+s26+$0x0], $0xffff  }
0x270: {  	v2 =	vor.u32 v43, v2;
	_ =	sdelay $0x3  }
0x271: {  	s31 =	simm.s32 $0x0;
	[tilespmem:s30+$0xFFFFFFF0] =	vst v0  }
0x272: {  	v0 =	vld.idx.msk [tilespmem:v2+s26+$0x0], $0xffff;
	v2 =	vmov s31  }
0x273: {  	v2 =	vand.u32 $0xF, v2  }
0x274: {  	v3 =	vbroadcast v2, $0x0;
	_ =	sdelay $0x1  }
0x275: {  	v2 =	vor.u32 v44, v3  }
0x276: {  	[tilespmem:s30+$0x0] =	vst v0  }
0x277: {  	_ =	swait.ge [sflag:s23], $0x800  }
0x278: {  	[sflag:s23] =	ssyncset.done $0x0  }
0x279: {  	[sflag:s23] =	ssyncadd.s32 $0xFFFFF800  }
0x27a: {  	v0 =	vld.idx.msk [tilespmem:v2+s26+$0x0], $0xffff  }
0x27b: {  	v2 =	vor.u32 v45, v3;
	_ =	sdelay $0x2  }
0x27c: {  	s30 =	simm.s32 $0x9330  }
0x27d: {  	[tilespmem:s30+$0xFFFFFF90] =	vst v0  }
0x27e: {  	v0 =	vld.idx.msk [tilespmem:v2+s26+$0x0], $0xffff  }
0x27f: {  	v2 =	vor.u32 v46, v3;
	_ =	sdelay $0x3  }
0x280: {  	[tilespmem:s30+$0xFFFFFFA0] =	vst v0  }
0x281: {  	v0 =	vld.idx.msk [tilespmem:v2+s26+$0x0], $0xffff  }
0x282: {  	v2 =	vor.u32 v47, v3;
	_ =	sdelay $0x3  }
0x283: {  	[tilespmem:s30+$0xFFFFFFB0] =	vst v0  }
0x284: {  	v0 =	vld.idx.msk [tilespmem:v2+s26+$0x0], $0xffff  }
0x285: {  	v2 =	vor.u32 v48, v3;
	_ =	sdelay $0x3  }
0x286: {  	[tilespmem:s30+$0xFFFFFFC0] =	vst v0  }
0x287: {  	v0 =	vld.idx.msk [tilespmem:v2+s26+$0x0], $0xffff  }
0x288: {  	v2 =	vor.u32 v49, v3;
	_ =	sdelay $0x3  }
0x289: {  	[tilespmem:s30+$0xFFFFFFD0] =	vst v0  }
0x28a: {  	v0 =	vld.idx.msk [tilespmem:v2+s26+$0x0], $0xffff  }
0x28b: {  	v2 =	vor.u32 v50, v3;
	_ =	sdelay $0x3  }
0x28c: {  	[tilespmem:s30+$0xFFFFFFE0] =	vst v0  }
0x28d: {  	v2 =	vld.idx.msk [tilespmem:v2+s26+$0x0], $0xffff  }
0x28e: {  	v0 =	vor.u32 v51, v3;
	_ =	sdelay $0x1  }
0x28f: {  	s31 =	simm.s32 $0x1  }
0x290: {  	v3 =	vmov s31;
	s31 =	simm.s32 $0x2  }
.LBB2_12:
0x291: {  	p0 =	sne.s32 s31, $0xF;
	v3 =	vand.u32 $0xF, v3;
	[tilespmem:s30+$0xFFFFFFF0] =	vst v2  }
0x292: {  	v3 =	vbroadcast v3, $0x0;
	v0 =	vld.idx.msk [tilespmem:v0+s26+$0x0], $0xffff;
	_ =	sdelay $0x1  }
0x293: {  	v2 =	vor.u32 v44, v3;
	_ =	sdelay $0x3  }
0x294: {  	[tilespmem:s30+$0x0] =	vst v0  }
0x295: {  	v0 =	vld.idx.msk [tilespmem:v2+s26+$0x0], $0xffff;
	_ =	sdelay $0x1  }
0x296: {  	v2 =	vor.u32 v45, v3;
	_ =	sdelay $0x2  }
0x297: {  	s30 =	sadd.s32 $0x800, s30  }
0x298: {  	[tilespmem:s30+$0xFFFFFF90] =	vst v0  }
0x299: {  	v0 =	vld.idx.msk [tilespmem:v2+s26+$0x0], $0xffff;
	_ =	sdelay $0x1  }
0x29a: {  	v2 =	vor.u32 v46, v3;
	_ =	sdelay $0x3  }
0x29b: {  	[tilespmem:s30+$0xFFFFFFA0] =	vst v0  }
0x29c: {  	v0 =	vld.idx.msk [tilespmem:v2+s26+$0x0], $0xffff;
	_ =	sdelay $0x1  }
0x29d: {  	v2 =	vor.u32 v47, v3;
	_ =	sdelay $0x3  }
0x29e: {  	[tilespmem:s30+$0xFFFFFFB0] =	vst v0  }
0x29f: {  	v0 =	vld.idx.msk [tilespmem:v2+s26+$0x0], $0xffff;
	_ =	sdelay $0x1  }
0x2a0: {  	v2 =	vor.u32 v48, v3;
	_ =	sdelay $0x3  }
0x2a1: {  	[tilespmem:s30+$0xFFFFFFC0] =	vst v0  }
0x2a2: {  	v0 =	vld.idx.msk [tilespmem:v2+s26+$0x0], $0xffff;
	_ =	sdelay $0x1  }
0x2a3: {  	v2 =	vor.u32 v49, v3;
	_ =	sdelay $0x3  }
0x2a4: {  	[tilespmem:s30+$0xFFFFFFD0] =	vst v0  }
0x2a5: {  	v0 =	vld.idx.msk [tilespmem:v2+s26+$0x0], $0xffff;
	_ =	sdelay $0x1  }
0x2a6: {  	v2 =	vor.u32 v50, v3;
	_ =	sdelay $0x3  }
0x2a7: {  	[tilespmem:s30+$0xFFFFFFE0] =	vst v0  }
0x2a8: {  	v2 =	vld.idx.msk [tilespmem:v2+s26+$0x0], $0xffff  }
.Ltmp5:
0x2a9: {  	(pc) =	sbr.rel @p0 .LBB2_12-.Ltmp5, $2  }
0x2aa: {  	v0 =	vor.u32 v51, v3;
	_ =	sdelay $0x2  }
0x2ab: {  	v3 =	vmov s31;
	s31 =	sadd.s32 $0x1, s31  }
0x2ac: {  	_ =	sdelay $0x1  }
0x2ad: {  	v3 =	vand.u32 $0xF, v3  }
0x2ae: {  	[tilespmem:s30+$0xFFFFFFF0] =	vst v2;
	v2 =	vbroadcast v3, $0x0  }
0x2af: {  	v0 =	vld.idx.msk [tilespmem:v0+s26+$0x0], $0xffff  }
0x2b0: {  	v3 =	vor.u32 v44, v2;
	_ =	sdelay $0x3  }
0x2b1: {  	[tilespmem:s30+$0x0] =	vst v0  }
0x2b2: {  	v0 =	vld.idx.msk [tilespmem:v3+s26+$0x0], $0xffff  }
0x2b3: {  	v3 =	vor.u32 v45, v2;
	_ =	sdelay $0x2  }
0x2b4: {  	s30 =	sadd.s32 $0x800, s30  }
0x2b5: {  	[tilespmem:s30+$0xFFFFFF90] =	vst v0  }
0x2b6: {  	v0 =	vld.idx.msk [tilespmem:v3+s26+$0x0], $0xffff  }
0x2b7: {  	v3 =	vor.u32 v46, v2;
	_ =	sdelay $0x3  }
0x2b8: {  	[tilespmem:s30+$0xFFFFFFA0] =	vst v0  }
0x2b9: {  	v0 =	vld.idx.msk [tilespmem:v3+s26+$0x0], $0xffff  }
0x2ba: {  	v3 =	vor.u32 v47, v2;
	_ =	sdelay $0x3  }
0x2bb: {  	[tilespmem:s30+$0xFFFFFFB0] =	vst v0  }
0x2bc: {  	v0 =	vld.idx.msk [tilespmem:v3+s26+$0x0], $0xffff  }
0x2bd: {  	v3 =	vor.u32 v48, v2;
	_ =	sdelay $0x3  }
0x2be: {  	[tilespmem:s30+$0xFFFFFFC0] =	vst v0  }
0x2bf: {  	v0 =	vld.idx.msk [tilespmem:v3+s26+$0x0], $0xffff  }
0x2c0: {  	v3 =	vor.u32 v49, v2;
	_ =	sdelay $0x3  }
0x2c1: {  	[tilespmem:s30+$0xFFFFFFD0] =	vst v0  }
0x2c2: {  	v0 =	vld.idx.msk [tilespmem:v3+s26+$0x0], $0xffff  }
0x2c3: {  	v3 =	vor.u32 v50, v2;
	_ =	sdelay $0x3  }
0x2c4: {  	[tilespmem:s30+$0xFFFFFFE0] =	vst v0  }
0x2c5: {  	v0 =	vld.idx.msk [tilespmem:v3+s26+$0x0], $0xffff  }
0x2c6: {  	v2 =	vor.u32 v51, v2;
	_ =	sdelay $0x3  }
0x2c7: {  	s31 =	simm.s32 $0x0;
	[tilespmem:s30+$0xFFFFFFF0] =	vst v0  }
0x2c8: {  	v0 =	vld.idx.msk [tilespmem:v2+s26+$0x0], $0xffff;
	v2 =	vmov s31  }
0x2c9: {  	v2 =	vand.u32 $0xF, v2  }
0x2ca: {  	v3 =	vbroadcast v2, $0x0;
	_ =	sdelay $0x1  }
0x2cb: {  	v2 =	vor.u32 v52, v3  }
0x2cc: {  	[tilespmem:s30+$0x0] =	vst v0  }
0x2cd: {  	_ =	swait.ge [sflag:s23], $0x800  }
0x2ce: {  	[sflag:s23] =	ssyncset.done $0x0  }
0x2cf: {  	[sflag:s23] =	ssyncadd.s32 $0xFFFFF800  }
0x2d0: {  	v0 =	vld.idx.msk [tilespmem:v2+s26+$0x0], $0xffff  }
0x2d1: {  	v2 =	vor.u32 v53, v3;
	_ =	sdelay $0x2  }
0x2d2: {  	s30 =	simm.s32 $0x93B0  }
0x2d3: {  	[tilespmem:s30+$0xFFFFFF90] =	vst v0  }
0x2d4: {  	v0 =	vld.idx.msk [tilespmem:v2+s26+$0x0], $0xffff  }
0x2d5: {  	v2 =	vor.u32 v54, v3;
	_ =	sdelay $0x3  }
0x2d6: {  	[tilespmem:s30+$0xFFFFFFA0] =	vst v0  }
0x2d7: {  	v0 =	vld.idx.msk [tilespmem:v2+s26+$0x0], $0xffff  }
0x2d8: {  	v2 =	vor.u32 v55, v3;
	_ =	sdelay $0x3  }
0x2d9: {  	[tilespmem:s30+$0xFFFFFFB0] =	vst v0  }
0x2da: {  	v0 =	vld.idx.msk [tilespmem:v2+s26+$0x0], $0xffff  }
0x2db: {  	v2 =	vor.u32 v56, v3;
	_ =	sdelay $0x3  }
0x2dc: {  	[tilespmem:s30+$0xFFFFFFC0] =	vst v0  }
0x2dd: {  	v0 =	vld.idx.msk [tilespmem:v2+s26+$0x0], $0xffff  }
0x2de: {  	v2 =	vor.u32 v57, v3;
	_ =	sdelay $0x3  }
0x2df: {  	[tilespmem:s30+$0xFFFFFFD0] =	vst v0  }
0x2e0: {  	v0 =	vld.idx.msk [tilespmem:v2+s26+$0x0], $0xffff  }
0x2e1: {  	v2 =	vor.u32 v58, v3;
	_ =	sdelay $0x3  }
0x2e2: {  	[tilespmem:s30+$0xFFFFFFE0] =	vst v0  }
0x2e3: {  	v2 =	vld.idx.msk [tilespmem:v2+s26+$0x0], $0xffff  }
0x2e4: {  	v0 =	vor.u32 v59, v3;
	_ =	sdelay $0x1  }
0x2e5: {  	s31 =	simm.s32 $0x1  }
0x2e6: {  	v3 =	vmov s31;
	s31 =	simm.s32 $0x2  }
.LBB2_14:
0x2e7: {  	p0 =	sne.s32 s31, $0xF;
	v3 =	vand.u32 $0xF, v3;
	[tilespmem:s30+$0xFFFFFFF0] =	vst v2  }
0x2e8: {  	v3 =	vbroadcast v3, $0x0;
	v0 =	vld.idx.msk [tilespmem:v0+s26+$0x0], $0xffff;
	_ =	sdelay $0x1  }
0x2e9: {  	v2 =	vor.u32 v52, v3;
	_ =	sdelay $0x3  }
0x2ea: {  	[tilespmem:s30+$0x0] =	vst v0  }
0x2eb: {  	v0 =	vld.idx.msk [tilespmem:v2+s26+$0x0], $0xffff;
	_ =	sdelay $0x1  }
0x2ec: {  	v2 =	vor.u32 v53, v3;
	_ =	sdelay $0x2  }
0x2ed: {  	s30 =	sadd.s32 $0x800, s30  }
0x2ee: {  	[tilespmem:s30+$0xFFFFFF90] =	vst v0  }
0x2ef: {  	v0 =	vld.idx.msk [tilespmem:v2+s26+$0x0], $0xffff;
	_ =	sdelay $0x1  }
0x2f0: {  	v2 =	vor.u32 v54, v3;
	_ =	sdelay $0x3  }
0x2f1: {  	[tilespmem:s30+$0xFFFFFFA0] =	vst v0  }
0x2f2: {  	v0 =	vld.idx.msk [tilespmem:v2+s26+$0x0], $0xffff;
	_ =	sdelay $0x1  }
0x2f3: {  	v2 =	vor.u32 v55, v3;
	_ =	sdelay $0x3  }
0x2f4: {  	[tilespmem:s30+$0xFFFFFFB0] =	vst v0  }
0x2f5: {  	v0 =	vld.idx.msk [tilespmem:v2+s26+$0x0], $0xffff;
	_ =	sdelay $0x1  }
0x2f6: {  	v2 =	vor.u32 v56, v3;
	_ =	sdelay $0x3  }
0x2f7: {  	[tilespmem:s30+$0xFFFFFFC0] =	vst v0  }
0x2f8: {  	v0 =	vld.idx.msk [tilespmem:v2+s26+$0x0], $0xffff;
	_ =	sdelay $0x1  }
0x2f9: {  	v2 =	vor.u32 v57, v3;
	_ =	sdelay $0x3  }
0x2fa: {  	[tilespmem:s30+$0xFFFFFFD0] =	vst v0  }
0x2fb: {  	v0 =	vld.idx.msk [tilespmem:v2+s26+$0x0], $0xffff;
	_ =	sdelay $0x1  }
0x2fc: {  	v2 =	vor.u32 v58, v3;
	_ =	sdelay $0x3  }
0x2fd: {  	[tilespmem:s30+$0xFFFFFFE0] =	vst v0  }
0x2fe: {  	v2 =	vld.idx.msk [tilespmem:v2+s26+$0x0], $0xffff  }
.Ltmp6:
0x2ff: {  	(pc) =	sbr.rel @p0 .LBB2_14-.Ltmp6, $2  }
0x300: {  	v0 =	vor.u32 v59, v3;
	_ =	sdelay $0x2  }
0x301: {  	v3 =	vmov s31;
	s31 =	sadd.s32 $0x1, s31  }
0x302: {  	_ =	sdelay $0x1  }
0x303: {  	v3 =	vand.u32 $0xF, v3  }
0x304: {  	[tilespmem:s30+$0xFFFFFFF0] =	vst v2;
	v2 =	vbroadcast v3, $0x0  }
0x305: {  	v0 =	vld.idx.msk [tilespmem:v0+s26+$0x0], $0xffff  }
0x306: {  	v3 =	vor.u32 v52, v2;
	_ =	sdelay $0x3  }
0x307: {  	[tilespmem:s30+$0x0] =	vst v0  }
0x308: {  	v0 =	vld.idx.msk [tilespmem:v3+s26+$0x0], $0xffff  }
0x309: {  	v3 =	vor.u32 v53, v2;
	_ =	sdelay $0x2  }
0x30a: {  	s30 =	sadd.s32 $0x800, s30  }
0x30b: {  	[tilespmem:s30+$0xFFFFFF90] =	vst v0  }
0x30c: {  	v0 =	vld.idx.msk [tilespmem:v3+s26+$0x0], $0xffff  }
0x30d: {  	v3 =	vor.u32 v54, v2;
	_ =	sdelay $0x3  }
0x30e: {  	[tilespmem:s30+$0xFFFFFFA0] =	vst v0  }
0x30f: {  	v0 =	vld.idx.msk [tilespmem:v3+s26+$0x0], $0xffff  }
0x310: {  	v3 =	vor.u32 v55, v2;
	_ =	sdelay $0x3  }
0x311: {  	[tilespmem:s30+$0xFFFFFFB0] =	vst v0  }
0x312: {  	v0 =	vld.idx.msk [tilespmem:v3+s26+$0x0], $0xffff  }
0x313: {  	v3 =	vor.u32 v56, v2;
	_ =	sdelay $0x3  }
0x314: {  	[tilespmem:s30+$0xFFFFFFC0] =	vst v0  }
0x315: {  	v0 =	vld.idx.msk [tilespmem:v3+s26+$0x0], $0xffff  }
0x316: {  	v3 =	vor.u32 v57, v2;
	_ =	sdelay $0x3  }
0x317: {  	[tilespmem:s30+$0xFFFFFFD0] =	vst v0  }
0x318: {  	v0 =	vld.idx.msk [tilespmem:v3+s26+$0x0], $0xffff  }
0x319: {  	v3 =	vor.u32 v58, v2;
	_ =	sdelay $0x3  }
0x31a: {  	[tilespmem:s30+$0xFFFFFFE0] =	vst v0  }
0x31b: {  	v0 =	vld.idx.msk [tilespmem:v3+s26+$0x0], $0xffff  }
0x31c: {  	v2 =	vor.u32 v59, v2;
	_ =	sdelay $0x3  }
0x31d: {  	s31 =	simm.s32 $0x0;
	[tilespmem:s30+$0xFFFFFFF0] =	vst v0  }
0x31e: {  	v0 =	vld.idx.msk [tilespmem:v2+s26+$0x0], $0xffff;
	v2 =	vmov s31  }
0x31f: {  	v2 =	vand.u32 $0xF, v2  }
0x320: {  	v5 =	vbroadcast v2, $0x0;
	_ =	sdelay $0x1  }
0x321: {  	v2 =	vor.u32 v60, v5  }
0x322: {  	[tilespmem:s30+$0x0] =	vst v0  }
0x323: {  	_ =	swait.ge [sflag:s23], $0x800  }
0x324: {  	[sflag:s23] =	ssyncset.done $0x0  }
0x325: {  	[sflag:s23] =	ssyncadd.s32 $0xFFFFF800  }
0x326: {  	v61 =	vor.u32 $0x3900, v1;
	v0 =	vld.idx.msk [tilespmem:v2+s26+$0x0], $0xffff  }
0x327: {  	v2 =	vor.u32 v61, v5;
	_ =	sdelay $0x2  }
0x328: {  	s30 =	simm.s32 $0x9430  }
0x329: {  	[tilespmem:s30+$0xFFFFFF90] =	vst v0  }
0x32a: {  	v62 =	vor.u32 $0x3A00, v1;
	v0 =	vld.idx.msk [tilespmem:v2+s26+$0x0], $0xffff  }
0x32b: {  	v2 =	vor.u32 v62, v5;
	_ =	sdelay $0x3  }
0x32c: {  	[tilespmem:s30+$0xFFFFFFA0] =	vst v0  }
0x32d: {  	v63 =	vor.u32 $0x3B00, v1;
	v0 =	vld.idx.msk [tilespmem:v2+s26+$0x0], $0xffff  }
0x32e: {  	v2 =	vor.u32 v63, v5;
	_ =	sdelay $0x3  }
0x32f: {  	[tilespmem:s30+$0xFFFFFFB0] =	vst v0  }
0x330: {  	v0 =	vor.u32 $0x3C00, v1;
	v2 =	vld.idx.msk [tilespmem:v2+s26+$0x0], $0xffff  }
0x331: {  	v3 =	vor.u32 v0, v5;
	_ =	sdelay $0x3  }
0x332: {  	[tilespmem:s30+$0xFFFFFFC0] =	vst v2  }
0x333: {  	v2 =	vor.u32 $0x3D00, v1;
	v3 =	vld.idx.msk [tilespmem:v3+s26+$0x0], $0xffff  }
0x334: {  	v4 =	vor.u32 v2, v5;
	_ =	sdelay $0x3  }
0x335: {  	[tilespmem:s30+$0xFFFFFFD0] =	vst v3  }
0x336: {  	v3 =	vor.u32 $0x3E00, v1;
	v4 =	vld.idx.msk [tilespmem:v4+s26+$0x0], $0xffff  }
0x337: {  	v6 =	vor.u32 v3, v5;
	_ =	sdelay $0x3  }
0x338: {  	[tilespmem:s30+$0xFFFFFFE0] =	vst v4  }
0x339: {  	v4 =	vor.u32 $0x3F00, v1;
	v6 =	vld.idx.msk [tilespmem:v6+s26+$0x0], $0xffff  }
0x33a: {  	v5 =	vor.u32 v4, v5;
	_ =	sdelay $0x1  }
0x33b: {  	s31 =	simm.s32 $0x1  }
0x33c: {  	v7 =	vmov s31;
	s31 =	simm.s32 $0x2  }
.LBB2_16:
0x33d: {  	p0 =	sne.s32 s31, $0xF;
	v7 =	vand.u32 $0xF, v7;
	[tilespmem:s30+$0xFFFFFFF0] =	vst v6  }
0x33e: {  	v7 =	vbroadcast v7, $0x0;
	v5 =	vld.idx.msk [tilespmem:v5+s26+$0x0], $0xffff;
	_ =	sdelay $0x1  }
0x33f: {  	v6 =	vor.u32 v60, v7;
	_ =	sdelay $0x3  }
0x340: {  	[tilespmem:s30+$0x0] =	vst v5  }
0x341: {  	v5 =	vld.idx.msk [tilespmem:v6+s26+$0x0], $0xffff;
	_ =	sdelay $0x1  }
0x342: {  	v6 =	vor.u32 v61, v7;
	_ =	sdelay $0x2  }
0x343: {  	s30 =	sadd.s32 $0x800, s30  }
0x344: {  	[tilespmem:s30+$0xFFFFFF90] =	vst v5  }
0x345: {  	v5 =	vld.idx.msk [tilespmem:v6+s26+$0x0], $0xffff;
	_ =	sdelay $0x1  }
0x346: {  	v6 =	vor.u32 v62, v7;
	_ =	sdelay $0x3  }
0x347: {  	[tilespmem:s30+$0xFFFFFFA0] =	vst v5  }
0x348: {  	v5 =	vld.idx.msk [tilespmem:v6+s26+$0x0], $0xffff;
	_ =	sdelay $0x1  }
0x349: {  	v6 =	vor.u32 v63, v7;
	_ =	sdelay $0x3  }
0x34a: {  	[tilespmem:s30+$0xFFFFFFB0] =	vst v5  }
0x34b: {  	v5 =	vld.idx.msk [tilespmem:v6+s26+$0x0], $0xffff;
	_ =	sdelay $0x1  }
0x34c: {  	v6 =	vor.u32 v0, v7;
	_ =	sdelay $0x3  }
0x34d: {  	[tilespmem:s30+$0xFFFFFFC0] =	vst v5  }
0x34e: {  	v5 =	vld.idx.msk [tilespmem:v6+s26+$0x0], $0xffff;
	_ =	sdelay $0x1  }
0x34f: {  	v6 =	vor.u32 v2, v7;
	_ =	sdelay $0x3  }
0x350: {  	[tilespmem:s30+$0xFFFFFFD0] =	vst v5  }
0x351: {  	v5 =	vld.idx.msk [tilespmem:v6+s26+$0x0], $0xffff;
	_ =	sdelay $0x1  }
0x352: {  	v6 =	vor.u32 v3, v7;
	_ =	sdelay $0x3  }
0x353: {  	[tilespmem:s30+$0xFFFFFFE0] =	vst v5  }
0x354: {  	v6 =	vld.idx.msk [tilespmem:v6+s26+$0x0], $0xffff  }
.Ltmp7:
0x355: {  	(pc) =	sbr.rel @p0 .LBB2_16-.Ltmp7, $2  }
0x356: {  	v5 =	vor.u32 v4, v7;
	_ =	sdelay $0x2  }
0x357: {  	v7 =	vmov s31;
	s31 =	sadd.s32 $0x1, s31  }
0x358: {  	_ =	sdelay $0x1  }
0x359: {  	v7 =	vand.u32 $0xF, v7  }
0x35a: {  	[tilespmem:s30+$0xFFFFFFF0] =	vst v6;
	v6 =	vbroadcast v7, $0x0  }
0x35b: {  	v5 =	vld.idx.msk [tilespmem:v5+s26+$0x0], $0xffff  }
0x35c: {  	v7 =	vor.u32 v60, v6;
	_ =	sdelay $0x3  }
0x35d: {  	[tilespmem:s30+$0x0] =	vst v5  }
0x35e: {  	v5 =	vld.idx.msk [tilespmem:v7+s26+$0x0], $0xffff  }
0x35f: {  	v7 =	vor.u32 v61, v6;
	_ =	sdelay $0x2  }
0x360: {  	s30 =	sadd.s32 $0x800, s30  }
0x361: {  	[tilespmem:s30+$0xFFFFFF90] =	vst v5  }
0x362: {  	v5 =	vld.idx.msk [tilespmem:v7+s26+$0x0], $0xffff  }
0x363: {  	v7 =	vor.u32 v62, v6;
	_ =	sdelay $0x3  }
0x364: {  	[tilespmem:s30+$0xFFFFFFA0] =	vst v5  }
0x365: {  	v5 =	vld.idx.msk [tilespmem:v7+s26+$0x0], $0xffff  }
0x366: {  	v7 =	vor.u32 v63, v6;
	_ =	sdelay $0x3  }
0x367: {  	[tilespmem:s30+$0xFFFFFFB0] =	vst v5  }
0x368: {  	v5 =	vld.idx.msk [tilespmem:v7+s26+$0x0], $0xffff  }
0x369: {  	v0 =	vor.u32 v0, v6;
	_ =	sdelay $0x3  }
0x36a: {  	[tilespmem:s30+$0xFFFFFFC0] =	vst v5  }
0x36b: {  	v0 =	vld.idx.msk [tilespmem:v0+s26+$0x0], $0xffff  }
0x36c: {  	v2 =	vor.u32 v2, v6;
	_ =	sdelay $0x3  }
0x36d: {  	[tilespmem:s30+$0xFFFFFFD0] =	vst v0  }
0x36e: {  	v0 =	vld.idx.msk [tilespmem:v2+s26+$0x0], $0xffff  }
0x36f: {  	v2 =	vor.u32 v3, v6;
	_ =	sdelay $0x3  }
0x370: {  	[tilespmem:s30+$0xFFFFFFE0] =	vst v0  }
0x371: {  	v0 =	vld.idx.msk [tilespmem:v2+s26+$0x0], $0xffff  }
0x372: {  	v2 =	vor.u32 v4, v6;
	_ =	sdelay $0x3  }
0x373: {  	s31 =	simm.s32 $0x0;
	[tilespmem:s30+$0xFFFFFFF0] =	vst v0  }
0x374: {  	v0 =	vld.idx.msk [tilespmem:v2+s26+$0x0], $0xffff;
	v2 =	vmov s31  }
0x375: {  	v2 =	vand.u32 $0xF, v2  }
0x376: {  	v6 =	vbroadcast v2, $0x0  }
0x377: {  	v61 =	vor.u32 $0x4000, v1  }
0x378: {  	v2 =	vor.u32 v61, v6  }
0x379: {  	[tilespmem:s30+$0x0] =	vst v0  }
0x37a: {  	_ =	swait.ge [sflag:s23], $0x800  }
0x37b: {  	[sflag:s23] =	ssyncset.done $0x0  }
0x37c: {  	[sflag:s23] =	ssyncadd.s32 $0xFFFFF800  }
0x37d: {  	v62 =	vor.u32 $0x4100, v1;
	v0 =	vld.idx.msk [tilespmem:v2+s26+$0x0], $0xffff  }
0x37e: {  	v2 =	vor.u32 v62, v6;
	_ =	sdelay $0x2  }
0x37f: {  	s30 =	simm.s32 $0x94B0  }
0x380: {  	[tilespmem:s30+$0xFFFFFF90] =	vst v0  }
0x381: {  	v63 =	vor.u32 $0x4200, v1;
	v0 =	vld.idx.msk [tilespmem:v2+s26+$0x0], $0xffff  }
0x382: {  	v2 =	vor.u32 v63, v6;
	_ =	sdelay $0x3  }
0x383: {  	[tilespmem:s30+$0xFFFFFFA0] =	vst v0  }
0x384: {  	v0 =	vor.u32 $0x4300, v1;
	v2 =	vld.idx.msk [tilespmem:v2+s26+$0x0], $0xffff  }
0x385: {  	v3 =	vor.u32 v0, v6;
	_ =	sdelay $0x3  }
0x386: {  	[tilespmem:s30+$0xFFFFFFB0] =	vst v2  }
0x387: {  	v2 =	vor.u32 $0x4400, v1;
	v3 =	vld.idx.msk [tilespmem:v3+s26+$0x0], $0xffff  }
0x388: {  	v4 =	vor.u32 v2, v6;
	_ =	sdelay $0x3  }
0x389: {  	[tilespmem:s30+$0xFFFFFFC0] =	vst v3  }
0x38a: {  	v3 =	vor.u32 $0x4500, v1;
	v4 =	vld.idx.msk [tilespmem:v4+s26+$0x0], $0xffff  }
0x38b: {  	v5 =	vor.u32 v3, v6;
	_ =	sdelay $0x3  }
0x38c: {  	[tilespmem:s30+$0xFFFFFFD0] =	vst v4  }
0x38d: {  	v4 =	vor.u32 $0x4600, v1;
	v5 =	vld.idx.msk [tilespmem:v5+s26+$0x0], $0xffff  }
0x38e: {  	v7 =	vor.u32 v4, v6;
	_ =	sdelay $0x3  }
0x38f: {  	[tilespmem:s30+$0xFFFFFFE0] =	vst v5  }
0x390: {  	v5 =	vor.u32 $0x4700, v1;
	v7 =	vld.idx.msk [tilespmem:v7+s26+$0x0], $0xffff  }
0x391: {  	v6 =	vor.u32 v5, v6;
	_ =	sdelay $0x1  }
0x392: {  	s31 =	simm.s32 $0x1  }
0x393: {  	v8 =	vmov s31;
	s31 =	simm.s32 $0x2  }
.LBB2_18:
0x394: {  	p0 =	sne.s32 s31, $0xF;
	v8 =	vand.u32 $0xF, v8;
	[tilespmem:s30+$0xFFFFFFF0] =	vst v7  }
0x395: {  	v8 =	vbroadcast v8, $0x0;
	v6 =	vld.idx.msk [tilespmem:v6+s26+$0x0], $0xffff;
	_ =	sdelay $0x1  }
0x396: {  	v7 =	vor.u32 v61, v8;
	_ =	sdelay $0x3  }
0x397: {  	[tilespmem:s30+$0x0] =	vst v6  }
0x398: {  	v6 =	vld.idx.msk [tilespmem:v7+s26+$0x0], $0xffff;
	_ =	sdelay $0x1  }
0x399: {  	v7 =	vor.u32 v62, v8;
	_ =	sdelay $0x2  }
0x39a: {  	s30 =	sadd.s32 $0x800, s30  }
0x39b: {  	[tilespmem:s30+$0xFFFFFF90] =	vst v6  }
0x39c: {  	v6 =	vld.idx.msk [tilespmem:v7+s26+$0x0], $0xffff;
	_ =	sdelay $0x1  }
0x39d: {  	v7 =	vor.u32 v63, v8;
	_ =	sdelay $0x3  }
0x39e: {  	[tilespmem:s30+$0xFFFFFFA0] =	vst v6  }
0x39f: {  	v6 =	vld.idx.msk [tilespmem:v7+s26+$0x0], $0xffff;
	_ =	sdelay $0x1  }
0x3a0: {  	v7 =	vor.u32 v0, v8;
	_ =	sdelay $0x3  }
0x3a1: {  	[tilespmem:s30+$0xFFFFFFB0] =	vst v6  }
0x3a2: {  	v6 =	vld.idx.msk [tilespmem:v7+s26+$0x0], $0xffff;
	_ =	sdelay $0x1  }
0x3a3: {  	v7 =	vor.u32 v2, v8;
	_ =	sdelay $0x3  }
0x3a4: {  	[tilespmem:s30+$0xFFFFFFC0] =	vst v6  }
0x3a5: {  	v6 =	vld.idx.msk [tilespmem:v7+s26+$0x0], $0xffff;
	_ =	sdelay $0x1  }
0x3a6: {  	v7 =	vor.u32 v3, v8;
	_ =	sdelay $0x3  }
0x3a7: {  	[tilespmem:s30+$0xFFFFFFD0] =	vst v6  }
0x3a8: {  	v6 =	vld.idx.msk [tilespmem:v7+s26+$0x0], $0xffff;
	_ =	sdelay $0x1  }
0x3a9: {  	v7 =	vor.u32 v4, v8;
	_ =	sdelay $0x3  }
0x3aa: {  	[tilespmem:s30+$0xFFFFFFE0] =	vst v6  }
0x3ab: {  	v7 =	vld.idx.msk [tilespmem:v7+s26+$0x0], $0xffff  }
.Ltmp8:
0x3ac: {  	(pc) =	sbr.rel @p0 .LBB2_18-.Ltmp8, $2  }
0x3ad: {  	v6 =	vor.u32 v5, v8;
	_ =	sdelay $0x2  }
0x3ae: {  	v8 =	vmov s31;
	s31 =	sadd.s32 $0x1, s31  }
0x3af: {  	_ =	sdelay $0x1  }
0x3b0: {  	v8 =	vand.u32 $0xF, v8  }
0x3b1: {  	[tilespmem:s30+$0xFFFFFFF0] =	vst v7;
	v7 =	vbroadcast v8, $0x0  }
0x3b2: {  	v6 =	vld.idx.msk [tilespmem:v6+s26+$0x0], $0xffff  }
0x3b3: {  	v8 =	vor.u32 v61, v7;
	_ =	sdelay $0x3  }
0x3b4: {  	[tilespmem:s30+$0x0] =	vst v6  }
0x3b5: {  	v6 =	vld.idx.msk [tilespmem:v8+s26+$0x0], $0xffff  }
0x3b6: {  	v8 =	vor.u32 v62, v7;
	_ =	sdelay $0x2  }
0x3b7: {  	s30 =	sadd.s32 $0x800, s30  }
0x3b8: {  	[tilespmem:s30+$0xFFFFFF90] =	vst v6  }
0x3b9: {  	v6 =	vld.idx.msk [tilespmem:v8+s26+$0x0], $0xffff  }
0x3ba: {  	v8 =	vor.u32 v63, v7;
	_ =	sdelay $0x3  }
0x3bb: {  	[tilespmem:s30+$0xFFFFFFA0] =	vst v6  }
0x3bc: {  	v6 =	vld.idx.msk [tilespmem:v8+s26+$0x0], $0xffff  }
0x3bd: {  	v0 =	vor.u32 v0, v7;
	_ =	sdelay $0x3  }
0x3be: {  	[tilespmem:s30+$0xFFFFFFB0] =	vst v6  }
0x3bf: {  	v0 =	vld.idx.msk [tilespmem:v0+s26+$0x0], $0xffff  }
0x3c0: {  	v2 =	vor.u32 v2, v7;
	_ =	sdelay $0x3  }
0x3c1: {  	[tilespmem:s30+$0xFFFFFFC0] =	vst v0  }
0x3c2: {  	v0 =	vld.idx.msk [tilespmem:v2+s26+$0x0], $0xffff  }
0x3c3: {  	v2 =	vor.u32 v3, v7;
	_ =	sdelay $0x3  }
0x3c4: {  	[tilespmem:s30+$0xFFFFFFD0] =	vst v0  }
0x3c5: {  	v0 =	vld.idx.msk [tilespmem:v2+s26+$0x0], $0xffff  }
0x3c6: {  	v2 =	vor.u32 v4, v7;
	_ =	sdelay $0x3  }
0x3c7: {  	[tilespmem:s30+$0xFFFFFFE0] =	vst v0  }
0x3c8: {  	v0 =	vld.idx.msk [tilespmem:v2+s26+$0x0], $0xffff  }
0x3c9: {  	v2 =	vor.u32 v5, v7;
	_ =	sdelay $0x3  }
0x3ca: {  	s31 =	simm.s32 $0x0;
	[tilespmem:s30+$0xFFFFFFF0] =	vst v0  }
0x3cb: {  	v0 =	vld.idx.msk [tilespmem:v2+s26+$0x0], $0xffff;
	v2 =	vmov s31  }
0x3cc: {  	v2 =	vand.u32 $0xF, v2  }
0x3cd: {  	v6 =	vbroadcast v2, $0x0  }
0x3ce: {  	v61 =	vor.u32 $0x4800, v1  }
0x3cf: {  	v2 =	vor.u32 v61, v6  }
0x3d0: {  	[tilespmem:s30+$0x0] =	vst v0  }
0x3d1: {  	_ =	swait.ge [sflag:s23], $0x800  }
0x3d2: {  	[sflag:s23] =	ssyncset.done $0x0  }
0x3d3: {  	[sflag:s23] =	ssyncadd.s32 $0xFFFFF800  }
0x3d4: {  	v62 =	vor.u32 $0x4900, v1;
	v0 =	vld.idx.msk [tilespmem:v2+s26+$0x0], $0xffff  }
0x3d5: {  	v2 =	vor.u32 v62, v6;
	_ =	sdelay $0x2  }
0x3d6: {  	s30 =	simm.s32 $0x9530  }
0x3d7: {  	[tilespmem:s30+$0xFFFFFF90] =	vst v0  }
0x3d8: {  	v63 =	vor.u32 $0x4A00, v1;
	v0 =	vld.idx.msk [tilespmem:v2+s26+$0x0], $0xffff  }
0x3d9: {  	v2 =	vor.u32 v63, v6;
	_ =	sdelay $0x3  }
0x3da: {  	[tilespmem:s30+$0xFFFFFFA0] =	vst v0  }
0x3db: {  	v0 =	vor.u32 $0x4B00, v1;
	v2 =	vld.idx.msk [tilespmem:v2+s26+$0x0], $0xffff  }
0x3dc: {  	v3 =	vor.u32 v0, v6;
	_ =	sdelay $0x3  }
0x3dd: {  	[tilespmem:s30+$0xFFFFFFB0] =	vst v2  }
0x3de: {  	v2 =	vor.u32 $0x4C00, v1;
	v3 =	vld.idx.msk [tilespmem:v3+s26+$0x0], $0xffff  }
0x3df: {  	v4 =	vor.u32 v2, v6;
	_ =	sdelay $0x3  }
0x3e0: {  	[tilespmem:s30+$0xFFFFFFC0] =	vst v3  }
0x3e1: {  	v3 =	vor.u32 $0x4D00, v1;
	v4 =	vld.idx.msk [tilespmem:v4+s26+$0x0], $0xffff  }
0x3e2: {  	v5 =	vor.u32 v3, v6;
	_ =	sdelay $0x3  }
0x3e3: {  	[tilespmem:s30+$0xFFFFFFD0] =	vst v4  }
0x3e4: {  	v4 =	vor.u32 $0x4E00, v1;
	v5 =	vld.idx.msk [tilespmem:v5+s26+$0x0], $0xffff  }
0x3e5: {  	v7 =	vor.u32 v4, v6;
	_ =	sdelay $0x3  }
0x3e6: {  	[tilespmem:s30+$0xFFFFFFE0] =	vst v5  }
0x3e7: {  	v5 =	vor.u32 $0x4F00, v1;
	v7 =	vld.idx.msk [tilespmem:v7+s26+$0x0], $0xffff  }
0x3e8: {  	v6 =	vor.u32 v5, v6;
	_ =	sdelay $0x1  }
0x3e9: {  	s31 =	simm.s32 $0x1  }
0x3ea: {  	v8 =	vmov s31;
	s31 =	simm.s32 $0x2  }
.LBB2_20:
0x3eb: {  	p0 =	sne.s32 s31, $0xF;
	v8 =	vand.u32 $0xF, v8;
	[tilespmem:s30+$0xFFFFFFF0] =	vst v7  }
0x3ec: {  	v8 =	vbroadcast v8, $0x0;
	v6 =	vld.idx.msk [tilespmem:v6+s26+$0x0], $0xffff;
	_ =	sdelay $0x1  }
0x3ed: {  	v7 =	vor.u32 v61, v8;
	_ =	sdelay $0x3  }
0x3ee: {  	[tilespmem:s30+$0x0] =	vst v6  }
0x3ef: {  	v6 =	vld.idx.msk [tilespmem:v7+s26+$0x0], $0xffff;
	_ =	sdelay $0x1  }
0x3f0: {  	v7 =	vor.u32 v62, v8;
	_ =	sdelay $0x2  }
0x3f1: {  	s30 =	sadd.s32 $0x800, s30  }
0x3f2: {  	[tilespmem:s30+$0xFFFFFF90] =	vst v6  }
0x3f3: {  	v6 =	vld.idx.msk [tilespmem:v7+s26+$0x0], $0xffff;
	_ =	sdelay $0x1  }
0x3f4: {  	v7 =	vor.u32 v63, v8;
	_ =	sdelay $0x3  }
0x3f5: {  	[tilespmem:s30+$0xFFFFFFA0] =	vst v6  }
0x3f6: {  	v6 =	vld.idx.msk [tilespmem:v7+s26+$0x0], $0xffff;
	_ =	sdelay $0x1  }
0x3f7: {  	v7 =	vor.u32 v0, v8;
	_ =	sdelay $0x3  }
0x3f8: {  	[tilespmem:s30+$0xFFFFFFB0] =	vst v6  }
0x3f9: {  	v6 =	vld.idx.msk [tilespmem:v7+s26+$0x0], $0xffff;
	_ =	sdelay $0x1  }
0x3fa: {  	v7 =	vor.u32 v2, v8;
	_ =	sdelay $0x3  }
0x3fb: {  	[tilespmem:s30+$0xFFFFFFC0] =	vst v6  }
0x3fc: {  	v6 =	vld.idx.msk [tilespmem:v7+s26+$0x0], $0xffff;
	_ =	sdelay $0x1  }
0x3fd: {  	v7 =	vor.u32 v3, v8;
	_ =	sdelay $0x3  }
0x3fe: {  	[tilespmem:s30+$0xFFFFFFD0] =	vst v6  }
0x3ff: {  	v6 =	vld.idx.msk [tilespmem:v7+s26+$0x0], $0xffff;
	_ =	sdelay $0x1  }
0x400: {  	v7 =	vor.u32 v4, v8;
	_ =	sdelay $0x3  }
0x401: {  	[tilespmem:s30+$0xFFFFFFE0] =	vst v6  }
0x402: {  	v7 =	vld.idx.msk [tilespmem:v7+s26+$0x0], $0xffff  }
.Ltmp9:
0x403: {  	(pc) =	sbr.rel @p0 .LBB2_20-.Ltmp9, $2  }
0x404: {  	v6 =	vor.u32 v5, v8;
	_ =	sdelay $0x2  }
0x405: {  	v8 =	vmov s31;
	s31 =	sadd.s32 $0x1, s31  }
0x406: {  	_ =	sdelay $0x1  }
0x407: {  	v8 =	vand.u32 $0xF, v8  }
0x408: {  	[tilespmem:s30+$0xFFFFFFF0] =	vst v7;
	v7 =	vbroadcast v8, $0x0  }
0x409: {  	v6 =	vld.idx.msk [tilespmem:v6+s26+$0x0], $0xffff  }
0x40a: {  	v8 =	vor.u32 v61, v7;
	_ =	sdelay $0x3  }
0x40b: {  	[tilespmem:s30+$0x0] =	vst v6  }
0x40c: {  	v6 =	vld.idx.msk [tilespmem:v8+s26+$0x0], $0xffff  }
0x40d: {  	v8 =	vor.u32 v62, v7;
	_ =	sdelay $0x2  }
0x40e: {  	s30 =	sadd.s32 $0x800, s30  }
0x40f: {  	[tilespmem:s30+$0xFFFFFF90] =	vst v6  }
0x410: {  	v6 =	vld.idx.msk [tilespmem:v8+s26+$0x0], $0xffff  }
0x411: {  	v8 =	vor.u32 v63, v7;
	_ =	sdelay $0x3  }
0x412: {  	[tilespmem:s30+$0xFFFFFFA0] =	vst v6  }
0x413: {  	v6 =	vld.idx.msk [tilespmem:v8+s26+$0x0], $0xffff  }
0x414: {  	v0 =	vor.u32 v0, v7;
	_ =	sdelay $0x3  }
0x415: {  	[tilespmem:s30+$0xFFFFFFB0] =	vst v6  }
0x416: {  	v0 =	vld.idx.msk [tilespmem:v0+s26+$0x0], $0xffff  }
0x417: {  	v2 =	vor.u32 v2, v7;
	_ =	sdelay $0x3  }
0x418: {  	[tilespmem:s30+$0xFFFFFFC0] =	vst v0  }
0x419: {  	v0 =	vld.idx.msk [tilespmem:v2+s26+$0x0], $0xffff  }
0x41a: {  	v2 =	vor.u32 v3, v7;
	_ =	sdelay $0x3  }
0x41b: {  	[tilespmem:s30+$0xFFFFFFD0] =	vst v0  }
0x41c: {  	v0 =	vld.idx.msk [tilespmem:v2+s26+$0x0], $0xffff  }
0x41d: {  	v2 =	vor.u32 v4, v7;
	_ =	sdelay $0x3  }
0x41e: {  	[tilespmem:s30+$0xFFFFFFE0] =	vst v0  }
0x41f: {  	v0 =	vld.idx.msk [tilespmem:v2+s26+$0x0], $0xffff  }
0x420: {  	v2 =	vor.u32 v5, v7;
	_ =	sdelay $0x3  }
0x421: {  	s31 =	simm.s32 $0x0;
	[tilespmem:s30+$0xFFFFFFF0] =	vst v0  }
0x422: {  	v0 =	vld.idx.msk [tilespmem:v2+s26+$0x0], $0xffff;
	v2 =	vmov s31  }
0x423: {  	v2 =	vand.u32 $0xF, v2  }
0x424: {  	v6 =	vbroadcast v2, $0x0  }
0x425: {  	v61 =	vor.u32 $0x5000, v1  }
0x426: {  	v2 =	vor.u32 v61, v6  }
0x427: {  	[tilespmem:s30+$0x0] =	vst v0  }
0x428: {  	_ =	swait.ge [sflag:s23], $0x800  }
0x429: {  	[sflag:s23] =	ssyncset.done $0x0  }
0x42a: {  	[sflag:s23] =	ssyncadd.s32 $0xFFFFF800  }
0x42b: {  	v62 =	vor.u32 $0x5100, v1;
	v0 =	vld.idx.msk [tilespmem:v2+s26+$0x0], $0xffff  }
0x42c: {  	v2 =	vor.u32 v62, v6;
	_ =	sdelay $0x2  }
0x42d: {  	s30 =	simm.s32 $0x95B0  }
0x42e: {  	[tilespmem:s30+$0xFFFFFF90] =	vst v0  }
0x42f: {  	v63 =	vor.u32 $0x5200, v1;
	v0 =	vld.idx.msk [tilespmem:v2+s26+$0x0], $0xffff  }
0x430: {  	v2 =	vor.u32 v63, v6;
	_ =	sdelay $0x3  }
0x431: {  	[tilespmem:s30+$0xFFFFFFA0] =	vst v0  }
0x432: {  	v0 =	vor.u32 $0x5300, v1;
	v2 =	vld.idx.msk [tilespmem:v2+s26+$0x0], $0xffff  }
0x433: {  	v3 =	vor.u32 v0, v6;
	_ =	sdelay $0x3  }
0x434: {  	[tilespmem:s30+$0xFFFFFFB0] =	vst v2  }
0x435: {  	v2 =	vor.u32 $0x5400, v1;
	v3 =	vld.idx.msk [tilespmem:v3+s26+$0x0], $0xffff  }
0x436: {  	v4 =	vor.u32 v2, v6;
	_ =	sdelay $0x3  }
0x437: {  	[tilespmem:s30+$0xFFFFFFC0] =	vst v3  }
0x438: {  	v3 =	vor.u32 $0x5500, v1;
	v4 =	vld.idx.msk [tilespmem:v4+s26+$0x0], $0xffff  }
0x439: {  	v5 =	vor.u32 v3, v6;
	_ =	sdelay $0x3  }
0x43a: {  	[tilespmem:s30+$0xFFFFFFD0] =	vst v4  }
0x43b: {  	v4 =	vor.u32 $0x5600, v1;
	v5 =	vld.idx.msk [tilespmem:v5+s26+$0x0], $0xffff  }
0x43c: {  	v7 =	vor.u32 v4, v6;
	_ =	sdelay $0x3  }
0x43d: {  	[tilespmem:s30+$0xFFFFFFE0] =	vst v5  }
0x43e: {  	v5 =	vor.u32 $0x5700, v1;
	v7 =	vld.idx.msk [tilespmem:v7+s26+$0x0], $0xffff  }
0x43f: {  	v6 =	vor.u32 v5, v6;
	_ =	sdelay $0x1  }
0x440: {  	s31 =	simm.s32 $0x1  }
0x441: {  	v8 =	vmov s31;
	s31 =	simm.s32 $0x2  }
.LBB2_22:
0x442: {  	p0 =	sne.s32 s31, $0xF;
	v8 =	vand.u32 $0xF, v8;
	[tilespmem:s30+$0xFFFFFFF0] =	vst v7  }
0x443: {  	v8 =	vbroadcast v8, $0x0;
	v6 =	vld.idx.msk [tilespmem:v6+s26+$0x0], $0xffff;
	_ =	sdelay $0x1  }
0x444: {  	v7 =	vor.u32 v61, v8;
	_ =	sdelay $0x3  }
0x445: {  	[tilespmem:s30+$0x0] =	vst v6  }
0x446: {  	v6 =	vld.idx.msk [tilespmem:v7+s26+$0x0], $0xffff;
	_ =	sdelay $0x1  }
0x447: {  	v7 =	vor.u32 v62, v8;
	_ =	sdelay $0x2  }
0x448: {  	s30 =	sadd.s32 $0x800, s30  }
0x449: {  	[tilespmem:s30+$0xFFFFFF90] =	vst v6  }
0x44a: {  	v6 =	vld.idx.msk [tilespmem:v7+s26+$0x0], $0xffff;
	_ =	sdelay $0x1  }
0x44b: {  	v7 =	vor.u32 v63, v8;
	_ =	sdelay $0x3  }
0x44c: {  	[tilespmem:s30+$0xFFFFFFA0] =	vst v6  }
0x44d: {  	v6 =	vld.idx.msk [tilespmem:v7+s26+$0x0], $0xffff;
	_ =	sdelay $0x1  }
0x44e: {  	v7 =	vor.u32 v0, v8;
	_ =	sdelay $0x3  }
0x44f: {  	[tilespmem:s30+$0xFFFFFFB0] =	vst v6  }
0x450: {  	v6 =	vld.idx.msk [tilespmem:v7+s26+$0x0], $0xffff;
	_ =	sdelay $0x1  }
0x451: {  	v7 =	vor.u32 v2, v8;
	_ =	sdelay $0x3  }
0x452: {  	[tilespmem:s30+$0xFFFFFFC0] =	vst v6  }
0x453: {  	v6 =	vld.idx.msk [tilespmem:v7+s26+$0x0], $0xffff;
	_ =	sdelay $0x1  }
0x454: {  	v7 =	vor.u32 v3, v8;
	_ =	sdelay $0x3  }
0x455: {  	[tilespmem:s30+$0xFFFFFFD0] =	vst v6  }
0x456: {  	v6 =	vld.idx.msk [tilespmem:v7+s26+$0x0], $0xffff;
	_ =	sdelay $0x1  }
0x457: {  	v7 =	vor.u32 v4, v8;
	_ =	sdelay $0x3  }
0x458: {  	[tilespmem:s30+$0xFFFFFFE0] =	vst v6  }
0x459: {  	v7 =	vld.idx.msk [tilespmem:v7+s26+$0x0], $0xffff  }
.Ltmp10:
0x45a: {  	(pc) =	sbr.rel @p0 .LBB2_22-.Ltmp10, $2  }
0x45b: {  	v6 =	vor.u32 v5, v8;
	_ =	sdelay $0x2  }
0x45c: {  	v8 =	vmov s31;
	s31 =	sadd.s32 $0x1, s31  }
0x45d: {  	_ =	sdelay $0x1  }
0x45e: {  	v8 =	vand.u32 $0xF, v8  }
0x45f: {  	[tilespmem:s30+$0xFFFFFFF0] =	vst v7;
	v7 =	vbroadcast v8, $0x0  }
0x460: {  	v6 =	vld.idx.msk [tilespmem:v6+s26+$0x0], $0xffff  }
0x461: {  	v8 =	vor.u32 v61, v7;
	_ =	sdelay $0x3  }
0x462: {  	[tilespmem:s30+$0x0] =	vst v6  }
0x463: {  	v6 =	vld.idx.msk [tilespmem:v8+s26+$0x0], $0xffff  }
0x464: {  	v8 =	vor.u32 v62, v7;
	_ =	sdelay $0x2  }
0x465: {  	s30 =	sadd.s32 $0x800, s30  }
0x466: {  	[tilespmem:s30+$0xFFFFFF90] =	vst v6  }
0x467: {  	v6 =	vld.idx.msk [tilespmem:v8+s26+$0x0], $0xffff  }
0x468: {  	v8 =	vor.u32 v63, v7;
	_ =	sdelay $0x3  }
0x469: {  	[tilespmem:s30+$0xFFFFFFA0] =	vst v6  }
0x46a: {  	v6 =	vld.idx.msk [tilespmem:v8+s26+$0x0], $0xffff  }
0x46b: {  	v0 =	vor.u32 v0, v7;
	_ =	sdelay $0x3  }
0x46c: {  	[tilespmem:s30+$0xFFFFFFB0] =	vst v6  }
0x46d: {  	v0 =	vld.idx.msk [tilespmem:v0+s26+$0x0], $0xffff  }
0x46e: {  	v2 =	vor.u32 v2, v7;
	_ =	sdelay $0x3  }
0x46f: {  	[tilespmem:s30+$0xFFFFFFC0] =	vst v0  }
0x470: {  	v0 =	vld.idx.msk [tilespmem:v2+s26+$0x0], $0xffff  }
0x471: {  	v2 =	vor.u32 v3, v7;
	_ =	sdelay $0x3  }
0x472: {  	[tilespmem:s30+$0xFFFFFFD0] =	vst v0  }
0x473: {  	v0 =	vld.idx.msk [tilespmem:v2+s26+$0x0], $0xffff  }
0x474: {  	v2 =	vor.u32 v4, v7;
	_ =	sdelay $0x3  }
0x475: {  	[tilespmem:s30+$0xFFFFFFE0] =	vst v0  }
0x476: {  	v0 =	vld.idx.msk [tilespmem:v2+s26+$0x0], $0xffff  }
0x477: {  	v2 =	vor.u32 v5, v7;
	_ =	sdelay $0x3  }
0x478: {  	s31 =	simm.s32 $0x0;
	[tilespmem:s30+$0xFFFFFFF0] =	vst v0  }
0x479: {  	v0 =	vld.idx.msk [tilespmem:v2+s26+$0x0], $0xffff;
	v2 =	vmov s31  }
0x47a: {  	v2 =	vand.u32 $0xF, v2  }
0x47b: {  	v6 =	vbroadcast v2, $0x0  }
0x47c: {  	v61 =	vor.u32 $0x5800, v1  }
0x47d: {  	v2 =	vor.u32 v61, v6  }
0x47e: {  	[tilespmem:s30+$0x0] =	vst v0  }
0x47f: {  	_ =	swait.ge [sflag:s23], $0x800  }
0x480: {  	[sflag:s23] =	ssyncset.done $0x0  }
0x481: {  	[sflag:s23] =	ssyncadd.s32 $0xFFFFF800  }
0x482: {  	v62 =	vor.u32 $0x5900, v1;
	v0 =	vld.idx.msk [tilespmem:v2+s26+$0x0], $0xffff  }
0x483: {  	v2 =	vor.u32 v62, v6;
	_ =	sdelay $0x2  }
0x484: {  	s30 =	simm.s32 $0x9630  }
0x485: {  	[tilespmem:s30+$0xFFFFFF90] =	vst v0  }
0x486: {  	v63 =	vor.u32 $0x5A00, v1;
	v0 =	vld.idx.msk [tilespmem:v2+s26+$0x0], $0xffff  }
0x487: {  	v2 =	vor.u32 v63, v6;
	_ =	sdelay $0x3  }
0x488: {  	[tilespmem:s30+$0xFFFFFFA0] =	vst v0  }
0x489: {  	v0 =	vor.u32 $0x5B00, v1;
	v2 =	vld.idx.msk [tilespmem:v2+s26+$0x0], $0xffff  }
0x48a: {  	v3 =	vor.u32 v0, v6;
	_ =	sdelay $0x3  }
0x48b: {  	[tilespmem:s30+$0xFFFFFFB0] =	vst v2  }
0x48c: {  	v2 =	vor.u32 $0x5C00, v1;
	v3 =	vld.idx.msk [tilespmem:v3+s26+$0x0], $0xffff  }
0x48d: {  	v4 =	vor.u32 v2, v6;
	_ =	sdelay $0x3  }
0x48e: {  	[tilespmem:s30+$0xFFFFFFC0] =	vst v3  }
0x48f: {  	v3 =	vor.u32 $0x5D00, v1;
	v4 =	vld.idx.msk [tilespmem:v4+s26+$0x0], $0xffff  }
0x490: {  	v5 =	vor.u32 v3, v6;
	_ =	sdelay $0x3  }
0x491: {  	[tilespmem:s30+$0xFFFFFFD0] =	vst v4  }
0x492: {  	v4 =	vor.u32 $0x5E00, v1;
	v5 =	vld.idx.msk [tilespmem:v5+s26+$0x0], $0xffff  }
0x493: {  	v7 =	vor.u32 v4, v6;
	_ =	sdelay $0x3  }
0x494: {  	[tilespmem:s30+$0xFFFFFFE0] =	vst v5  }
0x495: {  	v5 =	vor.u32 $0x5F00, v1;
	v7 =	vld.idx.msk [tilespmem:v7+s26+$0x0], $0xffff  }
0x496: {  	v6 =	vor.u32 v5, v6;
	_ =	sdelay $0x1  }
0x497: {  	s31 =	simm.s32 $0x1  }
0x498: {  	v8 =	vmov s31;
	s31 =	simm.s32 $0x2  }
.LBB2_24:
0x499: {  	p0 =	sne.s32 s31, $0xF;
	v8 =	vand.u32 $0xF, v8;
	[tilespmem:s30+$0xFFFFFFF0] =	vst v7  }
0x49a: {  	v8 =	vbroadcast v8, $0x0;
	v6 =	vld.idx.msk [tilespmem:v6+s26+$0x0], $0xffff;
	_ =	sdelay $0x1  }
0x49b: {  	v7 =	vor.u32 v61, v8;
	_ =	sdelay $0x3  }
0x49c: {  	[tilespmem:s30+$0x0] =	vst v6  }
0x49d: {  	v6 =	vld.idx.msk [tilespmem:v7+s26+$0x0], $0xffff;
	_ =	sdelay $0x1  }
0x49e: {  	v7 =	vor.u32 v62, v8;
	_ =	sdelay $0x2  }
0x49f: {  	s30 =	sadd.s32 $0x800, s30  }
0x4a0: {  	[tilespmem:s30+$0xFFFFFF90] =	vst v6  }
0x4a1: {  	v6 =	vld.idx.msk [tilespmem:v7+s26+$0x0], $0xffff;
	_ =	sdelay $0x1  }
0x4a2: {  	v7 =	vor.u32 v63, v8;
	_ =	sdelay $0x3  }
0x4a3: {  	[tilespmem:s30+$0xFFFFFFA0] =	vst v6  }
0x4a4: {  	v6 =	vld.idx.msk [tilespmem:v7+s26+$0x0], $0xffff;
	_ =	sdelay $0x1  }
0x4a5: {  	v7 =	vor.u32 v0, v8;
	_ =	sdelay $0x3  }
0x4a6: {  	[tilespmem:s30+$0xFFFFFFB0] =	vst v6  }
0x4a7: {  	v6 =	vld.idx.msk [tilespmem:v7+s26+$0x0], $0xffff;
	_ =	sdelay $0x1  }
0x4a8: {  	v7 =	vor.u32 v2, v8;
	_ =	sdelay $0x3  }
0x4a9: {  	[tilespmem:s30+$0xFFFFFFC0] =	vst v6  }
0x4aa: {  	v6 =	vld.idx.msk [tilespmem:v7+s26+$0x0], $0xffff;
	_ =	sdelay $0x1  }
0x4ab: {  	v7 =	vor.u32 v3, v8;
	_ =	sdelay $0x3  }
0x4ac: {  	[tilespmem:s30+$0xFFFFFFD0] =	vst v6  }
0x4ad: {  	v6 =	vld.idx.msk [tilespmem:v7+s26+$0x0], $0xffff;
	_ =	sdelay $0x1  }
0x4ae: {  	v7 =	vor.u32 v4, v8;
	_ =	sdelay $0x3  }
0x4af: {  	[tilespmem:s30+$0xFFFFFFE0] =	vst v6  }
0x4b0: {  	v7 =	vld.idx.msk [tilespmem:v7+s26+$0x0], $0xffff  }
.Ltmp11:
0x4b1: {  	(pc) =	sbr.rel @p0 .LBB2_24-.Ltmp11, $2  }
0x4b2: {  	v6 =	vor.u32 v5, v8;
	_ =	sdelay $0x2  }
0x4b3: {  	v8 =	vmov s31;
	s31 =	sadd.s32 $0x1, s31  }
0x4b4: {  	_ =	sdelay $0x1  }
0x4b5: {  	v8 =	vand.u32 $0xF, v8  }
0x4b6: {  	[tilespmem:s30+$0xFFFFFFF0] =	vst v7;
	v7 =	vbroadcast v8, $0x0  }
0x4b7: {  	v6 =	vld.idx.msk [tilespmem:v6+s26+$0x0], $0xffff  }
0x4b8: {  	v8 =	vor.u32 v61, v7;
	_ =	sdelay $0x3  }
0x4b9: {  	[tilespmem:s30+$0x0] =	vst v6  }
0x4ba: {  	v6 =	vld.idx.msk [tilespmem:v8+s26+$0x0], $0xffff  }
0x4bb: {  	v8 =	vor.u32 v62, v7;
	_ =	sdelay $0x2  }
0x4bc: {  	s30 =	sadd.s32 $0x800, s30  }
0x4bd: {  	[tilespmem:s30+$0xFFFFFF90] =	vst v6  }
0x4be: {  	v6 =	vld.idx.msk [tilespmem:v8+s26+$0x0], $0xffff  }
0x4bf: {  	v8 =	vor.u32 v63, v7;
	_ =	sdelay $0x3  }
0x4c0: {  	[tilespmem:s30+$0xFFFFFFA0] =	vst v6  }
0x4c1: {  	v6 =	vld.idx.msk [tilespmem:v8+s26+$0x0], $0xffff  }
0x4c2: {  	v0 =	vor.u32 v0, v7;
	_ =	sdelay $0x3  }
0x4c3: {  	[tilespmem:s30+$0xFFFFFFB0] =	vst v6  }
0x4c4: {  	v0 =	vld.idx.msk [tilespmem:v0+s26+$0x0], $0xffff  }
0x4c5: {  	v2 =	vor.u32 v2, v7;
	_ =	sdelay $0x3  }
0x4c6: {  	[tilespmem:s30+$0xFFFFFFC0] =	vst v0  }
0x4c7: {  	v0 =	vld.idx.msk [tilespmem:v2+s26+$0x0], $0xffff  }
0x4c8: {  	v2 =	vor.u32 v3, v7;
	_ =	sdelay $0x3  }
0x4c9: {  	[tilespmem:s30+$0xFFFFFFD0] =	vst v0  }
0x4ca: {  	v0 =	vld.idx.msk [tilespmem:v2+s26+$0x0], $0xffff  }
0x4cb: {  	v2 =	vor.u32 v4, v7;
	_ =	sdelay $0x3  }
0x4cc: {  	[tilespmem:s30+$0xFFFFFFE0] =	vst v0  }
0x4cd: {  	v0 =	vld.idx.msk [tilespmem:v2+s26+$0x0], $0xffff  }
0x4ce: {  	v2 =	vor.u32 v5, v7;
	_ =	sdelay $0x3  }
0x4cf: {  	s31 =	simm.s32 $0x0;
	[tilespmem:s30+$0xFFFFFFF0] =	vst v0  }
0x4d0: {  	v0 =	vld.idx.msk [tilespmem:v2+s26+$0x0], $0xffff;
	v2 =	vmov s31  }
0x4d1: {  	v2 =	vand.u32 $0xF, v2  }
0x4d2: {  	v6 =	vbroadcast v2, $0x0  }
0x4d3: {  	v61 =	vor.u32 $0x6000, v1  }
0x4d4: {  	v2 =	vor.u32 v61, v6  }
0x4d5: {  	[tilespmem:s30+$0x0] =	vst v0  }
0x4d6: {  	_ =	swait.ge [sflag:s23], $0x800  }
0x4d7: {  	[sflag:s23] =	ssyncset.done $0x0  }
0x4d8: {  	[sflag:s23] =	ssyncadd.s32 $0xFFFFF800  }
0x4d9: {  	v62 =	vor.u32 $0x6100, v1;
	v0 =	vld.idx.msk [tilespmem:v2+s26+$0x0], $0xffff  }
0x4da: {  	v2 =	vor.u32 v62, v6;
	_ =	sdelay $0x2  }
0x4db: {  	s30 =	simm.s32 $0x96B0  }
0x4dc: {  	[tilespmem:s30+$0xFFFFFF90] =	vst v0  }
0x4dd: {  	v63 =	vor.u32 $0x6200, v1;
	v0 =	vld.idx.msk [tilespmem:v2+s26+$0x0], $0xffff  }
0x4de: {  	v2 =	vor.u32 v63, v6;
	_ =	sdelay $0x3  }
0x4df: {  	[tilespmem:s30+$0xFFFFFFA0] =	vst v0  }
0x4e0: {  	v0 =	vor.u32 $0x6300, v1;
	v2 =	vld.idx.msk [tilespmem:v2+s26+$0x0], $0xffff  }
0x4e1: {  	v3 =	vor.u32 v0, v6;
	_ =	sdelay $0x3  }
0x4e2: {  	[tilespmem:s30+$0xFFFFFFB0] =	vst v2  }
0x4e3: {  	v2 =	vor.u32 $0x6400, v1;
	v3 =	vld.idx.msk [tilespmem:v3+s26+$0x0], $0xffff  }
0x4e4: {  	v4 =	vor.u32 v2, v6;
	_ =	sdelay $0x3  }
0x4e5: {  	[tilespmem:s30+$0xFFFFFFC0] =	vst v3  }
0x4e6: {  	v3 =	vor.u32 $0x6500, v1;
	v4 =	vld.idx.msk [tilespmem:v4+s26+$0x0], $0xffff  }
0x4e7: {  	v5 =	vor.u32 v3, v6;
	_ =	sdelay $0x3  }
0x4e8: {  	[tilespmem:s30+$0xFFFFFFD0] =	vst v4  }
0x4e9: {  	v4 =	vor.u32 $0x6600, v1;
	v5 =	vld.idx.msk [tilespmem:v5+s26+$0x0], $0xffff  }
0x4ea: {  	v7 =	vor.u32 v4, v6;
	_ =	sdelay $0x3  }
0x4eb: {  	[tilespmem:s30+$0xFFFFFFE0] =	vst v5  }
0x4ec: {  	v5 =	vor.u32 $0x6700, v1;
	v7 =	vld.idx.msk [tilespmem:v7+s26+$0x0], $0xffff  }
0x4ed: {  	v6 =	vor.u32 v5, v6;
	_ =	sdelay $0x1  }
0x4ee: {  	s31 =	simm.s32 $0x1  }
0x4ef: {  	v8 =	vmov s31;
	s31 =	simm.s32 $0x2  }
.LBB2_26:
0x4f0: {  	p0 =	sne.s32 s31, $0xF;
	v8 =	vand.u32 $0xF, v8;
	[tilespmem:s30+$0xFFFFFFF0] =	vst v7  }
0x4f1: {  	v8 =	vbroadcast v8, $0x0;
	v6 =	vld.idx.msk [tilespmem:v6+s26+$0x0], $0xffff;
	_ =	sdelay $0x1  }
0x4f2: {  	v7 =	vor.u32 v61, v8;
	_ =	sdelay $0x3  }
0x4f3: {  	[tilespmem:s30+$0x0] =	vst v6  }
0x4f4: {  	v6 =	vld.idx.msk [tilespmem:v7+s26+$0x0], $0xffff;
	_ =	sdelay $0x1  }
0x4f5: {  	v7 =	vor.u32 v62, v8;
	_ =	sdelay $0x2  }
0x4f6: {  	s30 =	sadd.s32 $0x800, s30  }
0x4f7: {  	[tilespmem:s30+$0xFFFFFF90] =	vst v6  }
0x4f8: {  	v6 =	vld.idx.msk [tilespmem:v7+s26+$0x0], $0xffff;
	_ =	sdelay $0x1  }
0x4f9: {  	v7 =	vor.u32 v63, v8;
	_ =	sdelay $0x3  }
0x4fa: {  	[tilespmem:s30+$0xFFFFFFA0] =	vst v6  }
0x4fb: {  	v6 =	vld.idx.msk [tilespmem:v7+s26+$0x0], $0xffff;
	_ =	sdelay $0x1  }
0x4fc: {  	v7 =	vor.u32 v0, v8;
	_ =	sdelay $0x3  }
0x4fd: {  	[tilespmem:s30+$0xFFFFFFB0] =	vst v6  }
0x4fe: {  	v6 =	vld.idx.msk [tilespmem:v7+s26+$0x0], $0xffff;
	_ =	sdelay $0x1  }
0x4ff: {  	v7 =	vor.u32 v2, v8;
	_ =	sdelay $0x3  }
0x500: {  	[tilespmem:s30+$0xFFFFFFC0] =	vst v6  }
0x501: {  	v6 =	vld.idx.msk [tilespmem:v7+s26+$0x0], $0xffff;
	_ =	sdelay $0x1  }
0x502: {  	v7 =	vor.u32 v3, v8;
	_ =	sdelay $0x3  }
0x503: {  	[tilespmem:s30+$0xFFFFFFD0] =	vst v6  }
0x504: {  	v6 =	vld.idx.msk [tilespmem:v7+s26+$0x0], $0xffff;
	_ =	sdelay $0x1  }
0x505: {  	v7 =	vor.u32 v4, v8;
	_ =	sdelay $0x3  }
0x506: {  	[tilespmem:s30+$0xFFFFFFE0] =	vst v6  }
0x507: {  	v7 =	vld.idx.msk [tilespmem:v7+s26+$0x0], $0xffff  }
.Ltmp12:
0x508: {  	(pc) =	sbr.rel @p0 .LBB2_26-.Ltmp12, $2  }
0x509: {  	v6 =	vor.u32 v5, v8;
	_ =	sdelay $0x2  }
0x50a: {  	v8 =	vmov s31;
	s31 =	sadd.s32 $0x1, s31  }
0x50b: {  	_ =	sdelay $0x1  }
0x50c: {  	v8 =	vand.u32 $0xF, v8  }
0x50d: {  	[tilespmem:s30+$0xFFFFFFF0] =	vst v7;
	v7 =	vbroadcast v8, $0x0  }
0x50e: {  	v6 =	vld.idx.msk [tilespmem:v6+s26+$0x0], $0xffff  }
0x50f: {  	v8 =	vor.u32 v61, v7;
	_ =	sdelay $0x3  }
0x510: {  	[tilespmem:s30+$0x0] =	vst v6  }
0x511: {  	v6 =	vld.idx.msk [tilespmem:v8+s26+$0x0], $0xffff  }
0x512: {  	v8 =	vor.u32 v62, v7;
	_ =	sdelay $0x2  }
0x513: {  	s30 =	sadd.s32 $0x800, s30  }
0x514: {  	[tilespmem:s30+$0xFFFFFF90] =	vst v6  }
0x515: {  	v6 =	vld.idx.msk [tilespmem:v8+s26+$0x0], $0xffff  }
0x516: {  	v8 =	vor.u32 v63, v7;
	_ =	sdelay $0x3  }
0x517: {  	[tilespmem:s30+$0xFFFFFFA0] =	vst v6  }
0x518: {  	v6 =	vld.idx.msk [tilespmem:v8+s26+$0x0], $0xffff  }
0x519: {  	v0 =	vor.u32 v0, v7;
	_ =	sdelay $0x3  }
0x51a: {  	[tilespmem:s30+$0xFFFFFFB0] =	vst v6  }
0x51b: {  	v0 =	vld.idx.msk [tilespmem:v0+s26+$0x0], $0xffff  }
0x51c: {  	v2 =	vor.u32 v2, v7;
	_ =	sdelay $0x3  }
0x51d: {  	[tilespmem:s30+$0xFFFFFFC0] =	vst v0  }
0x51e: {  	v0 =	vld.idx.msk [tilespmem:v2+s26+$0x0], $0xffff  }
0x51f: {  	v2 =	vor.u32 v3, v7;
	_ =	sdelay $0x3  }
0x520: {  	[tilespmem:s30+$0xFFFFFFD0] =	vst v0  }
0x521: {  	v0 =	vld.idx.msk [tilespmem:v2+s26+$0x0], $0xffff  }
0x522: {  	v2 =	vor.u32 v4, v7;
	_ =	sdelay $0x3  }
0x523: {  	[tilespmem:s30+$0xFFFFFFE0] =	vst v0  }
0x524: {  	v0 =	vld.idx.msk [tilespmem:v2+s26+$0x0], $0xffff  }
0x525: {  	v2 =	vor.u32 v5, v7;
	_ =	sdelay $0x3  }
0x526: {  	s31 =	simm.s32 $0x0;
	[tilespmem:s30+$0xFFFFFFF0] =	vst v0  }
0x527: {  	v0 =	vld.idx.msk [tilespmem:v2+s26+$0x0], $0xffff;
	v2 =	vmov s31  }
0x528: {  	v2 =	vand.u32 $0xF, v2  }
0x529: {  	v6 =	vbroadcast v2, $0x0  }
0x52a: {  	v61 =	vor.u32 $0x6800, v1  }
0x52b: {  	v2 =	vor.u32 v61, v6  }
0x52c: {  	[tilespmem:s30+$0x0] =	vst v0  }
0x52d: {  	_ =	swait.ge [sflag:s23], $0x800  }
0x52e: {  	[sflag:s23] =	ssyncset.done $0x0  }
0x52f: {  	[sflag:s23] =	ssyncadd.s32 $0xFFFFF800  }
0x530: {  	v62 =	vor.u32 $0x6900, v1;
	v0 =	vld.idx.msk [tilespmem:v2+s26+$0x0], $0xffff  }
0x531: {  	v2 =	vor.u32 v62, v6;
	_ =	sdelay $0x2  }
0x532: {  	s30 =	simm.s32 $0x9730  }
0x533: {  	[tilespmem:s30+$0xFFFFFF90] =	vst v0  }
0x534: {  	v63 =	vor.u32 $0x6A00, v1;
	v0 =	vld.idx.msk [tilespmem:v2+s26+$0x0], $0xffff  }
0x535: {  	v2 =	vor.u32 v63, v6;
	_ =	sdelay $0x3  }
0x536: {  	[tilespmem:s30+$0xFFFFFFA0] =	vst v0  }
0x537: {  	v0 =	vor.u32 $0x6B00, v1;
	v2 =	vld.idx.msk [tilespmem:v2+s26+$0x0], $0xffff  }
0x538: {  	v3 =	vor.u32 v0, v6;
	_ =	sdelay $0x3  }
0x539: {  	[tilespmem:s30+$0xFFFFFFB0] =	vst v2  }
0x53a: {  	v2 =	vor.u32 $0x6C00, v1;
	v3 =	vld.idx.msk [tilespmem:v3+s26+$0x0], $0xffff  }
0x53b: {  	v4 =	vor.u32 v2, v6;
	_ =	sdelay $0x3  }
0x53c: {  	[tilespmem:s30+$0xFFFFFFC0] =	vst v3  }
0x53d: {  	v3 =	vor.u32 $0x6D00, v1;
	v4 =	vld.idx.msk [tilespmem:v4+s26+$0x0], $0xffff  }
0x53e: {  	v5 =	vor.u32 v3, v6;
	_ =	sdelay $0x3  }
0x53f: {  	[tilespmem:s30+$0xFFFFFFD0] =	vst v4  }
0x540: {  	v4 =	vor.u32 $0x6E00, v1;
	v5 =	vld.idx.msk [tilespmem:v5+s26+$0x0], $0xffff  }
0x541: {  	v7 =	vor.u32 v4, v6;
	_ =	sdelay $0x3  }
0x542: {  	[tilespmem:s30+$0xFFFFFFE0] =	vst v5  }
0x543: {  	v5 =	vor.u32 $0x6F00, v1;
	v7 =	vld.idx.msk [tilespmem:v7+s26+$0x0], $0xffff  }
0x544: {  	v6 =	vor.u32 v5, v6;
	_ =	sdelay $0x1  }
0x545: {  	s31 =	simm.s32 $0x1  }
0x546: {  	v8 =	vmov s31;
	s31 =	simm.s32 $0x2  }
.LBB2_28:
0x547: {  	p0 =	sne.s32 s31, $0xF;
	v8 =	vand.u32 $0xF, v8;
	[tilespmem:s30+$0xFFFFFFF0] =	vst v7  }
0x548: {  	v8 =	vbroadcast v8, $0x0;
	v6 =	vld.idx.msk [tilespmem:v6+s26+$0x0], $0xffff;
	_ =	sdelay $0x1  }
0x549: {  	v7 =	vor.u32 v61, v8;
	_ =	sdelay $0x3  }
0x54a: {  	[tilespmem:s30+$0x0] =	vst v6  }
0x54b: {  	v6 =	vld.idx.msk [tilespmem:v7+s26+$0x0], $0xffff;
	_ =	sdelay $0x1  }
0x54c: {  	v7 =	vor.u32 v62, v8;
	_ =	sdelay $0x2  }
0x54d: {  	s30 =	sadd.s32 $0x800, s30  }
0x54e: {  	[tilespmem:s30+$0xFFFFFF90] =	vst v6  }
0x54f: {  	v6 =	vld.idx.msk [tilespmem:v7+s26+$0x0], $0xffff;
	_ =	sdelay $0x1  }
0x550: {  	v7 =	vor.u32 v63, v8;
	_ =	sdelay $0x3  }
0x551: {  	[tilespmem:s30+$0xFFFFFFA0] =	vst v6  }
0x552: {  	v6 =	vld.idx.msk [tilespmem:v7+s26+$0x0], $0xffff;
	_ =	sdelay $0x1  }
0x553: {  	v7 =	vor.u32 v0, v8;
	_ =	sdelay $0x3  }
0x554: {  	[tilespmem:s30+$0xFFFFFFB0] =	vst v6  }
0x555: {  	v6 =	vld.idx.msk [tilespmem:v7+s26+$0x0], $0xffff;
	_ =	sdelay $0x1  }
0x556: {  	v7 =	vor.u32 v2, v8;
	_ =	sdelay $0x3  }
0x557: {  	[tilespmem:s30+$0xFFFFFFC0] =	vst v6  }
0x558: {  	v6 =	vld.idx.msk [tilespmem:v7+s26+$0x0], $0xffff;
	_ =	sdelay $0x1  }
0x559: {  	v7 =	vor.u32 v3, v8;
	_ =	sdelay $0x3  }
0x55a: {  	[tilespmem:s30+$0xFFFFFFD0] =	vst v6  }
0x55b: {  	v6 =	vld.idx.msk [tilespmem:v7+s26+$0x0], $0xffff;
	_ =	sdelay $0x1  }
0x55c: {  	v7 =	vor.u32 v4, v8;
	_ =	sdelay $0x3  }
0x55d: {  	[tilespmem:s30+$0xFFFFFFE0] =	vst v6  }
0x55e: {  	v7 =	vld.idx.msk [tilespmem:v7+s26+$0x0], $0xffff  }
.Ltmp13:
0x55f: {  	(pc) =	sbr.rel @p0 .LBB2_28-.Ltmp13, $2  }
0x560: {  	v6 =	vor.u32 v5, v8;
	_ =	sdelay $0x2  }
0x561: {  	v8 =	vmov s31;
	s31 =	sadd.s32 $0x1, s31  }
0x562: {  	_ =	sdelay $0x1  }
0x563: {  	v8 =	vand.u32 $0xF, v8  }
0x564: {  	[tilespmem:s30+$0xFFFFFFF0] =	vst v7;
	v7 =	vbroadcast v8, $0x0  }
0x565: {  	v6 =	vld.idx.msk [tilespmem:v6+s26+$0x0], $0xffff  }
0x566: {  	v8 =	vor.u32 v61, v7;
	_ =	sdelay $0x3  }
0x567: {  	[tilespmem:s30+$0x0] =	vst v6  }
0x568: {  	v6 =	vld.idx.msk [tilespmem:v8+s26+$0x0], $0xffff  }
0x569: {  	v8 =	vor.u32 v62, v7;
	_ =	sdelay $0x2  }
0x56a: {  	s30 =	sadd.s32 $0x800, s30  }
0x56b: {  	[tilespmem:s30+$0xFFFFFF90] =	vst v6  }
0x56c: {  	v6 =	vld.idx.msk [tilespmem:v8+s26+$0x0], $0xffff  }
0x56d: {  	v8 =	vor.u32 v63, v7;
	_ =	sdelay $0x3  }
0x56e: {  	[tilespmem:s30+$0xFFFFFFA0] =	vst v6  }
0x56f: {  	v6 =	vld.idx.msk [tilespmem:v8+s26+$0x0], $0xffff  }
0x570: {  	v0 =	vor.u32 v0, v7;
	_ =	sdelay $0x3  }
0x571: {  	[tilespmem:s30+$0xFFFFFFB0] =	vst v6  }
0x572: {  	v0 =	vld.idx.msk [tilespmem:v0+s26+$0x0], $0xffff  }
0x573: {  	v2 =	vor.u32 v2, v7;
	_ =	sdelay $0x3  }
0x574: {  	[tilespmem:s30+$0xFFFFFFC0] =	vst v0  }
0x575: {  	v0 =	vld.idx.msk [tilespmem:v2+s26+$0x0], $0xffff  }
0x576: {  	v2 =	vor.u32 v3, v7;
	_ =	sdelay $0x3  }
0x577: {  	[tilespmem:s30+$0xFFFFFFD0] =	vst v0  }
0x578: {  	v0 =	vld.idx.msk [tilespmem:v2+s26+$0x0], $0xffff  }
0x579: {  	v2 =	vor.u32 v4, v7;
	_ =	sdelay $0x3  }
0x57a: {  	[tilespmem:s30+$0xFFFFFFE0] =	vst v0  }
0x57b: {  	v0 =	vld.idx.msk [tilespmem:v2+s26+$0x0], $0xffff  }
0x57c: {  	v2 =	vor.u32 v5, v7;
	_ =	sdelay $0x3  }
0x57d: {  	s31 =	simm.s32 $0x0;
	[tilespmem:s30+$0xFFFFFFF0] =	vst v0  }
0x57e: {  	v0 =	vld.idx.msk [tilespmem:v2+s26+$0x0], $0xffff;
	v2 =	vmov s31  }
0x57f: {  	v2 =	vand.u32 $0xF, v2  }
0x580: {  	v6 =	vbroadcast v2, $0x0  }
0x581: {  	v61 =	vor.u32 $0x7000, v1  }
0x582: {  	v2 =	vor.u32 v61, v6  }
0x583: {  	[tilespmem:s30+$0x0] =	vst v0  }
0x584: {  	_ =	swait.ge [sflag:s23], $0x800  }
0x585: {  	[sflag:s23] =	ssyncset.done $0x0  }
0x586: {  	[sflag:s23] =	ssyncadd.s32 $0xFFFFF800  }
0x587: {  	v62 =	vor.u32 $0x7100, v1;
	v0 =	vld.idx.msk [tilespmem:v2+s26+$0x0], $0xffff  }
0x588: {  	v2 =	vor.u32 v62, v6;
	_ =	sdelay $0x2  }
0x589: {  	s30 =	simm.s32 $0x97B0  }
0x58a: {  	[tilespmem:s30+$0xFFFFFF90] =	vst v0  }
0x58b: {  	v63 =	vor.u32 $0x7200, v1;
	v0 =	vld.idx.msk [tilespmem:v2+s26+$0x0], $0xffff  }
0x58c: {  	v2 =	vor.u32 v63, v6;
	_ =	sdelay $0x3  }
0x58d: {  	[tilespmem:s30+$0xFFFFFFA0] =	vst v0  }
0x58e: {  	v0 =	vor.u32 $0x7300, v1;
	v2 =	vld.idx.msk [tilespmem:v2+s26+$0x0], $0xffff  }
0x58f: {  	v3 =	vor.u32 v0, v6;
	_ =	sdelay $0x3  }
0x590: {  	[tilespmem:s30+$0xFFFFFFB0] =	vst v2  }
0x591: {  	v2 =	vor.u32 $0x7400, v1;
	v3 =	vld.idx.msk [tilespmem:v3+s26+$0x0], $0xffff  }
0x592: {  	v4 =	vor.u32 v2, v6;
	_ =	sdelay $0x3  }
0x593: {  	[tilespmem:s30+$0xFFFFFFC0] =	vst v3  }
0x594: {  	v3 =	vor.u32 $0x7500, v1;
	v4 =	vld.idx.msk [tilespmem:v4+s26+$0x0], $0xffff  }
0x595: {  	v5 =	vor.u32 v3, v6;
	_ =	sdelay $0x3  }
0x596: {  	[tilespmem:s30+$0xFFFFFFD0] =	vst v4  }
0x597: {  	v4 =	vor.u32 $0x7600, v1;
	v5 =	vld.idx.msk [tilespmem:v5+s26+$0x0], $0xffff  }
0x598: {  	v7 =	vor.u32 v4, v6;
	_ =	sdelay $0x3  }
0x599: {  	[tilespmem:s30+$0xFFFFFFE0] =	vst v5  }
0x59a: {  	v5 =	vor.u32 $0x7700, v1;
	v7 =	vld.idx.msk [tilespmem:v7+s26+$0x0], $0xffff  }
0x59b: {  	v6 =	vor.u32 v5, v6;
	_ =	sdelay $0x1  }
0x59c: {  	s31 =	simm.s32 $0x1  }
0x59d: {  	v8 =	vmov s31;
	s31 =	simm.s32 $0x2  }
.LBB2_30:
0x59e: {  	p0 =	sne.s32 s31, $0xF;
	v8 =	vand.u32 $0xF, v8;
	[tilespmem:s30+$0xFFFFFFF0] =	vst v7  }
0x59f: {  	v8 =	vbroadcast v8, $0x0;
	v6 =	vld.idx.msk [tilespmem:v6+s26+$0x0], $0xffff;
	_ =	sdelay $0x1  }
0x5a0: {  	v7 =	vor.u32 v61, v8;
	_ =	sdelay $0x3  }
0x5a1: {  	[tilespmem:s30+$0x0] =	vst v6  }
0x5a2: {  	v6 =	vld.idx.msk [tilespmem:v7+s26+$0x0], $0xffff;
	_ =	sdelay $0x1  }
0x5a3: {  	v7 =	vor.u32 v62, v8;
	_ =	sdelay $0x2  }
0x5a4: {  	s30 =	sadd.s32 $0x800, s30  }
0x5a5: {  	[tilespmem:s30+$0xFFFFFF90] =	vst v6  }
0x5a6: {  	v6 =	vld.idx.msk [tilespmem:v7+s26+$0x0], $0xffff;
	_ =	sdelay $0x1  }
0x5a7: {  	v7 =	vor.u32 v63, v8;
	_ =	sdelay $0x3  }
0x5a8: {  	[tilespmem:s30+$0xFFFFFFA0] =	vst v6  }
0x5a9: {  	v6 =	vld.idx.msk [tilespmem:v7+s26+$0x0], $0xffff;
	_ =	sdelay $0x1  }
0x5aa: {  	v7 =	vor.u32 v0, v8;
	_ =	sdelay $0x3  }
0x5ab: {  	[tilespmem:s30+$0xFFFFFFB0] =	vst v6  }
0x5ac: {  	v6 =	vld.idx.msk [tilespmem:v7+s26+$0x0], $0xffff;
	_ =	sdelay $0x1  }
0x5ad: {  	v7 =	vor.u32 v2, v8;
	_ =	sdelay $0x3  }
0x5ae: {  	[tilespmem:s30+$0xFFFFFFC0] =	vst v6  }
0x5af: {  	v6 =	vld.idx.msk [tilespmem:v7+s26+$0x0], $0xffff;
	_ =	sdelay $0x1  }
0x5b0: {  	v7 =	vor.u32 v3, v8;
	_ =	sdelay $0x3  }
0x5b1: {  	[tilespmem:s30+$0xFFFFFFD0] =	vst v6  }
0x5b2: {  	v6 =	vld.idx.msk [tilespmem:v7+s26+$0x0], $0xffff;
	_ =	sdelay $0x1  }
0x5b3: {  	v7 =	vor.u32 v4, v8;
	_ =	sdelay $0x3  }
0x5b4: {  	[tilespmem:s30+$0xFFFFFFE0] =	vst v6  }
0x5b5: {  	v7 =	vld.idx.msk [tilespmem:v7+s26+$0x0], $0xffff  }
.Ltmp14:
0x5b6: {  	(pc) =	sbr.rel @p0 .LBB2_30-.Ltmp14, $2  }
0x5b7: {  	v6 =	vor.u32 v5, v8;
	_ =	sdelay $0x2  }
0x5b8: {  	v8 =	vmov s31;
	s31 =	sadd.s32 $0x1, s31  }
0x5b9: {  	_ =	sdelay $0x1  }
0x5ba: {  	v8 =	vand.u32 $0xF, v8  }
0x5bb: {  	[tilespmem:s30+$0xFFFFFFF0] =	vst v7;
	v7 =	vbroadcast v8, $0x0  }
0x5bc: {  	v6 =	vld.idx.msk [tilespmem:v6+s26+$0x0], $0xffff  }
0x5bd: {  	v8 =	vor.u32 v61, v7;
	_ =	sdelay $0x3  }
0x5be: {  	[tilespmem:s30+$0x0] =	vst v6  }
0x5bf: {  	v6 =	vld.idx.msk [tilespmem:v8+s26+$0x0], $0xffff  }
0x5c0: {  	v8 =	vor.u32 v62, v7;
	_ =	sdelay $0x2  }
0x5c1: {  	s30 =	sadd.s32 $0x800, s30  }
0x5c2: {  	[tilespmem:s30+$0xFFFFFF90] =	vst v6  }
0x5c3: {  	v6 =	vld.idx.msk [tilespmem:v8+s26+$0x0], $0xffff  }
0x5c4: {  	v8 =	vor.u32 v63, v7;
	_ =	sdelay $0x3  }
0x5c5: {  	[tilespmem:s30+$0xFFFFFFA0] =	vst v6  }
0x5c6: {  	v6 =	vld.idx.msk [tilespmem:v8+s26+$0x0], $0xffff  }
0x5c7: {  	v0 =	vor.u32 v0, v7;
	_ =	sdelay $0x3  }
0x5c8: {  	[tilespmem:s30+$0xFFFFFFB0] =	vst v6  }
0x5c9: {  	v0 =	vld.idx.msk [tilespmem:v0+s26+$0x0], $0xffff  }
0x5ca: {  	v2 =	vor.u32 v2, v7;
	_ =	sdelay $0x3  }
0x5cb: {  	[tilespmem:s30+$0xFFFFFFC0] =	vst v0  }
0x5cc: {  	v0 =	vld.idx.msk [tilespmem:v2+s26+$0x0], $0xffff  }
0x5cd: {  	v2 =	vor.u32 v3, v7;
	_ =	sdelay $0x3  }
0x5ce: {  	[tilespmem:s30+$0xFFFFFFD0] =	vst v0  }
0x5cf: {  	v0 =	vld.idx.msk [tilespmem:v2+s26+$0x0], $0xffff  }
0x5d0: {  	v2 =	vor.u32 v4, v7;
	_ =	sdelay $0x3  }
0x5d1: {  	[tilespmem:s30+$0xFFFFFFE0] =	vst v0  }
0x5d2: {  	v0 =	vld.idx.msk [tilespmem:v2+s26+$0x0], $0xffff  }
0x5d3: {  	v2 =	vor.u32 v5, v7;
	_ =	sdelay $0x3  }
0x5d4: {  	s31 =	simm.s32 $0x0;
	[tilespmem:s30+$0xFFFFFFF0] =	vst v0  }
0x5d5: {  	v0 =	vld.idx.msk [tilespmem:v2+s26+$0x0], $0xffff;
	v2 =	vmov s31  }
0x5d6: {  	v2 =	vand.u32 $0xF, v2  }
0x5d7: {  	v6 =	vbroadcast v2, $0x0  }
0x5d8: {  	v61 =	vor.u32 $0x7800, v1  }
0x5d9: {  	v2 =	vor.u32 v61, v6  }
0x5da: {  	[tilespmem:s30+$0x0] =	vst v0  }
0x5db: {  	_ =	swait.ge [sflag:s23], $0x800  }
0x5dc: {  	[sflag:s23] =	ssyncset.done $0x0  }
0x5dd: {  	[sflag:s23] =	ssyncadd.s32 $0xFFFFF800  }
0x5de: {  	v62 =	vor.u32 $0x7900, v1;
	v0 =	vld.idx.msk [tilespmem:v2+s26+$0x0], $0xffff  }
0x5df: {  	v2 =	vor.u32 v62, v6;
	_ =	sdelay $0x2  }
0x5e0: {  	s30 =	simm.s32 $0x9830  }
0x5e1: {  	[tilespmem:s30+$0xFFFFFF90] =	vst v0  }
0x5e2: {  	v63 =	vor.u32 $0x7A00, v1;
	v0 =	vld.idx.msk [tilespmem:v2+s26+$0x0], $0xffff  }
0x5e3: {  	v2 =	vor.u32 v63, v6;
	_ =	sdelay $0x3  }
0x5e4: {  	[tilespmem:s30+$0xFFFFFFA0] =	vst v0  }
0x5e5: {  	v0 =	vor.u32 $0x7B00, v1;
	v2 =	vld.idx.msk [tilespmem:v2+s26+$0x0], $0xffff  }
0x5e6: {  	v3 =	vor.u32 v0, v6;
	_ =	sdelay $0x3  }
0x5e7: {  	[tilespmem:s30+$0xFFFFFFB0] =	vst v2  }
0x5e8: {  	v2 =	vor.u32 $0x7C00, v1;
	v3 =	vld.idx.msk [tilespmem:v3+s26+$0x0], $0xffff  }
0x5e9: {  	v4 =	vor.u32 v2, v6;
	_ =	sdelay $0x3  }
0x5ea: {  	[tilespmem:s30+$0xFFFFFFC0] =	vst v3  }
0x5eb: {  	v3 =	vor.u32 $0x7D00, v1;
	v4 =	vld.idx.msk [tilespmem:v4+s26+$0x0], $0xffff  }
0x5ec: {  	v5 =	vor.u32 v3, v6;
	_ =	sdelay $0x3  }
0x5ed: {  	[tilespmem:s30+$0xFFFFFFD0] =	vst v4  }
0x5ee: {  	v4 =	vor.u32 $0x7E00, v1;
	v5 =	vld.idx.msk [tilespmem:v5+s26+$0x0], $0xffff  }
0x5ef: {  	v7 =	vor.u32 v4, v6;
	_ =	sdelay $0x3  }
0x5f0: {  	[tilespmem:s30+$0xFFFFFFE0] =	vst v5  }
0x5f1: {  	v5 =	vor.u32 $0x7F00, v1;
	v7 =	vld.idx.msk [tilespmem:v7+s26+$0x0], $0xffff  }
0x5f2: {  	v6 =	vor.u32 v5, v6;
	_ =	sdelay $0x1  }
0x5f3: {  	s31 =	simm.s32 $0x1  }
0x5f4: {  	v8 =	vmov s31;
	s31 =	simm.s32 $0x2  }
.LBB2_32:
0x5f5: {  	p0 =	sne.s32 s31, $0xF;
	v8 =	vand.u32 $0xF, v8;
	[tilespmem:s30+$0xFFFFFFF0] =	vst v7  }
0x5f6: {  	v8 =	vbroadcast v8, $0x0;
	v6 =	vld.idx.msk [tilespmem:v6+s26+$0x0], $0xffff;
	_ =	sdelay $0x1  }
0x5f7: {  	v7 =	vor.u32 v61, v8;
	_ =	sdelay $0x3  }
0x5f8: {  	[tilespmem:s30+$0x0] =	vst v6  }
0x5f9: {  	v6 =	vld.idx.msk [tilespmem:v7+s26+$0x0], $0xffff;
	_ =	sdelay $0x1  }
0x5fa: {  	v7 =	vor.u32 v62, v8;
	_ =	sdelay $0x2  }
0x5fb: {  	s30 =	sadd.s32 $0x800, s30  }
0x5fc: {  	[tilespmem:s30+$0xFFFFFF90] =	vst v6  }
0x5fd: {  	v6 =	vld.idx.msk [tilespmem:v7+s26+$0x0], $0xffff;
	_ =	sdelay $0x1  }
0x5fe: {  	v7 =	vor.u32 v63, v8;
	_ =	sdelay $0x3  }
0x5ff: {  	[tilespmem:s30+$0xFFFFFFA0] =	vst v6  }
0x600: {  	v6 =	vld.idx.msk [tilespmem:v7+s26+$0x0], $0xffff;
	_ =	sdelay $0x1  }
0x601: {  	v7 =	vor.u32 v0, v8;
	_ =	sdelay $0x3  }
0x602: {  	[tilespmem:s30+$0xFFFFFFB0] =	vst v6  }
0x603: {  	v6 =	vld.idx.msk [tilespmem:v7+s26+$0x0], $0xffff;
	_ =	sdelay $0x1  }
0x604: {  	v7 =	vor.u32 v2, v8;
	_ =	sdelay $0x3  }
0x605: {  	[tilespmem:s30+$0xFFFFFFC0] =	vst v6  }
0x606: {  	v6 =	vld.idx.msk [tilespmem:v7+s26+$0x0], $0xffff;
	_ =	sdelay $0x1  }
0x607: {  	v7 =	vor.u32 v3, v8;
	_ =	sdelay $0x3  }
0x608: {  	[tilespmem:s30+$0xFFFFFFD0] =	vst v6  }
0x609: {  	v6 =	vld.idx.msk [tilespmem:v7+s26+$0x0], $0xffff;
	_ =	sdelay $0x1  }
0x60a: {  	v7 =	vor.u32 v4, v8;
	_ =	sdelay $0x3  }
0x60b: {  	[tilespmem:s30+$0xFFFFFFE0] =	vst v6  }
0x60c: {  	v7 =	vld.idx.msk [tilespmem:v7+s26+$0x0], $0xffff  }
.Ltmp15:
0x60d: {  	(pc) =	sbr.rel @p0 .LBB2_32-.Ltmp15, $2  }
0x60e: {  	v6 =	vor.u32 v5, v8;
	_ =	sdelay $0x2  }
0x60f: {  	v8 =	vmov s31;
	s31 =	sadd.s32 $0x1, s31  }
0x610: {  	_ =	sdelay $0x1  }
0x611: {  	v8 =	vand.u32 $0xF, v8  }
0x612: {  	[tilespmem:s30+$0xFFFFFFF0] =	vst v7;
	v7 =	vbroadcast v8, $0x0  }
0x613: {  	v6 =	vld.idx.msk [tilespmem:v6+s26+$0x0], $0xffff  }
0x614: {  	v8 =	vor.u32 v61, v7;
	_ =	sdelay $0x3  }
0x615: {  	[tilespmem:s30+$0x0] =	vst v6  }
0x616: {  	v6 =	vld.idx.msk [tilespmem:v8+s26+$0x0], $0xffff  }
0x617: {  	v8 =	vor.u32 v62, v7;
	_ =	sdelay $0x2  }
0x618: {  	s31 =	sadd.s32 $0x800, s30  }
0x619: {  	[tilespmem:s31+$0xFFFFFF90] =	vst v6  }
0x61a: {  	v6 =	vld.idx.msk [tilespmem:v8+s26+$0x0], $0xffff  }
0x61b: {  	v8 =	vor.u32 v63, v7;
	_ =	sdelay $0x3  }
0x61c: {  	[tilespmem:s31+$0xFFFFFFA0] =	vst v6  }
0x61d: {  	v6 =	vld.idx.msk [tilespmem:v8+s26+$0x0], $0xffff  }
0x61e: {  	v0 =	vor.u32 v0, v7;
	_ =	sdelay $0x3  }
0x61f: {  	[tilespmem:s31+$0xFFFFFFB0] =	vst v6  }
0x620: {  	v0 =	vld.idx.msk [tilespmem:v0+s26+$0x0], $0xffff  }
0x621: {  	v2 =	vor.u32 v2, v7;
	_ =	sdelay $0x3  }
0x622: {  	[tilespmem:s31+$0xFFFFFFC0] =	vst v0  }
0x623: {  	v0 =	vld.idx.msk [tilespmem:v2+s26+$0x0], $0xffff  }
0x624: {  	v2 =	vor.u32 v3, v7;
	_ =	sdelay $0x3  }
0x625: {  	[tilespmem:s31+$0xFFFFFFD0] =	vst v0  }
0x626: {  	v0 =	vld.idx.msk [tilespmem:v2+s26+$0x0], $0xffff  }
0x627: {  	v2 =	vor.u32 v4, v7;
	_ =	sdelay $0x3  }
0x628: {  	[tilespmem:s31+$0xFFFFFFE0] =	vst v0  }
0x629: {  	v0 =	vld.idx.msk [tilespmem:v2+s26+$0x0], $0xffff  }
0x62a: {  	v2 =	vor.u32 v5, v7;
	_ =	sdelay $0x3  }
0x62b: {  	[tilespmem:s31+$0xFFFFFFF0] =	vst v0  }
0x62c: {  	v0 =	vld.idx.msk [tilespmem:v2+s26+$0x0], $0xffff;
	_ =	sdelay $0x4  }
0x62d: {  	[tilespmem:s31+$0x0] =	vst v0;
	s31 =	simm.s32 $0x9040  }
0x62e: {  	[hbm4b:s5+s3] =	stream.linear.scatter [tilespmem:s31], [sflag:$0x1], $0x800, $0x38;
	[tilespmem:$0x11040] =	vst v63  }
0x62f: {  	s31 =	simm.s32 $0x9840  }
0x630: {  	[hbm4b:s6+s3] =	stream.linear.scatter [tilespmem:s31], [sflag:$0x1], $0x800, $0x38;
	[tilespmem:$0x11040] =	vst v63  }
0x631: {  	s31 =	simm.s32 $0xA040  }
0x632: {  	[hbm4b:s7+s3] =	stream.linear.scatter [tilespmem:s31], [sflag:$0x1], $0x800, $0x38;
	[tilespmem:$0x11040] =	vst v63  }
0x633: {  	s31 =	simm.s32 $0xA840  }
0x634: {  	[hbm4b:s8+s3] =	stream.linear.scatter [tilespmem:s31], [sflag:$0x1], $0x800, $0x38;
	[tilespmem:$0x11040] =	vst v63  }
0x635: {  	s31 =	simm.s32 $0xB040  }
0x636: {  	[hbm4b:s9+s3] =	stream.linear.scatter [tilespmem:s31], [sflag:$0x1], $0x800, $0x38;
	[tilespmem:$0x11040] =	vst v63  }
0x637: {  	s31 =	simm.s32 $0xB840  }
0x638: {  	[hbm4b:s10+s3] =	stream.linear.scatter [tilespmem:s31], [sflag:$0x1], $0x800, $0x38;
	[tilespmem:$0x11040] =	vst v63  }
0x639: {  	s31 =	simm.s32 $0xC040  }
0x63a: {  	[hbm4b:s11+s3] =	stream.linear.scatter [tilespmem:s31], [sflag:$0x1], $0x800, $0x38;
	[tilespmem:$0x11040] =	vst v63  }
0x63b: {  	s31 =	simm.s32 $0xC840  }
0x63c: {  	[hbm4b:s12+s3] =	stream.linear.scatter [tilespmem:s31], [sflag:$0x1], $0x800, $0x38;
	[tilespmem:$0x11040] =	vst v63  }
0x63d: {  	s31 =	simm.s32 $0xD040  }
0x63e: {  	[hbm4b:s13+s3] =	stream.linear.scatter [tilespmem:s31], [sflag:$0x1], $0x800, $0x38;
	[tilespmem:$0x11040] =	vst v63  }
0x63f: {  	s31 =	simm.s32 $0xD840  }
0x640: {  	[hbm4b:s14+s3] =	stream.linear.scatter [tilespmem:s31], [sflag:$0x1], $0x800, $0x38;
	[tilespmem:$0x11040] =	vst v63  }
0x641: {  	_ = 	snop  }
0x642: {  	[hbm4b:s15+s3] =	stream.linear.scatter [tilespmem:s0], [sflag:$0x1], $0x800, $0x38;
	[tilespmem:$0x11040] =	vst v63  }
0x643: {  	_ = 	snop  }
0x644: {  	[hbm4b:s16+s3] =	stream.linear.scatter [tilespmem:s2], [sflag:$0x1], $0x800, $0x38;
	[tilespmem:$0x11040] =	vst v63  }
0x645: {  	_ = 	snop  }
0x646: {  	[hbm4b:s17+s3] =	stream.linear.scatter [tilespmem:s1], [sflag:$0x1], $0x800, $0x38;
	[tilespmem:$0x11040] =	vst v63  }
0x647: {  	_ = 	snop  }
0x648: {  	[hbm4b:s18+s3] =	stream.linear.scatter [tilespmem:s22], [sflag:$0x1], $0x800, $0x38;
	[tilespmem:$0x11040] =	vst v63  }
0x649: {  	_ = 	snop  }
0x64a: {  	[hbm4b:s19+s3] =	stream.linear.scatter [tilespmem:s25], [sflag:$0x1], $0x800, $0x38;
	[tilespmem:$0x11040] =	vst v63  }
0x64b: {  	_ = 	snop  }
0x64c: {  	[hbm4b:s20+s3] =	stream.linear.scatter [tilespmem:s28], [sflag:$0x1], $0x800, $0x38;
	[tilespmem:$0x11040] =	vst v63  }
0x64d: {  	_ =	swait.ge [sflag:s23], $0x800  }
0x64e: {  	[sflag:s23] =	ssyncset.done $0x0  }
0x64f: {  	[sflag:s23] =	ssyncadd.s32 $0xFFFFF800  }
0x650: {  	_ =	swait.ge [sflag:s23], $0x800  }
0x651: {  	[sflag:s23] =	ssyncset.done $0x0  }
0x652: {  	[sflag:s23] =	ssyncadd.s32 $0xFFFFF800  }
0x653: {  	_ =	swait.ge [sflag:s23], $0x800  }
0x654: {  	[sflag:s23] =	ssyncset.done $0x0  }
0x655: {  	[sflag:s23] =	ssyncadd.s32 $0xFFFFF800  }
0x656: {  	_ =	swait.ge [sflag:s23], $0x800  }
0x657: {  	[sflag:s23] =	ssyncset.done $0x0  }
0x658: {  	[sflag:s23] =	ssyncadd.s32 $0xFFFFF800  }
0x659: {  	_ =	swait.ge [sflag:s23], $0x800  }
0x65a: {  	[sflag:s23] =	ssyncset.done $0x0  }
0x65b: {  	[sflag:s23] =	ssyncadd.s32 $0xFFFFF800  }
0x65c: {  	_ =	swait.ge [sflag:s23], $0x800  }
0x65d: {  	[sflag:s23] =	ssyncset.done $0x0  }
0x65e: {  	[sflag:s23] =	ssyncadd.s32 $0xFFFFF800  }
0x65f: {  	_ =	swait.ge [sflag:s23], $0x800  }
0x660: {  	[sflag:s23] =	ssyncset.done $0x0  }
0x661: {  	[sflag:s23] =	ssyncadd.s32 $0xFFFFF800  }
0x662: {  	_ =	swait.ge [sflag:s23], $0x800  }
0x663: {  	[sflag:s23] =	ssyncset.done $0x0  }
0x664: {  	[sflag:s23] =	ssyncadd.s32 $0xFFFFF800  }
0x665: {  	_ =	swait.ge [sflag:s23], $0x800  }
0x666: {  	[sflag:s23] =	ssyncset.done $0x0  }
0x667: {  	[sflag:s23] =	ssyncadd.s32 $0xFFFFF800  }
0x668: {  	_ =	swait.ge [sflag:s23], $0x800  }
0x669: {  	[sflag:s23] =	ssyncset.done $0x0  }
0x66a: {  	[sflag:s23] =	ssyncadd.s32 $0xFFFFF800  }
0x66b: {  	_ =	swait.ge [sflag:s23], $0x800  }
0x66c: {  	[sflag:s23] =	ssyncset.done $0x0  }
0x66d: {  	[sflag:s23] =	ssyncadd.s32 $0xFFFFF800  }
0x66e: {  	_ =	swait.ge [sflag:s23], $0x800  }
0x66f: {  	[sflag:s23] =	ssyncset.done $0x0  }
0x670: {  	[sflag:s23] =	ssyncadd.s32 $0xFFFFF800  }
0x671: {  	_ =	swait.ge [sflag:s23], $0x800  }
0x672: {  	[sflag:s23] =	ssyncset.done $0x0  }
0x673: {  	[sflag:s23] =	ssyncadd.s32 $0xFFFFF800  }
0x674: {  	_ =	swait.ge [sflag:s23], $0x800  }
0x675: {  	[sflag:s23] =	ssyncset.done $0x0  }
0x676: {  	[sflag:s23] =	ssyncadd.s32 $0xFFFFF800  }
0x677: {  	_ =	swait.ge [sflag:s23], $0x800  }
0x678: {  	s29 =	sadd.s32 $0x1, s29;
	[sflag:s23] =	ssyncset.done $0x0  }
0x679: {  	p0 =	sne.s32 s29, s21;
	[sflag:s23] =	ssyncadd.s32 $0xFFFFF800  }
.Ltmp16:
0x67a: {  	_ =	swait.ge [sflag:s23], $0x800;
	(pc) =	sbr.rel @p0 .LBB2_1-.Ltmp16, $4  }
0x67b: {  	v6 =	vld [tilespmem:$0x1FFC0]  }
0x67c: {  	v7 =	vld [tilespmem:$0x1FFD0]  }
0x67d: {  	[sflag:s23] =	ssyncset.done $0x0;
	v8 =	vld [tilespmem:$0x1FFE0]  }
0x67e: {  	v61 =	vld [tilespmem:$0x1FFF0];
	[sflag:s23] =	ssyncadd.s32 $0xFFFFF800  }
0x67f: {  	_ =	sfence.sel $0x180000  }
0x680: {  	[bflag:$0x0] =	sbarrier.arrive $0xFFFF  }
0x681: {  	_ =	strace $0x90000047  }
0x682: {  	s0 =	stileid.u32;
	[bflag:$0x2] =	sbarrier.arrive $0xFFFF  }
0x683: {  	p0 =	sne.s32 s0, $0x0;
	s0 =	rddreg [dreg:$0x2]  }
0x684: {  	s0 =	sadd.s32 @!p0 $0x100000, s0  }
0x685: {  	[sflag:s0] =	ssyncadd.tile.s32 @!p0 $0x1;
	_ =	shalt  }
.Lfunc_end2:
_tile_overlayer_lowered:
.L_overlay_start_2:
0x686: {  	(tag) =	ssettag $0x2  }
0x687: {  	s0 =	rddreg [dreg:$0x0];
	s2 =	stileid.u32  }
0x688: {  	s1 =	rddreg [dreg:$0x1];
	p0 =	sne.s32 s2, $0x0  }
0x689: {  	s3 =	rddreg [dreg:$0x2];
	[bflag:$0x3] =	sbarrier.arrive $0xFFFF;
	s2 =	simm.s32 @!p0 $0x1C02  }
0x68a: {  	[timem:s3], [sflag:s2] =	dma.local @!p0 [hbm:s0], s1  }
0x68b: {  	s0 =	simm.s32 @!p0 $0x2  }
0x68c: {  	_ =	swait.ge @!p0 [sflag:s0], s1  }
0x68d: {  	s1 =	ssub.s32 @!p0 $0x0, s1;
	[sflag:s0] =	ssyncset.done @!p0 $0x0  }
0x68e: {  	[sflag:s0] =	ssyncadd.s32 @!p0 s1  }
0x68f: {  	[bflag:$0x3] =	sbarrier.arrive $0xFFFF  }
0x690: {  	_ =	shalt  }

</sc_bundles>
